<compile_context>
chip_gen: v7x
topology: tpu7x:2x2x1
jax: 0.10.2.dev20260603
libtpu: 0.0.44.dev20260713+nightly
codegen_flags: <defaults>
</compile_context>

<pallas_src>
import functools

import jax
import jax.numpy as jnp
from jax import lax
from jax.experimental import pallas as pl
from jax.experimental.pallas import tpu as pltpu
from jax.experimental.pallas import tpu_sc as plsc

B, F, NFEAT, NEMB = 16384, 26, 1000000, 16
NC, NS, L = 2, 16, 16
NW = NC * NS
SPW = B // NW
CH = 128
NCHUNK = SPW // CH
CI = CH * F

TBW = 8192
TGRID = (NFEAT + TBW - 1) // TBW
NROW = TGRID * TBW // 8


def _tr_tc_body(in_ref, out_ref):
    w = in_ref[...].T
    for k in range(8):
        out_ref[:, k * NEMB:(k + 1) * NEMB] = (
            w[k * (TBW // 8):(k + 1) * (TBW // 8), :])


_tr_tc = pl.pallas_call(
    _tr_tc_body,
    grid=(TGRID,),
    in_specs=[pl.BlockSpec((NEMB, TBW), lambda i: (0, i))],
    out_specs=pl.BlockSpec((TBW // 8, 8 * NEMB), lambda i: (i, 0)),
    out_shape=jax.ShapeDtypeStruct((NROW, 8 * NEMB), jnp.float32),
)


@functools.partial(
    pl.kernel,
    out_type=jax.ShapeDtypeStruct((B,), jnp.float32),
    mesh=plsc.VectorSubcoreMesh(core_axis_name="c", subcore_axis_name="s"),
    compiler_params=pltpu.CompilerParams(
        needs_layout_passes=False, use_tc_tiling_on_sc=False),
    scratch_types=[
        pltpu.VMEM((CI,), jnp.int32),
        pltpu.VMEM((CI,), jnp.int32),
        pltpu.VMEM((CI, L), jnp.float32),
        pltpu.VMEM((CI + L,), jnp.float32),
        pltpu.VMEM((CH,), jnp.float32),
        pltpu.VMEM((4 * L,), jnp.float32),
        pltpu.SemaphoreType.DMA,
        pltpu.SemaphoreType.DMA,
    ],
)
def _fm_sc(x_hbm, emb_hbm, linw_hbm, wv_hbm, out_hbm,
           idx_v, sidx_v, rows_v, linv_v, out_v, wv_v, sem_e, sem_l):
    wid = lax.axis_index("s") * NC + lax.axis_index("c")
    base = wid * SPW
    pltpu.sync_copy(wv_hbm, wv_v)
    wvec = wv_v[pl.ds(0, L)]
    wsum_vec = wv_v[pl.ds(L, L)]
    cvec = wv_v[pl.ds(2 * L, L)]
    lanes = lax.iota(jnp.int32, L)
    tail_mask = lanes < (F - L)

    def chunk_body(c, carry):
        cb = base + c * CH
        pltpu.sync_copy(x_hbm.at[pl.ds(cb * F, CI)], idx_v)

        def sig_body(i, carry2):
            iv = idx_v[pl.ds(i * L, L)]
            sidx_v[pl.ds(i * L, L)] = (
                (iv & -8192) | ((iv & 1023) << 3) | ((iv >> 10) & 7))
            return carry2

        lax.fori_loop(0, CI // L, sig_body, 0)
        cp_e = pltpu.async_copy(emb_hbm.at[sidx_v], rows_v, sem_e)
        cp_l = pltpu.async_copy(linw_hbm.at[idx_v],
                                linv_v.at[pl.ds(0, CI)], sem_l)
        cp_e.wait()
        cp_l.wait()

        def group_body(g, carry2):
            acc = jnp.zeros((L,), jnp.float32)
            for j in range(L):
                rb = (g * L + j) * F
                v0 = rows_v[rb, :]
                S = v0
                Q = v0 * v0
                for f in range(1, F):
                    v = rows_v[rb + f, :]
                    S = S + v
                    Q = Q + v * v
                fm = 0.5 * (S * S - Q)
                la = linv_v[pl.ds(rb, L)]
                lb = jnp.where(tail_mask, linv_v[pl.ds(rb + L, L)], 0.0)
                t = fm * wvec + (la + lb) * wsum_vec + cvec
                acc = jnp.where(lanes == j, jnp.sum(t), acc)
            out_v[pl.ds(g * L, L)] = acc
            return carry2

        lax.fori_loop(0, CH // L, group_body, 0)
        pltpu.sync_copy(out_v, out_hbm.at[pl.ds(cb, CH)])
        return carry

    lax.fori_loop(0, NCHUNK, chunk_body, 0)


def kernel(x, emb_table, lin_w, lin_bias, clf_W, clf_b):
    wvec = clf_W[:, 0].astype(jnp.float32)
    wsum = jnp.sum(wvec)
    const = lin_bias * wsum + clf_b[0]
    wv = jnp.concatenate([
        wvec,
        jnp.full((L,), 1.0, jnp.float32) * wsum,
        jnp.full((L,), 1.0, jnp.float32) * (const / L),
        jnp.zeros((L,), jnp.float32),
    ])
    tbl = _tr_tc(emb_table.T)
    out = _fm_sc(x.reshape(-1), tbl.reshape(NROW * 8, NEMB), lin_w, wv)
    return out.reshape(B, 1)

# --- scband reference (transcript-rebuilt; emitter-appended) ---
"""Pipeline reference for scband-fmmodel-37366215475321 (READ-ONLY COPY).

The authoritative reference and input builder live on the scoring server;
editing this copy changes nothing except your own understanding.
"""

import jax, jax.numpy as jnp
import numpy as np

B, F, NFEAT, NEMB, NCLASS = 16384, 26, 1000000, 16, 1

def setup_inputs(seed: int = 0) -> dict:
    key = jax.random.key(seed)
    ks = jax.random.split(key, 6)
    x = jax.random.randint(ks[0], (B, F), 0, NFEAT, dtype=jnp.int32)
    emb_table = jax.random.normal(ks[1], (NFEAT, NEMB), dtype=jnp.float32) * 0.01
    lin_w = jax.random.normal(ks[2], (NFEAT,), dtype=jnp.float32) * 0.01
    lin_bias = jax.random.normal(ks[3], (), dtype=jnp.float32) * 0.01
    clf_W = jax.random.normal(ks[4], (NEMB, NCLASS), dtype=jnp.float32) * (1.0 / np.sqrt(NEMB))
    clf_b = jnp.zeros((NCLASS,), dtype=jnp.float32)
    return {"x": x, "emb_table": emb_table, "lin_w": lin_w, "lin_bias": lin_bias, "clf_W": clf_W, "clf_b": clf_b}


def reference(x, emb_table, lin_w, lin_bias, clf_W, clf_b):
    # Linear part: sum of per-feature scalar weights (an embedding with dim 1) + bias -> [B]
    lin = jnp.take(lin_w, x, axis=0).sum(axis=1) + lin_bias  # [B]
    # Embedding lookup -> [B, F, E]
    v = jnp.take(emb_table, x, axis=0)
    # Factorization Machine second-order interaction, reduce_dim=False -> [B, E]
    sum_v = jnp.sum(v, axis=1)                 # [B, E]
    sum_v2 = jnp.sum(v * v, axis=1)            # [B, E]
    fm = 0.5 * (sum_v * sum_v - sum_v2)        # [B, E]
    # y = rearrange(linear(x), 'b -> b 1') + fm -> broadcast [B, 1] + [B, E] = [B, E]
    y = lin[:, None] + fm
    # classifier: MLP with nlayers=0 is a single Linear(nemb -> nclass)
    out = y @ clf_W + clf_b                    # [B, NCLASS]
    return out

if __name__ == "__main__":
    import jax
    _d = setup_inputs()
    print(jax.jit(kernel)(*tuple(_d.values())))

</pallas_src>

<mosaic_0001>
#map = affine_map<(d0, d1) -> (0)>
#map1 = affine_map<(d0, d1) -> (0, 0)>
module attributes {stable_mosaic.version = 14 : i64} {
  func.func @_fm_sc(%arg0: i32, %arg1: i32, %arg2: memref<425984xi32, #tpu.memory_space<hbm>>, %arg3: memref<1007616x16xf32, #tpu.memory_space<hbm>>, %arg4: memref<1000000xf32, #tpu.memory_space<hbm>>, %arg5: memref<64xf32, #tpu.memory_space<hbm>>, %arg6: memref<16384xf32, #tpu.memory_space<hbm>>, %arg7: memref<3328xi32, #tpu.memory_space<vmem>>, %arg8: memref<3328xi32, #tpu.memory_space<vmem>>, %arg9: memref<3328x16xf32, #tpu.memory_space<vmem>>, %arg10: memref<3344xf32, #tpu.memory_space<vmem>>, %arg11: memref<128xf32, #tpu.memory_space<vmem>>, %arg12: memref<64xf32, #tpu.memory_space<vmem>>, %arg13: memref<!tpu.dma_semaphore, #tpu.memory_space<semaphore_mem>>, %arg14: memref<!tpu.dma_semaphore, #tpu.memory_space<semaphore_mem>>) attributes {dimension_semantics = [#tpu.dimension_semantics<core_parallel>, #tpu.dimension_semantics<subcore_parallel>], iteration_bounds = array<i64: 2, 16>, scalar_prefetch = 0 : i64, scratch_operands = 8 : i64, tpu.core_type = #tpu.core_type<sc_vector_subcore>, window_params = [{transform_indices = #map}, {transform_indices = #map1}, {transform_indices = #map}, {transform_indices = #map}, {transform_indices = #map}]} {
    %mul3A = arith.constant 2 : i32
    %mul3A_0 = arith.muli %arg1, %mul3A : i32
    %add3A = arith.addi %mul3A_0, %arg0 : i32
    %mul3A_1 = arith.constant 512 : i32
    %mul3A_2 = arith.muli %add3A, %mul3A_1 : i32
    "tpu.region"() ({
      %run_scoped3A = tpu.sem_alloc : memref<!tpu.dma_semaphore, #tpu.memory_space<semaphore_mem>>
      tpu.enqueue_dma source(%arg5 : memref<64xf32, #tpu.memory_space<hbm>>) target(%arg12 : memref<64xf32, #tpu.memory_space<vmem>>) target_semaphore(%run_scoped3A : memref<!tpu.dma_semaphore, #tpu.memory_space<semaphore_mem>>)
      tpu.wait_dma2 semaphore(%run_scoped3A : memref<!tpu.dma_semaphore, #tpu.memory_space<semaphore_mem>>) src(%arg5 : memref<64xf32, #tpu.memory_space<hbm>>) dst(%arg12 : memref<64xf32, #tpu.memory_space<vmem>>)
      tpu.yield
    }) : () -> ()
    %get3A = arith.constant 0 : index
    %get3A_3 = tpu.vector_load %arg12[%get3A] {strides = array<i32>} : memref<64xf32, #tpu.memory_space<vmem>>, vector<16xf32>,
    %get3A_4 = arith.constant 16 : index
    %get3A_5 = tpu.vector_load %arg12[%get3A_4] {strides = array<i32>} : memref<64xf32, #tpu.memory_space<vmem>>, vector<16xf32>,
    %get3A_6 = arith.constant 32 : index
    %get3A_7 = tpu.vector_load %arg12[%get3A_6] {strides = array<i32>} : memref<64xf32, #tpu.memory_space<vmem>>, vector<16xf32>,
    %iota3A = tpu.iota {dimensions = array<i32: 0>} : vector<16xi32>
    %lt3A = arith.constant 10 : i32
    %lt3A_8 = vector.broadcast %lt3A : i32 to vector<16xi32>
    %lt3A_9 = arith.cmpi slt, %iota3A, %lt3A_8 : vector<16xi32>
    %scan3A = arith.constant 0 : i32
    %scan3A_10 = arith.constant 0 : i32
    %scan3A_11 = arith.constant 4 : i32
    %scan3A_12 = arith.addi %scan3A_10, %scan3A_11 : i32
    %scan3A_13 = arith.constant 1 : i32
    scf.for %scan3A_15 = %scan3A_10 to %scan3A_12 step %scan3A_13  : i32 {
      %mul3A_16 = arith.constant 128 : i32
      %mul3A_17 = arith.muli %scan3A_15, %mul3A_16 : i32
      %add3A_18 = arith.addi %mul3A_2, %mul3A_17 : i32
      %mul3A_19 = arith.constant 26 : i32
      %mul3A_20 = arith.muli %add3A_18, %mul3A_19 : i32
      "tpu.region"() ({
        %run_scoped3A = tpu.sem_alloc : memref<!tpu.dma_semaphore, #tpu.memory_space<semaphore_mem>>
        %dma_start3A_45 = tpu.memref_slice %arg2[%mul3A_20] : memref<425984xi32, #tpu.memory_space<hbm>> -> memref<3328xi32, #tpu.memory_space<hbm>>
        %dma_start3A_46 = tpu.memref_slice %arg2[%mul3A_20] : memref<425984xi32, #tpu.memory_space<hbm>> -> memref<3328xi32, #tpu.memory_space<hbm>>
        tpu.enqueue_dma source(%dma_start3A_46 : memref<3328xi32, #tpu.memory_space<hbm>>) target(%arg7 : memref<3328xi32, #tpu.memory_space<vmem>>) target_semaphore(%run_scoped3A : memref<!tpu.dma_semaphore, #tpu.memory_space<semaphore_mem>>)
        %dma_wait3A_47 = tpu.memref_slice %arg2[%mul3A_20] : memref<425984xi32, #tpu.memory_space<hbm>> -> memref<3328xi32, #tpu.memory_space<hbm>>
        %dma_wait3A_48 = tpu.memref_slice %arg2[%mul3A_20] : memref<425984xi32, #tpu.memory_space<hbm>> -> memref<3328xi32, #tpu.memory_space<hbm>>
        tpu.wait_dma2 semaphore(%run_scoped3A : memref<!tpu.dma_semaphore, #tpu.memory_space<semaphore_mem>>) src(%dma_wait3A_48 : memref<3328xi32, #tpu.memory_space<hbm>>) dst(%arg7 : memref<3328xi32, #tpu.memory_space<vmem>>)
        tpu.yield
      }) : () -> ()
      %scan3A_21 = arith.constant 0 : i32
      %scan3A_22 = arith.constant 0 : i32
      %scan3A_23 = arith.constant 208 : i32
      %scan3A_24 = arith.addi %scan3A_22, %scan3A_23 : i32
      %scan3A_25 = arith.constant 1 : i32
      scf.for %scan3A_45 = %scan3A_22 to %scan3A_24 step %scan3A_25  : i32 {
        %mul3A_46 = arith.constant 16 : i32
        %mul3A_47 = arith.muli %scan3A_45, %mul3A_46 : i32
        %get3A_48 = arith.index_cast %mul3A_47 : i32 to index
        %get3A_49 = tpu.vector_load %arg7[%get3A_48] {strides = array<i32>} : memref<3328xi32, #tpu.memory_space<vmem>>, vector<16xi32>,
        %and3A = arith.constant -8192 : i32
        %and3A_50 = vector.broadcast %and3A : i32 to vector<16xi32>
        %and3A_51 = arith.andi %get3A_49, %and3A_50 : vector<16xi32>
        %and3A_52 = arith.constant 1023 : i32
        %and3A_53 = vector.broadcast %and3A_52 : i32 to vector<16xi32>
        %and3A_54 = arith.andi %get3A_49, %and3A_53 : vector<16xi32>
        %shift_left3A = arith.constant 3 : i32
        %shift_left3A_55 = vector.broadcast %shift_left3A : i32 to vector<16xi32>
        %shift_left3A_56 = arith.shli %and3A_54, %shift_left3A_55 : vector<16xi32>
        %or3A = arith.ori %and3A_51, %shift_left3A_56 : vector<16xi32>
        %shift_right_arithmetic3A = arith.constant 10 : i32
        %shift_right_arithmetic3A_57 = vector.broadcast %shift_right_arithmetic3A : i32 to vector<16xi32>
        %shift_right_arithmetic3A_58 = arith.shrsi %get3A_49, %shift_right_arithmetic3A_57 : vector<16xi32>
        %and3A_59 = arith.constant 7 : i32
        %and3A_60 = vector.broadcast %and3A_59 : i32 to vector<16xi32>
        %and3A_61 = arith.andi %shift_right_arithmetic3A_58, %and3A_60 : vector<16xi32>
        %or3A_62 = arith.ori %or3A, %and3A_61 : vector<16xi32>
        %mul3A_63 = arith.constant 16 : i32
        %mul3A_64 = arith.muli %scan3A_45, %mul3A_63 : i32
        %swap3A = arith.index_cast %mul3A_64 : i32 to index
        %swap3A_65 = tpu.vector_load %arg8[%swap3A] {strides = array<i32>} : memref<3328xi32, #tpu.memory_space<vmem>>, vector<16xi32>,
        tpu.vector_store %arg8[%swap3A], %or3A_62 {strides = array<i32>} : memref<3328xi32, #tpu.memory_space<vmem>>, vector<16xi32>,
      }
      %scan3A_26 = arith.constant 208 : i32
      %dma_start3A = arith.constant 0 : i32
      %dma_start3A_27 = arith.constant 0 : i32
      %dma_start3A_28 = tpu.memref_slice %arg3[%dma_start3A, %dma_start3A_27] : memref<1007616x16xf32, #tpu.memory_space<hbm>> -> memref<1007616x16xf32, #tpu.memory_space<hbm>>
      tpu.enqueue_indirect_dma source(%dma_start3A_28 : memref<1007616x16xf32, #tpu.memory_space<hbm>>) target(%arg9 : memref<3328x16xf32, #tpu.memory_space<vmem>>) offsets(%arg8 : memref<3328xi32, #tpu.memory_space<vmem>>) semaphore(%arg13 : memref<!tpu.dma_semaphore, #tpu.memory_space<semaphore_mem>>)
      %dma_start3A_29 = arith.constant 0 : i32
      %dma_start3A_30 = tpu.memref_slice %arg10[%dma_start3A_29] : memref<3344xf32, #tpu.memory_space<vmem>> -> memref<3328xf32, #tpu.memory_space<vmem>>
      %dma_start3A_31 = arith.constant 0 : i32
      %dma_start3A_32 = tpu.memref_slice %arg4[%dma_start3A_31] : memref<1000000xf32, #tpu.memory_space<hbm>> -> memref<1000000xf32, #tpu.memory_space<hbm>>
      tpu.enqueue_indirect_dma source(%dma_start3A_32 : memref<1000000xf32, #tpu.memory_space<hbm>>) target(%dma_start3A_30 : memref<3328xf32, #tpu.memory_space<vmem>>) offsets(%arg7 : memref<3328xi32, #tpu.memory_space<vmem>>) semaphore(%arg14 : memref<!tpu.dma_semaphore, #tpu.memory_space<semaphore_mem>>)
      %dma_wait3A = arith.constant 0 : i32
      %dma_wait3A_33 = arith.constant 0 : i32
      %dma_wait3A_34 = tpu.memref_slice %arg3[%dma_wait3A, %dma_wait3A_33] : memref<1007616x16xf32, #tpu.memory_space<hbm>> -> memref<1007616x16xf32, #tpu.memory_space<hbm>>
      tpu.wait_indirect_dma semaphore(%arg13 : memref<!tpu.dma_semaphore, #tpu.memory_space<semaphore_mem>>) src(%dma_wait3A_34 : memref<1007616x16xf32, #tpu.memory_space<hbm>>) dst(%arg9 : memref<3328x16xf32, #tpu.memory_space<vmem>>)
      %dma_wait3A_35 = arith.constant 0 : i32
      %dma_wait3A_36 = tpu.memref_slice %arg10[%dma_wait3A_35] : memref<3344xf32, #tpu.memory_space<vmem>> -> memref<3328xf32, #tpu.memory_space<vmem>>
      %dma_wait3A_37 = arith.constant 0 : i32
      %dma_wait3A_38 = tpu.memref_slice %arg4[%dma_wait3A_37] : memref<1000000xf32, #tpu.memory_space<hbm>> -> memref<1000000xf32, #tpu.memory_space<hbm>>
      tpu.wait_indirect_dma semaphore(%arg14 : memref<!tpu.dma_semaphore, #tpu.memory_space<semaphore_mem>>) src(%dma_wait3A_38 : memref<1000000xf32, #tpu.memory_space<hbm>>) dst(%dma_wait3A_36 : memref<3328xf32, #tpu.memory_space<vmem>>)
      %scan3A_39 = arith.constant 0 : i32
      %scan3A_40 = arith.constant 0 : i32
      %scan3A_41 = arith.constant 8 : i32
      %scan3A_42 = arith.addi %scan3A_40, %scan3A_41 : i32
      %scan3A_43 = arith.constant 1 : i32
      scf.for %scan3A_45 = %scan3A_40 to %scan3A_42 step %scan3A_43  : i32 {
        %broadcast_in_dim3A = arith.constant 0.000000e+00 : f32
        %broadcast_in_dim3A_46 = vector.broadcast %broadcast_in_dim3A : f32 to vector<16xf32>
        %mul3A_47 = arith.constant 16 : i32
        %mul3A_48 = arith.muli %scan3A_45, %mul3A_47 : i32
        %add3A_49 = arith.constant 0 : i32
        %add3A_50 = arith.addi %mul3A_48, %add3A_49 : i32
        %mul3A_51 = arith.constant 26 : i32
        %mul3A_52 = arith.muli %add3A_50, %mul3A_51 : i32
        %get3A_53 = arith.index_cast %mul3A_52 : i32 to index
        %get3A_54 = arith.constant 0 : index
        %get3A_55 = tpu.vector_load %arg9[%get3A_53, %get3A_54] {strides = array<i32>} : memref<3328x16xf32, #tpu.memory_space<vmem>>, vector<16xf32>,
        %mul3A_56 = arith.mulf %get3A_55, %get3A_55 : vector<16xf32>
        %add3A_57 = arith.constant 1 : i32
        %add3A_58 = arith.addi %mul3A_52, %add3A_57 : i32
        %get3A_59 = arith.index_cast %add3A_58 : i32 to index
        %get3A_60 = arith.constant 0 : index
        %get3A_61 = tpu.vector_load %arg9[%get3A_59, %get3A_60] {strides = array<i32>} : memref<3328x16xf32, #tpu.memory_space<vmem>>, vector<16xf32>,
        %add3A_62 = arith.addf %get3A_55, %get3A_61 : vector<16xf32>
        %mul3A_63 = arith.mulf %get3A_61, %get3A_61 : vector<16xf32>
        %add3A_64 = arith.addf %mul3A_56, %mul3A_63 : vector<16xf32>
        %add3A_65 = arith.constant 2 : i32
        %add3A_66 = arith.addi %mul3A_52, %add3A_65 : i32
        %get3A_67 = arith.index_cast %add3A_66 : i32 to index
        %get3A_68 = arith.constant 0 : index
        %get3A_69 = tpu.vector_load %arg9[%get3A_67, %get3A_68] {strides = array<i32>} : memref<3328x16xf32, #tpu.memory_space<vmem>>, vector<16xf32>,
        %add3A_70 = arith.addf %add3A_62, %get3A_69 : vector<16xf32>
        %mul3A_71 = arith.mulf %get3A_69, %get3A_69 : vector<16xf32>
        %add3A_72 = arith.addf %add3A_64, %mul3A_71 : vector<16xf32>
        %add3A_73 = arith.constant 3 : i32
        %add3A_74 = arith.addi %mul3A_52, %add3A_73 : i32
        %get3A_75 = arith.index_cast %add3A_74 : i32 to index
        %get3A_76 = arith.constant 0 : index
        %get3A_77 = tpu.vector_load %arg9[%get3A_75, %get3A_76] {strides = array<i32>} : memref<3328x16xf32, #tpu.memory_space<vmem>>, vector<16xf32>,
        %add3A_78 = arith.addf %add3A_70, %get3A_77 : vector<16xf32>
        %mul3A_79 = arith.mulf %get3A_77, %get3A_77 : vector<16xf32>
        %add3A_80 = arith.addf %add3A_72, %mul3A_79 : vector<16xf32>
        %add3A_81 = arith.constant 4 : i32
        %add3A_82 = arith.addi %mul3A_52, %add3A_81 : i32
        %get3A_83 = arith.index_cast %add3A_82 : i32 to index
        %get3A_84 = arith.constant 0 : index
        %get3A_85 = tpu.vector_load %arg9[%get3A_83, %get3A_84] {strides = array<i32>} : memref<3328x16xf32, #tpu.memory_space<vmem>>, vector<16xf32>,
        %add3A_86 = arith.addf %add3A_78, %get3A_85 : vector<16xf32>
        %mul3A_87 = arith.mulf %get3A_85, %get3A_85 : vector<16xf32>
        %add3A_88 = arith.addf %add3A_80, %mul3A_87 : vector<16xf32>
        %add3A_89 = arith.constant 5 : i32
        %add3A_90 = arith.addi %mul3A_52, %add3A_89 : i32
        %get3A_91 = arith.index_cast %add3A_90 : i32 to index
        %get3A_92 = arith.constant 0 : index
        %get3A_93 = tpu.vector_load %arg9[%get3A_91, %get3A_92] {strides = array<i32>} : memref<3328x16xf32, #tpu.memory_space<vmem>>, vector<16xf32>,
        %add3A_94 = arith.addf %add3A_86, %get3A_93 : vector<16xf32>
        %mul3A_95 = arith.mulf %get3A_93, %get3A_93 : vector<16xf32>
        %add3A_96 = arith.addf %add3A_88, %mul3A_95 : vector<16xf32>
        %add3A_97 = arith.constant 6 : i32
        %add3A_98 = arith.addi %mul3A_52, %add3A_97 : i32
        %get3A_99 = arith.index_cast %add3A_98 : i32 to index
        %get3A_100 = arith.constant 0 : index
        %get3A_101 = tpu.vector_load %arg9[%get3A_99, %get3A_100] {strides = array<i32>} : memref<3328x16xf32, #tpu.memory_space<vmem>>, vector<16xf32>,
        %add3A_102 = arith.addf %add3A_94, %get3A_101 : vector<16xf32>
        %mul3A_103 = arith.mulf %get3A_101, %get3A_101 : vector<16xf32>
        %add3A_104 = arith.addf %add3A_96, %mul3A_103 : vector<16xf32>
        %add3A_105 = arith.constant 7 : i32
        %add3A_106 = arith.addi %mul3A_52, %add3A_105 : i32
        %get3A_107 = arith.index_cast %add3A_106 : i32 to index
        %get3A_108 = arith.constant 0 : index
        %get3A_109 = tpu.vector_load %arg9[%get3A_107, %get3A_108] {strides = array<i32>} : memref<3328x16xf32, #tpu.memory_space<vmem>>, vector<16xf32>,
        %add3A_110 = arith.addf %add3A_102, %get3A_109 : vector<16xf32>
        %mul3A_111 = arith.mulf %get3A_109, %get3A_109 : vector<16xf32>
        %add3A_112 = arith.addf %add3A_104, %mul3A_111 : vector<16xf32>
        %add3A_113 = arith.constant 8 : i32
        %add3A_114 = arith.addi %mul3A_52, %add3A_113 : i32
        %get3A_115 = arith.index_cast %add3A_114 : i32 to index
        %get3A_116 = arith.constant 0 : index
        %get3A_117 = tpu.vector_load %arg9[%get3A_115, %get3A_116] {strides = array<i32>} : memref<3328x16xf32, #tpu.memory_space<vmem>>, vector<16xf32>,
        %add3A_118 = arith.addf %add3A_110, %get3A_117 : vector<16xf32>
        %mul3A_119 = arith.mulf %get3A_117, %get3A_117 : vector<16xf32>
        %add3A_120 = arith.addf %add3A_112, %mul3A_119 : vector<16xf32>
        %add3A_121 = arith.constant 9 : i32
        %add3A_122 = arith.addi %mul3A_52, %add3A_121 : i32
        %get3A_123 = arith.index_cast %add3A_122 : i32 to index
        %get3A_124 = arith.constant 0 : index
        %get3A_125 = tpu.vector_load %arg9[%get3A_123, %get3A_124] {strides = array<i32>} : memref<3328x16xf32, #tpu.memory_space<vmem>>, vector<16xf32>,
        %add3A_126 = arith.addf %add3A_118, %get3A_125 : vector<16xf32>
        %mul3A_127 = arith.mulf %get3A_125, %get3A_125 : vector<16xf32>
        %add3A_128 = arith.addf %add3A_120, %mul3A_127 : vector<16xf32>
        %add3A_129 = arith.constant 10 : i32
        %add3A_130 = arith.addi %mul3A_52, %add3A_129 : i32
        %get3A_131 = arith.index_cast %add3A_130 : i32 to index
        %get3A_132 = arith.constant 0 : index
        %get3A_133 = tpu.vector_load %arg9[%get3A_131, %get3A_132] {strides = array<i32>} : memref<3328x16xf32, #tpu.memory_space<vmem>>, vector<16xf32>,
        %add3A_134 = arith.addf %add3A_126, %get3A_133 : vector<16xf32>
        %mul3A_135 = arith.mulf %get3A_133, %get3A_133 : vector<16xf32>
        %add3A_136 = arith.addf %add3A_128, %mul3A_135 : vector<16xf32>
        %add3A_137 = arith.constant 11 : i32
        %add3A_138 = arith.addi %mul3A_52, %add3A_137 : i32
        %get3A_139 = arith.index_cast %add3A_138 : i32 to index
        %get3A_140 = arith.constant 0 : index
        %get3A_141 = tpu.vector_load %arg9[%get3A_139, %get3A_140] {strides = array<i32>} : memref<3328x16xf32, #tpu.memory_space<vmem>>, vector<16xf32>,
        %add3A_142 = arith.addf %add3A_134, %get3A_141 : vector<16xf32>
        %mul3A_143 = arith.mulf %get3A_141, %get3A_141 : vector<16xf32>
        %add3A_144 = arith.addf %add3A_136, %mul3A_143 : vector<16xf32>
        %add3A_145 = arith.constant 12 : i32
        %add3A_146 = arith.addi %mul3A_52, %add3A_145 : i32
        %get3A_147 = arith.index_cast %add3A_146 : i32 to index
        %get3A_148 = arith.constant 0 : index
        %get3A_149 = tpu.vector_load %arg9[%get3A_147, %get3A_148] {strides = array<i32>} : memref<3328x16xf32, #tpu.memory_space<vmem>>, vector<16xf32>,
        %add3A_150 = arith.addf %add3A_142, %get3A_149 : vector<16xf32>
        %mul3A_151 = arith.mulf %get3A_149, %get3A_149 : vector<16xf32>
        %add3A_152 = arith.addf %add3A_144, %mul3A_151 : vector<16xf32>
        %add3A_153 = arith.constant 13 : i32
        %add3A_154 = arith.addi %mul3A_52, %add3A_153 : i32
        %get3A_155 = arith.index_cast %add3A_154 : i32 to index
        %get3A_156 = arith.constant 0 : index
        %get3A_157 = tpu.vector_load %arg9[%get3A_155, %get3A_156] {strides = array<i32>} : memref<3328x16xf32, #tpu.memory_space<vmem>>, vector<16xf32>,
        %add3A_158 = arith.addf %add3A_150, %get3A_157 : vector<16xf32>
        %mul3A_159 = arith.mulf %get3A_157, %get3A_157 : vector<16xf32>
        %add3A_160 = arith.addf %add3A_152, %mul3A_159 : vector<16xf32>
        %add3A_161 = arith.constant 14 : i32
        %add3A_162 = arith.addi %mul3A_52, %add3A_161 : i32
        %get3A_163 = arith.index_cast %add3A_162 : i32 to index
        %get3A_164 = arith.constant 0 : index
        %get3A_165 = tpu.vector_load %arg9[%get3A_163, %get3A_164] {strides = array<i32>} : memref<3328x16xf32, #tpu.memory_space<vmem>>, vector<16xf32>,
        %add3A_166 = arith.addf %add3A_158, %get3A_165 : vector<16xf32>
        %mul3A_167 = arith.mulf %get3A_165, %get3A_165 : vector<16xf32>
        %add3A_168 = arith.addf %add3A_160, %mul3A_167 : vector<16xf32>
        %add3A_169 = arith.constant 15 : i32
        %add3A_170 = arith.addi %mul3A_52, %add3A_169 : i32
        %get3A_171 = arith.index_cast %add3A_170 : i32 to index
        %get3A_172 = arith.constant 0 : index
        %get3A_173 = tpu.vector_load %arg9[%get3A_171, %get3A_172] {strides = array<i32>} : memref<3328x16xf32, #tpu.memory_space<vmem>>, vector<16xf32>,
        %add3A_174 = arith.addf %add3A_166, %get3A_173 : vector<16xf32>
        %mul3A_175 = arith.mulf %get3A_173, %get3A_173 : vector<16xf32>
        %add3A_176 = arith.addf %add3A_168, %mul3A_175 : vector<16xf32>
        %add3A_177 = arith.constant 16 : i32
        %add3A_178 = arith.addi %mul3A_52, %add3A_177 : i32
        %get3A_179 = arith.index_cast %add3A_178 : i32 to index
        %get3A_180 = arith.constant 0 : index
        %get3A_181 = tpu.vector_load %arg9[%get3A_179, %get3A_180] {strides = array<i32>} : memref<3328x16xf32, #tpu.memory_space<vmem>>, vector<16xf32>,
        %add3A_182 = arith.addf %add3A_174, %get3A_181 : vector<16xf32>
        %mul3A_183 = arith.mulf %get3A_181, %get3A_181 : vector<16xf32>
        %add3A_184 = arith.addf %add3A_176, %mul3A_183 : vector<16xf32>
        %add3A_185 = arith.constant 17 : i32
        %add3A_186 = arith.addi %mul3A_52, %add3A_185 : i32
        %get3A_187 = arith.index_cast %add3A_186 : i32 to index
        %get3A_188 = arith.constant 0 : index
        %get3A_189 = tpu.vector_load %arg9[%get3A_187, %get3A_188] {strides = array<i32>} : memref<3328x16xf32, #tpu.memory_space<vmem>>, vector<16xf32>,
        %add3A_190 = arith.addf %add3A_182, %get3A_189 : vector<16xf32>
        %mul3A_191 = arith.mulf %get3A_189, %get3A_189 : vector<16xf32>
        %add3A_192 = arith.addf %add3A_184, %mul3A_191 : vector<16xf32>
        %add3A_193 = arith.constant 18 : i32
        %add3A_194 = arith.addi %mul3A_52, %add3A_193 : i32
        %get3A_195 = arith.index_cast %add3A_194 : i32 to index
        %get3A_196 = arith.constant 0 : index
        %get3A_197 = tpu.vector_load %arg9[%get3A_195, %get3A_196] {strides = array<i32>} : memref<3328x16xf32, #tpu.memory_space<vmem>>, vector<16xf32>,
        %add3A_198 = arith.addf %add3A_190, %get3A_197 : vector<16xf32>
        %mul3A_199 = arith.mulf %get3A_197, %get3A_197 : vector<16xf32>
        %add3A_200 = arith.addf %add3A_192, %mul3A_199 : vector<16xf32>
        %add3A_201 = arith.constant 19 : i32
        %add3A_202 = arith.addi %mul3A_52, %add3A_201 : i32
        %get3A_203 = arith.index_cast %add3A_202 : i32 to index
        %get3A_204 = arith.constant 0 : index
        %get3A_205 = tpu.vector_load %arg9[%get3A_203, %get3A_204] {strides = array<i32>} : memref<3328x16xf32, #tpu.memory_space<vmem>>, vector<16xf32>,
        %add3A_206 = arith.addf %add3A_198, %get3A_205 : vector<16xf32>
        %mul3A_207 = arith.mulf %get3A_205, %get3A_205 : vector<16xf32>
        %add3A_208 = arith.addf %add3A_200, %mul3A_207 : vector<16xf32>
        %add3A_209 = arith.constant 20 : i32
        %add3A_210 = arith.addi %mul3A_52, %add3A_209 : i32
        %get3A_211 = arith.index_cast %add3A_210 : i32 to index
        %get3A_212 = arith.constant 0 : index
        %get3A_213 = tpu.vector_load %arg9[%get3A_211, %get3A_212] {strides = array<i32>} : memref<3328x16xf32, #tpu.memory_space<vmem>>, vector<16xf32>,
        %add3A_214 = arith.addf %add3A_206, %get3A_213 : vector<16xf32>
        %mul3A_215 = arith.mulf %get3A_213, %get3A_213 : vector<16xf32>
        %add3A_216 = arith.addf %add3A_208, %mul3A_215 : vector<16xf32>
        %add3A_217 = arith.constant 21 : i32
        %add3A_218 = arith.addi %mul3A_52, %add3A_217 : i32
        %get3A_219 = arith.index_cast %add3A_218 : i32 to index
        %get3A_220 = arith.constant 0 : index
        %get3A_221 = tpu.vector_load %arg9[%get3A_219, %get3A_220] {strides = array<i32>} : memref<3328x16xf32, #tpu.memory_space<vmem>>, vector<16xf32>,
        %add3A_222 = arith.addf %add3A_214, %get3A_221 : vector<16xf32>
        %mul3A_223 = arith.mulf %get3A_221, %get3A_221 : vector<16xf32>
        %add3A_224 = arith.addf %add3A_216, %mul3A_223 : vector<16xf32>
        %add3A_225 = arith.constant 22 : i32
        %add3A_226 = arith.addi %mul3A_52, %add3A_225 : i32
        %get3A_227 = arith.index_cast %add3A_226 : i32 to index
        %get3A_228 = arith.constant 0 : index
        %get3A_229 = tpu.vector_load %arg9[%get3A_227, %get3A_228] {strides = array<i32>} : memref<3328x16xf32, #tpu.memory_space<vmem>>, vector<16xf32>,
        %add3A_230 = arith.addf %add3A_222, %get3A_229 : vector<16xf32>
        %mul3A_231 = arith.mulf %get3A_229, %get3A_229 : vector<16xf32>
        %add3A_232 = arith.addf %add3A_224, %mul3A_231 : vector<16xf32>
        %add3A_233 = arith.constant 23 : i32
        %add3A_234 = arith.addi %mul3A_52, %add3A_233 : i32
        %get3A_235 = arith.index_cast %add3A_234 : i32 to index
        %get3A_236 = arith.constant 0 : index
        %get3A_237 = tpu.vector_load %arg9[%get3A_235, %get3A_236] {strides = array<i32>} : memref<3328x16xf32, #tpu.memory_space<vmem>>, vector<16xf32>,
        %add3A_238 = arith.addf %add3A_230, %get3A_237 : vector<16xf32>
        %mul3A_239 = arith.mulf %get3A_237, %get3A_237 : vector<16xf32>
        %add3A_240 = arith.addf %add3A_232, %mul3A_239 : vector<16xf32>
        %add3A_241 = arith.constant 24 : i32
        %add3A_242 = arith.addi %mul3A_52, %add3A_241 : i32
        %get3A_243 = arith.index_cast %add3A_242 : i32 to index
        %get3A_244 = arith.constant 0 : index
        %get3A_245 = tpu.vector_load %arg9[%get3A_243, %get3A_244] {strides = array<i32>} : memref<3328x16xf32, #tpu.memory_space<vmem>>, vector<16xf32>,
        %add3A_246 = arith.addf %add3A_238, %get3A_245 : vector<16xf32>
        %mul3A_247 = arith.mulf %get3A_245, %get3A_245 : vector<16xf32>
        %add3A_248 = arith.addf %add3A_240, %mul3A_247 : vector<16xf32>
        %add3A_249 = arith.constant 25 : i32
        %add3A_250 = arith.addi %mul3A_52, %add3A_249 : i32
        %get3A_251 = arith.index_cast %add3A_250 : i32 to index
        %get3A_252 = arith.constant 0 : index
        %get3A_253 = tpu.vector_load %arg9[%get3A_251, %get3A_252] {strides = array<i32>} : memref<3328x16xf32, #tpu.memory_space<vmem>>, vector<16xf32>,
        %add3A_254 = arith.addf %add3A_246, %get3A_253 : vector<16xf32>
        %mul3A_255 = arith.mulf %get3A_253, %get3A_253 : vector<16xf32>
        %add3A_256 = arith.addf %add3A_248, %mul3A_255 : vector<16xf32>
        %mul3A_257 = arith.mulf %add3A_254, %add3A_254 : vector<16xf32>
        %sub3A = arith.subf %mul3A_257, %add3A_256 : vector<16xf32>
        %mul3A_258 = arith.constant 5.000000e-01 : f32
        %mul3A_259 = vector.broadcast %mul3A_258 : f32 to vector<16xf32>
        %mul3A_260 = arith.mulf %mul3A_259, %sub3A : vector<16xf32>
        %get3A_261 = arith.index_cast %mul3A_52 : i32 to index
        %get3A_262 = tpu.vector_load %arg10[%get3A_261] {strides = array<i32>} : memref<3344xf32, #tpu.memory_space<vmem>>, vector<16xf32>,
        %add3A_263 = arith.constant 16 : i32
        %add3A_264 = arith.addi %mul3A_52, %add3A_263 : i32
        %get3A_265 = arith.index_cast %add3A_264 : i32 to index
        %get3A_266 = tpu.vector_load %arg10[%get3A_265] {strides = array<i32>} : memref<3344xf32, #tpu.memory_space<vmem>>, vector<16xf32>,
        %jit3A = arith.constant 0.000000e+00 : f32
        %broadcast_in_dim3A_267 = vector.broadcast %jit3A : f32 to vector<16xf32>
        %select_n3A = arith.select %lt3A_9, %get3A_266, %broadcast_in_dim3A_267 : vector<16xi1>, vector<16xf32>
        %mul3A_268 = arith.mulf %mul3A_260, %get3A_3 : vector<16xf32>
        %add3A_269 = arith.addf %get3A_262, %select_n3A : vector<16xf32>
        %mul3A_270 = arith.mulf %add3A_269, %get3A_5 : vector<16xf32>
        %add3A_271 = arith.addf %mul3A_268, %mul3A_270 : vector<16xf32>
        %add3A_272 = arith.addf %add3A_271, %get3A_7 : vector<16xf32>
        %eq3A = arith.constant 0 : i32
        %eq3A_273 = vector.broadcast %eq3A : i32 to vector<16xi32>
        %eq3A_274 = arith.cmpi eq, %iota3A, %eq3A_273 : vector<16xi32>
        %reduce_sum3A = arith.constant true
        %reduce_sum3A_275 = vector.broadcast %reduce_sum3A : i1 to vector<16xi1>
        %reduce_sum3A_276 = tpu.scan <sum>, %add3A_272 masked %reduce_sum3A_275 : vector<16xf32>, vector<16xi1> -> vector<16xf32>
        %reduce_sum3A_277 = vector.extract %reduce_sum3A_276[15] : f32 from vector<16xf32>
        %broadcast_in_dim3A_278 = vector.broadcast %reduce_sum3A_277 : f32 to vector<16xf32>
        %select_n3A_279 = arith.select %eq3A_274, %broadcast_in_dim3A_278, %broadcast_in_dim3A_46 : vector<16xi1>, vector<16xf32>
        %mul3A_280 = arith.constant 16 : i32
        %mul3A_281 = arith.muli %scan3A_45, %mul3A_280 : i32
        %add3A_282 = arith.constant 1 : i32
        %add3A_283 = arith.addi %mul3A_281, %add3A_282 : i32
        %mul3A_284 = arith.constant 26 : i32
        %mul3A_285 = arith.muli %add3A_283, %mul3A_284 : i32
        %get3A_286 = arith.index_cast %mul3A_285 : i32 to index
        %get3A_287 = arith.constant 0 : index
        %get3A_288 = tpu.vector_load %arg9[%get3A_286, %get3A_287] {strides = array<i32>} : memref<3328x16xf32, #tpu.memory_space<vmem>>, vector<16xf32>,
        %mul3A_289 = arith.mulf %get3A_288, %get3A_288 : vector<16xf32>
        %add3A_290 = arith.constant 1 : i32
        %add3A_291 = arith.addi %mul3A_285, %add3A_290 : i32
        %get3A_292 = arith.index_cast %add3A_291 : i32 to index
        %get3A_293 = arith.constant 0 : index
        %get3A_294 = tpu.vector_load %arg9[%get3A_292, %get3A_293] {strides = array<i32>} : memref<3328x16xf32, #tpu.memory_space<vmem>>, vector<16xf32>,
        %add3A_295 = arith.addf %get3A_288, %get3A_294 : vector<16xf32>
        %mul3A_296 = arith.mulf %get3A_294, %get3A_294 : vector<16xf32>
        %add3A_297 = arith.addf %mul3A_289, %mul3A_296 : vector<16xf32>
        %add3A_298 = arith.constant 2 : i32
        %add3A_299 = arith.addi %mul3A_285, %add3A_298 : i32
        %get3A_300 = arith.index_cast %add3A_299 : i32 to index
        %get3A_301 = arith.constant 0 : index
        %get3A_302 = tpu.vector_load %arg9[%get3A_300, %get3A_301] {strides = array<i32>} : memref<3328x16xf32, #tpu.memory_space<vmem>>, vector<16xf32>,
        %add3A_303 = arith.addf %add3A_295, %get3A_302 : vector<16xf32>
        %mul3A_304 = arith.mulf %get3A_302, %get3A_302 : vector<16xf32>
        %add3A_305 = arith.addf %add3A_297, %mul3A_304 : vector<16xf32>
        %add3A_306 = arith.constant 3 : i32
        %add3A_307 = arith.addi %mul3A_285, %add3A_306 : i32
        %get3A_308 = arith.index_cast %add3A_307 : i32 to index
        %get3A_309 = arith.constant 0 : index
        %get3A_310 = tpu.vector_load %arg9[%get3A_308, %get3A_309] {strides = array<i32>} : memref<3328x16xf32, #tpu.memory_space<vmem>>, vector<16xf32>,
        %add3A_311 = arith.addf %add3A_303, %get3A_310 : vector<16xf32>
        %mul3A_312 = arith.mulf %get3A_310, %get3A_310 : vector<16xf32>
        %add3A_313 = arith.addf %add3A_305, %mul3A_312 : vector<16xf32>
        %add3A_314 = arith.constant 4 : i32
        %add3A_315 = arith.addi %mul3A_285, %add3A_314 : i32
        %get3A_316 = arith.index_cast %add3A_315 : i32 to index
        %get3A_317 = arith.constant 0 : index
        %get3A_318 = tpu.vector_load %arg9[%get3A_316, %get3A_317] {strides = array<i32>} : memref<3328x16xf32, #tpu.memory_space<vmem>>, vector<16xf32>,
        %add3A_319 = arith.addf %add3A_311, %get3A_318 : vector<16xf32>
        %mul3A_320 = arith.mulf %get3A_318, %get3A_318 : vector<16xf32>
        %add3A_321 = arith.addf %add3A_313, %mul3A_320 : vector<16xf32>
        %add3A_322 = arith.constant 5 : i32
        %add3A_323 = arith.addi %mul3A_285, %add3A_322 : i32
        %get3A_324 = arith.index_cast %add3A_323 : i32 to index
        %get3A_325 = arith.constant 0 : index
        %get3A_326 = tpu.vector_load %arg9[%get3A_324, %get3A_325] {strides = array<i32>} : memref<3328x16xf32, #tpu.memory_space<vmem>>, vector<16xf32>,
        %add3A_327 = arith.addf %add3A_319, %get3A_326 : vector<16xf32>
        %mul3A_328 = arith.mulf %get3A_326, %get3A_326 : vector<16xf32>
        %add3A_329 = arith.addf %add3A_321, %mul3A_328 : vector<16xf32>
        %add3A_330 = arith.constant 6 : i32
        %add3A_331 = arith.addi %mul3A_285, %add3A_330 : i32
        %get3A_332 = arith.index_cast %add3A_331 : i32 to index
        %get3A_333 = arith.constant 0 : index
        %get3A_334 = tpu.vector_load %arg9[%get3A_332, %get3A_333] {strides = array<i32>} : memref<3328x16xf32, #tpu.memory_space<vmem>>, vector<16xf32>,
        %add3A_335 = arith.addf %add3A_327, %get3A_334 : vector<16xf32>
        %mul3A_336 = arith.mulf %get3A_334, %get3A_334 : vector<16xf32>
        %add3A_337 = arith.addf %add3A_329, %mul3A_336 : vector<16xf32>
        %add3A_338 = arith.constant 7 : i32
        %add3A_339 = arith.addi %mul3A_285, %add3A_338 : i32
        %get3A_340 = arith.index_cast %add3A_339 : i32 to index
        %get3A_341 = arith.constant 0 : index
        %get3A_342 = tpu.vector_load %arg9[%get3A_340, %get3A_341] {strides = array<i32>} : memref<3328x16xf32, #tpu.memory_space<vmem>>, vector<16xf32>,
        %add3A_343 = arith.addf %add3A_335, %get3A_342 : vector<16xf32>
        %mul3A_344 = arith.mulf %get3A_342, %get3A_342 : vector<16xf32>
        %add3A_345 = arith.addf %add3A_337, %mul3A_344 : vector<16xf32>
        %add3A_346 = arith.constant 8 : i32
        %add3A_347 = arith.addi %mul3A_285, %add3A_346 : i32
        %get3A_348 = arith.index_cast %add3A_347 : i32 to index
        %get3A_349 = arith.constant 0 : index
        %get3A_350 = tpu.vector_load %arg9[%get3A_348, %get3A_349] {strides = array<i32>} : memref<3328x16xf32, #tpu.memory_space<vmem>>, vector<16xf32>,
        %add3A_351 = arith.addf %add3A_343, %get3A_350 : vector<16xf32>
        %mul3A_352 = arith.mulf %get3A_350, %get3A_350 : vector<16xf32>
        %add3A_353 = arith.addf %add3A_345, %mul3A_352 : vector<16xf32>
        %add3A_354 = arith.constant 9 : i32
        %add3A_355 = arith.addi %mul3A_285, %add3A_354 : i32
        %get3A_356 = arith.index_cast %add3A_355 : i32 to index
        %get3A_357 = arith.constant 0 : index
        %get3A_358 = tpu.vector_load %arg9[%get3A_356, %get3A_357] {strides = array<i32>} : memref<3328x16xf32, #tpu.memory_space<vmem>>, vector<16xf32>,
        %add3A_359 = arith.addf %add3A_351, %get3A_358 : vector<16xf32>
        %mul3A_360 = arith.mulf %get3A_358, %get3A_358 : vector<16xf32>
        %add3A_361 = arith.addf %add3A_353, %mul3A_360 : vector<16xf32>
        %add3A_362 = arith.constant 10 : i32
        %add3A_363 = arith.addi %mul3A_285, %add3A_362 : i32
        %get3A_364 = arith.index_cast %add3A_363 : i32 to index
        %get3A_365 = arith.constant 0 : index
        %get3A_366 = tpu.vector_load %arg9[%get3A_364, %get3A_365] {strides = array<i32>} : memref<3328x16xf32, #tpu.memory_space<vmem>>, vector<16xf32>,
        %add3A_367 = arith.addf %add3A_359, %get3A_366 : vector<16xf32>
        %mul3A_368 = arith.mulf %get3A_366, %get3A_366 : vector<16xf32>
        %add3A_369 = arith.addf %add3A_361, %mul3A_368 : vector<16xf32>
        %add3A_370 = arith.constant 11 : i32
        %add3A_371 = arith.addi %mul3A_285, %add3A_370 : i32
        %get3A_372 = arith.index_cast %add3A_371 : i32 to index
        %get3A_373 = arith.constant 0 : index
        %get3A_374 = tpu.vector_load %arg9[%get3A_372, %get3A_373] {strides = array<i32>} : memref<3328x16xf32, #tpu.memory_space<vmem>>, vector<16xf32>,
        %add3A_375 = arith.addf %add3A_367, %get3A_374 : vector<16xf32>
        %mul3A_376 = arith.mulf %get3A_374, %get3A_374 : vector<16xf32>
        %add3A_377 = arith.addf %add3A_369, %mul3A_376 : vector<16xf32>
        %add3A_378 = arith.constant 12 : i32
        %add3A_379 = arith.addi %mul3A_285, %add3A_378 : i32
        %get3A_380 = arith.index_cast %add3A_379 : i32 to index
        %get3A_381 = arith.constant 0 : index
        %get3A_382 = tpu.vector_load %arg9[%get3A_380, %get3A_381] {strides = array<i32>} : memref<3328x16xf32, #tpu.memory_space<vmem>>, vector<16xf32>,
        %add3A_383 = arith.addf %add3A_375, %get3A_382 : vector<16xf32>
        %mul3A_384 = arith.mulf %get3A_382, %get3A_382 : vector<16xf32>
        %add3A_385 = arith.addf %add3A_377, %mul3A_384 : vector<16xf32>
        %add3A_386 = arith.constant 13 : i32
        %add3A_387 = arith.addi %mul3A_285, %add3A_386 : i32
        %get3A_388 = arith.index_cast %add3A_387 : i32 to index
        %get3A_389 = arith.constant 0 : index
        %get3A_390 = tpu.vector_load %arg9[%get3A_388, %get3A_389] {strides = array<i32>} : memref<3328x16xf32, #tpu.memory_space<vmem>>, vector<16xf32>,
        %add3A_391 = arith.addf %add3A_383, %get3A_390 : vector<16xf32>
        %mul3A_392 = arith.mulf %get3A_390, %get3A_390 : vector<16xf32>
        %add3A_393 = arith.addf %add3A_385, %mul3A_392 : vector<16xf32>
        %add3A_394 = arith.constant 14 : i32
        %add3A_395 = arith.addi %mul3A_285, %add3A_394 : i32
        %get3A_396 = arith.index_cast %add3A_395 : i32 to index
        %get3A_397 = arith.constant 0 : index
        %get3A_398 = tpu.vector_load %arg9[%get3A_396, %get3A_397] {strides = array<i32>} : memref<3328x16xf32, #tpu.memory_space<vmem>>, vector<16xf32>,
        %add3A_399 = arith.addf %add3A_391, %get3A_398 : vector<16xf32>
        %mul3A_400 = arith.mulf %get3A_398, %get3A_398 : vector<16xf32>
        %add3A_401 = arith.addf %add3A_393, %mul3A_400 : vector<16xf32>
        %add3A_402 = arith.constant 15 : i32
        %add3A_403 = arith.addi %mul3A_285, %add3A_402 : i32
        %get3A_404 = arith.index_cast %add3A_403 : i32 to index
        %get3A_405 = arith.constant 0 : index
        %get3A_406 = tpu.vector_load %arg9[%get3A_404, %get3A_405] {strides = array<i32>} : memref<3328x16xf32, #tpu.memory_space<vmem>>, vector<16xf32>,
        %add3A_407 = arith.addf %add3A_399, %get3A_406 : vector<16xf32>
        %mul3A_408 = arith.mulf %get3A_406, %get3A_406 : vector<16xf32>
        %add3A_409 = arith.addf %add3A_401, %mul3A_408 : vector<16xf32>
        %add3A_410 = arith.constant 16 : i32
        %add3A_411 = arith.addi %mul3A_285, %add3A_410 : i32
        %get3A_412 = arith.index_cast %add3A_411 : i32 to index
        %get3A_413 = arith.constant 0 : index
        %get3A_414 = tpu.vector_load %arg9[%get3A_412, %get3A_413] {strides = array<i32>} : memref<3328x16xf32, #tpu.memory_space<vmem>>, vector<16xf32>,
        %add3A_415 = arith.addf %add3A_407, %get3A_414 : vector<16xf32>
        %mul3A_416 = arith.mulf %get3A_414, %get3A_414 : vector<16xf32>
        %add3A_417 = arith.addf %add3A_409, %mul3A_416 : vector<16xf32>
        %add3A_418 = arith.constant 17 : i32
        %add3A_419 = arith.addi %mul3A_285, %add3A_418 : i32
        %get3A_420 = arith.index_cast %add3A_419 : i32 to index
        %get3A_421 = arith.constant 0 : index
        %get3A_422 = tpu.vector_load %arg9[%get3A_420, %get3A_421] {strides = array<i32>} : memref<3328x16xf32, #tpu.memory_space<vmem>>, vector<16xf32>,
        %add3A_423 = arith.addf %add3A_415, %get3A_422 : vector<16xf32>
        %mul3A_424 = arith.mulf %get3A_422, %get3A_422 : vector<16xf32>
        %add3A_425 = arith.addf %add3A_417, %mul3A_424 : vector<16xf32>
        %add3A_426 = arith.constant 18 : i32
        %add3A_427 = arith.addi %mul3A_285, %add3A_426 : i32
        %get3A_428 = arith.index_cast %add3A_427 : i32 to index
        %get3A_429 = arith.constant 0 : index
        %get3A_430 = tpu.vector_load %arg9[%get3A_428, %get3A_429] {strides = array<i32>} : memref<3328x16xf32, #tpu.memory_space<vmem>>, vector<16xf32>,
        %add3A_431 = arith.addf %add3A_423, %get3A_430 : vector<16xf32>
        %mul3A_432 = arith.mulf %get3A_430, %get3A_430 : vector<16xf32>
        %add3A_433 = arith.addf %add3A_425, %mul3A_432 : vector<16xf32>
        %add3A_434 = arith.constant 19 : i32
        %add3A_435 = arith.addi %mul3A_285, %add3A_434 : i32
        %get3A_436 = arith.index_cast %add3A_435 : i32 to index
        %get3A_437 = arith.constant 0 : index
        %get3A_438 = tpu.vector_load %arg9[%get3A_436, %get3A_437] {strides = array<i32>} : memref<3328x16xf32, #tpu.memory_space<vmem>>, vector<16xf32>,
        %add3A_439 = arith.addf %add3A_431, %get3A_438 : vector<16xf32>
        %mul3A_440 = arith.mulf %get3A_438, %get3A_438 : vector<16xf32>
        %add3A_441 = arith.addf %add3A_433, %mul3A_440 : vector<16xf32>
        %add3A_442 = arith.constant 20 : i32
        %add3A_443 = arith.addi %mul3A_285, %add3A_442 : i32
        %get3A_444 = arith.index_cast %add3A_443 : i32 to index
        %get3A_445 = arith.constant 0 : index
        %get3A_446 = tpu.vector_load %arg9[%get3A_444, %get3A_445] {strides = array<i32>} : memref<3328x16xf32, #tpu.memory_space<vmem>>, vector<16xf32>,
        %add3A_447 = arith.addf %add3A_439, %get3A_446 : vector<16xf32>
        %mul3A_448 = arith.mulf %get3A_446, %get3A_446 : vector<16xf32>
        %add3A_449 = arith.addf %add3A_441, %mul3A_448 : vector<16xf32>
        %add3A_450 = arith.constant 21 : i32
        %add3A_451 = arith.addi %mul3A_285, %add3A_450 : i32
        %get3A_452 = arith.index_cast %add3A_451 : i32 to index
        %get3A_453 = arith.constant 0 : index
        %get3A_454 = tpu.vector_load %arg9[%get3A_452, %get3A_453] {strides = array<i32>} : memref<3328x16xf32, #tpu.memory_space<vmem>>, vector<16xf32>,
        %add3A_455 = arith.addf %add3A_447, %get3A_454 : vector<16xf32>
        %mul3A_456 = arith.mulf %get3A_454, %get3A_454 : vector<16xf32>
        %add3A_457 = arith.addf %add3A_449, %mul3A_456 : vector<16xf32>
        %add3A_458 = arith.constant 22 : i32
        %add3A_459 = arith.addi %mul3A_285, %add3A_458 : i32
        %get3A_460 = arith.index_cast %add3A_459 : i32 to index
        %get3A_461 = arith.constant 0 : index
        %get3A_462 = tpu.vector_load %arg9[%get3A_460, %get3A_461] {strides = array<i32>} : memref<3328x16xf32, #tpu.memory_space<vmem>>, vector<16xf32>,
        %add3A_463 = arith.addf %add3A_455, %get3A_462 : vector<16xf32>
        %mul3A_464 = arith.mulf %get3A_462, %get3A_462 : vector<16xf32>
        %add3A_465 = arith.addf %add3A_457, %mul3A_464 : vector<16xf32>
        %add3A_466 = arith.constant 23 : i32
        %add3A_467 = arith.addi %mul3A_285, %add3A_466 : i32
        %get3A_468 = arith.index_cast %add3A_467 : i32 to index
        %get3A_469 = arith.constant 0 : index
        %get3A_470 = tpu.vector_load %arg9[%get3A_468, %get3A_469] {strides = array<i32>} : memref<3328x16xf32, #tpu.memory_space<vmem>>, vector<16xf32>,
        %add3A_471 = arith.addf %add3A_463, %get3A_470 : vector<16xf32>
        %mul3A_472 = arith.mulf %get3A_470, %get3A_470 : vector<16xf32>
        %add3A_473 = arith.addf %add3A_465, %mul3A_472 : vector<16xf32>
        %add3A_474 = arith.constant 24 : i32
        %add3A_475 = arith.addi %mul3A_285, %add3A_474 : i32
        %get3A_476 = arith.index_cast %add3A_475 : i32 to index
        %get3A_477 = arith.constant 0 : index
        %get3A_478 = tpu.vector_load %arg9[%get3A_476, %get3A_477] {strides = array<i32>} : memref<3328x16xf32, #tpu.memory_space<vmem>>, vector<16xf32>,
        %add3A_479 = arith.addf %add3A_471, %get3A_478 : vector<16xf32>
        %mul3A_480 = arith.mulf %get3A_478, %get3A_478 : vector<16xf32>
        %add3A_481 = arith.addf %add3A_473, %mul3A_480 : vector<16xf32>
        %add3A_482 = arith.constant 25 : i32
        %add3A_483 = arith.addi %mul3A_285, %add3A_482 : i32
        %get3A_484 = arith.index_cast %add3A_483 : i32 to index
        %get3A_485 = arith.constant 0 : index
        %get3A_486 = tpu.vector_load %arg9[%get3A_484, %get3A_485] {strides = array<i32>} : memref<3328x16xf32, #tpu.memory_space<vmem>>, vector<16xf32>,
        %add3A_487 = arith.addf %add3A_479, %get3A_486 : vector<16xf32>
        %mul3A_488 = arith.mulf %get3A_486, %get3A_486 : vector<16xf32>
        %add3A_489 = arith.addf %add3A_481, %mul3A_488 : vector<16xf32>
        %mul3A_490 = arith.mulf %add3A_487, %add3A_487 : vector<16xf32>
        %sub3A_491 = arith.subf %mul3A_490, %add3A_489 : vector<16xf32>
        %mul3A_492 = arith.constant 5.000000e-01 : f32
        %mul3A_493 = vector.broadcast %mul3A_492 : f32 to vector<16xf32>
        %mul3A_494 = arith.mulf %mul3A_493, %sub3A_491 : vector<16xf32>
        %get3A_495 = arith.index_cast %mul3A_285 : i32 to index
        %get3A_496 = tpu.vector_load %arg10[%get3A_495] {strides = array<i32>} : memref<3344xf32, #tpu.memory_space<vmem>>, vector<16xf32>,
        %add3A_497 = arith.constant 16 : i32
        %add3A_498 = arith.addi %mul3A_285, %add3A_497 : i32
        %get3A_499 = arith.index_cast %add3A_498 : i32 to index
        %get3A_500 = tpu.vector_load %arg10[%get3A_499] {strides = array<i32>} : memref<3344xf32, #tpu.memory_space<vmem>>, vector<16xf32>,
        %jit3A_501 = arith.constant 0.000000e+00 : f32
        %broadcast_in_dim3A_502 = vector.broadcast %jit3A_501 : f32 to vector<16xf32>
        %select_n3A_503 = arith.select %lt3A_9, %get3A_500, %broadcast_in_dim3A_502 : vector<16xi1>, vector<16xf32>
        %mul3A_504 = arith.mulf %mul3A_494, %get3A_3 : vector<16xf32>
        %add3A_505 = arith.addf %get3A_496, %select_n3A_503 : vector<16xf32>
        %mul3A_506 = arith.mulf %add3A_505, %get3A_5 : vector<16xf32>
        %add3A_507 = arith.addf %mul3A_504, %mul3A_506 : vector<16xf32>
        %add3A_508 = arith.addf %add3A_507, %get3A_7 : vector<16xf32>
        %eq3A_509 = arith.constant 1 : i32
        %eq3A_510 = vector.broadcast %eq3A_509 : i32 to vector<16xi32>
        %eq3A_511 = arith.cmpi eq, %iota3A, %eq3A_510 : vector<16xi32>
        %reduce_sum3A_512 = arith.constant true
        %reduce_sum3A_513 = vector.broadcast %reduce_sum3A_512 : i1 to vector<16xi1>
        %reduce_sum3A_514 = tpu.scan <sum>, %add3A_508 masked %reduce_sum3A_513 : vector<16xf32>, vector<16xi1> -> vector<16xf32>
        %reduce_sum3A_515 = vector.extract %reduce_sum3A_514[15] : f32 from vector<16xf32>
        %broadcast_in_dim3A_516 = vector.broadcast %reduce_sum3A_515 : f32 to vector<16xf32>
        %select_n3A_517 = arith.select %eq3A_511, %broadcast_in_dim3A_516, %select_n3A_279 : vector<16xi1>, vector<16xf32>
        %mul3A_518 = arith.constant 16 : i32
        %mul3A_519 = arith.muli %scan3A_45, %mul3A_518 : i32
        %add3A_520 = arith.constant 2 : i32
        %add3A_521 = arith.addi %mul3A_519, %add3A_520 : i32
        %mul3A_522 = arith.constant 26 : i32
        %mul3A_523 = arith.muli %add3A_521, %mul3A_522 : i32
        %get3A_524 = arith.index_cast %mul3A_523 : i32 to index
        %get3A_525 = arith.constant 0 : index
        %get3A_526 = tpu.vector_load %arg9[%get3A_524, %get3A_525] {strides = array<i32>} : memref<3328x16xf32, #tpu.memory_space<vmem>>, vector<16xf32>,
        %mul3A_527 = arith.mulf %get3A_526, %get3A_526 : vector<16xf32>
        %add3A_528 = arith.constant 1 : i32
        %add3A_529 = arith.addi %mul3A_523, %add3A_528 : i32
        %get3A_530 = arith.index_cast %add3A_529 : i32 to index
        %get3A_531 = arith.constant 0 : index
        %get3A_532 = tpu.vector_load %arg9[%get3A_530, %get3A_531] {strides = array<i32>} : memref<3328x16xf32, #tpu.memory_space<vmem>>, vector<16xf32>,
        %add3A_533 = arith.addf %get3A_526, %get3A_532 : vector<16xf32>
        %mul3A_534 = arith.mulf %get3A_532, %get3A_532 : vector<16xf32>
        %add3A_535 = arith.addf %mul3A_527, %mul3A_534 : vector<16xf32>
        %add3A_536 = arith.constant 2 : i32
        %add3A_537 = arith.addi %mul3A_523, %add3A_536 : i32
        %get3A_538 = arith.index_cast %add3A_537 : i32 to index
        %get3A_539 = arith.constant 0 : index
        %get3A_540 = tpu.vector_load %arg9[%get3A_538, %get3A_539] {strides = array<i32>} : memref<3328x16xf32, #tpu.memory_space<vmem>>, vector<16xf32>,
        %add3A_541 = arith.addf %add3A_533, %get3A_540 : vector<16xf32>
        %mul3A_542 = arith.mulf %get3A_540, %get3A_540 : vector<16xf32>
        %add3A_543 = arith.addf %add3A_535, %mul3A_542 : vector<16xf32>
        %add3A_544 = arith.constant 3 : i32
        %add3A_545 = arith.addi %mul3A_523, %add3A_544 : i32
        %get3A_546 = arith.index_cast %add3A_545 : i32 to index
        %get3A_547 = arith.constant 0 : index
        %get3A_548 = tpu.vector_load %arg9[%get3A_546, %get3A_547] {strides = array<i32>} : memref<3328x16xf32, #tpu.memory_space<vmem>>, vector<16xf32>,
        %add3A_549 = arith.addf %add3A_541, %get3A_548 : vector<16xf32>
        %mul3A_550 = arith.mulf %get3A_548, %get3A_548 : vector<16xf32>
        %add3A_551 = arith.addf %add3A_543, %mul3A_550 : vector<16xf32>
        %add3A_552 = arith.constant 4 : i32
        %add3A_553 = arith.addi %mul3A_523, %add3A_552 : i32
        %get3A_554 = arith.index_cast %add3A_553 : i32 to index
        %get3A_555 = arith.constant 0 : index
        %get3A_556 = tpu.vector_load %arg9[%get3A_554, %get3A_555] {strides = array<i32>} : memref<3328x16xf32, #tpu.memory_space<vmem>>, vector<16xf32>,
        %add3A_557 = arith.addf %add3A_549, %get3A_556 : vector<16xf32>
        %mul3A_558 = arith.mulf %get3A_556, %get3A_556 : vector<16xf32>
        %add3A_559 = arith.addf %add3A_551, %mul3A_558 : vector<16xf32>
        %add3A_560 = arith.constant 5 : i32
        %add3A_561 = arith.addi %mul3A_523, %add3A_560 : i32
        %get3A_562 = arith.index_cast %add3A_561 : i32 to index
        %get3A_563 = arith.constant 0 : index
        %get3A_564 = tpu.vector_load %arg9[%get3A_562, %get3A_563] {strides = array<i32>} : memref<3328x16xf32, #tpu.memory_space<vmem>>, vector<16xf32>,
        %add3A_565 = arith.addf %add3A_557, %get3A_564 : vector<16xf32>
        %mul3A_566 = arith.mulf %get3A_564, %get3A_564 : vector<16xf32>
        %add3A_567 = arith.addf %add3A_559, %mul3A_566 : vector<16xf32>
        %add3A_568 = arith.constant 6 : i32
        %add3A_569 = arith.addi %mul3A_523, %add3A_568 : i32
        %get3A_570 = arith.index_cast %add3A_569 : i32 to index
        %get3A_571 = arith.constant 0 : index
        %get3A_572 = tpu.vector_load %arg9[%get3A_570, %get3A_571] {strides = array<i32>} : memref<3328x16xf32, #tpu.memory_space<vmem>>, vector<16xf32>,
        %add3A_573 = arith.addf %add3A_565, %get3A_572 : vector<16xf32>
        %mul3A_574 = arith.mulf %get3A_572, %get3A_572 : vector<16xf32>
        %add3A_575 = arith.addf %add3A_567, %mul3A_574 : vector<16xf32>
        %add3A_576 = arith.constant 7 : i32
        %add3A_577 = arith.addi %mul3A_523, %add3A_576 : i32
        %get3A_578 = arith.index_cast %add3A_577 : i32 to index
        %get3A_579 = arith.constant 0 : index
        %get3A_580 = tpu.vector_load %arg9[%get3A_578, %get3A_579] {strides = array<i32>} : memref<3328x16xf32, #tpu.memory_space<vmem>>, vector<16xf32>,
        %add3A_581 = arith.addf %add3A_573, %get3A_580 : vector<16xf32>
        %mul3A_582 = arith.mulf %get3A_580, %get3A_580 : vector<16xf32>
        %add3A_583 = arith.addf %add3A_575, %mul3A_582 : vector<16xf32>
        %add3A_584 = arith.constant 8 : i32
        %add3A_585 = arith.addi %mul3A_523, %add3A_584 : i32
        %get3A_586 = arith.index_cast %add3A_585 : i32 to index
        %get3A_587 = arith.constant 0 : index
        %get3A_588 = tpu.vector_load %arg9[%get3A_586, %get3A_587] {strides = array<i32>} : memref<3328x16xf32, #tpu.memory_space<vmem>>, vector<16xf32>,
        %add3A_589 = arith.addf %add3A_581, %get3A_588 : vector<16xf32>
        %mul3A_590 = arith.mulf %get3A_588, %get3A_588 : vector<16xf32>
        %add3A_591 = arith.addf %add3A_583, %mul3A_590 : vector<16xf32>
        %add3A_592 = arith.constant 9 : i32
        %add3A_593 = arith.addi %mul3A_523, %add3A_592 : i32
        %get3A_594 = arith.index_cast %add3A_593 : i32 to index
        %get3A_595 = arith.constant 0 : index
        %get3A_596 = tpu.vector_load %arg9[%get3A_594, %get3A_595] {strides = array<i32>} : memref<3328x16xf32, #tpu.memory_space<vmem>>, vector<16xf32>,
        %add3A_597 = arith.addf %add3A_589, %get3A_596 : vector<16xf32>
        %mul3A_598 = arith.mulf %get3A_596, %get3A_596 : vector<16xf32>
        %add3A_599 = arith.addf %add3A_591, %mul3A_598 : vector<16xf32>
        %add3A_600 = arith.constant 10 : i32
        %add3A_601 = arith.addi %mul3A_523, %add3A_600 : i32
        %get3A_602 = arith.index_cast %add3A_601 : i32 to index
        %get3A_603 = arith.constant 0 : index
        %get3A_604 = tpu.vector_load %arg9[%get3A_602, %get3A_603] {strides = array<i32>} : memref<3328x16xf32, #tpu.memory_space<vmem>>, vector<16xf32>,
        %add3A_605 = arith.addf %add3A_597, %get3A_604 : vector<16xf32>
        %mul3A_606 = arith.mulf %get3A_604, %get3A_604 : vector<16xf32>
        %add3A_607 = arith.addf %add3A_599, %mul3A_606 : vector<16xf32>
        %add3A_608 = arith.constant 11 : i32
        %add3A_609 = arith.addi %mul3A_523, %add3A_608 : i32
        %get3A_610 = arith.index_cast %add3A_609 : i32 to index
        %get3A_611 = arith.constant 0 : index
        %get3A_612 = tpu.vector_load %arg9[%get3A_610, %get3A_611] {strides = array<i32>} : memref<3328x16xf32, #tpu.memory_space<vmem>>, vector<16xf32>,
        %add3A_613 = arith.addf %add3A_605, %get3A_612 : vector<16xf32>
        %mul3A_614 = arith.mulf %get3A_612, %get3A_612 : vector<16xf32>
        %add3A_615 = arith.addf %add3A_607, %mul3A_614 : vector<16xf32>
        %add3A_616 = arith.constant 12 : i32
        %add3A_617 = arith.addi %mul3A_523, %add3A_616 : i32
        %get3A_618 = arith.index_cast %add3A_617 : i32 to index
        %get3A_619 = arith.constant 0 : index
        %get3A_620 = tpu.vector_load %arg9[%get3A_618, %get3A_619] {strides = array<i32>} : memref<3328x16xf32, #tpu.memory_space<vmem>>, vector<16xf32>,
        %add3A_621 = arith.addf %add3A_613, %get3A_620 : vector<16xf32>
        %mul3A_622 = arith.mulf %get3A_620, %get3A_620 : vector<16xf32>
        %add3A_623 = arith.addf %add3A_615, %mul3A_622 : vector<16xf32>
        %add3A_624 = arith.constant 13 : i32
        %add3A_625 = arith.addi %mul3A_523, %add3A_624 : i32
        %get3A_626 = arith.index_cast %add3A_625 : i32 to index
        %get3A_627 = arith.constant 0 : index
        %get3A_628 = tpu.vector_load %arg9[%get3A_626, %get3A_627] {strides = array<i32>} : memref<3328x16xf32, #tpu.memory_space<vmem>>, vector<16xf32>,
        %add3A_629 = arith.addf %add3A_621, %get3A_628 : vector<16xf32>
        %mul3A_630 = arith.mulf %get3A_628, %get3A_628 : vector<16xf32>
        %add3A_631 = arith.addf %add3A_623, %mul3A_630 : vector<16xf32>
        %add3A_632 = arith.constant 14 : i32
        %add3A_633 = arith.addi %mul3A_523, %add3A_632 : i32
        %get3A_634 = arith.index_cast %add3A_633 : i32 to index
        %get3A_635 = arith.constant 0 : index
        %get3A_636 = tpu.vector_load %arg9[%get3A_634, %get3A_635] {strides = array<i32>} : memref<3328x16xf32, #tpu.memory_space<vmem>>, vector<16xf32>,
        %add3A_637 = arith.addf %add3A_629, %get3A_636 : vector<16xf32>
        %mul3A_638 = arith.mulf %get3A_636, %get3A_636 : vector<16xf32>
        %add3A_639 = arith.addf %add3A_631, %mul3A_638 : vector<16xf32>
        %add3A_640 = arith.constant 15 : i32
        %add3A_641 = arith.addi %mul3A_523, %add3A_640 : i32
        %get3A_642 = arith.index_cast %add3A_641 : i32 to index
        %get3A_643 = arith.constant 0 : index
        %get3A_644 = tpu.vector_load %arg9[%get3A_642, %get3A_643] {strides = array<i32>} : memref<3328x16xf32, #tpu.memory_space<vmem>>, vector<16xf32>,
        %add3A_645 = arith.addf %add3A_637, %get3A_644 : vector<16xf32>
        %mul3A_646 = arith.mulf %get3A_644, %get3A_644 : vector<16xf32>
        %add3A_647 = arith.addf %add3A_639, %mul3A_646 : vector<16xf32>
        %add3A_648 = arith.constant 16 : i32
        %add3A_649 = arith.addi %mul3A_523, %add3A_648 : i32
        %get3A_650 = arith.index_cast %add3A_649 : i32 to index
        %get3A_651 = arith.constant 0 : index
        %get3A_652 = tpu.vector_load %arg9[%get3A_650, %get3A_651] {strides = array<i32>} : memref<3328x16xf32, #tpu.memory_space<vmem>>, vector<16xf32>,
        %add3A_653 = arith.addf %add3A_645, %get3A_652 : vector<16xf32>
        %mul3A_654 = arith.mulf %get3A_652, %get3A_652 : vector<16xf32>
        %add3A_655 = arith.addf %add3A_647, %mul3A_654 : vector<16xf32>
        %add3A_656 = arith.constant 17 : i32
        %add3A_657 = arith.addi %mul3A_523, %add3A_656 : i32
        %get3A_658 = arith.index_cast %add3A_657 : i32 to index
        %get3A_659 = arith.constant 0 : index
        %get3A_660 = tpu.vector_load %arg9[%get3A_658, %get3A_659] {strides = array<i32>} : memref<3328x16xf32, #tpu.memory_space<vmem>>, vector<16xf32>,
        %add3A_661 = arith.addf %add3A_653, %get3A_660 : vector<16xf32>
        %mul3A_662 = arith.mulf %get3A_660, %get3A_660 : vector<16xf32>
        %add3A_663 = arith.addf %add3A_655, %mul3A_662 : vector<16xf32>
        %add3A_664 = arith.constant 18 : i32
        %add3A_665 = arith.addi %mul3A_523, %add3A_664 : i32
        %get3A_666 = arith.index_cast %add3A_665 : i32 to index
        %get3A_667 = arith.constant 0 : index
        %get3A_668 = tpu.vector_load %arg9[%get3A_666, %get3A_667] {strides = array<i32>} : memref<3328x16xf32, #tpu.memory_space<vmem>>, vector<16xf32>,
        %add3A_669 = arith.addf %add3A_661, %get3A_668 : vector<16xf32>
        %mul3A_670 = arith.mulf %get3A_668, %get3A_668 : vector<16xf32>
        %add3A_671 = arith.addf %add3A_663, %mul3A_670 : vector<16xf32>
        %add3A_672 = arith.constant 19 : i32
        %add3A_673 = arith.addi %mul3A_523, %add3A_672 : i32
        %get3A_674 = arith.index_cast %add3A_673 : i32 to index
        %get3A_675 = arith.constant 0 : index
        %get3A_676 = tpu.vector_load %arg9[%get3A_674, %get3A_675] {strides = array<i32>} : memref<3328x16xf32, #tpu.memory_space<vmem>>, vector<16xf32>,
        %add3A_677 = arith.addf %add3A_669, %get3A_676 : vector<16xf32>
        %mul3A_678 = arith.mulf %get3A_676, %get3A_676 : vector<16xf32>
        %add3A_679 = arith.addf %add3A_671, %mul3A_678 : vector<16xf32>
        %add3A_680 = arith.constant 20 : i32
        %add3A_681 = arith.addi %mul3A_523, %add3A_680 : i32
        %get3A_682 = arith.index_cast %add3A_681 : i32 to index
        %get3A_683 = arith.constant 0 : index
        %get3A_684 = tpu.vector_load %arg9[%get3A_682, %get3A_683] {strides = array<i32>} : memref<3328x16xf32, #tpu.memory_space<vmem>>, vector<16xf32>,
        %add3A_685 = arith.addf %add3A_677, %get3A_684 : vector<16xf32>
        %mul3A_686 = arith.mulf %get3A_684, %get3A_684 : vector<16xf32>
        %add3A_687 = arith.addf %add3A_679, %mul3A_686 : vector<16xf32>
        %add3A_688 = arith.constant 21 : i32
        %add3A_689 = arith.addi %mul3A_523, %add3A_688 : i32
        %get3A_690 = arith.index_cast %add3A_689 : i32 to index
        %get3A_691 = arith.constant 0 : index
        %get3A_692 = tpu.vector_load %arg9[%get3A_690, %get3A_691] {strides = array<i32>} : memref<3328x16xf32, #tpu.memory_space<vmem>>, vector<16xf32>,
        %add3A_693 = arith.addf %add3A_685, %get3A_692 : vector<16xf32>
        %mul3A_694 = arith.mulf %get3A_692, %get3A_692 : vector<16xf32>
        %add3A_695 = arith.addf %add3A_687, %mul3A_694 : vector<16xf32>
        %add3A_696 = arith.constant 22 : i32
        %add3A_697 = arith.addi %mul3A_523, %add3A_696 : i32
        %get3A_698 = arith.index_cast %add3A_697 : i32 to index
        %get3A_699 = arith.constant 0 : index
        %get3A_700 = tpu.vector_load %arg9[%get3A_698, %get3A_699] {strides = array<i32>} : memref<3328x16xf32, #tpu.memory_space<vmem>>, vector<16xf32>,
        %add3A_701 = arith.addf %add3A_693, %get3A_700 : vector<16xf32>
        %mul3A_702 = arith.mulf %get3A_700, %get3A_700 : vector<16xf32>
        %add3A_703 = arith.addf %add3A_695, %mul3A_702 : vector<16xf32>
        %add3A_704 = arith.constant 23 : i32
        %add3A_705 = arith.addi %mul3A_523, %add3A_704 : i32
        %get3A_706 = arith.index_cast %add3A_705 : i32 to index
        %get3A_707 = arith.constant 0 : index
        %get3A_708 = tpu.vector_load %arg9[%get3A_706, %get3A_707] {strides = array<i32>} : memref<3328x16xf32, #tpu.memory_space<vmem>>, vector<16xf32>,
        %add3A_709 = arith.addf %add3A_701, %get3A_708 : vector<16xf32>
        %mul3A_710 = arith.mulf %get3A_708, %get3A_708 : vector<16xf32>
        %add3A_711 = arith.addf %add3A_703, %mul3A_710 : vector<16xf32>
        %add3A_712 = arith.constant 24 : i32
        %add3A_713 = arith.addi %mul3A_523, %add3A_712 : i32
        %get3A_714 = arith.index_cast %add3A_713 : i32 to index
        %get3A_715 = arith.constant 0 : index
        %get3A_716 = tpu.vector_load %arg9[%get3A_714, %get3A_715] {strides = array<i32>} : memref<3328x16xf32, #tpu.memory_space<vmem>>, vector<16xf32>,
        %add3A_717 = arith.addf %add3A_709, %get3A_716 : vector<16xf32>
        %mul3A_718 = arith.mulf %get3A_716, %get3A_716 : vector<16xf32>
        %add3A_719 = arith.addf %add3A_711, %mul3A_718 : vector<16xf32>
        %add3A_720 = arith.constant 25 : i32
        %add3A_721 = arith.addi %mul3A_523, %add3A_720 : i32
        %get3A_722 = arith.index_cast %add3A_721 : i32 to index
        %get3A_723 = arith.constant 0 : index
        %get3A_724 = tpu.vector_load %arg9[%get3A_722, %get3A_723] {strides = array<i32>} : memref<3328x16xf32, #tpu.memory_space<vmem>>, vector<16xf32>,
        %add3A_725 = arith.addf %add3A_717, %get3A_724 : vector<16xf32>
        %mul3A_726 = arith.mulf %get3A_724, %get3A_724 : vector<16xf32>
        %add3A_727 = arith.addf %add3A_719, %mul3A_726 : vector<16xf32>
        %mul3A_728 = arith.mulf %add3A_725, %add3A_725 : vector<16xf32>
        %sub3A_729 = arith.subf %mul3A_728, %add3A_727 : vector<16xf32>
        %mul3A_730 = arith.constant 5.000000e-01 : f32
        %mul3A_731 = vector.broadcast %mul3A_730 : f32 to vector<16xf32>
        %mul3A_732 = arith.mulf %mul3A_731, %sub3A_729 : vector<16xf32>
        %get3A_733 = arith.index_cast %mul3A_523 : i32 to index
        %get3A_734 = tpu.vector_load %arg10[%get3A_733] {strides = array<i32>} : memref<3344xf32, #tpu.memory_space<vmem>>, vector<16xf32>,
        %add3A_735 = arith.constant 16 : i32
        %add3A_736 = arith.addi %mul3A_523, %add3A_735 : i32
        %get3A_737 = arith.index_cast %add3A_736 : i32 to index
        %get3A_738 = tpu.vector_load %arg10[%get3A_737] {strides = array<i32>} : memref<3344xf32, #tpu.memory_space<vmem>>, vector<16xf32>,
        %jit3A_739 = arith.constant 0.000000e+00 : f32
        %broadcast_in_dim3A_740 = vector.broadcast %jit3A_739 : f32 to vector<16xf32>
        %select_n3A_741 = arith.select %lt3A_9, %get3A_738, %broadcast_in_dim3A_740 : vector<16xi1>, vector<16xf32>
        %mul3A_742 = arith.mulf %mul3A_732, %get3A_3 : vector<16xf32>
        %add3A_743 = arith.addf %get3A_734, %select_n3A_741 : vector<16xf32>
        %mul3A_744 = arith.mulf %add3A_743, %get3A_5 : vector<16xf32>
        %add3A_745 = arith.addf %mul3A_742, %mul3A_744 : vector<16xf32>
        %add3A_746 = arith.addf %add3A_745, %get3A_7 : vector<16xf32>
        %eq3A_747 = arith.constant 2 : i32
        %eq3A_748 = vector.broadcast %eq3A_747 : i32 to vector<16xi32>
        %eq3A_749 = arith.cmpi eq, %iota3A, %eq3A_748 : vector<16xi32>
        %reduce_sum3A_750 = arith.constant true
        %reduce_sum3A_751 = vector.broadcast %reduce_sum3A_750 : i1 to vector<16xi1>
        %reduce_sum3A_752 = tpu.scan <sum>, %add3A_746 masked %reduce_sum3A_751 : vector<16xf32>, vector<16xi1> -> vector<16xf32>
        %reduce_sum3A_753 = vector.extract %reduce_sum3A_752[15] : f32 from vector<16xf32>
        %broadcast_in_dim3A_754 = vector.broadcast %reduce_sum3A_753 : f32 to vector<16xf32>
        %select_n3A_755 = arith.select %eq3A_749, %broadcast_in_dim3A_754, %select_n3A_517 : vector<16xi1>, vector<16xf32>
        %mul3A_756 = arith.constant 16 : i32
        %mul3A_757 = arith.muli %scan3A_45, %mul3A_756 : i32
        %add3A_758 = arith.constant 3 : i32
        %add3A_759 = arith.addi %mul3A_757, %add3A_758 : i32
        %mul3A_760 = arith.constant 26 : i32
        %mul3A_761 = arith.muli %add3A_759, %mul3A_760 : i32
        %get3A_762 = arith.index_cast %mul3A_761 : i32 to index
        %get3A_763 = arith.constant 0 : index
        %get3A_764 = tpu.vector_load %arg9[%get3A_762, %get3A_763] {strides = array<i32>} : memref<3328x16xf32, #tpu.memory_space<vmem>>, vector<16xf32>,
        %mul3A_765 = arith.mulf %get3A_764, %get3A_764 : vector<16xf32>
        %add3A_766 = arith.constant 1 : i32
        %add3A_767 = arith.addi %mul3A_761, %add3A_766 : i32
        %get3A_768 = arith.index_cast %add3A_767 : i32 to index
        %get3A_769 = arith.constant 0 : index
        %get3A_770 = tpu.vector_load %arg9[%get3A_768, %get3A_769] {strides = array<i32>} : memref<3328x16xf32, #tpu.memory_space<vmem>>, vector<16xf32>,
        %add3A_771 = arith.addf %get3A_764, %get3A_770 : vector<16xf32>
        %mul3A_772 = arith.mulf %get3A_770, %get3A_770 : vector<16xf32>
        %add3A_773 = arith.addf %mul3A_765, %mul3A_772 : vector<16xf32>
        %add3A_774 = arith.constant 2 : i32
        %add3A_775 = arith.addi %mul3A_761, %add3A_774 : i32
        %get3A_776 = arith.index_cast %add3A_775 : i32 to index
        %get3A_777 = arith.constant 0 : index
        %get3A_778 = tpu.vector_load %arg9[%get3A_776, %get3A_777] {strides = array<i32>} : memref<3328x16xf32, #tpu.memory_space<vmem>>, vector<16xf32>,
        %add3A_779 = arith.addf %add3A_771, %get3A_778 : vector<16xf32>
        %mul3A_780 = arith.mulf %get3A_778, %get3A_778 : vector<16xf32>
        %add3A_781 = arith.addf %add3A_773, %mul3A_780 : vector<16xf32>
        %add3A_782 = arith.constant 3 : i32
        %add3A_783 = arith.addi %mul3A_761, %add3A_782 : i32
        %get3A_784 = arith.index_cast %add3A_783 : i32 to index
        %get3A_785 = arith.constant 0 : index
        %get3A_786 = tpu.vector_load %arg9[%get3A_784, %get3A_785] {strides = array<i32>} : memref<3328x16xf32, #tpu.memory_space<vmem>>, vector<16xf32>,
        %add3A_787 = arith.addf %add3A_779, %get3A_786 : vector<16xf32>
        %mul3A_788 = arith.mulf %get3A_786, %get3A_786 : vector<16xf32>
        %add3A_789 = arith.addf %add3A_781, %mul3A_788 : vector<16xf32>
        %add3A_790 = arith.constant 4 : i32
        %add3A_791 = arith.addi %mul3A_761, %add3A_790 : i32
        %get3A_792 = arith.index_cast %add3A_791 : i32 to index
        %get3A_793 = arith.constant 0 : index
        %get3A_794 = tpu.vector_load %arg9[%get3A_792, %get3A_793] {strides = array<i32>} : memref<3328x16xf32, #tpu.memory_space<vmem>>, vector<16xf32>,
        %add3A_795 = arith.addf %add3A_787, %get3A_794 : vector<16xf32>
        %mul3A_796 = arith.mulf %get3A_794, %get3A_794 : vector<16xf32>
        %add3A_797 = arith.addf %add3A_789, %mul3A_796 : vector<16xf32>
        %add3A_798 = arith.constant 5 : i32
        %add3A_799 = arith.addi %mul3A_761, %add3A_798 : i32
        %get3A_800 = arith.index_cast %add3A_799 : i32 to index
        %get3A_801 = arith.constant 0 : index
        %get3A_802 = tpu.vector_load %arg9[%get3A_800, %get3A_801] {strides = array<i32>} : memref<3328x16xf32, #tpu.memory_space<vmem>>, vector<16xf32>,
        %add3A_803 = arith.addf %add3A_795, %get3A_802 : vector<16xf32>
        %mul3A_804 = arith.mulf %get3A_802, %get3A_802 : vector<16xf32>
        %add3A_805 = arith.addf %add3A_797, %mul3A_804 : vector<16xf32>
        %add3A_806 = arith.constant 6 : i32
        %add3A_807 = arith.addi %mul3A_761, %add3A_806 : i32
        %get3A_808 = arith.index_cast %add3A_807 : i32 to index
        %get3A_809 = arith.constant 0 : index
        %get3A_810 = tpu.vector_load %arg9[%get3A_808, %get3A_809] {strides = array<i32>} : memref<3328x16xf32, #tpu.memory_space<vmem>>, vector<16xf32>,
        %add3A_811 = arith.addf %add3A_803, %get3A_810 : vector<16xf32>
        %mul3A_812 = arith.mulf %get3A_810, %get3A_810 : vector<16xf32>
        %add3A_813 = arith.addf %add3A_805, %mul3A_812 : vector<16xf32>
        %add3A_814 = arith.constant 7 : i32
        %add3A_815 = arith.addi %mul3A_761, %add3A_814 : i32
        %get3A_816 = arith.index_cast %add3A_815 : i32 to index
        %get3A_817 = arith.constant 0 : index
        %get3A_818 = tpu.vector_load %arg9[%get3A_816, %get3A_817] {strides = array<i32>} : memref<3328x16xf32, #tpu.memory_space<vmem>>, vector<16xf32>,
        %add3A_819 = arith.addf %add3A_811, %get3A_818 : vector<16xf32>
        %mul3A_820 = arith.mulf %get3A_818, %get3A_818 : vector<16xf32>
        %add3A_821 = arith.addf %add3A_813, %mul3A_820 : vector<16xf32>
        %add3A_822 = arith.constant 8 : i32
        %add3A_823 = arith.addi %mul3A_761, %add3A_822 : i32
        %get3A_824 = arith.index_cast %add3A_823 : i32 to index
        %get3A_825 = arith.constant 0 : index
        %get3A_826 = tpu.vector_load %arg9[%get3A_824, %get3A_825] {strides = array<i32>} : memref<3328x16xf32, #tpu.memory_space<vmem>>, vector<16xf32>,
        %add3A_827 = arith.addf %add3A_819, %get3A_826 : vector<16xf32>
        %mul3A_828 = arith.mulf %get3A_826, %get3A_826 : vector<16xf32>
        %add3A_829 = arith.addf %add3A_821, %mul3A_828 : vector<16xf32>
        %add3A_830 = arith.constant 9 : i32
        %add3A_831 = arith.addi %mul3A_761, %add3A_830 : i32
        %get3A_832 = arith.index_cast %add3A_831 : i32 to index
        %get3A_833 = arith.constant 0 : index
        %get3A_834 = tpu.vector_load %arg9[%get3A_832, %get3A_833] {strides = array<i32>} : memref<3328x16xf32, #tpu.memory_space<vmem>>, vector<16xf32>,
        %add3A_835 = arith.addf %add3A_827, %get3A_834 : vector<16xf32>
        %mul3A_836 = arith.mulf %get3A_834, %get3A_834 : vector<16xf32>
        %add3A_837 = arith.addf %add3A_829, %mul3A_836 : vector<16xf32>
        %add3A_838 = arith.constant 10 : i32
        %add3A_839 = arith.addi %mul3A_761, %add3A_838 : i32
        %get3A_840 = arith.index_cast %add3A_839 : i32 to index
        %get3A_841 = arith.constant 0 : index
        %get3A_842 = tpu.vector_load %arg9[%get3A_840, %get3A_841] {strides = array<i32>} : memref<3328x16xf32, #tpu.memory_space<vmem>>, vector<16xf32>,
        %add3A_843 = arith.addf %add3A_835, %get3A_842 : vector<16xf32>
        %mul3A_844 = arith.mulf %get3A_842, %get3A_842 : vector<16xf32>
        %add3A_845 = arith.addf %add3A_837, %mul3A_844 : vector<16xf32>
        %add3A_846 = arith.constant 11 : i32
        %add3A_847 = arith.addi %mul3A_761, %add3A_846 : i32
        %get3A_848 = arith.index_cast %add3A_847 : i32 to index
        %get3A_849 = arith.constant 0 : index
        %get3A_850 = tpu.vector_load %arg9[%get3A_848, %get3A_849] {strides = array<i32>} : memref<3328x16xf32, #tpu.memory_space<vmem>>, vector<16xf32>,
        %add3A_851 = arith.addf %add3A_843, %get3A_850 : vector<16xf32>
        %mul3A_852 = arith.mulf %get3A_850, %get3A_850 : vector<16xf32>
        %add3A_853 = arith.addf %add3A_845, %mul3A_852 : vector<16xf32>
        %add3A_854 = arith.constant 12 : i32
        %add3A_855 = arith.addi %mul3A_761, %add3A_854 : i32
        %get3A_856 = arith.index_cast %add3A_855 : i32 to index
        %get3A_857 = arith.constant 0 : index
        %get3A_858 = tpu.vector_load %arg9[%get3A_856, %get3A_857] {strides = array<i32>} : memref<3328x16xf32, #tpu.memory_space<vmem>>, vector<16xf32>,
        %add3A_859 = arith.addf %add3A_851, %get3A_858 : vector<16xf32>
        %mul3A_860 = arith.mulf %get3A_858, %get3A_858 : vector<16xf32>
        %add3A_861 = arith.addf %add3A_853, %mul3A_860 : vector<16xf32>
        %add3A_862 = arith.constant 13 : i32
        %add3A_863 = arith.addi %mul3A_761, %add3A_862 : i32
        %get3A_864 = arith.index_cast %add3A_863 : i32 to index
        %get3A_865 = arith.constant 0 : index
        %get3A_866 = tpu.vector_load %arg9[%get3A_864, %get3A_865] {strides = array<i32>} : memref<3328x16xf32, #tpu.memory_space<vmem>>, vector<16xf32>,
        %add3A_867 = arith.addf %add3A_859, %get3A_866 : vector<16xf32>
        %mul3A_868 = arith.mulf %get3A_866, %get3A_866 : vector<16xf32>
        %add3A_869 = arith.addf %add3A_861, %mul3A_868 : vector<16xf32>
        %add3A_870 = arith.constant 14 : i32
        %add3A_871 = arith.addi %mul3A_761, %add3A_870 : i32
        %get3A_872 = arith.index_cast %add3A_871 : i32 to index
        %get3A_873 = arith.constant 0 : index
        %get3A_874 = tpu.vector_load %arg9[%get3A_872, %get3A_873] {strides = array<i32>} : memref<3328x16xf32, #tpu.memory_space<vmem>>, vector<16xf32>,
        %add3A_875 = arith.addf %add3A_867, %get3A_874 : vector<16xf32>
        %mul3A_876 = arith.mulf %get3A_874, %get3A_874 : vector<16xf32>
        %add3A_877 = arith.addf %add3A_869, %mul3A_876 : vector<16xf32>
        %add3A_878 = arith.constant 15 : i32
        %add3A_879 = arith.addi %mul3A_761, %add3A_878 : i32
        %get3A_880 = arith.index_cast %add3A_879 : i32 to index
        %get3A_881 = arith.constant 0 : index
        %get3A_882 = tpu.vector_load %arg9[%get3A_880, %get3A_881] {strides = array<i32>} : memref<3328x16xf32, #tpu.memory_space<vmem>>, vector<16xf32>,
        %add3A_883 = arith.addf %add3A_875, %get3A_882 : vector<16xf32>
        %mul3A_884 = arith.mulf %get3A_882, %get3A_882 : vector<16xf32>
        %add3A_885 = arith.addf %add3A_877, %mul3A_884 : vector<16xf32>
        %add3A_886 = arith.constant 16 : i32
        %add3A_887 = arith.addi %mul3A_761, %add3A_886 : i32
        %get3A_888 = arith.index_cast %add3A_887 : i32 to index
        %get3A_889 = arith.constant 0 : index
        %get3A_890 = tpu.vector_load %arg9[%get3A_888, %get3A_889] {strides = array<i32>} : memref<3328x16xf32, #tpu.memory_space<vmem>>, vector<16xf32>,
        %add3A_891 = arith.addf %add3A_883, %get3A_890 : vector<16xf32>
        %mul3A_892 = arith.mulf %get3A_890, %get3A_890 : vector<16xf32>
        %add3A_893 = arith.addf %add3A_885, %mul3A_892 : vector<16xf32>
        %add3A_894 = arith.constant 17 : i32
        %add3A_895 = arith.addi %mul3A_761, %add3A_894 : i32
        %get3A_896 = arith.index_cast %add3A_895 : i32 to index
        %get3A_897 = arith.constant 0 : index
        %get3A_898 = tpu.vector_load %arg9[%get3A_896, %get3A_897] {strides = array<i32>} : memref<3328x16xf32, #tpu.memory_space<vmem>>, vector<16xf32>,
        %add3A_899 = arith.addf %add3A_891, %get3A_898 : vector<16xf32>
        %mul3A_900 = arith.mulf %get3A_898, %get3A_898 : vector<16xf32>
        %add3A_901 = arith.addf %add3A_893, %mul3A_900 : vector<16xf32>
        %add3A_902 = arith.constant 18 : i32
        %add3A_903 = arith.addi %mul3A_761, %add3A_902 : i32
        %get3A_904 = arith.index_cast %add3A_903 : i32 to index
        %get3A_905 = arith.constant 0 : index
        %get3A_906 = tpu.vector_load %arg9[%get3A_904, %get3A_905] {strides = array<i32>} : memref<3328x16xf32, #tpu.memory_space<vmem>>, vector<16xf32>,
        %add3A_907 = arith.addf %add3A_899, %get3A_906 : vector<16xf32>
        %mul3A_908 = arith.mulf %get3A_906, %get3A_906 : vector<16xf32>
        %add3A_909 = arith.addf %add3A_901, %mul3A_908 : vector<16xf32>
        %add3A_910 = arith.constant 19 : i32
        %add3A_911 = arith.addi %mul3A_761, %add3A_910 : i32
        %get3A_912 = arith.index_cast %add3A_911 : i32 to index
        %get3A_913 = arith.constant 0 : index
        %get3A_914 = tpu.vector_load %arg9[%get3A_912, %get3A_913] {strides = array<i32>} : memref<3328x16xf32, #tpu.memory_space<vmem>>, vector<16xf32>,
        %add3A_915 = arith.addf %add3A_907, %get3A_914 : vector<16xf32>
        %mul3A_916 = arith.mulf %get3A_914, %get3A_914 : vector<16xf32>
        %add3A_917 = arith.addf %add3A_909, %mul3A_916 : vector<16xf32>
        %add3A_918 = arith.constant 20 : i32
        %add3A_919 = arith.addi %mul3A_761, %add3A_918 : i32
        %get3A_920 = arith.index_cast %add3A_919 : i32 to index
        %get3A_921 = arith.constant 0 : index
        %get3A_922 = tpu.vector_load %arg9[%get3A_920, %get3A_921] {strides = array<i32>} : memref<3328x16xf32, #tpu.memory_space<vmem>>, vector<16xf32>,
        %add3A_923 = arith.addf %add3A_915, %get3A_922 : vector<16xf32>
        %mul3A_924 = arith.mulf %get3A_922, %get3A_922 : vector<16xf32>
        %add3A_925 = arith.addf %add3A_917, %mul3A_924 : vector<16xf32>
        %add3A_926 = arith.constant 21 : i32
        %add3A_927 = arith.addi %mul3A_761, %add3A_926 : i32
        %get3A_928 = arith.index_cast %add3A_927 : i32 to index
        %get3A_929 = arith.constant 0 : index
        %get3A_930 = tpu.vector_load %arg9[%get3A_928, %get3A_929] {strides = array<i32>} : memref<3328x16xf32, #tpu.memory_space<vmem>>, vector<16xf32>,
        %add3A_931 = arith.addf %add3A_923, %get3A_930 : vector<16xf32>
        %mul3A_932 = arith.mulf %get3A_930, %get3A_930 : vector<16xf32>
        %add3A_933 = arith.addf %add3A_925, %mul3A_932 : vector<16xf32>
        %add3A_934 = arith.constant 22 : i32
        %add3A_935 = arith.addi %mul3A_761, %add3A_934 : i32
        %get3A_936 = arith.index_cast %add3A_935 : i32 to index
        %get3A_937 = arith.constant 0 : index
        %get3A_938 = tpu.vector_load %arg9[%get3A_936, %get3A_937] {strides = array<i32>} : memref<3328x16xf32, #tpu.memory_space<vmem>>, vector<16xf32>,
        %add3A_939 = arith.addf %add3A_931, %get3A_938 : vector<16xf32>
        %mul3A_940 = arith.mulf %get3A_938, %get3A_938 : vector<16xf32>
        %add3A_941 = arith.addf %add3A_933, %mul3A_940 : vector<16xf32>
        %add3A_942 = arith.constant 23 : i32
        %add3A_943 = arith.addi %mul3A_761, %add3A_942 : i32
        %get3A_944 = arith.index_cast %add3A_943 : i32 to index
        %get3A_945 = arith.constant 0 : index
        %get3A_946 = tpu.vector_load %arg9[%get3A_944, %get3A_945] {strides = array<i32>} : memref<3328x16xf32, #tpu.memory_space<vmem>>, vector<16xf32>,
        %add3A_947 = arith.addf %add3A_939, %get3A_946 : vector<16xf32>
        %mul3A_948 = arith.mulf %get3A_946, %get3A_946 : vector<16xf32>
        %add3A_949 = arith.addf %add3A_941, %mul3A_948 : vector<16xf32>
        %add3A_950 = arith.constant 24 : i32
        %add3A_951 = arith.addi %mul3A_761, %add3A_950 : i32
        %get3A_952 = arith.index_cast %add3A_951 : i32 to index
        %get3A_953 = arith.constant 0 : index
        %get3A_954 = tpu.vector_load %arg9[%get3A_952, %get3A_953] {strides = array<i32>} : memref<3328x16xf32, #tpu.memory_space<vmem>>, vector<16xf32>,
        %add3A_955 = arith.addf %add3A_947, %get3A_954 : vector<16xf32>
        %mul3A_956 = arith.mulf %get3A_954, %get3A_954 : vector<16xf32>
        %add3A_957 = arith.addf %add3A_949, %mul3A_956 : vector<16xf32>
        %add3A_958 = arith.constant 25 : i32
        %add3A_959 = arith.addi %mul3A_761, %add3A_958 : i32
        %get3A_960 = arith.index_cast %add3A_959 : i32 to index
        %get3A_961 = arith.constant 0 : index
        %get3A_962 = tpu.vector_load %arg9[%get3A_960, %get3A_961] {strides = array<i32>} : memref<3328x16xf32, #tpu.memory_space<vmem>>, vector<16xf32>,
        %add3A_963 = arith.addf %add3A_955, %get3A_962 : vector<16xf32>
        %mul3A_964 = arith.mulf %get3A_962, %get3A_962 : vector<16xf32>
        %add3A_965 = arith.addf %add3A_957, %mul3A_964 : vector<16xf32>
        %mul3A_966 = arith.mulf %add3A_963, %add3A_963 : vector<16xf32>
        %sub3A_967 = arith.subf %mul3A_966, %add3A_965 : vector<16xf32>
        %mul3A_968 = arith.constant 5.000000e-01 : f32
        %mul3A_969 = vector.broadcast %mul3A_968 : f32 to vector<16xf32>
        %mul3A_970 = arith.mulf %mul3A_969, %sub3A_967 : vector<16xf32>
        %get3A_971 = arith.index_cast %mul3A_761 : i32 to index
        %get3A_972 = tpu.vector_load %arg10[%get3A_971] {strides = array<i32>} : memref<3344xf32, #tpu.memory_space<vmem>>, vector<16xf32>,
        %add3A_973 = arith.constant 16 : i32
        %add3A_974 = arith.addi %mul3A_761, %add3A_973 : i32
        %get3A_975 = arith.index_cast %add3A_974 : i32 to index
        %get3A_976 = tpu.vector_load %arg10[%get3A_975] {strides = array<i32>} : memref<3344xf32, #tpu.memory_space<vmem>>, vector<16xf32>,
        %jit3A_977 = arith.constant 0.000000e+00 : f32
        %broadcast_in_dim3A_978 = vector.broadcast %jit3A_977 : f32 to vector<16xf32>
        %select_n3A_979 = arith.select %lt3A_9, %get3A_976, %broadcast_in_dim3A_978 : vector<16xi1>, vector<16xf32>
        %mul3A_980 = arith.mulf %mul3A_970, %get3A_3 : vector<16xf32>
        %add3A_981 = arith.addf %get3A_972, %select_n3A_979 : vector<16xf32>
        %mul3A_982 = arith.mulf %add3A_981, %get3A_5 : vector<16xf32>
        %add3A_983 = arith.addf %mul3A_980, %mul3A_982 : vector<16xf32>
        %add3A_984 = arith.addf %add3A_983, %get3A_7 : vector<16xf32>
        %eq3A_985 = arith.constant 3 : i32
        %eq3A_986 = vector.broadcast %eq3A_985 : i32 to vector<16xi32>
        %eq3A_987 = arith.cmpi eq, %iota3A, %eq3A_986 : vector<16xi32>
        %reduce_sum3A_988 = arith.constant true
        %reduce_sum3A_989 = vector.broadcast %reduce_sum3A_988 : i1 to vector<16xi1>
        %reduce_sum3A_990 = tpu.scan <sum>, %add3A_984 masked %reduce_sum3A_989 : vector<16xf32>, vector<16xi1> -> vector<16xf32>
        %reduce_sum3A_991 = vector.extract %reduce_sum3A_990[15] : f32 from vector<16xf32>
        %broadcast_in_dim3A_992 = vector.broadcast %reduce_sum3A_991 : f32 to vector<16xf32>
        %select_n3A_993 = arith.select %eq3A_987, %broadcast_in_dim3A_992, %select_n3A_755 : vector<16xi1>, vector<16xf32>
        %mul3A_994 = arith.constant 16 : i32
        %mul3A_995 = arith.muli %scan3A_45, %mul3A_994 : i32
        %add3A_996 = arith.constant 4 : i32
        %add3A_997 = arith.addi %mul3A_995, %add3A_996 : i32
        %mul3A_998 = arith.constant 26 : i32
        %mul3A_999 = arith.muli %add3A_997, %mul3A_998 : i32
        %get3A_1000 = arith.index_cast %mul3A_999 : i32 to index
        %get3A_1001 = arith.constant 0 : index
        %get3A_1002 = tpu.vector_load %arg9[%get3A_1000, %get3A_1001] {strides = array<i32>} : memref<3328x16xf32, #tpu.memory_space<vmem>>, vector<16xf32>,
        %mul3A_1003 = arith.mulf %get3A_1002, %get3A_1002 : vector<16xf32>
        %add3A_1004 = arith.constant 1 : i32
        %add3A_1005 = arith.addi %mul3A_999, %add3A_1004 : i32
        %get3A_1006 = arith.index_cast %add3A_1005 : i32 to index
        %get3A_1007 = arith.constant 0 : index
        %get3A_1008 = tpu.vector_load %arg9[%get3A_1006, %get3A_1007] {strides = array<i32>} : memref<3328x16xf32, #tpu.memory_space<vmem>>, vector<16xf32>,
        %add3A_1009 = arith.addf %get3A_1002, %get3A_1008 : vector<16xf32>
        %mul3A_1010 = arith.mulf %get3A_1008, %get3A_1008 : vector<16xf32>
        %add3A_1011 = arith.addf %mul3A_1003, %mul3A_1010 : vector<16xf32>
        %add3A_1012 = arith.constant 2 : i32
        %add3A_1013 = arith.addi %mul3A_999, %add3A_1012 : i32
        %get3A_1014 = arith.index_cast %add3A_1013 : i32 to index
        %get3A_1015 = arith.constant 0 : index
        %get3A_1016 = tpu.vector_load %arg9[%get3A_1014, %get3A_1015] {strides = array<i32>} : memref<3328x16xf32, #tpu.memory_space<vmem>>, vector<16xf32>,
        %add3A_1017 = arith.addf %add3A_1009, %get3A_1016 : vector<16xf32>
        %mul3A_1018 = arith.mulf %get3A_1016, %get3A_1016 : vector<16xf32>
        %add3A_1019 = arith.addf %add3A_1011, %mul3A_1018 : vector<16xf32>
        %add3A_1020 = arith.constant 3 : i32
        %add3A_1021 = arith.addi %mul3A_999, %add3A_1020 : i32
        %get3A_1022 = arith.index_cast %add3A_1021 : i32 to index
        %get3A_1023 = arith.constant 0 : index
        %get3A_1024 = tpu.vector_load %arg9[%get3A_1022, %get3A_1023] {strides = array<i32>} : memref<3328x16xf32, #tpu.memory_space<vmem>>, vector<16xf32>,
        %add3A_1025 = arith.addf %add3A_1017, %get3A_1024 : vector<16xf32>
        %mul3A_1026 = arith.mulf %get3A_1024, %get3A_1024 : vector<16xf32>
        %add3A_1027 = arith.addf %add3A_1019, %mul3A_1026 : vector<16xf32>
        %add3A_1028 = arith.constant 4 : i32
        %add3A_1029 = arith.addi %mul3A_999, %add3A_1028 : i32
        %get3A_1030 = arith.index_cast %add3A_1029 : i32 to index
        %get3A_1031 = arith.constant 0 : index
        %get3A_1032 = tpu.vector_load %arg9[%get3A_1030, %get3A_1031] {strides = array<i32>} : memref<3328x16xf32, #tpu.memory_space<vmem>>, vector<16xf32>,
        %add3A_1033 = arith.addf %add3A_1025, %get3A_1032 : vector<16xf32>
        %mul3A_1034 = arith.mulf %get3A_1032, %get3A_1032 : vector<16xf32>
        %add3A_1035 = arith.addf %add3A_1027, %mul3A_1034 : vector<16xf32>
        %add3A_1036 = arith.constant 5 : i32
        %add3A_1037 = arith.addi %mul3A_999, %add3A_1036 : i32
        %get3A_1038 = arith.index_cast %add3A_1037 : i32 to index
        %get3A_1039 = arith.constant 0 : index
        %get3A_1040 = tpu.vector_load %arg9[%get3A_1038, %get3A_1039] {strides = array<i32>} : memref<3328x16xf32, #tpu.memory_space<vmem>>, vector<16xf32>,
        %add3A_1041 = arith.addf %add3A_1033, %get3A_1040 : vector<16xf32>
        %mul3A_1042 = arith.mulf %get3A_1040, %get3A_1040 : vector<16xf32>
        %add3A_1043 = arith.addf %add3A_1035, %mul3A_1042 : vector<16xf32>
        %add3A_1044 = arith.constant 6 : i32
        %add3A_1045 = arith.addi %mul3A_999, %add3A_1044 : i32
        %get3A_1046 = arith.index_cast %add3A_1045 : i32 to index
        %get3A_1047 = arith.constant 0 : index
        %get3A_1048 = tpu.vector_load %arg9[%get3A_1046, %get3A_1047] {strides = array<i32>} : memref<3328x16xf32, #tpu.memory_space<vmem>>, vector<16xf32>,
        %add3A_1049 = arith.addf %add3A_1041, %get3A_1048 : vector<16xf32>
        %mul3A_1050 = arith.mulf %get3A_1048, %get3A_1048 : vector<16xf32>
        %add3A_1051 = arith.addf %add3A_1043, %mul3A_1050 : vector<16xf32>
        %add3A_1052 = arith.constant 7 : i32
        %add3A_1053 = arith.addi %mul3A_999, %add3A_1052 : i32
        %get3A_1054 = arith.index_cast %add3A_1053 : i32 to index
        %get3A_1055 = arith.constant 0 : index
        %get3A_1056 = tpu.vector_load %arg9[%get3A_1054, %get3A_1055] {strides = array<i32>} : memref<3328x16xf32, #tpu.memory_space<vmem>>, vector<16xf32>,
        %add3A_1057 = arith.addf %add3A_1049, %get3A_1056 : vector<16xf32>
        %mul3A_1058 = arith.mulf %get3A_1056, %get3A_1056 : vector<16xf32>
        %add3A_1059 = arith.addf %add3A_1051, %mul3A_1058 : vector<16xf32>
        %add3A_1060 = arith.constant 8 : i32
        %add3A_1061 = arith.addi %mul3A_999, %add3A_1060 : i32
        %get3A_1062 = arith.index_cast %add3A_1061 : i32 to index
        %get3A_1063 = arith.constant 0 : index
        %get3A_1064 = tpu.vector_load %arg9[%get3A_1062, %get3A_1063] {strides = array<i32>} : memref<3328x16xf32, #tpu.memory_space<vmem>>, vector<16xf32>,
        %add3A_1065 = arith.addf %add3A_1057, %get3A_1064 : vector<16xf32>
        %mul3A_1066 = arith.mulf %get3A_1064, %get3A_1064 : vector<16xf32>
        %add3A_1067 = arith.addf %add3A_1059, %mul3A_1066 : vector<16xf32>
        %add3A_1068 = arith.constant 9 : i32
        %add3A_1069 = arith.addi %mul3A_999, %add3A_1068 : i32
        %get3A_1070 = arith.index_cast %add3A_1069 : i32 to index
        %get3A_1071 = arith.constant 0 : index
        %get3A_1072 = tpu.vector_load %arg9[%get3A_1070, %get3A_1071] {strides = array<i32>} : memref<3328x16xf32, #tpu.memory_space<vmem>>, vector<16xf32>,
        %add3A_1073 = arith.addf %add3A_1065, %get3A_1072 : vector<16xf32>
        %mul3A_1074 = arith.mulf %get3A_1072, %get3A_1072 : vector<16xf32>
        %add3A_1075 = arith.addf %add3A_1067, %mul3A_1074 : vector<16xf32>
        %add3A_1076 = arith.constant 10 : i32
        %add3A_1077 = arith.addi %mul3A_999, %add3A_1076 : i32
        %get3A_1078 = arith.index_cast %add3A_1077 : i32 to index
        %get3A_1079 = arith.constant 0 : index
        %get3A_1080 = tpu.vector_load %arg9[%get3A_1078, %get3A_1079] {strides = array<i32>} : memref<3328x16xf32, #tpu.memory_space<vmem>>, vector<16xf32>,
        %add3A_1081 = arith.addf %add3A_1073, %get3A_1080 : vector<16xf32>
        %mul3A_1082 = arith.mulf %get3A_1080, %get3A_1080 : vector<16xf32>
        %add3A_1083 = arith.addf %add3A_1075, %mul3A_1082 : vector<16xf32>
        %add3A_1084 = arith.constant 11 : i32
        %add3A_1085 = arith.addi %mul3A_999, %add3A_1084 : i32
        %get3A_1086 = arith.index_cast %add3A_1085 : i32 to index
        %get3A_1087 = arith.constant 0 : index
        %get3A_1088 = tpu.vector_load %arg9[%get3A_1086, %get3A_1087] {strides = array<i32>} : memref<3328x16xf32, #tpu.memory_space<vmem>>, vector<16xf32>,
        %add3A_1089 = arith.addf %add3A_1081, %get3A_1088 : vector<16xf32>
        %mul3A_1090 = arith.mulf %get3A_1088, %get3A_1088 : vector<16xf32>
        %add3A_1091 = arith.addf %add3A_1083, %mul3A_1090 : vector<16xf32>
        %add3A_1092 = arith.constant 12 : i32
        %add3A_1093 = arith.addi %mul3A_999, %add3A_1092 : i32
        %get3A_1094 = arith.index_cast %add3A_1093 : i32 to index
        %get3A_1095 = arith.constant 0 : index
        %get3A_1096 = tpu.vector_load %arg9[%get3A_1094, %get3A_1095] {strides = array<i32>} : memref<3328x16xf32, #tpu.memory_space<vmem>>, vector<16xf32>,
        %add3A_1097 = arith.addf %add3A_1089, %get3A_1096 : vector<16xf32>
        %mul3A_1098 = arith.mulf %get3A_1096, %get3A_1096 : vector<16xf32>
        %add3A_1099 = arith.addf %add3A_1091, %mul3A_1098 : vector<16xf32>
        %add3A_1100 = arith.constant 13 : i32
        %add3A_1101 = arith.addi %mul3A_999, %add3A_1100 : i32
        %get3A_1102 = arith.index_cast %add3A_1101 : i32 to index
        %get3A_1103 = arith.constant 0 : index
        %get3A_1104 = tpu.vector_load %arg9[%get3A_1102, %get3A_1103] {strides = array<i32>} : memref<3328x16xf32, #tpu.memory_space<vmem>>, vector<16xf32>,
        %add3A_1105 = arith.addf %add3A_1097, %get3A_1104 : vector<16xf32>
        %mul3A_1106 = arith.mulf %get3A_1104, %get3A_1104 : vector<16xf32>
        %add3A_1107 = arith.addf %add3A_1099, %mul3A_1106 : vector<16xf32>
        %add3A_1108 = arith.constant 14 : i32
        %add3A_1109 = arith.addi %mul3A_999, %add3A_1108 : i32
        %get3A_1110 = arith.index_cast %add3A_1109 : i32 to index
        %get3A_1111 = arith.constant 0 : index
        %get3A_1112 = tpu.vector_load %arg9[%get3A_1110, %get3A_1111] {strides = array<i32>} : memref<3328x16xf32, #tpu.memory_space<vmem>>, vector<16xf32>,
        %add3A_1113 = arith.addf %add3A_1105, %get3A_1112 : vector<16xf32>
        %mul3A_1114 = arith.mulf %get3A_1112, %get3A_1112 : vector<16xf32>
        %add3A_1115 = arith.addf %add3A_1107, %mul3A_1114 : vector<16xf32>
        %add3A_1116 = arith.constant 15 : i32
        %add3A_1117 = arith.addi %mul3A_999, %add3A_1116 : i32
        %get3A_1118 = arith.index_cast %add3A_1117 : i32 to index
        %get3A_1119 = arith.constant 0 : index
        %get3A_1120 = tpu.vector_load %arg9[%get3A_1118, %get3A_1119] {strides = array<i32>} : memref<3328x16xf32, #tpu.memory_space<vmem>>, vector<16xf32>,
        %add3A_1121 = arith.addf %add3A_1113, %get3A_1120 : vector<16xf32>
        %mul3A_1122 = arith.mulf %get3A_1120, %get3A_1120 : vector<16xf32>
        %add3A_1123 = arith.addf %add3A_1115, %mul3A_1122 : vector<16xf32>
        %add3A_1124 = arith.constant 16 : i32
        %add3A_1125 = arith.addi %mul3A_999, %add3A_1124 : i32
        %get3A_1126 = arith.index_cast %add3A_1125 : i32 to index
        %get3A_1127 = arith.constant 0 : index
        %get3A_1128 = tpu.vector_load %arg9[%get3A_1126, %get3A_1127] {strides = array<i32>} : memref<3328x16xf32, #tpu.memory_space<vmem>>, vector<16xf32>,
        %add3A_1129 = arith.addf %add3A_1121, %get3A_1128 : vector<16xf32>
        %mul3A_1130 = arith.mulf %get3A_1128, %get3A_1128 : vector<16xf32>
        %add3A_1131 = arith.addf %add3A_1123, %mul3A_1130 : vector<16xf32>
        %add3A_1132 = arith.constant 17 : i32
        %add3A_1133 = arith.addi %mul3A_999, %add3A_1132 : i32
        %get3A_1134 = arith.index_cast %add3A_1133 : i32 to index
        %get3A_1135 = arith.constant 0 : index
        %get3A_1136 = tpu.vector_load %arg9[%get3A_1134, %get3A_1135] {strides = array<i32>} : memref<3328x16xf32, #tpu.memory_space<vmem>>, vector<16xf32>,
        %add3A_1137 = arith.addf %add3A_1129, %get3A_1136 : vector<16xf32>
        %mul3A_1138 = arith.mulf %get3A_1136, %get3A_1136 : vector<16xf32>
        %add3A_1139 = arith.addf %add3A_1131, %mul3A_1138 : vector<16xf32>
        %add3A_1140 = arith.constant 18 : i32
        %add3A_1141 = arith.addi %mul3A_999, %add3A_1140 : i32
        %get3A_1142 = arith.index_cast %add3A_1141 : i32 to index
        %get3A_1143 = arith.constant 0 : index
        %get3A_1144 = tpu.vector_load %arg9[%get3A_1142, %get3A_1143] {strides = array<i32>} : memref<3328x16xf32, #tpu.memory_space<vmem>>, vector<16xf32>,
        %add3A_1145 = arith.addf %add3A_1137, %get3A_1144 : vector<16xf32>
        %mul3A_1146 = arith.mulf %get3A_1144, %get3A_1144 : vector<16xf32>
        %add3A_1147 = arith.addf %add3A_1139, %mul3A_1146 : vector<16xf32>
        %add3A_1148 = arith.constant 19 : i32
        %add3A_1149 = arith.addi %mul3A_999, %add3A_1148 : i32
        %get3A_1150 = arith.index_cast %add3A_1149 : i32 to index
        %get3A_1151 = arith.constant 0 : index
        %get3A_1152 = tpu.vector_load %arg9[%get3A_1150, %get3A_1151] {strides = array<i32>} : memref<3328x16xf32, #tpu.memory_space<vmem>>, vector<16xf32>,
        %add3A_1153 = arith.addf %add3A_1145, %get3A_1152 : vector<16xf32>
        %mul3A_1154 = arith.mulf %get3A_1152, %get3A_1152 : vector<16xf32>
        %add3A_1155 = arith.addf %add3A_1147, %mul3A_1154 : vector<16xf32>
        %add3A_1156 = arith.constant 20 : i32
        %add3A_1157 = arith.addi %mul3A_999, %add3A_1156 : i32
        %get3A_1158 = arith.index_cast %add3A_1157 : i32 to index
        %get3A_1159 = arith.constant 0 : index
        %get3A_1160 = tpu.vector_load %arg9[%get3A_1158, %get3A_1159] {strides = array<i32>} : memref<3328x16xf32, #tpu.memory_space<vmem>>, vector<16xf32>,
        %add3A_1161 = arith.addf %add3A_1153, %get3A_1160 : vector<16xf32>
        %mul3A_1162 = arith.mulf %get3A_1160, %get3A_1160 : vector<16xf32>
        %add3A_1163 = arith.addf %add3A_1155, %mul3A_1162 : vector<16xf32>
        %add3A_1164 = arith.constant 21 : i32
        %add3A_1165 = arith.addi %mul3A_999, %add3A_1164 : i32
        %get3A_1166 = arith.index_cast %add3A_1165 : i32 to index
        %get3A_1167 = arith.constant 0 : index
        %get3A_1168 = tpu.vector_load %arg9[%get3A_1166, %get3A_1167] {strides = array<i32>} : memref<3328x16xf32, #tpu.memory_space<vmem>>, vector<16xf32>,
        %add3A_1169 = arith.addf %add3A_1161, %get3A_1168 : vector<16xf32>
        %mul3A_1170 = arith.mulf %get3A_1168, %get3A_1168 : vector<16xf32>
        %add3A_1171 = arith.addf %add3A_1163, %mul3A_1170 : vector<16xf32>
        %add3A_1172 = arith.constant 22 : i32
        %add3A_1173 = arith.addi %mul3A_999, %add3A_1172 : i32
        %get3A_1174 = arith.index_cast %add3A_1173 : i32 to index
        %get3A_1175 = arith.constant 0 : index
        %get3A_1176 = tpu.vector_load %arg9[%get3A_1174, %get3A_1175] {strides = array<i32>} : memref<3328x16xf32, #tpu.memory_space<vmem>>, vector<16xf32>,
        %add3A_1177 = arith.addf %add3A_1169, %get3A_1176 : vector<16xf32>
        %mul3A_1178 = arith.mulf %get3A_1176, %get3A_1176 : vector<16xf32>
        %add3A_1179 = arith.addf %add3A_1171, %mul3A_1178 : vector<16xf32>
        %add3A_1180 = arith.constant 23 : i32
        %add3A_1181 = arith.addi %mul3A_999, %add3A_1180 : i32
        %get3A_1182 = arith.index_cast %add3A_1181 : i32 to index
        %get3A_1183 = arith.constant 0 : index
        %get3A_1184 = tpu.vector_load %arg9[%get3A_1182, %get3A_1183] {strides = array<i32>} : memref<3328x16xf32, #tpu.memory_space<vmem>>, vector<16xf32>,
        %add3A_1185 = arith.addf %add3A_1177, %get3A_1184 : vector<16xf32>
        %mul3A_1186 = arith.mulf %get3A_1184, %get3A_1184 : vector<16xf32>
        %add3A_1187 = arith.addf %add3A_1179, %mul3A_1186 : vector<16xf32>
        %add3A_1188 = arith.constant 24 : i32
        %add3A_1189 = arith.addi %mul3A_999, %add3A_1188 : i32
        %get3A_1190 = arith.index_cast %add3A_1189 : i32 to index
        %get3A_1191 = arith.constant 0 : index
        %get3A_1192 = tpu.vector_load %arg9[%get3A_1190, %get3A_1191] {strides = array<i32>} : memref<3328x16xf32, #tpu.memory_space<vmem>>, vector<16xf32>,
        %add3A_1193 = arith.addf %add3A_1185, %get3A_1192 : vector<16xf32>
        %mul3A_1194 = arith.mulf %get3A_1192, %get3A_1192 : vector<16xf32>
        %add3A_1195 = arith.addf %add3A_1187, %mul3A_1194 : vector<16xf32>
        %add3A_1196 = arith.constant 25 : i32
        %add3A_1197 = arith.addi %mul3A_999, %add3A_1196 : i32
        %get3A_1198 = arith.index_cast %add3A_1197 : i32 to index
        %get3A_1199 = arith.constant 0 : index
        %get3A_1200 = tpu.vector_load %arg9[%get3A_1198, %get3A_1199] {strides = array<i32>} : memref<3328x16xf32, #tpu.memory_space<vmem>>, vector<16xf32>,
        %add3A_1201 = arith.addf %add3A_1193, %get3A_1200 : vector<16xf32>
        %mul3A_1202 = arith.mulf %get3A_1200, %get3A_1200 : vector<16xf32>
        %add3A_1203 = arith.addf %add3A_1195, %mul3A_1202 : vector<16xf32>
        %mul3A_1204 = arith.mulf %add3A_1201, %add3A_1201 : vector<16xf32>
        %sub3A_1205 = arith.subf %mul3A_1204, %add3A_1203 : vector<16xf32>
        %mul3A_1206 = arith.constant 5.000000e-01 : f32
        %mul3A_1207 = vector.broadcast %mul3A_1206 : f32 to vector<16xf32>
        %mul3A_1208 = arith.mulf %mul3A_1207, %sub3A_1205 : vector<16xf32>
        %get3A_1209 = arith.index_cast %mul3A_999 : i32 to index
        %get3A_1210 = tpu.vector_load %arg10[%get3A_1209] {strides = array<i32>} : memref<3344xf32, #tpu.memory_space<vmem>>, vector<16xf32>,
        %add3A_1211 = arith.constant 16 : i32
        %add3A_1212 = arith.addi %mul3A_999, %add3A_1211 : i32
        %get3A_1213 = arith.index_cast %add3A_1212 : i32 to index
        %get3A_1214 = tpu.vector_load %arg10[%get3A_1213] {strides = array<i32>} : memref<3344xf32, #tpu.memory_space<vmem>>, vector<16xf32>,
        %jit3A_1215 = arith.constant 0.000000e+00 : f32
        %broadcast_in_dim3A_1216 = vector.broadcast %jit3A_1215 : f32 to vector<16xf32>
        %select_n3A_1217 = arith.select %lt3A_9, %get3A_1214, %broadcast_in_dim3A_1216 : vector<16xi1>, vector<16xf32>
        %mul3A_1218 = arith.mulf %mul3A_1208, %get3A_3 : vector<16xf32>
        %add3A_1219 = arith.addf %get3A_1210, %select_n3A_1217 : vector<16xf32>
        %mul3A_1220 = arith.mulf %add3A_1219, %get3A_5 : vector<16xf32>
        %add3A_1221 = arith.addf %mul3A_1218, %mul3A_1220 : vector<16xf32>
        %add3A_1222 = arith.addf %add3A_1221, %get3A_7 : vector<16xf32>
        %eq3A_1223 = arith.constant 4 : i32
        %eq3A_1224 = vector.broadcast %eq3A_1223 : i32 to vector<16xi32>
        %eq3A_1225 = arith.cmpi eq, %iota3A, %eq3A_1224 : vector<16xi32>
        %reduce_sum3A_1226 = arith.constant true
        %reduce_sum3A_1227 = vector.broadcast %reduce_sum3A_1226 : i1 to vector<16xi1>
        %reduce_sum3A_1228 = tpu.scan <sum>, %add3A_1222 masked %reduce_sum3A_1227 : vector<16xf32>, vector<16xi1> -> vector<16xf32>
        %reduce_sum3A_1229 = vector.extract %reduce_sum3A_1228[15] : f32 from vector<16xf32>
        %broadcast_in_dim3A_1230 = vector.broadcast %reduce_sum3A_1229 : f32 to vector<16xf32>
        %select_n3A_1231 = arith.select %eq3A_1225, %broadcast_in_dim3A_1230, %select_n3A_993 : vector<16xi1>, vector<16xf32>
        %mul3A_1232 = arith.constant 16 : i32
        %mul3A_1233 = arith.muli %scan3A_45, %mul3A_1232 : i32
        %add3A_1234 = arith.constant 5 : i32
        %add3A_1235 = arith.addi %mul3A_1233, %add3A_1234 : i32
        %mul3A_1236 = arith.constant 26 : i32
        %mul3A_1237 = arith.muli %add3A_1235, %mul3A_1236 : i32
        %get3A_1238 = arith.index_cast %mul3A_1237 : i32 to index
        %get3A_1239 = arith.constant 0 : index
        %get3A_1240 = tpu.vector_load %arg9[%get3A_1238, %get3A_1239] {strides = array<i32>} : memref<3328x16xf32, #tpu.memory_space<vmem>>, vector<16xf32>,
        %mul3A_1241 = arith.mulf %get3A_1240, %get3A_1240 : vector<16xf32>
        %add3A_1242 = arith.constant 1 : i32
        %add3A_1243 = arith.addi %mul3A_1237, %add3A_1242 : i32
        %get3A_1244 = arith.index_cast %add3A_1243 : i32 to index
        %get3A_1245 = arith.constant 0 : index
        %get3A_1246 = tpu.vector_load %arg9[%get3A_1244, %get3A_1245] {strides = array<i32>} : memref<3328x16xf32, #tpu.memory_space<vmem>>, vector<16xf32>,
        %add3A_1247 = arith.addf %get3A_1240, %get3A_1246 : vector<16xf32>
        %mul3A_1248 = arith.mulf %get3A_1246, %get3A_1246 : vector<16xf32>
        %add3A_1249 = arith.addf %mul3A_1241, %mul3A_1248 : vector<16xf32>
        %add3A_1250 = arith.constant 2 : i32
        %add3A_1251 = arith.addi %mul3A_1237, %add3A_1250 : i32
        %get3A_1252 = arith.index_cast %add3A_1251 : i32 to index
        %get3A_1253 = arith.constant 0 : index
        %get3A_1254 = tpu.vector_load %arg9[%get3A_1252, %get3A_1253] {strides = array<i32>} : memref<3328x16xf32, #tpu.memory_space<vmem>>, vector<16xf32>,
        %add3A_1255 = arith.addf %add3A_1247, %get3A_1254 : vector<16xf32>
        %mul3A_1256 = arith.mulf %get3A_1254, %get3A_1254 : vector<16xf32>
        %add3A_1257 = arith.addf %add3A_1249, %mul3A_1256 : vector<16xf32>
        %add3A_1258 = arith.constant 3 : i32
        %add3A_1259 = arith.addi %mul3A_1237, %add3A_1258 : i32
        %get3A_1260 = arith.index_cast %add3A_1259 : i32 to index
        %get3A_1261 = arith.constant 0 : index
        %get3A_1262 = tpu.vector_load %arg9[%get3A_1260, %get3A_1261] {strides = array<i32>} : memref<3328x16xf32, #tpu.memory_space<vmem>>, vector<16xf32>,
        %add3A_1263 = arith.addf %add3A_1255, %get3A_1262 : vector<16xf32>
        %mul3A_1264 = arith.mulf %get3A_1262, %get3A_1262 : vector<16xf32>
        %add3A_1265 = arith.addf %add3A_1257, %mul3A_1264 : vector<16xf32>
        %add3A_1266 = arith.constant 4 : i32
        %add3A_1267 = arith.addi %mul3A_1237, %add3A_1266 : i32
        %get3A_1268 = arith.index_cast %add3A_1267 : i32 to index
        %get3A_1269 = arith.constant 0 : index
        %get3A_1270 = tpu.vector_load %arg9[%get3A_1268, %get3A_1269] {strides = array<i32>} : memref<3328x16xf32, #tpu.memory_space<vmem>>, vector<16xf32>,
        %add3A_1271 = arith.addf %add3A_1263, %get3A_1270 : vector<16xf32>
        %mul3A_1272 = arith.mulf %get3A_1270, %get3A_1270 : vector<16xf32>
        %add3A_1273 = arith.addf %add3A_1265, %mul3A_1272 : vector<16xf32>
        %add3A_1274 = arith.constant 5 : i32
        %add3A_1275 = arith.addi %mul3A_1237, %add3A_1274 : i32
        %get3A_1276 = arith.index_cast %add3A_1275 : i32 to index
        %get3A_1277 = arith.constant 0 : index
        %get3A_1278 = tpu.vector_load %arg9[%get3A_1276, %get3A_1277] {strides = array<i32>} : memref<3328x16xf32, #tpu.memory_space<vmem>>, vector<16xf32>,
        %add3A_1279 = arith.addf %add3A_1271, %get3A_1278 : vector<16xf32>
        %mul3A_1280 = arith.mulf %get3A_1278, %get3A_1278 : vector<16xf32>
        %add3A_1281 = arith.addf %add3A_1273, %mul3A_1280 : vector<16xf32>
        %add3A_1282 = arith.constant 6 : i32
        %add3A_1283 = arith.addi %mul3A_1237, %add3A_1282 : i32
        %get3A_1284 = arith.index_cast %add3A_1283 : i32 to index
        %get3A_1285 = arith.constant 0 : index
        %get3A_1286 = tpu.vector_load %arg9[%get3A_1284, %get3A_1285] {strides = array<i32>} : memref<3328x16xf32, #tpu.memory_space<vmem>>, vector<16xf32>,
        %add3A_1287 = arith.addf %add3A_1279, %get3A_1286 : vector<16xf32>
        %mul3A_1288 = arith.mulf %get3A_1286, %get3A_1286 : vector<16xf32>
        %add3A_1289 = arith.addf %add3A_1281, %mul3A_1288 : vector<16xf32>
        %add3A_1290 = arith.constant 7 : i32
        %add3A_1291 = arith.addi %mul3A_1237, %add3A_1290 : i32
        %get3A_1292 = arith.index_cast %add3A_1291 : i32 to index
        %get3A_1293 = arith.constant 0 : index
        %get3A_1294 = tpu.vector_load %arg9[%get3A_1292, %get3A_1293] {strides = array<i32>} : memref<3328x16xf32, #tpu.memory_space<vmem>>, vector<16xf32>,
        %add3A_1295 = arith.addf %add3A_1287, %get3A_1294 : vector<16xf32>
        %mul3A_1296 = arith.mulf %get3A_1294, %get3A_1294 : vector<16xf32>
        %add3A_1297 = arith.addf %add3A_1289, %mul3A_1296 : vector<16xf32>
        %add3A_1298 = arith.constant 8 : i32
        %add3A_1299 = arith.addi %mul3A_1237, %add3A_1298 : i32
        %get3A_1300 = arith.index_cast %add3A_1299 : i32 to index
        %get3A_1301 = arith.constant 0 : index
        %get3A_1302 = tpu.vector_load %arg9[%get3A_1300, %get3A_1301] {strides = array<i32>} : memref<3328x16xf32, #tpu.memory_space<vmem>>, vector<16xf32>,
        %add3A_1303 = arith.addf %add3A_1295, %get3A_1302 : vector<16xf32>
        %mul3A_1304 = arith.mulf %get3A_1302, %get3A_1302 : vector<16xf32>
        %add3A_1305 = arith.addf %add3A_1297, %mul3A_1304 : vector<16xf32>
        %add3A_1306 = arith.constant 9 : i32
        %add3A_1307 = arith.addi %mul3A_1237, %add3A_1306 : i32
        %get3A_1308 = arith.index_cast %add3A_1307 : i32 to index
        %get3A_1309 = arith.constant 0 : index
        %get3A_1310 = tpu.vector_load %arg9[%get3A_1308, %get3A_1309] {strides = array<i32>} : memref<3328x16xf32, #tpu.memory_space<vmem>>, vector<16xf32>,
        %add3A_1311 = arith.addf %add3A_1303, %get3A_1310 : vector<16xf32>
        %mul3A_1312 = arith.mulf %get3A_1310, %get3A_1310 : vector<16xf32>
        %add3A_1313 = arith.addf %add3A_1305, %mul3A_1312 : vector<16xf32>
        %add3A_1314 = arith.constant 10 : i32
        %add3A_1315 = arith.addi %mul3A_1237, %add3A_1314 : i32
        %get3A_1316 = arith.index_cast %add3A_1315 : i32 to index
        %get3A_1317 = arith.constant 0 : index
        %get3A_1318 = tpu.vector_load %arg9[%get3A_1316, %get3A_1317] {strides = array<i32>} : memref<3328x16xf32, #tpu.memory_space<vmem>>, vector<16xf32>,
        %add3A_1319 = arith.addf %add3A_1311, %get3A_1318 : vector<16xf32>
        %mul3A_1320 = arith.mulf %get3A_1318, %get3A_1318 : vector<16xf32>
        %add3A_1321 = arith.addf %add3A_1313, %mul3A_1320 : vector<16xf32>
        %add3A_1322 = arith.constant 11 : i32
        %add3A_1323 = arith.addi %mul3A_1237, %add3A_1322 : i32
        %get3A_1324 = arith.index_cast %add3A_1323 : i32 to index
        %get3A_1325 = arith.constant 0 : index
        %get3A_1326 = tpu.vector_load %arg9[%get3A_1324, %get3A_1325] {strides = array<i32>} : memref<3328x16xf32, #tpu.memory_space<vmem>>, vector<16xf32>,
        %add3A_1327 = arith.addf %add3A_1319, %get3A_1326 : vector<16xf32>
        %mul3A_1328 = arith.mulf %get3A_1326, %get3A_1326 : vector<16xf32>
        %add3A_1329 = arith.addf %add3A_1321, %mul3A_1328 : vector<16xf32>
        %add3A_1330 = arith.constant 12 : i32
        %add3A_1331 = arith.addi %mul3A_1237, %add3A_1330 : i32
        %get3A_1332 = arith.index_cast %add3A_1331 : i32 to index
        %get3A_1333 = arith.constant 0 : index
        %get3A_1334 = tpu.vector_load %arg9[%get3A_1332, %get3A_1333] {strides = array<i32>} : memref<3328x16xf32, #tpu.memory_space<vmem>>, vector<16xf32>,
        %add3A_1335 = arith.addf %add3A_1327, %get3A_1334 : vector<16xf32>
        %mul3A_1336 = arith.mulf %get3A_1334, %get3A_1334 : vector<16xf32>
        %add3A_1337 = arith.addf %add3A_1329, %mul3A_1336 : vector<16xf32>
        %add3A_1338 = arith.constant 13 : i32
        %add3A_1339 = arith.addi %mul3A_1237, %add3A_1338 : i32
        %get3A_1340 = arith.index_cast %add3A_1339 : i32 to index
        %get3A_1341 = arith.constant 0 : index
        %get3A_1342 = tpu.vector_load %arg9[%get3A_1340, %get3A_1341] {strides = array<i32>} : memref<3328x16xf32, #tpu.memory_space<vmem>>, vector<16xf32>,
        %add3A_1343 = arith.addf %add3A_1335, %get3A_1342 : vector<16xf32>
        %mul3A_1344 = arith.mulf %get3A_1342, %get3A_1342 : vector<16xf32>
        %add3A_1345 = arith.addf %add3A_1337, %mul3A_1344 : vector<16xf32>
        %add3A_1346 = arith.constant 14 : i32
        %add3A_1347 = arith.addi %mul3A_1237, %add3A_1346 : i32
        %get3A_1348 = arith.index_cast %add3A_1347 : i32 to index
        %get3A_1349 = arith.constant 0 : index
        %get3A_1350 = tpu.vector_load %arg9[%get3A_1348, %get3A_1349] {strides = array<i32>} : memref<3328x16xf32, #tpu.memory_space<vmem>>, vector<16xf32>,
        %add3A_1351 = arith.addf %add3A_1343, %get3A_1350 : vector<16xf32>
        %mul3A_1352 = arith.mulf %get3A_1350, %get3A_1350 : vector<16xf32>
        %add3A_1353 = arith.addf %add3A_1345, %mul3A_1352 : vector<16xf32>
        %add3A_1354 = arith.constant 15 : i32
        %add3A_1355 = arith.addi %mul3A_1237, %add3A_1354 : i32
        %get3A_1356 = arith.index_cast %add3A_1355 : i32 to index
        %get3A_1357 = arith.constant 0 : index
        %get3A_1358 = tpu.vector_load %arg9[%get3A_1356, %get3A_1357] {strides = array<i32>} : memref<3328x16xf32, #tpu.memory_space<vmem>>, vector<16xf32>,
        %add3A_1359 = arith.addf %add3A_1351, %get3A_1358 : vector<16xf32>
        %mul3A_1360 = arith.mulf %get3A_1358, %get3A_1358 : vector<16xf32>
        %add3A_1361 = arith.addf %add3A_1353, %mul3A_1360 : vector<16xf32>
        %add3A_1362 = arith.constant 16 : i32
        %add3A_1363 = arith.addi %mul3A_1237, %add3A_1362 : i32
        %get3A_1364 = arith.index_cast %add3A_1363 : i32 to index
        %get3A_1365 = arith.constant 0 : index
        %get3A_1366 = tpu.vector_load %arg9[%get3A_1364, %get3A_1365] {strides = array<i32>} : memref<3328x16xf32, #tpu.memory_space<vmem>>, vector<16xf32>,
        %add3A_1367 = arith.addf %add3A_1359, %get3A_1366 : vector<16xf32>
        %mul3A_1368 = arith.mulf %get3A_1366, %get3A_1366 : vector<16xf32>
        %add3A_1369 = arith.addf %add3A_1361, %mul3A_1368 : vector<16xf32>
        %add3A_1370 = arith.constant 17 : i32
        %add3A_1371 = arith.addi %mul3A_1237, %add3A_1370 : i32
        %get3A_1372 = arith.index_cast %add3A_1371 : i32 to index
        %get3A_1373 = arith.constant 0 : index
        %get3A_1374 = tpu.vector_load %arg9[%get3A_1372, %get3A_1373] {strides = array<i32>} : memref<3328x16xf32, #tpu.memory_space<vmem>>, vector<16xf32>,
        %add3A_1375 = arith.addf %add3A_1367, %get3A_1374 : vector<16xf32>
        %mul3A_1376 = arith.mulf %get3A_1374, %get3A_1374 : vector<16xf32>
        %add3A_1377 = arith.addf %add3A_1369, %mul3A_1376 : vector<16xf32>
        %add3A_1378 = arith.constant 18 : i32
        %add3A_1379 = arith.addi %mul3A_1237, %add3A_1378 : i32
        %get3A_1380 = arith.index_cast %add3A_1379 : i32 to index
        %get3A_1381 = arith.constant 0 : index
        %get3A_1382 = tpu.vector_load %arg9[%get3A_1380, %get3A_1381] {strides = array<i32>} : memref<3328x16xf32, #tpu.memory_space<vmem>>, vector<16xf32>,
        %add3A_1383 = arith.addf %add3A_1375, %get3A_1382 : vector<16xf32>
        %mul3A_1384 = arith.mulf %get3A_1382, %get3A_1382 : vector<16xf32>
        %add3A_1385 = arith.addf %add3A_1377, %mul3A_1384 : vector<16xf32>
        %add3A_1386 = arith.constant 19 : i32
        %add3A_1387 = arith.addi %mul3A_1237, %add3A_1386 : i32
        %get3A_1388 = arith.index_cast %add3A_1387 : i32 to index
        %get3A_1389 = arith.constant 0 : index
        %get3A_1390 = tpu.vector_load %arg9[%get3A_1388, %get3A_1389] {strides = array<i32>} : memref<3328x16xf32, #tpu.memory_space<vmem>>, vector<16xf32>,
        %add3A_1391 = arith.addf %add3A_1383, %get3A_1390 : vector<16xf32>
        %mul3A_1392 = arith.mulf %get3A_1390, %get3A_1390 : vector<16xf32>
        %add3A_1393 = arith.addf %add3A_1385, %mul3A_1392 : vector<16xf32>
        %add3A_1394 = arith.constant 20 : i32
        %add3A_1395 = arith.addi %mul3A_1237, %add3A_1394 : i32
        %get3A_1396 = arith.index_cast %add3A_1395 : i32 to index
        %get3A_1397 = arith.constant 0 : index
        %get3A_1398 = tpu.vector_load %arg9[%get3A_1396, %get3A_1397] {strides = array<i32>} : memref<3328x16xf32, #tpu.memory_space<vmem>>, vector<16xf32>,
        %add3A_1399 = arith.addf %add3A_1391, %get3A_1398 : vector<16xf32>
        %mul3A_1400 = arith.mulf %get3A_1398, %get3A_1398 : vector<16xf32>
        %add3A_1401 = arith.addf %add3A_1393, %mul3A_1400 : vector<16xf32>
        %add3A_1402 = arith.constant 21 : i32
        %add3A_1403 = arith.addi %mul3A_1237, %add3A_1402 : i32
        %get3A_1404 = arith.index_cast %add3A_1403 : i32 to index
        %get3A_1405 = arith.constant 0 : index
        %get3A_1406 = tpu.vector_load %arg9[%get3A_1404, %get3A_1405] {strides = array<i32>} : memref<3328x16xf32, #tpu.memory_space<vmem>>, vector<16xf32>,
        %add3A_1407 = arith.addf %add3A_1399, %get3A_1406 : vector<16xf32>
        %mul3A_1408 = arith.mulf %get3A_1406, %get3A_1406 : vector<16xf32>
        %add3A_1409 = arith.addf %add3A_1401, %mul3A_1408 : vector<16xf32>
        %add3A_1410 = arith.constant 22 : i32
        %add3A_1411 = arith.addi %mul3A_1237, %add3A_1410 : i32
        %get3A_1412 = arith.index_cast %add3A_1411 : i32 to index
        %get3A_1413 = arith.constant 0 : index
        %get3A_1414 = tpu.vector_load %arg9[%get3A_1412, %get3A_1413] {strides = array<i32>} : memref<3328x16xf32, #tpu.memory_space<vmem>>, vector<16xf32>,
        %add3A_1415 = arith.addf %add3A_1407, %get3A_1414 : vector<16xf32>
        %mul3A_1416 = arith.mulf %get3A_1414, %get3A_1414 : vector<16xf32>
        %add3A_1417 = arith.addf %add3A_1409, %mul3A_1416 : vector<16xf32>
        %add3A_1418 = arith.constant 23 : i32
        %add3A_1419 = arith.addi %mul3A_1237, %add3A_1418 : i32
        %get3A_1420 = arith.index_cast %add3A_1419 : i32 to index
        %get3A_1421 = arith.constant 0 : index
        %get3A_1422 = tpu.vector_load %arg9[%get3A_1420, %get3A_1421] {strides = array<i32>} : memref<3328x16xf32, #tpu.memory_space<vmem>>, vector<16xf32>,
        %add3A_1423 = arith.addf %add3A_1415, %get3A_1422 : vector<16xf32>
        %mul3A_1424 = arith.mulf %get3A_1422, %get3A_1422 : vector<16xf32>
        %add3A_1425 = arith.addf %add3A_1417, %mul3A_1424 : vector<16xf32>
        %add3A_1426 = arith.constant 24 : i32
        %add3A_1427 = arith.addi %mul3A_1237, %add3A_1426 : i32
        %get3A_1428 = arith.index_cast %add3A_1427 : i32 to index
        %get3A_1429 = arith.constant 0 : index
        %get3A_1430 = tpu.vector_load %arg9[%get3A_1428, %get3A_1429] {strides = array<i32>} : memref<3328x16xf32, #tpu.memory_space<vmem>>, vector<16xf32>,
        %add3A_1431 = arith.addf %add3A_1423, %get3A_1430 : vector<16xf32>
        %mul3A_1432 = arith.mulf %get3A_1430, %get3A_1430 : vector<16xf32>
        %add3A_1433 = arith.addf %add3A_1425, %mul3A_1432 : vector<16xf32>
        %add3A_1434 = arith.constant 25 : i32
        %add3A_1435 = arith.addi %mul3A_1237, %add3A_1434 : i32
        %get3A_1436 = arith.index_cast %add3A_1435 : i32 to index
        %get3A_1437 = arith.constant 0 : index
        %get3A_1438 = tpu.vector_load %arg9[%get3A_1436, %get3A_1437] {strides = array<i32>} : memref<3328x16xf32, #tpu.memory_space<vmem>>, vector<16xf32>,
        %add3A_1439 = arith.addf %add3A_1431, %get3A_1438 : vector<16xf32>
        %mul3A_1440 = arith.mulf %get3A_1438, %get3A_1438 : vector<16xf32>
        %add3A_1441 = arith.addf %add3A_1433, %mul3A_1440 : vector<16xf32>
        %mul3A_1442 = arith.mulf %add3A_1439, %add3A_1439 : vector<16xf32>
        %sub3A_1443 = arith.subf %mul3A_1442, %add3A_1441 : vector<16xf32>
        %mul3A_1444 = arith.constant 5.000000e-01 : f32
        %mul3A_1445 = vector.broadcast %mul3A_1444 : f32 to vector<16xf32>
        %mul3A_1446 = arith.mulf %mul3A_1445, %sub3A_1443 : vector<16xf32>
        %get3A_1447 = arith.index_cast %mul3A_1237 : i32 to index
        %get3A_1448 = tpu.vector_load %arg10[%get3A_1447] {strides = array<i32>} : memref<3344xf32, #tpu.memory_space<vmem>>, vector<16xf32>,
        %add3A_1449 = arith.constant 16 : i32
        %add3A_1450 = arith.addi %mul3A_1237, %add3A_1449 : i32
        %get3A_1451 = arith.index_cast %add3A_1450 : i32 to index
        %get3A_1452 = tpu.vector_load %arg10[%get3A_1451] {strides = array<i32>} : memref<3344xf32, #tpu.memory_space<vmem>>, vector<16xf32>,
        %jit3A_1453 = arith.constant 0.000000e+00 : f32
        %broadcast_in_dim3A_1454 = vector.broadcast %jit3A_1453 : f32 to vector<16xf32>
        %select_n3A_1455 = arith.select %lt3A_9, %get3A_1452, %broadcast_in_dim3A_1454 : vector<16xi1>, vector<16xf32>
        %mul3A_1456 = arith.mulf %mul3A_1446, %get3A_3 : vector<16xf32>
        %add3A_1457 = arith.addf %get3A_1448, %select_n3A_1455 : vector<16xf32>
        %mul3A_1458 = arith.mulf %add3A_1457, %get3A_5 : vector<16xf32>
        %add3A_1459 = arith.addf %mul3A_1456, %mul3A_1458 : vector<16xf32>
        %add3A_1460 = arith.addf %add3A_1459, %get3A_7 : vector<16xf32>
        %eq3A_1461 = arith.constant 5 : i32
        %eq3A_1462 = vector.broadcast %eq3A_1461 : i32 to vector<16xi32>
        %eq3A_1463 = arith.cmpi eq, %iota3A, %eq3A_1462 : vector<16xi32>
        %reduce_sum3A_1464 = arith.constant true
        %reduce_sum3A_1465 = vector.broadcast %reduce_sum3A_1464 : i1 to vector<16xi1>
        %reduce_sum3A_1466 = tpu.scan <sum>, %add3A_1460 masked %reduce_sum3A_1465 : vector<16xf32>, vector<16xi1> -> vector<16xf32>
        %reduce_sum3A_1467 = vector.extract %reduce_sum3A_1466[15] : f32 from vector<16xf32>
        %broadcast_in_dim3A_1468 = vector.broadcast %reduce_sum3A_1467 : f32 to vector<16xf32>
        %select_n3A_1469 = arith.select %eq3A_1463, %broadcast_in_dim3A_1468, %select_n3A_1231 : vector<16xi1>, vector<16xf32>
        %mul3A_1470 = arith.constant 16 : i32
        %mul3A_1471 = arith.muli %scan3A_45, %mul3A_1470 : i32
        %add3A_1472 = arith.constant 6 : i32
        %add3A_1473 = arith.addi %mul3A_1471, %add3A_1472 : i32
        %mul3A_1474 = arith.constant 26 : i32
        %mul3A_1475 = arith.muli %add3A_1473, %mul3A_1474 : i32
        %get3A_1476 = arith.index_cast %mul3A_1475 : i32 to index
        %get3A_1477 = arith.constant 0 : index
        %get3A_1478 = tpu.vector_load %arg9[%get3A_1476, %get3A_1477] {strides = array<i32>} : memref<3328x16xf32, #tpu.memory_space<vmem>>, vector<16xf32>,
        %mul3A_1479 = arith.mulf %get3A_1478, %get3A_1478 : vector<16xf32>
        %add3A_1480 = arith.constant 1 : i32
        %add3A_1481 = arith.addi %mul3A_1475, %add3A_1480 : i32
        %get3A_1482 = arith.index_cast %add3A_1481 : i32 to index
        %get3A_1483 = arith.constant 0 : index
        %get3A_1484 = tpu.vector_load %arg9[%get3A_1482, %get3A_1483] {strides = array<i32>} : memref<3328x16xf32, #tpu.memory_space<vmem>>, vector<16xf32>,
        %add3A_1485 = arith.addf %get3A_1478, %get3A_1484 : vector<16xf32>
        %mul3A_1486 = arith.mulf %get3A_1484, %get3A_1484 : vector<16xf32>
        %add3A_1487 = arith.addf %mul3A_1479, %mul3A_1486 : vector<16xf32>
        %add3A_1488 = arith.constant 2 : i32
        %add3A_1489 = arith.addi %mul3A_1475, %add3A_1488 : i32
        %get3A_1490 = arith.index_cast %add3A_1489 : i32 to index
        %get3A_1491 = arith.constant 0 : index
        %get3A_1492 = tpu.vector_load %arg9[%get3A_1490, %get3A_1491] {strides = array<i32>} : memref<3328x16xf32, #tpu.memory_space<vmem>>, vector<16xf32>,
        %add3A_1493 = arith.addf %add3A_1485, %get3A_1492 : vector<16xf32>
        %mul3A_1494 = arith.mulf %get3A_1492, %get3A_1492 : vector<16xf32>
        %add3A_1495 = arith.addf %add3A_1487, %mul3A_1494 : vector<16xf32>
        %add3A_1496 = arith.constant 3 : i32
        %add3A_1497 = arith.addi %mul3A_1475, %add3A_1496 : i32
        %get3A_1498 = arith.index_cast %add3A_1497 : i32 to index
        %get3A_1499 = arith.constant 0 : index
        %get3A_1500 = tpu.vector_load %arg9[%get3A_1498, %get3A_1499] {strides = array<i32>} : memref<3328x16xf32, #tpu.memory_space<vmem>>, vector<16xf32>,
        %add3A_1501 = arith.addf %add3A_1493, %get3A_1500 : vector<16xf32>
        %mul3A_1502 = arith.mulf %get3A_1500, %get3A_1500 : vector<16xf32>
        %add3A_1503 = arith.addf %add3A_1495, %mul3A_1502 : vector<16xf32>
        %add3A_1504 = arith.constant 4 : i32
        %add3A_1505 = arith.addi %mul3A_1475, %add3A_1504 : i32
        %get3A_1506 = arith.index_cast %add3A_1505 : i32 to index
        %get3A_1507 = arith.constant 0 : index
        %get3A_1508 = tpu.vector_load %arg9[%get3A_1506, %get3A_1507] {strides = array<i32>} : memref<3328x16xf32, #tpu.memory_space<vmem>>, vector<16xf32>,
        %add3A_1509 = arith.addf %add3A_1501, %get3A_1508 : vector<16xf32>
        %mul3A_1510 = arith.mulf %get3A_1508, %get3A_1508 : vector<16xf32>
        %add3A_1511 = arith.addf %add3A_1503, %mul3A_1510 : vector<16xf32>
        %add3A_1512 = arith.constant 5 : i32
        %add3A_1513 = arith.addi %mul3A_1475, %add3A_1512 : i32
        %get3A_1514 = arith.index_cast %add3A_1513 : i32 to index
        %get3A_1515 = arith.constant 0 : index
        %get3A_1516 = tpu.vector_load %arg9[%get3A_1514, %get3A_1515] {strides = array<i32>} : memref<3328x16xf32, #tpu.memory_space<vmem>>, vector<16xf32>,
        %add3A_1517 = arith.addf %add3A_1509, %get3A_1516 : vector<16xf32>
        %mul3A_1518 = arith.mulf %get3A_1516, %get3A_1516 : vector<16xf32>
        %add3A_1519 = arith.addf %add3A_1511, %mul3A_1518 : vector<16xf32>
        %add3A_1520 = arith.constant 6 : i32
        %add3A_1521 = arith.addi %mul3A_1475, %add3A_1520 : i32
        %get3A_1522 = arith.index_cast %add3A_1521 : i32 to index
        %get3A_1523 = arith.constant 0 : index
        %get3A_1524 = tpu.vector_load %arg9[%get3A_1522, %get3A_1523] {strides = array<i32>} : memref<3328x16xf32, #tpu.memory_space<vmem>>, vector<16xf32>,
        %add3A_1525 = arith.addf %add3A_1517, %get3A_1524 : vector<16xf32>
        %mul3A_1526 = arith.mulf %get3A_1524, %get3A_1524 : vector<16xf32>
        %add3A_1527 = arith.addf %add3A_1519, %mul3A_1526 : vector<16xf32>
        %add3A_1528 = arith.constant 7 : i32
        %add3A_1529 = arith.addi %mul3A_1475, %add3A_1528 : i32
        %get3A_1530 = arith.index_cast %add3A_1529 : i32 to index
        %get3A_1531 = arith.constant 0 : index
        %get3A_1532 = tpu.vector_load %arg9[%get3A_1530, %get3A_1531] {strides = array<i32>} : memref<3328x16xf32, #tpu.memory_space<vmem>>, vector<16xf32>,
        %add3A_1533 = arith.addf %add3A_1525, %get3A_1532 : vector<16xf32>
        %mul3A_1534 = arith.mulf %get3A_1532, %get3A_1532 : vector<16xf32>
        %add3A_1535 = arith.addf %add3A_1527, %mul3A_1534 : vector<16xf32>
        %add3A_1536 = arith.constant 8 : i32
        %add3A_1537 = arith.addi %mul3A_1475, %add3A_1536 : i32
        %get3A_1538 = arith.index_cast %add3A_1537 : i32 to index
        %get3A_1539 = arith.constant 0 : index
        %get3A_1540 = tpu.vector_load %arg9[%get3A_1538, %get3A_1539] {strides = array<i32>} : memref<3328x16xf32, #tpu.memory_space<vmem>>, vector<16xf32>,
        %add3A_1541 = arith.addf %add3A_1533, %get3A_1540 : vector<16xf32>
        %mul3A_1542 = arith.mulf %get3A_1540, %get3A_1540 : vector<16xf32>
        %add3A_1543 = arith.addf %add3A_1535, %mul3A_1542 : vector<16xf32>
        %add3A_1544 = arith.constant 9 : i32
        %add3A_1545 = arith.addi %mul3A_1475, %add3A_1544 : i32
        %get3A_1546 = arith.index_cast %add3A_1545 : i32 to index
        %get3A_1547 = arith.constant 0 : index
        %get3A_1548 = tpu.vector_load %arg9[%get3A_1546, %get3A_1547] {strides = array<i32>} : memref<3328x16xf32, #tpu.memory_space<vmem>>, vector<16xf32>,
        %add3A_1549 = arith.addf %add3A_1541, %get3A_1548 : vector<16xf32>
        %mul3A_1550 = arith.mulf %get3A_1548, %get3A_1548 : vector<16xf32>
        %add3A_1551 = arith.addf %add3A_1543, %mul3A_1550 : vector<16xf32>
        %add3A_1552 = arith.constant 10 : i32
        %add3A_1553 = arith.addi %mul3A_1475, %add3A_1552 : i32
        %get3A_1554 = arith.index_cast %add3A_1553 : i32 to index
        %get3A_1555 = arith.constant 0 : index
        %get3A_1556 = tpu.vector_load %arg9[%get3A_1554, %get3A_1555] {strides = array<i32>} : memref<3328x16xf32, #tpu.memory_space<vmem>>, vector<16xf32>,
        %add3A_1557 = arith.addf %add3A_1549, %get3A_1556 : vector<16xf32>
        %mul3A_1558 = arith.mulf %get3A_1556, %get3A_1556 : vector<16xf32>
        %add3A_1559 = arith.addf %add3A_1551, %mul3A_1558 : vector<16xf32>
        %add3A_1560 = arith.constant 11 : i32
        %add3A_1561 = arith.addi %mul3A_1475, %add3A_1560 : i32
        %get3A_1562 = arith.index_cast %add3A_1561 : i32 to index
        %get3A_1563 = arith.constant 0 : index
        %get3A_1564 = tpu.vector_load %arg9[%get3A_1562, %get3A_1563] {strides = array<i32>} : memref<3328x16xf32, #tpu.memory_space<vmem>>, vector<16xf32>,
        %add3A_1565 = arith.addf %add3A_1557, %get3A_1564 : vector<16xf32>
        %mul3A_1566 = arith.mulf %get3A_1564, %get3A_1564 : vector<16xf32>
        %add3A_1567 = arith.addf %add3A_1559, %mul3A_1566 : vector<16xf32>
        %add3A_1568 = arith.constant 12 : i32
        %add3A_1569 = arith.addi %mul3A_1475, %add3A_1568 : i32
        %get3A_1570 = arith.index_cast %add3A_1569 : i32 to index
        %get3A_1571 = arith.constant 0 : index
        %get3A_1572 = tpu.vector_load %arg9[%get3A_1570, %get3A_1571] {strides = array<i32>} : memref<3328x16xf32, #tpu.memory_space<vmem>>, vector<16xf32>,
        %add3A_1573 = arith.addf %add3A_1565, %get3A_1572 : vector<16xf32>
        %mul3A_1574 = arith.mulf %get3A_1572, %get3A_1572 : vector<16xf32>
        %add3A_1575 = arith.addf %add3A_1567, %mul3A_1574 : vector<16xf32>
        %add3A_1576 = arith.constant 13 : i32
        %add3A_1577 = arith.addi %mul3A_1475, %add3A_1576 : i32
        %get3A_1578 = arith.index_cast %add3A_1577 : i32 to index
        %get3A_1579 = arith.constant 0 : index
        %get3A_1580 = tpu.vector_load %arg9[%get3A_1578, %get3A_1579] {strides = array<i32>} : memref<3328x16xf32, #tpu.memory_space<vmem>>, vector<16xf32>,
        %add3A_1581 = arith.addf %add3A_1573, %get3A_1580 : vector<16xf32>
        %mul3A_1582 = arith.mulf %get3A_1580, %get3A_1580 : vector<16xf32>
        %add3A_1583 = arith.addf %add3A_1575, %mul3A_1582 : vector<16xf32>
        %add3A_1584 = arith.constant 14 : i32
        %add3A_1585 = arith.addi %mul3A_1475, %add3A_1584 : i32
        %get3A_1586 = arith.index_cast %add3A_1585 : i32 to index
        %get3A_1587 = arith.constant 0 : index
        %get3A_1588 = tpu.vector_load %arg9[%get3A_1586, %get3A_1587] {strides = array<i32>} : memref<3328x16xf32, #tpu.memory_space<vmem>>, vector<16xf32>,
        %add3A_1589 = arith.addf %add3A_1581, %get3A_1588 : vector<16xf32>
        %mul3A_1590 = arith.mulf %get3A_1588, %get3A_1588 : vector<16xf32>
        %add3A_1591 = arith.addf %add3A_1583, %mul3A_1590 : vector<16xf32>
        %add3A_1592 = arith.constant 15 : i32
        %add3A_1593 = arith.addi %mul3A_1475, %add3A_1592 : i32
        %get3A_1594 = arith.index_cast %add3A_1593 : i32 to index
        %get3A_1595 = arith.constant 0 : index
        %get3A_1596 = tpu.vector_load %arg9[%get3A_1594, %get3A_1595] {strides = array<i32>} : memref<3328x16xf32, #tpu.memory_space<vmem>>, vector<16xf32>,
        %add3A_1597 = arith.addf %add3A_1589, %get3A_1596 : vector<16xf32>
        %mul3A_1598 = arith.mulf %get3A_1596, %get3A_1596 : vector<16xf32>
        %add3A_1599 = arith.addf %add3A_1591, %mul3A_1598 : vector<16xf32>
        %add3A_1600 = arith.constant 16 : i32
        %add3A_1601 = arith.addi %mul3A_1475, %add3A_1600 : i32
        %get3A_1602 = arith.index_cast %add3A_1601 : i32 to index
        %get3A_1603 = arith.constant 0 : index
        %get3A_1604 = tpu.vector_load %arg9[%get3A_1602, %get3A_1603] {strides = array<i32>} : memref<3328x16xf32, #tpu.memory_space<vmem>>, vector<16xf32>,
        %add3A_1605 = arith.addf %add3A_1597, %get3A_1604 : vector<16xf32>
        %mul3A_1606 = arith.mulf %get3A_1604, %get3A_1604 : vector<16xf32>
        %add3A_1607 = arith.addf %add3A_1599, %mul3A_1606 : vector<16xf32>
        %add3A_1608 = arith.constant 17 : i32
        %add3A_1609 = arith.addi %mul3A_1475, %add3A_1608 : i32
        %get3A_1610 = arith.index_cast %add3A_1609 : i32 to index
        %get3A_1611 = arith.constant 0 : index
        %get3A_1612 = tpu.vector_load %arg9[%get3A_1610, %get3A_1611] {strides = array<i32>} : memref<3328x16xf32, #tpu.memory_space<vmem>>, vector<16xf32>,
        %add3A_1613 = arith.addf %add3A_1605, %get3A_1612 : vector<16xf32>
        %mul3A_1614 = arith.mulf %get3A_1612, %get3A_1612 : vector<16xf32>
        %add3A_1615 = arith.addf %add3A_1607, %mul3A_1614 : vector<16xf32>
        %add3A_1616 = arith.constant 18 : i32
        %add3A_1617 = arith.addi %mul3A_1475, %add3A_1616 : i32
        %get3A_1618 = arith.index_cast %add3A_1617 : i32 to index
        %get3A_1619 = arith.constant 0 : index
        %get3A_1620 = tpu.vector_load %arg9[%get3A_1618, %get3A_1619] {strides = array<i32>} : memref<3328x16xf32, #tpu.memory_space<vmem>>, vector<16xf32>,
        %add3A_1621 = arith.addf %add3A_1613, %get3A_1620 : vector<16xf32>
        %mul3A_1622 = arith.mulf %get3A_1620, %get3A_1620 : vector<16xf32>
        %add3A_1623 = arith.addf %add3A_1615, %mul3A_1622 : vector<16xf32>
        %add3A_1624 = arith.constant 19 : i32
        %add3A_1625 = arith.addi %mul3A_1475, %add3A_1624 : i32
        %get3A_1626 = arith.index_cast %add3A_1625 : i32 to index
        %get3A_1627 = arith.constant 0 : index
        %get3A_1628 = tpu.vector_load %arg9[%get3A_1626, %get3A_1627] {strides = array<i32>} : memref<3328x16xf32, #tpu.memory_space<vmem>>, vector<16xf32>,
        %add3A_1629 = arith.addf %add3A_1621, %get3A_1628 : vector<16xf32>
        %mul3A_1630 = arith.mulf %get3A_1628, %get3A_1628 : vector<16xf32>
        %add3A_1631 = arith.addf %add3A_1623, %mul3A_1630 : vector<16xf32>
        %add3A_1632 = arith.constant 20 : i32
        %add3A_1633 = arith.addi %mul3A_1475, %add3A_1632 : i32
        %get3A_1634 = arith.index_cast %add3A_1633 : i32 to index
        %get3A_1635 = arith.constant 0 : index
        %get3A_1636 = tpu.vector_load %arg9[%get3A_1634, %get3A_1635] {strides = array<i32>} : memref<3328x16xf32, #tpu.memory_space<vmem>>, vector<16xf32>,
        %add3A_1637 = arith.addf %add3A_1629, %get3A_1636 : vector<16xf32>
        %mul3A_1638 = arith.mulf %get3A_1636, %get3A_1636 : vector<16xf32>
        %add3A_1639 = arith.addf %add3A_1631, %mul3A_1638 : vector<16xf32>
        %add3A_1640 = arith.constant 21 : i32
        %add3A_1641 = arith.addi %mul3A_1475, %add3A_1640 : i32
        %get3A_1642 = arith.index_cast %add3A_1641 : i32 to index
        %get3A_1643 = arith.constant 0 : index
        %get3A_1644 = tpu.vector_load %arg9[%get3A_1642, %get3A_1643] {strides = array<i32>} : memref<3328x16xf32, #tpu.memory_space<vmem>>, vector<16xf32>,
        %add3A_1645 = arith.addf %add3A_1637, %get3A_1644 : vector<16xf32>
        %mul3A_1646 = arith.mulf %get3A_1644, %get3A_1644 : vector<16xf32>
        %add3A_1647 = arith.addf %add3A_1639, %mul3A_1646 : vector<16xf32>
        %add3A_1648 = arith.constant 22 : i32
        %add3A_1649 = arith.addi %mul3A_1475, %add3A_1648 : i32
        %get3A_1650 = arith.index_cast %add3A_1649 : i32 to index
        %get3A_1651 = arith.constant 0 : index
        %get3A_1652 = tpu.vector_load %arg9[%get3A_1650, %get3A_1651] {strides = array<i32>} : memref<3328x16xf32, #tpu.memory_space<vmem>>, vector<16xf32>,
        %add3A_1653 = arith.addf %add3A_1645, %get3A_1652 : vector<16xf32>
        %mul3A_1654 = arith.mulf %get3A_1652, %get3A_1652 : vector<16xf32>
        %add3A_1655 = arith.addf %add3A_1647, %mul3A_1654 : vector<16xf32>
        %add3A_1656 = arith.constant 23 : i32
        %add3A_1657 = arith.addi %mul3A_1475, %add3A_1656 : i32
        %get3A_1658 = arith.index_cast %add3A_1657 : i32 to index
        %get3A_1659 = arith.constant 0 : index
        %get3A_1660 = tpu.vector_load %arg9[%get3A_1658, %get3A_1659] {strides = array<i32>} : memref<3328x16xf32, #tpu.memory_space<vmem>>, vector<16xf32>,
        %add3A_1661 = arith.addf %add3A_1653, %get3A_1660 : vector<16xf32>
        %mul3A_1662 = arith.mulf %get3A_1660, %get3A_1660 : vector<16xf32>
        %add3A_1663 = arith.addf %add3A_1655, %mul3A_1662 : vector<16xf32>
        %add3A_1664 = arith.constant 24 : i32
        %add3A_1665 = arith.addi %mul3A_1475, %add3A_1664 : i32
        %get3A_1666 = arith.index_cast %add3A_1665 : i32 to index
        %get3A_1667 = arith.constant 0 : index
        %get3A_1668 = tpu.vector_load %arg9[%get3A_1666, %get3A_1667] {strides = array<i32>} : memref<3328x16xf32, #tpu.memory_space<vmem>>, vector<16xf32>,
        %add3A_1669 = arith.addf %add3A_1661, %get3A_1668 : vector<16xf32>
        %mul3A_1670 = arith.mulf %get3A_1668, %get3A_1668 : vector<16xf32>
        %add3A_1671 = arith.addf %add3A_1663, %mul3A_1670 : vector<16xf32>
        %add3A_1672 = arith.constant 25 : i32
        %add3A_1673 = arith.addi %mul3A_1475, %add3A_1672 : i32
        %get3A_1674 = arith.index_cast %add3A_1673 : i32 to index
        %get3A_1675 = arith.constant 0 : index
        %get3A_1676 = tpu.vector_load %arg9[%get3A_1674, %get3A_1675] {strides = array<i32>} : memref<3328x16xf32, #tpu.memory_space<vmem>>, vector<16xf32>,
        %add3A_1677 = arith.addf %add3A_1669, %get3A_1676 : vector<16xf32>
        %mul3A_1678 = arith.mulf %get3A_1676, %get3A_1676 : vector<16xf32>
        %add3A_1679 = arith.addf %add3A_1671, %mul3A_1678 : vector<16xf32>
        %mul3A_1680 = arith.mulf %add3A_1677, %add3A_1677 : vector<16xf32>
        %sub3A_1681 = arith.subf %mul3A_1680, %add3A_1679 : vector<16xf32>
        %mul3A_1682 = arith.constant 5.000000e-01 : f32
        %mul3A_1683 = vector.broadcast %mul3A_1682 : f32 to vector<16xf32>
        %mul3A_1684 = arith.mulf %mul3A_1683, %sub3A_1681 : vector<16xf32>
        %get3A_1685 = arith.index_cast %mul3A_1475 : i32 to index
        %get3A_1686 = tpu.vector_load %arg10[%get3A_1685] {strides = array<i32>} : memref<3344xf32, #tpu.memory_space<vmem>>, vector<16xf32>,
        %add3A_1687 = arith.constant 16 : i32
        %add3A_1688 = arith.addi %mul3A_1475, %add3A_1687 : i32
        %get3A_1689 = arith.index_cast %add3A_1688 : i32 to index
        %get3A_1690 = tpu.vector_load %arg10[%get3A_1689] {strides = array<i32>} : memref<3344xf32, #tpu.memory_space<vmem>>, vector<16xf32>,
        %jit3A_1691 = arith.constant 0.000000e+00 : f32
        %broadcast_in_dim3A_1692 = vector.broadcast %jit3A_1691 : f32 to vector<16xf32>
        %select_n3A_1693 = arith.select %lt3A_9, %get3A_1690, %broadcast_in_dim3A_1692 : vector<16xi1>, vector<16xf32>
        %mul3A_1694 = arith.mulf %mul3A_1684, %get3A_3 : vector<16xf32>
        %add3A_1695 = arith.addf %get3A_1686, %select_n3A_1693 : vector<16xf32>
        %mul3A_1696 = arith.mulf %add3A_1695, %get3A_5 : vector<16xf32>
        %add3A_1697 = arith.addf %mul3A_1694, %mul3A_1696 : vector<16xf32>
        %add3A_1698 = arith.addf %add3A_1697, %get3A_7 : vector<16xf32>
        %eq3A_1699 = arith.constant 6 : i32
        %eq3A_1700 = vector.broadcast %eq3A_1699 : i32 to vector<16xi32>
        %eq3A_1701 = arith.cmpi eq, %iota3A, %eq3A_1700 : vector<16xi32>
        %reduce_sum3A_1702 = arith.constant true
        %reduce_sum3A_1703 = vector.broadcast %reduce_sum3A_1702 : i1 to vector<16xi1>
        %reduce_sum3A_1704 = tpu.scan <sum>, %add3A_1698 masked %reduce_sum3A_1703 : vector<16xf32>, vector<16xi1> -> vector<16xf32>
        %reduce_sum3A_1705 = vector.extract %reduce_sum3A_1704[15] : f32 from vector<16xf32>
        %broadcast_in_dim3A_1706 = vector.broadcast %reduce_sum3A_1705 : f32 to vector<16xf32>
        %select_n3A_1707 = arith.select %eq3A_1701, %broadcast_in_dim3A_1706, %select_n3A_1469 : vector<16xi1>, vector<16xf32>
        %mul3A_1708 = arith.constant 16 : i32
        %mul3A_1709 = arith.muli %scan3A_45, %mul3A_1708 : i32
        %add3A_1710 = arith.constant 7 : i32
        %add3A_1711 = arith.addi %mul3A_1709, %add3A_1710 : i32
        %mul3A_1712 = arith.constant 26 : i32
        %mul3A_1713 = arith.muli %add3A_1711, %mul3A_1712 : i32
        %get3A_1714 = arith.index_cast %mul3A_1713 : i32 to index
        %get3A_1715 = arith.constant 0 : index
        %get3A_1716 = tpu.vector_load %arg9[%get3A_1714, %get3A_1715] {strides = array<i32>} : memref<3328x16xf32, #tpu.memory_space<vmem>>, vector<16xf32>,
        %mul3A_1717 = arith.mulf %get3A_1716, %get3A_1716 : vector<16xf32>
        %add3A_1718 = arith.constant 1 : i32
        %add3A_1719 = arith.addi %mul3A_1713, %add3A_1718 : i32
        %get3A_1720 = arith.index_cast %add3A_1719 : i32 to index
        %get3A_1721 = arith.constant 0 : index
        %get3A_1722 = tpu.vector_load %arg9[%get3A_1720, %get3A_1721] {strides = array<i32>} : memref<3328x16xf32, #tpu.memory_space<vmem>>, vector<16xf32>,
        %add3A_1723 = arith.addf %get3A_1716, %get3A_1722 : vector<16xf32>
        %mul3A_1724 = arith.mulf %get3A_1722, %get3A_1722 : vector<16xf32>
        %add3A_1725 = arith.addf %mul3A_1717, %mul3A_1724 : vector<16xf32>
        %add3A_1726 = arith.constant 2 : i32
        %add3A_1727 = arith.addi %mul3A_1713, %add3A_1726 : i32
        %get3A_1728 = arith.index_cast %add3A_1727 : i32 to index
        %get3A_1729 = arith.constant 0 : index
        %get3A_1730 = tpu.vector_load %arg9[%get3A_1728, %get3A_1729] {strides = array<i32>} : memref<3328x16xf32, #tpu.memory_space<vmem>>, vector<16xf32>,
        %add3A_1731 = arith.addf %add3A_1723, %get3A_1730 : vector<16xf32>
        %mul3A_1732 = arith.mulf %get3A_1730, %get3A_1730 : vector<16xf32>
        %add3A_1733 = arith.addf %add3A_1725, %mul3A_1732 : vector<16xf32>
        %add3A_1734 = arith.constant 3 : i32
        %add3A_1735 = arith.addi %mul3A_1713, %add3A_1734 : i32
        %get3A_1736 = arith.index_cast %add3A_1735 : i32 to index
        %get3A_1737 = arith.constant 0 : index
        %get3A_1738 = tpu.vector_load %arg9[%get3A_1736, %get3A_1737] {strides = array<i32>} : memref<3328x16xf32, #tpu.memory_space<vmem>>, vector<16xf32>,
        %add3A_1739 = arith.addf %add3A_1731, %get3A_1738 : vector<16xf32>
        %mul3A_1740 = arith.mulf %get3A_1738, %get3A_1738 : vector<16xf32>
        %add3A_1741 = arith.addf %add3A_1733, %mul3A_1740 : vector<16xf32>
        %add3A_1742 = arith.constant 4 : i32
        %add3A_1743 = arith.addi %mul3A_1713, %add3A_1742 : i32
        %get3A_1744 = arith.index_cast %add3A_1743 : i32 to index
        %get3A_1745 = arith.constant 0 : index
        %get3A_1746 = tpu.vector_load %arg9[%get3A_1744, %get3A_1745] {strides = array<i32>} : memref<3328x16xf32, #tpu.memory_space<vmem>>, vector<16xf32>,
        %add3A_1747 = arith.addf %add3A_1739, %get3A_1746 : vector<16xf32>
        %mul3A_1748 = arith.mulf %get3A_1746, %get3A_1746 : vector<16xf32>
        %add3A_1749 = arith.addf %add3A_1741, %mul3A_1748 : vector<16xf32>
        %add3A_1750 = arith.constant 5 : i32
        %add3A_1751 = arith.addi %mul3A_1713, %add3A_1750 : i32
        %get3A_1752 = arith.index_cast %add3A_1751 : i32 to index
        %get3A_1753 = arith.constant 0 : index
        %get3A_1754 = tpu.vector_load %arg9[%get3A_1752, %get3A_1753] {strides = array<i32>} : memref<3328x16xf32, #tpu.memory_space<vmem>>, vector<16xf32>,
        %add3A_1755 = arith.addf %add3A_1747, %get3A_1754 : vector<16xf32>
        %mul3A_1756 = arith.mulf %get3A_1754, %get3A_1754 : vector<16xf32>
        %add3A_1757 = arith.addf %add3A_1749, %mul3A_1756 : vector<16xf32>
        %add3A_1758 = arith.constant 6 : i32
        %add3A_1759 = arith.addi %mul3A_1713, %add3A_1758 : i32
        %get3A_1760 = arith.index_cast %add3A_1759 : i32 to index
        %get3A_1761 = arith.constant 0 : index
        %get3A_1762 = tpu.vector_load %arg9[%get3A_1760, %get3A_1761] {strides = array<i32>} : memref<3328x16xf32, #tpu.memory_space<vmem>>, vector<16xf32>,
        %add3A_1763 = arith.addf %add3A_1755, %get3A_1762 : vector<16xf32>
        %mul3A_1764 = arith.mulf %get3A_1762, %get3A_1762 : vector<16xf32>
        %add3A_1765 = arith.addf %add3A_1757, %mul3A_1764 : vector<16xf32>
        %add3A_1766 = arith.constant 7 : i32
        %add3A_1767 = arith.addi %mul3A_1713, %add3A_1766 : i32
        %get3A_1768 = arith.index_cast %add3A_1767 : i32 to index
        %get3A_1769 = arith.constant 0 : index
        %get3A_1770 = tpu.vector_load %arg9[%get3A_1768, %get3A_1769] {strides = array<i32>} : memref<3328x16xf32, #tpu.memory_space<vmem>>, vector<16xf32>,
        %add3A_1771 = arith.addf %add3A_1763, %get3A_1770 : vector<16xf32>
        %mul3A_1772 = arith.mulf %get3A_1770, %get3A_1770 : vector<16xf32>
        %add3A_1773 = arith.addf %add3A_1765, %mul3A_1772 : vector<16xf32>
        %add3A_1774 = arith.constant 8 : i32
        %add3A_1775 = arith.addi %mul3A_1713, %add3A_1774 : i32
        %get3A_1776 = arith.index_cast %add3A_1775 : i32 to index
        %get3A_1777 = arith.constant 0 : index
        %get3A_1778 = tpu.vector_load %arg9[%get3A_1776, %get3A_1777] {strides = array<i32>} : memref<3328x16xf32, #tpu.memory_space<vmem>>, vector<16xf32>,
        %add3A_1779 = arith.addf %add3A_1771, %get3A_1778 : vector<16xf32>
        %mul3A_1780 = arith.mulf %get3A_1778, %get3A_1778 : vector<16xf32>
        %add3A_1781 = arith.addf %add3A_1773, %mul3A_1780 : vector<16xf32>
        %add3A_1782 = arith.constant 9 : i32
        %add3A_1783 = arith.addi %mul3A_1713, %add3A_1782 : i32
        %get3A_1784 = arith.index_cast %add3A_1783 : i32 to index
        %get3A_1785 = arith.constant 0 : index
        %get3A_1786 = tpu.vector_load %arg9[%get3A_1784, %get3A_1785] {strides = array<i32>} : memref<3328x16xf32, #tpu.memory_space<vmem>>, vector<16xf32>,
        %add3A_1787 = arith.addf %add3A_1779, %get3A_1786 : vector<16xf32>
        %mul3A_1788 = arith.mulf %get3A_1786, %get3A_1786 : vector<16xf32>
        %add3A_1789 = arith.addf %add3A_1781, %mul3A_1788 : vector<16xf32>
        %add3A_1790 = arith.constant 10 : i32
        %add3A_1791 = arith.addi %mul3A_1713, %add3A_1790 : i32
        %get3A_1792 = arith.index_cast %add3A_1791 : i32 to index
        %get3A_1793 = arith.constant 0 : index
        %get3A_1794 = tpu.vector_load %arg9[%get3A_1792, %get3A_1793] {strides = array<i32>} : memref<3328x16xf32, #tpu.memory_space<vmem>>, vector<16xf32>,
        %add3A_1795 = arith.addf %add3A_1787, %get3A_1794 : vector<16xf32>
        %mul3A_1796 = arith.mulf %get3A_1794, %get3A_1794 : vector<16xf32>
        %add3A_1797 = arith.addf %add3A_1789, %mul3A_1796 : vector<16xf32>
        %add3A_1798 = arith.constant 11 : i32
        %add3A_1799 = arith.addi %mul3A_1713, %add3A_1798 : i32
        %get3A_1800 = arith.index_cast %add3A_1799 : i32 to index
        %get3A_1801 = arith.constant 0 : index
        %get3A_1802 = tpu.vector_load %arg9[%get3A_1800, %get3A_1801] {strides = array<i32>} : memref<3328x16xf32, #tpu.memory_space<vmem>>, vector<16xf32>,
        %add3A_1803 = arith.addf %add3A_1795, %get3A_1802 : vector<16xf32>
        %mul3A_1804 = arith.mulf %get3A_1802, %get3A_1802 : vector<16xf32>
        %add3A_1805 = arith.addf %add3A_1797, %mul3A_1804 : vector<16xf32>
        %add3A_1806 = arith.constant 12 : i32
        %add3A_1807 = arith.addi %mul3A_1713, %add3A_1806 : i32
        %get3A_1808 = arith.index_cast %add3A_1807 : i32 to index
        %get3A_1809 = arith.constant 0 : index
        %get3A_1810 = tpu.vector_load %arg9[%get3A_1808, %get3A_1809] {strides = array<i32>} : memref<3328x16xf32, #tpu.memory_space<vmem>>, vector<16xf32>,
        %add3A_1811 = arith.addf %add3A_1803, %get3A_1810 : vector<16xf32>
        %mul3A_1812 = arith.mulf %get3A_1810, %get3A_1810 : vector<16xf32>
        %add3A_1813 = arith.addf %add3A_1805, %mul3A_1812 : vector<16xf32>
        %add3A_1814 = arith.constant 13 : i32
        %add3A_1815 = arith.addi %mul3A_1713, %add3A_1814 : i32
        %get3A_1816 = arith.index_cast %add3A_1815 : i32 to index
        %get3A_1817 = arith.constant 0 : index
        %get3A_1818 = tpu.vector_load %arg9[%get3A_1816, %get3A_1817] {strides = array<i32>} : memref<3328x16xf32, #tpu.memory_space<vmem>>, vector<16xf32>,
        %add3A_1819 = arith.addf %add3A_1811, %get3A_1818 : vector<16xf32>
        %mul3A_1820 = arith.mulf %get3A_1818, %get3A_1818 : vector<16xf32>
        %add3A_1821 = arith.addf %add3A_1813, %mul3A_1820 : vector<16xf32>
        %add3A_1822 = arith.constant 14 : i32
        %add3A_1823 = arith.addi %mul3A_1713, %add3A_1822 : i32
        %get3A_1824 = arith.index_cast %add3A_1823 : i32 to index
        %get3A_1825 = arith.constant 0 : index
        %get3A_1826 = tpu.vector_load %arg9[%get3A_1824, %get3A_1825] {strides = array<i32>} : memref<3328x16xf32, #tpu.memory_space<vmem>>, vector<16xf32>,
        %add3A_1827 = arith.addf %add3A_1819, %get3A_1826 : vector<16xf32>
        %mul3A_1828 = arith.mulf %get3A_1826, %get3A_1826 : vector<16xf32>
        %add3A_1829 = arith.addf %add3A_1821, %mul3A_1828 : vector<16xf32>
        %add3A_1830 = arith.constant 15 : i32
        %add3A_1831 = arith.addi %mul3A_1713, %add3A_1830 : i32
        %get3A_1832 = arith.index_cast %add3A_1831 : i32 to index
        %get3A_1833 = arith.constant 0 : index
        %get3A_1834 = tpu.vector_load %arg9[%get3A_1832, %get3A_1833] {strides = array<i32>} : memref<3328x16xf32, #tpu.memory_space<vmem>>, vector<16xf32>,
        %add3A_1835 = arith.addf %add3A_1827, %get3A_1834 : vector<16xf32>
        %mul3A_1836 = arith.mulf %get3A_1834, %get3A_1834 : vector<16xf32>
        %add3A_1837 = arith.addf %add3A_1829, %mul3A_1836 : vector<16xf32>
        %add3A_1838 = arith.constant 16 : i32
        %add3A_1839 = arith.addi %mul3A_1713, %add3A_1838 : i32
        %get3A_1840 = arith.index_cast %add3A_1839 : i32 to index
        %get3A_1841 = arith.constant 0 : index
        %get3A_1842 = tpu.vector_load %arg9[%get3A_1840, %get3A_1841] {strides = array<i32>} : memref<3328x16xf32, #tpu.memory_space<vmem>>, vector<16xf32>,
        %add3A_1843 = arith.addf %add3A_1835, %get3A_1842 : vector<16xf32>
        %mul3A_1844 = arith.mulf %get3A_1842, %get3A_1842 : vector<16xf32>
        %add3A_1845 = arith.addf %add3A_1837, %mul3A_1844 : vector<16xf32>
        %add3A_1846 = arith.constant 17 : i32
        %add3A_1847 = arith.addi %mul3A_1713, %add3A_1846 : i32
        %get3A_1848 = arith.index_cast %add3A_1847 : i32 to index
        %get3A_1849 = arith.constant 0 : index
        %get3A_1850 = tpu.vector_load %arg9[%get3A_1848, %get3A_1849] {strides = array<i32>} : memref<3328x16xf32, #tpu.memory_space<vmem>>, vector<16xf32>,
        %add3A_1851 = arith.addf %add3A_1843, %get3A_1850 : vector<16xf32>
        %mul3A_1852 = arith.mulf %get3A_1850, %get3A_1850 : vector<16xf32>
        %add3A_1853 = arith.addf %add3A_1845, %mul3A_1852 : vector<16xf32>
        %add3A_1854 = arith.constant 18 : i32
        %add3A_1855 = arith.addi %mul3A_1713, %add3A_1854 : i32
        %get3A_1856 = arith.index_cast %add3A_1855 : i32 to index
        %get3A_1857 = arith.constant 0 : index
        %get3A_1858 = tpu.vector_load %arg9[%get3A_1856, %get3A_1857] {strides = array<i32>} : memref<3328x16xf32, #tpu.memory_space<vmem>>, vector<16xf32>,
        %add3A_1859 = arith.addf %add3A_1851, %get3A_1858 : vector<16xf32>
        %mul3A_1860 = arith.mulf %get3A_1858, %get3A_1858 : vector<16xf32>
        %add3A_1861 = arith.addf %add3A_1853, %mul3A_1860 : vector<16xf32>
        %add3A_1862 = arith.constant 19 : i32
        %add3A_1863 = arith.addi %mul3A_1713, %add3A_1862 : i32
        %get3A_1864 = arith.index_cast %add3A_1863 : i32 to index
        %get3A_1865 = arith.constant 0 : index
        %get3A_1866 = tpu.vector_load %arg9[%get3A_1864, %get3A_1865] {strides = array<i32>} : memref<3328x16xf32, #tpu.memory_space<vmem>>, vector<16xf32>,
        %add3A_1867 = arith.addf %add3A_1859, %get3A_1866 : vector<16xf32>
        %mul3A_1868 = arith.mulf %get3A_1866, %get3A_1866 : vector<16xf32>
        %add3A_1869 = arith.addf %add3A_1861, %mul3A_1868 : vector<16xf32>
        %add3A_1870 = arith.constant 20 : i32
        %add3A_1871 = arith.addi %mul3A_1713, %add3A_1870 : i32
        %get3A_1872 = arith.index_cast %add3A_1871 : i32 to index
        %get3A_1873 = arith.constant 0 : index
        %get3A_1874 = tpu.vector_load %arg9[%get3A_1872, %get3A_1873] {strides = array<i32>} : memref<3328x16xf32, #tpu.memory_space<vmem>>, vector<16xf32>,
        %add3A_1875 = arith.addf %add3A_1867, %get3A_1874 : vector<16xf32>
        %mul3A_1876 = arith.mulf %get3A_1874, %get3A_1874 : vector<16xf32>
        %add3A_1877 = arith.addf %add3A_1869, %mul3A_1876 : vector<16xf32>
        %add3A_1878 = arith.constant 21 : i32
        %add3A_1879 = arith.addi %mul3A_1713, %add3A_1878 : i32
        %get3A_1880 = arith.index_cast %add3A_1879 : i32 to index
        %get3A_1881 = arith.constant 0 : index
        %get3A_1882 = tpu.vector_load %arg9[%get3A_1880, %get3A_1881] {strides = array<i32>} : memref<3328x16xf32, #tpu.memory_space<vmem>>, vector<16xf32>,
        %add3A_1883 = arith.addf %add3A_1875, %get3A_1882 : vector<16xf32>
        %mul3A_1884 = arith.mulf %get3A_1882, %get3A_1882 : vector<16xf32>
        %add3A_1885 = arith.addf %add3A_1877, %mul3A_1884 : vector<16xf32>
        %add3A_1886 = arith.constant 22 : i32
        %add3A_1887 = arith.addi %mul3A_1713, %add3A_1886 : i32
        %get3A_1888 = arith.index_cast %add3A_1887 : i32 to index
        %get3A_1889 = arith.constant 0 : index
        %get3A_1890 = tpu.vector_load %arg9[%get3A_1888, %get3A_1889] {strides = array<i32>} : memref<3328x16xf32, #tpu.memory_space<vmem>>, vector<16xf32>,
        %add3A_1891 = arith.addf %add3A_1883, %get3A_1890 : vector<16xf32>
        %mul3A_1892 = arith.mulf %get3A_1890, %get3A_1890 : vector<16xf32>
        %add3A_1893 = arith.addf %add3A_1885, %mul3A_1892 : vector<16xf32>
        %add3A_1894 = arith.constant 23 : i32
        %add3A_1895 = arith.addi %mul3A_1713, %add3A_1894 : i32
        %get3A_1896 = arith.index_cast %add3A_1895 : i32 to index
        %get3A_1897 = arith.constant 0 : index
        %get3A_1898 = tpu.vector_load %arg9[%get3A_1896, %get3A_1897] {strides = array<i32>} : memref<3328x16xf32, #tpu.memory_space<vmem>>, vector<16xf32>,
        %add3A_1899 = arith.addf %add3A_1891, %get3A_1898 : vector<16xf32>
        %mul3A_1900 = arith.mulf %get3A_1898, %get3A_1898 : vector<16xf32>
        %add3A_1901 = arith.addf %add3A_1893, %mul3A_1900 : vector<16xf32>
        %add3A_1902 = arith.constant 24 : i32
        %add3A_1903 = arith.addi %mul3A_1713, %add3A_1902 : i32
        %get3A_1904 = arith.index_cast %add3A_1903 : i32 to index
        %get3A_1905 = arith.constant 0 : index
        %get3A_1906 = tpu.vector_load %arg9[%get3A_1904, %get3A_1905] {strides = array<i32>} : memref<3328x16xf32, #tpu.memory_space<vmem>>, vector<16xf32>,
        %add3A_1907 = arith.addf %add3A_1899, %get3A_1906 : vector<16xf32>
        %mul3A_1908 = arith.mulf %get3A_1906, %get3A_1906 : vector<16xf32>
        %add3A_1909 = arith.addf %add3A_1901, %mul3A_1908 : vector<16xf32>
        %add3A_1910 = arith.constant 25 : i32
        %add3A_1911 = arith.addi %mul3A_1713, %add3A_1910 : i32
        %get3A_1912 = arith.index_cast %add3A_1911 : i32 to index
        %get3A_1913 = arith.constant 0 : index
        %get3A_1914 = tpu.vector_load %arg9[%get3A_1912, %get3A_1913] {strides = array<i32>} : memref<3328x16xf32, #tpu.memory_space<vmem>>, vector<16xf32>,
        %add3A_1915 = arith.addf %add3A_1907, %get3A_1914 : vector<16xf32>
        %mul3A_1916 = arith.mulf %get3A_1914, %get3A_1914 : vector<16xf32>
        %add3A_1917 = arith.addf %add3A_1909, %mul3A_1916 : vector<16xf32>
        %mul3A_1918 = arith.mulf %add3A_1915, %add3A_1915 : vector<16xf32>
        %sub3A_1919 = arith.subf %mul3A_1918, %add3A_1917 : vector<16xf32>
        %mul3A_1920 = arith.constant 5.000000e-01 : f32
        %mul3A_1921 = vector.broadcast %mul3A_1920 : f32 to vector<16xf32>
        %mul3A_1922 = arith.mulf %mul3A_1921, %sub3A_1919 : vector<16xf32>
        %get3A_1923 = arith.index_cast %mul3A_1713 : i32 to index
        %get3A_1924 = tpu.vector_load %arg10[%get3A_1923] {strides = array<i32>} : memref<3344xf32, #tpu.memory_space<vmem>>, vector<16xf32>,
        %add3A_1925 = arith.constant 16 : i32
        %add3A_1926 = arith.addi %mul3A_1713, %add3A_1925 : i32
        %get3A_1927 = arith.index_cast %add3A_1926 : i32 to index
        %get3A_1928 = tpu.vector_load %arg10[%get3A_1927] {strides = array<i32>} : memref<3344xf32, #tpu.memory_space<vmem>>, vector<16xf32>,
        %jit3A_1929 = arith.constant 0.000000e+00 : f32
        %broadcast_in_dim3A_1930 = vector.broadcast %jit3A_1929 : f32 to vector<16xf32>
        %select_n3A_1931 = arith.select %lt3A_9, %get3A_1928, %broadcast_in_dim3A_1930 : vector<16xi1>, vector<16xf32>
        %mul3A_1932 = arith.mulf %mul3A_1922, %get3A_3 : vector<16xf32>
        %add3A_1933 = arith.addf %get3A_1924, %select_n3A_1931 : vector<16xf32>
        %mul3A_1934 = arith.mulf %add3A_1933, %get3A_5 : vector<16xf32>
        %add3A_1935 = arith.addf %mul3A_1932, %mul3A_1934 : vector<16xf32>
        %add3A_1936 = arith.addf %add3A_1935, %get3A_7 : vector<16xf32>
        %eq3A_1937 = arith.constant 7 : i32
        %eq3A_1938 = vector.broadcast %eq3A_1937 : i32 to vector<16xi32>
        %eq3A_1939 = arith.cmpi eq, %iota3A, %eq3A_1938 : vector<16xi32>
        %reduce_sum3A_1940 = arith.constant true
        %reduce_sum3A_1941 = vector.broadcast %reduce_sum3A_1940 : i1 to vector<16xi1>
        %reduce_sum3A_1942 = tpu.scan <sum>, %add3A_1936 masked %reduce_sum3A_1941 : vector<16xf32>, vector<16xi1> -> vector<16xf32>
        %reduce_sum3A_1943 = vector.extract %reduce_sum3A_1942[15] : f32 from vector<16xf32>
        %broadcast_in_dim3A_1944 = vector.broadcast %reduce_sum3A_1943 : f32 to vector<16xf32>
        %select_n3A_1945 = arith.select %eq3A_1939, %broadcast_in_dim3A_1944, %select_n3A_1707 : vector<16xi1>, vector<16xf32>
        %mul3A_1946 = arith.constant 16 : i32
        %mul3A_1947 = arith.muli %scan3A_45, %mul3A_1946 : i32
        %add3A_1948 = arith.constant 8 : i32
        %add3A_1949 = arith.addi %mul3A_1947, %add3A_1948 : i32
        %mul3A_1950 = arith.constant 26 : i32
        %mul3A_1951 = arith.muli %add3A_1949, %mul3A_1950 : i32
        %get3A_1952 = arith.index_cast %mul3A_1951 : i32 to index
        %get3A_1953 = arith.constant 0 : index
        %get3A_1954 = tpu.vector_load %arg9[%get3A_1952, %get3A_1953] {strides = array<i32>} : memref<3328x16xf32, #tpu.memory_space<vmem>>, vector<16xf32>,
        %mul3A_1955 = arith.mulf %get3A_1954, %get3A_1954 : vector<16xf32>
        %add3A_1956 = arith.constant 1 : i32
        %add3A_1957 = arith.addi %mul3A_1951, %add3A_1956 : i32
        %get3A_1958 = arith.index_cast %add3A_1957 : i32 to index
        %get3A_1959 = arith.constant 0 : index
        %get3A_1960 = tpu.vector_load %arg9[%get3A_1958, %get3A_1959] {strides = array<i32>} : memref<3328x16xf32, #tpu.memory_space<vmem>>, vector<16xf32>,
        %add3A_1961 = arith.addf %get3A_1954, %get3A_1960 : vector<16xf32>
        %mul3A_1962 = arith.mulf %get3A_1960, %get3A_1960 : vector<16xf32>
        %add3A_1963 = arith.addf %mul3A_1955, %mul3A_1962 : vector<16xf32>
        %add3A_1964 = arith.constant 2 : i32
        %add3A_1965 = arith.addi %mul3A_1951, %add3A_1964 : i32
        %get3A_1966 = arith.index_cast %add3A_1965 : i32 to index
        %get3A_1967 = arith.constant 0 : index
        %get3A_1968 = tpu.vector_load %arg9[%get3A_1966, %get3A_1967] {strides = array<i32>} : memref<3328x16xf32, #tpu.memory_space<vmem>>, vector<16xf32>,
        %add3A_1969 = arith.addf %add3A_1961, %get3A_1968 : vector<16xf32>
        %mul3A_1970 = arith.mulf %get3A_1968, %get3A_1968 : vector<16xf32>
        %add3A_1971 = arith.addf %add3A_1963, %mul3A_1970 : vector<16xf32>
        %add3A_1972 = arith.constant 3 : i32
        %add3A_1973 = arith.addi %mul3A_1951, %add3A_1972 : i32
        %get3A_1974 = arith.index_cast %add3A_1973 : i32 to index
        %get3A_1975 = arith.constant 0 : index
        %get3A_1976 = tpu.vector_load %arg9[%get3A_1974, %get3A_1975] {strides = array<i32>} : memref<3328x16xf32, #tpu.memory_space<vmem>>, vector<16xf32>,
        %add3A_1977 = arith.addf %add3A_1969, %get3A_1976 : vector<16xf32>
        %mul3A_1978 = arith.mulf %get3A_1976, %get3A_1976 : vector<16xf32>
        %add3A_1979 = arith.addf %add3A_1971, %mul3A_1978 : vector<16xf32>
        %add3A_1980 = arith.constant 4 : i32
        %add3A_1981 = arith.addi %mul3A_1951, %add3A_1980 : i32
        %get3A_1982 = arith.index_cast %add3A_1981 : i32 to index
        %get3A_1983 = arith.constant 0 : index
        %get3A_1984 = tpu.vector_load %arg9[%get3A_1982, %get3A_1983] {strides = array<i32>} : memref<3328x16xf32, #tpu.memory_space<vmem>>, vector<16xf32>,
        %add3A_1985 = arith.addf %add3A_1977, %get3A_1984 : vector<16xf32>
        %mul3A_1986 = arith.mulf %get3A_1984, %get3A_1984 : vector<16xf32>
        %add3A_1987 = arith.addf %add3A_1979, %mul3A_1986 : vector<16xf32>
        %add3A_1988 = arith.constant 5 : i32
        %add3A_1989 = arith.addi %mul3A_1951, %add3A_1988 : i32
        %get3A_1990 = arith.index_cast %add3A_1989 : i32 to index
        %get3A_1991 = arith.constant 0 : index
        %get3A_1992 = tpu.vector_load %arg9[%get3A_1990, %get3A_1991] {strides = array<i32>} : memref<3328x16xf32, #tpu.memory_space<vmem>>, vector<16xf32>,
        %add3A_1993 = arith.addf %add3A_1985, %get3A_1992 : vector<16xf32>
        %mul3A_1994 = arith.mulf %get3A_1992, %get3A_1992 : vector<16xf32>
        %add3A_1995 = arith.addf %add3A_1987, %mul3A_1994 : vector<16xf32>
        %add3A_1996 = arith.constant 6 : i32
        %add3A_1997 = arith.addi %mul3A_1951, %add3A_1996 : i32
        %get3A_1998 = arith.index_cast %add3A_1997 : i32 to index
        %get3A_1999 = arith.constant 0 : index
        %get3A_2000 = tpu.vector_load %arg9[%get3A_1998, %get3A_1999] {strides = array<i32>} : memref<3328x16xf32, #tpu.memory_space<vmem>>, vector<16xf32>,
        %add3A_2001 = arith.addf %add3A_1993, %get3A_2000 : vector<16xf32>
        %mul3A_2002 = arith.mulf %get3A_2000, %get3A_2000 : vector<16xf32>
        %add3A_2003 = arith.addf %add3A_1995, %mul3A_2002 : vector<16xf32>
        %add3A_2004 = arith.constant 7 : i32
        %add3A_2005 = arith.addi %mul3A_1951, %add3A_2004 : i32
        %get3A_2006 = arith.index_cast %add3A_2005 : i32 to index
        %get3A_2007 = arith.constant 0 : index
        %get3A_2008 = tpu.vector_load %arg9[%get3A_2006, %get3A_2007] {strides = array<i32>} : memref<3328x16xf32, #tpu.memory_space<vmem>>, vector<16xf32>,
        %add3A_2009 = arith.addf %add3A_2001, %get3A_2008 : vector<16xf32>
        %mul3A_2010 = arith.mulf %get3A_2008, %get3A_2008 : vector<16xf32>
        %add3A_2011 = arith.addf %add3A_2003, %mul3A_2010 : vector<16xf32>
        %add3A_2012 = arith.constant 8 : i32
        %add3A_2013 = arith.addi %mul3A_1951, %add3A_2012 : i32
        %get3A_2014 = arith.index_cast %add3A_2013 : i32 to index
        %get3A_2015 = arith.constant 0 : index
        %get3A_2016 = tpu.vector_load %arg9[%get3A_2014, %get3A_2015] {strides = array<i32>} : memref<3328x16xf32, #tpu.memory_space<vmem>>, vector<16xf32>,
        %add3A_2017 = arith.addf %add3A_2009, %get3A_2016 : vector<16xf32>
        %mul3A_2018 = arith.mulf %get3A_2016, %get3A_2016 : vector<16xf32>
        %add3A_2019 = arith.addf %add3A_2011, %mul3A_2018 : vector<16xf32>
        %add3A_2020 = arith.constant 9 : i32
        %add3A_2021 = arith.addi %mul3A_1951, %add3A_2020 : i32
        %get3A_2022 = arith.index_cast %add3A_2021 : i32 to index
        %get3A_2023 = arith.constant 0 : index
        %get3A_2024 = tpu.vector_load %arg9[%get3A_2022, %get3A_2023] {strides = array<i32>} : memref<3328x16xf32, #tpu.memory_space<vmem>>, vector<16xf32>,
        %add3A_2025 = arith.addf %add3A_2017, %get3A_2024 : vector<16xf32>
        %mul3A_2026 = arith.mulf %get3A_2024, %get3A_2024 : vector<16xf32>
        %add3A_2027 = arith.addf %add3A_2019, %mul3A_2026 : vector<16xf32>
        %add3A_2028 = arith.constant 10 : i32
        %add3A_2029 = arith.addi %mul3A_1951, %add3A_2028 : i32
        %get3A_2030 = arith.index_cast %add3A_2029 : i32 to index
        %get3A_2031 = arith.constant 0 : index
        %get3A_2032 = tpu.vector_load %arg9[%get3A_2030, %get3A_2031] {strides = array<i32>} : memref<3328x16xf32, #tpu.memory_space<vmem>>, vector<16xf32>,
        %add3A_2033 = arith.addf %add3A_2025, %get3A_2032 : vector<16xf32>
        %mul3A_2034 = arith.mulf %get3A_2032, %get3A_2032 : vector<16xf32>
        %add3A_2035 = arith.addf %add3A_2027, %mul3A_2034 : vector<16xf32>
        %add3A_2036 = arith.constant 11 : i32
        %add3A_2037 = arith.addi %mul3A_1951, %add3A_2036 : i32
        %get3A_2038 = arith.index_cast %add3A_2037 : i32 to index
        %get3A_2039 = arith.constant 0 : index
        %get3A_2040 = tpu.vector_load %arg9[%get3A_2038, %get3A_2039] {strides = array<i32>} : memref<3328x16xf32, #tpu.memory_space<vmem>>, vector<16xf32>,
        %add3A_2041 = arith.addf %add3A_2033, %get3A_2040 : vector<16xf32>
        %mul3A_2042 = arith.mulf %get3A_2040, %get3A_2040 : vector<16xf32>
        %add3A_2043 = arith.addf %add3A_2035, %mul3A_2042 : vector<16xf32>
        %add3A_2044 = arith.constant 12 : i32
        %add3A_2045 = arith.addi %mul3A_1951, %add3A_2044 : i32
        %get3A_2046 = arith.index_cast %add3A_2045 : i32 to index
        %get3A_2047 = arith.constant 0 : index
        %get3A_2048 = tpu.vector_load %arg9[%get3A_2046, %get3A_2047] {strides = array<i32>} : memref<3328x16xf32, #tpu.memory_space<vmem>>, vector<16xf32>,
        %add3A_2049 = arith.addf %add3A_2041, %get3A_2048 : vector<16xf32>
        %mul3A_2050 = arith.mulf %get3A_2048, %get3A_2048 : vector<16xf32>
        %add3A_2051 = arith.addf %add3A_2043, %mul3A_2050 : vector<16xf32>
        %add3A_2052 = arith.constant 13 : i32
        %add3A_2053 = arith.addi %mul3A_1951, %add3A_2052 : i32
        %get3A_2054 = arith.index_cast %add3A_2053 : i32 to index
        %get3A_2055 = arith.constant 0 : index
        %get3A_2056 = tpu.vector_load %arg9[%get3A_2054, %get3A_2055] {strides = array<i32>} : memref<3328x16xf32, #tpu.memory_space<vmem>>, vector<16xf32>,
        %add3A_2057 = arith.addf %add3A_2049, %get3A_2056 : vector<16xf32>
        %mul3A_2058 = arith.mulf %get3A_2056, %get3A_2056 : vector<16xf32>
        %add3A_2059 = arith.addf %add3A_2051, %mul3A_2058 : vector<16xf32>
        %add3A_2060 = arith.constant 14 : i32
        %add3A_2061 = arith.addi %mul3A_1951, %add3A_2060 : i32
        %get3A_2062 = arith.index_cast %add3A_2061 : i32 to index
        %get3A_2063 = arith.constant 0 : index
        %get3A_2064 = tpu.vector_load %arg9[%get3A_2062, %get3A_2063] {strides = array<i32>} : memref<3328x16xf32, #tpu.memory_space<vmem>>, vector<16xf32>,
        %add3A_2065 = arith.addf %add3A_2057, %get3A_2064 : vector<16xf32>
        %mul3A_2066 = arith.mulf %get3A_2064, %get3A_2064 : vector<16xf32>
        %add3A_2067 = arith.addf %add3A_2059, %mul3A_2066 : vector<16xf32>
        %add3A_2068 = arith.constant 15 : i32
        %add3A_2069 = arith.addi %mul3A_1951, %add3A_2068 : i32
        %get3A_2070 = arith.index_cast %add3A_2069 : i32 to index
        %get3A_2071 = arith.constant 0 : index
        %get3A_2072 = tpu.vector_load %arg9[%get3A_2070, %get3A_2071] {strides = array<i32>} : memref<3328x16xf32, #tpu.memory_space<vmem>>, vector<16xf32>,
        %add3A_2073 = arith.addf %add3A_2065, %get3A_2072 : vector<16xf32>
        %mul3A_2074 = arith.mulf %get3A_2072, %get3A_2072 : vector<16xf32>
        %add3A_2075 = arith.addf %add3A_2067, %mul3A_2074 : vector<16xf32>
        %add3A_2076 = arith.constant 16 : i32
        %add3A_2077 = arith.addi %mul3A_1951, %add3A_2076 : i32
        %get3A_2078 = arith.index_cast %add3A_2077 : i32 to index
        %get3A_2079 = arith.constant 0 : index
        %get3A_2080 = tpu.vector_load %arg9[%get3A_2078, %get3A_2079] {strides = array<i32>} : memref<3328x16xf32, #tpu.memory_space<vmem>>, vector<16xf32>,
        %add3A_2081 = arith.addf %add3A_2073, %get3A_2080 : vector<16xf32>
        %mul3A_2082 = arith.mulf %get3A_2080, %get3A_2080 : vector<16xf32>
        %add3A_2083 = arith.addf %add3A_2075, %mul3A_2082 : vector<16xf32>
        %add3A_2084 = arith.constant 17 : i32
        %add3A_2085 = arith.addi %mul3A_1951, %add3A_2084 : i32
        %get3A_2086 = arith.index_cast %add3A_2085 : i32 to index
        %get3A_2087 = arith.constant 0 : index
        %get3A_2088 = tpu.vector_load %arg9[%get3A_2086, %get3A_2087] {strides = array<i32>} : memref<3328x16xf32, #tpu.memory_space<vmem>>, vector<16xf32>,
        %add3A_2089 = arith.addf %add3A_2081, %get3A_2088 : vector<16xf32>
        %mul3A_2090 = arith.mulf %get3A_2088, %get3A_2088 : vector<16xf32>
        %add3A_2091 = arith.addf %add3A_2083, %mul3A_2090 : vector<16xf32>
        %add3A_2092 = arith.constant 18 : i32
        %add3A_2093 = arith.addi %mul3A_1951, %add3A_2092 : i32
        %get3A_2094 = arith.index_cast %add3A_2093 : i32 to index
        %get3A_2095 = arith.constant 0 : index
        %get3A_2096 = tpu.vector_load %arg9[%get3A_2094, %get3A_2095] {strides = array<i32>} : memref<3328x16xf32, #tpu.memory_space<vmem>>, vector<16xf32>,
        %add3A_2097 = arith.addf %add3A_2089, %get3A_2096 : vector<16xf32>
        %mul3A_2098 = arith.mulf %get3A_2096, %get3A_2096 : vector<16xf32>
        %add3A_2099 = arith.addf %add3A_2091, %mul3A_2098 : vector<16xf32>
        %add3A_2100 = arith.constant 19 : i32
        %add3A_2101 = arith.addi %mul3A_1951, %add3A_2100 : i32
        %get3A_2102 = arith.index_cast %add3A_2101 : i32 to index
        %get3A_2103 = arith.constant 0 : index
        %get3A_2104 = tpu.vector_load %arg9[%get3A_2102, %get3A_2103] {strides = array<i32>} : memref<3328x16xf32, #tpu.memory_space<vmem>>, vector<16xf32>,
        %add3A_2105 = arith.addf %add3A_2097, %get3A_2104 : vector<16xf32>
        %mul3A_2106 = arith.mulf %get3A_2104, %get3A_2104 : vector<16xf32>
        %add3A_2107 = arith.addf %add3A_2099, %mul3A_2106 : vector<16xf32>
        %add3A_2108 = arith.constant 20 : i32
        %add3A_2109 = arith.addi %mul3A_1951, %add3A_2108 : i32
        %get3A_2110 = arith.index_cast %add3A_2109 : i32 to index
        %get3A_2111 = arith.constant 0 : index
        %get3A_2112 = tpu.vector_load %arg9[%get3A_2110, %get3A_2111] {strides = array<i32>} : memref<3328x16xf32, #tpu.memory_space<vmem>>, vector<16xf32>,
        %add3A_2113 = arith.addf %add3A_2105, %get3A_2112 : vector<16xf32>
        %mul3A_2114 = arith.mulf %get3A_2112, %get3A_2112 : vector<16xf32>
        %add3A_2115 = arith.addf %add3A_2107, %mul3A_2114 : vector<16xf32>
        %add3A_2116 = arith.constant 21 : i32
        %add3A_2117 = arith.addi %mul3A_1951, %add3A_2116 : i32
        %get3A_2118 = arith.index_cast %add3A_2117 : i32 to index
        %get3A_2119 = arith.constant 0 : index
        %get3A_2120 = tpu.vector_load %arg9[%get3A_2118, %get3A_2119] {strides = array<i32>} : memref<3328x16xf32, #tpu.memory_space<vmem>>, vector<16xf32>,
        %add3A_2121 = arith.addf %add3A_2113, %get3A_2120 : vector<16xf32>
        %mul3A_2122 = arith.mulf %get3A_2120, %get3A_2120 : vector<16xf32>
        %add3A_2123 = arith.addf %add3A_2115, %mul3A_2122 : vector<16xf32>
        %add3A_2124 = arith.constant 22 : i32
        %add3A_2125 = arith.addi %mul3A_1951, %add3A_2124 : i32
        %get3A_2126 = arith.index_cast %add3A_2125 : i32 to index
        %get3A_2127 = arith.constant 0 : index
        %get3A_2128 = tpu.vector_load %arg9[%get3A_2126, %get3A_2127] {strides = array<i32>} : memref<3328x16xf32, #tpu.memory_space<vmem>>, vector<16xf32>,
        %add3A_2129 = arith.addf %add3A_2121, %get3A_2128 : vector<16xf32>
        %mul3A_2130 = arith.mulf %get3A_2128, %get3A_2128 : vector<16xf32>
        %add3A_2131 = arith.addf %add3A_2123, %mul3A_2130 : vector<16xf32>
        %add3A_2132 = arith.constant 23 : i32
        %add3A_2133 = arith.addi %mul3A_1951, %add3A_2132 : i32
        %get3A_2134 = arith.index_cast %add3A_2133 : i32 to index
        %get3A_2135 = arith.constant 0 : index
        %get3A_2136 = tpu.vector_load %arg9[%get3A_2134, %get3A_2135] {strides = array<i32>} : memref<3328x16xf32, #tpu.memory_space<vmem>>, vector<16xf32>,
        %add3A_2137 = arith.addf %add3A_2129, %get3A_2136 : vector<16xf32>
        %mul3A_2138 = arith.mulf %get3A_2136, %get3A_2136 : vector<16xf32>
        %add3A_2139 = arith.addf %add3A_2131, %mul3A_2138 : vector<16xf32>
        %add3A_2140 = arith.constant 24 : i32
        %add3A_2141 = arith.addi %mul3A_1951, %add3A_2140 : i32
        %get3A_2142 = arith.index_cast %add3A_2141 : i32 to index
        %get3A_2143 = arith.constant 0 : index
        %get3A_2144 = tpu.vector_load %arg9[%get3A_2142, %get3A_2143] {strides = array<i32>} : memref<3328x16xf32, #tpu.memory_space<vmem>>, vector<16xf32>,
        %add3A_2145 = arith.addf %add3A_2137, %get3A_2144 : vector<16xf32>
        %mul3A_2146 = arith.mulf %get3A_2144, %get3A_2144 : vector<16xf32>
        %add3A_2147 = arith.addf %add3A_2139, %mul3A_2146 : vector<16xf32>
        %add3A_2148 = arith.constant 25 : i32
        %add3A_2149 = arith.addi %mul3A_1951, %add3A_2148 : i32
        %get3A_2150 = arith.index_cast %add3A_2149 : i32 to index
        %get3A_2151 = arith.constant 0 : index
        %get3A_2152 = tpu.vector_load %arg9[%get3A_2150, %get3A_2151] {strides = array<i32>} : memref<3328x16xf32, #tpu.memory_space<vmem>>, vector<16xf32>,
        %add3A_2153 = arith.addf %add3A_2145, %get3A_2152 : vector<16xf32>
        %mul3A_2154 = arith.mulf %get3A_2152, %get3A_2152 : vector<16xf32>
        %add3A_2155 = arith.addf %add3A_2147, %mul3A_2154 : vector<16xf32>
        %mul3A_2156 = arith.mulf %add3A_2153, %add3A_2153 : vector<16xf32>
        %sub3A_2157 = arith.subf %mul3A_2156, %add3A_2155 : vector<16xf32>
        %mul3A_2158 = arith.constant 5.000000e-01 : f32
        %mul3A_2159 = vector.broadcast %mul3A_2158 : f32 to vector<16xf32>
        %mul3A_2160 = arith.mulf %mul3A_2159, %sub3A_2157 : vector<16xf32>
        %get3A_2161 = arith.index_cast %mul3A_1951 : i32 to index
        %get3A_2162 = tpu.vector_load %arg10[%get3A_2161] {strides = array<i32>} : memref<3344xf32, #tpu.memory_space<vmem>>, vector<16xf32>,
        %add3A_2163 = arith.constant 16 : i32
        %add3A_2164 = arith.addi %mul3A_1951, %add3A_2163 : i32
        %get3A_2165 = arith.index_cast %add3A_2164 : i32 to index
        %get3A_2166 = tpu.vector_load %arg10[%get3A_2165] {strides = array<i32>} : memref<3344xf32, #tpu.memory_space<vmem>>, vector<16xf32>,
        %jit3A_2167 = arith.constant 0.000000e+00 : f32
        %broadcast_in_dim3A_2168 = vector.broadcast %jit3A_2167 : f32 to vector<16xf32>
        %select_n3A_2169 = arith.select %lt3A_9, %get3A_2166, %broadcast_in_dim3A_2168 : vector<16xi1>, vector<16xf32>
        %mul3A_2170 = arith.mulf %mul3A_2160, %get3A_3 : vector<16xf32>
        %add3A_2171 = arith.addf %get3A_2162, %select_n3A_2169 : vector<16xf32>
        %mul3A_2172 = arith.mulf %add3A_2171, %get3A_5 : vector<16xf32>
        %add3A_2173 = arith.addf %mul3A_2170, %mul3A_2172 : vector<16xf32>
        %add3A_2174 = arith.addf %add3A_2173, %get3A_7 : vector<16xf32>
        %eq3A_2175 = arith.constant 8 : i32
        %eq3A_2176 = vector.broadcast %eq3A_2175 : i32 to vector<16xi32>
        %eq3A_2177 = arith.cmpi eq, %iota3A, %eq3A_2176 : vector<16xi32>
        %reduce_sum3A_2178 = arith.constant true
        %reduce_sum3A_2179 = vector.broadcast %reduce_sum3A_2178 : i1 to vector<16xi1>
        %reduce_sum3A_2180 = tpu.scan <sum>, %add3A_2174 masked %reduce_sum3A_2179 : vector<16xf32>, vector<16xi1> -> vector<16xf32>
        %reduce_sum3A_2181 = vector.extract %reduce_sum3A_2180[15] : f32 from vector<16xf32>
        %broadcast_in_dim3A_2182 = vector.broadcast %reduce_sum3A_2181 : f32 to vector<16xf32>
        %select_n3A_2183 = arith.select %eq3A_2177, %broadcast_in_dim3A_2182, %select_n3A_1945 : vector<16xi1>, vector<16xf32>
        %mul3A_2184 = arith.constant 16 : i32
        %mul3A_2185 = arith.muli %scan3A_45, %mul3A_2184 : i32
        %add3A_2186 = arith.constant 9 : i32
        %add3A_2187 = arith.addi %mul3A_2185, %add3A_2186 : i32
        %mul3A_2188 = arith.constant 26 : i32
        %mul3A_2189 = arith.muli %add3A_2187, %mul3A_2188 : i32
        %get3A_2190 = arith.index_cast %mul3A_2189 : i32 to index
        %get3A_2191 = arith.constant 0 : index
        %get3A_2192 = tpu.vector_load %arg9[%get3A_2190, %get3A_2191] {strides = array<i32>} : memref<3328x16xf32, #tpu.memory_space<vmem>>, vector<16xf32>,
        %mul3A_2193 = arith.mulf %get3A_2192, %get3A_2192 : vector<16xf32>
        %add3A_2194 = arith.constant 1 : i32
        %add3A_2195 = arith.addi %mul3A_2189, %add3A_2194 : i32
        %get3A_2196 = arith.index_cast %add3A_2195 : i32 to index
        %get3A_2197 = arith.constant 0 : index
        %get3A_2198 = tpu.vector_load %arg9[%get3A_2196, %get3A_2197] {strides = array<i32>} : memref<3328x16xf32, #tpu.memory_space<vmem>>, vector<16xf32>,
        %add3A_2199 = arith.addf %get3A_2192, %get3A_2198 : vector<16xf32>
        %mul3A_2200 = arith.mulf %get3A_2198, %get3A_2198 : vector<16xf32>
        %add3A_2201 = arith.addf %mul3A_2193, %mul3A_2200 : vector<16xf32>
        %add3A_2202 = arith.constant 2 : i32
        %add3A_2203 = arith.addi %mul3A_2189, %add3A_2202 : i32
        %get3A_2204 = arith.index_cast %add3A_2203 : i32 to index
        %get3A_2205 = arith.constant 0 : index
        %get3A_2206 = tpu.vector_load %arg9[%get3A_2204, %get3A_2205] {strides = array<i32>} : memref<3328x16xf32, #tpu.memory_space<vmem>>, vector<16xf32>,
        %add3A_2207 = arith.addf %add3A_2199, %get3A_2206 : vector<16xf32>
        %mul3A_2208 = arith.mulf %get3A_2206, %get3A_2206 : vector<16xf32>
        %add3A_2209 = arith.addf %add3A_2201, %mul3A_2208 : vector<16xf32>
        %add3A_2210 = arith.constant 3 : i32
        %add3A_2211 = arith.addi %mul3A_2189, %add3A_2210 : i32
        %get3A_2212 = arith.index_cast %add3A_2211 : i32 to index
        %get3A_2213 = arith.constant 0 : index
        %get3A_2214 = tpu.vector_load %arg9[%get3A_2212, %get3A_2213] {strides = array<i32>} : memref<3328x16xf32, #tpu.memory_space<vmem>>, vector<16xf32>,
        %add3A_2215 = arith.addf %add3A_2207, %get3A_2214 : vector<16xf32>
        %mul3A_2216 = arith.mulf %get3A_2214, %get3A_2214 : vector<16xf32>
        %add3A_2217 = arith.addf %add3A_2209, %mul3A_2216 : vector<16xf32>
        %add3A_2218 = arith.constant 4 : i32
        %add3A_2219 = arith.addi %mul3A_2189, %add3A_2218 : i32
        %get3A_2220 = arith.index_cast %add3A_2219 : i32 to index
        %get3A_2221 = arith.constant 0 : index
        %get3A_2222 = tpu.vector_load %arg9[%get3A_2220, %get3A_2221] {strides = array<i32>} : memref<3328x16xf32, #tpu.memory_space<vmem>>, vector<16xf32>,
        %add3A_2223 = arith.addf %add3A_2215, %get3A_2222 : vector<16xf32>
        %mul3A_2224 = arith.mulf %get3A_2222, %get3A_2222 : vector<16xf32>
        %add3A_2225 = arith.addf %add3A_2217, %mul3A_2224 : vector<16xf32>
        %add3A_2226 = arith.constant 5 : i32
        %add3A_2227 = arith.addi %mul3A_2189, %add3A_2226 : i32
        %get3A_2228 = arith.index_cast %add3A_2227 : i32 to index
        %get3A_2229 = arith.constant 0 : index
        %get3A_2230 = tpu.vector_load %arg9[%get3A_2228, %get3A_2229] {strides = array<i32>} : memref<3328x16xf32, #tpu.memory_space<vmem>>, vector<16xf32>,
        %add3A_2231 = arith.addf %add3A_2223, %get3A_2230 : vector<16xf32>
        %mul3A_2232 = arith.mulf %get3A_2230, %get3A_2230 : vector<16xf32>
        %add3A_2233 = arith.addf %add3A_2225, %mul3A_2232 : vector<16xf32>
        %add3A_2234 = arith.constant 6 : i32
        %add3A_2235 = arith.addi %mul3A_2189, %add3A_2234 : i32
        %get3A_2236 = arith.index_cast %add3A_2235 : i32 to index
        %get3A_2237 = arith.constant 0 : index
        %get3A_2238 = tpu.vector_load %arg9[%get3A_2236, %get3A_2237] {strides = array<i32>} : memref<3328x16xf32, #tpu.memory_space<vmem>>, vector<16xf32>,
        %add3A_2239 = arith.addf %add3A_2231, %get3A_2238 : vector<16xf32>
        %mul3A_2240 = arith.mulf %get3A_2238, %get3A_2238 : vector<16xf32>
        %add3A_2241 = arith.addf %add3A_2233, %mul3A_2240 : vector<16xf32>
        %add3A_2242 = arith.constant 7 : i32
        %add3A_2243 = arith.addi %mul3A_2189, %add3A_2242 : i32
        %get3A_2244 = arith.index_cast %add3A_2243 : i32 to index
        %get3A_2245 = arith.constant 0 : index
        %get3A_2246 = tpu.vector_load %arg9[%get3A_2244, %get3A_2245] {strides = array<i32>} : memref<3328x16xf32, #tpu.memory_space<vmem>>, vector<16xf32>,
        %add3A_2247 = arith.addf %add3A_2239, %get3A_2246 : vector<16xf32>
        %mul3A_2248 = arith.mulf %get3A_2246, %get3A_2246 : vector<16xf32>
        %add3A_2249 = arith.addf %add3A_2241, %mul3A_2248 : vector<16xf32>
        %add3A_2250 = arith.constant 8 : i32
        %add3A_2251 = arith.addi %mul3A_2189, %add3A_2250 : i32
        %get3A_2252 = arith.index_cast %add3A_2251 : i32 to index
        %get3A_2253 = arith.constant 0 : index
        %get3A_2254 = tpu.vector_load %arg9[%get3A_2252, %get3A_2253] {strides = array<i32>} : memref<3328x16xf32, #tpu.memory_space<vmem>>, vector<16xf32>,
        %add3A_2255 = arith.addf %add3A_2247, %get3A_2254 : vector<16xf32>
        %mul3A_2256 = arith.mulf %get3A_2254, %get3A_2254 : vector<16xf32>
        %add3A_2257 = arith.addf %add3A_2249, %mul3A_2256 : vector<16xf32>
        %add3A_2258 = arith.constant 9 : i32
        %add3A_2259 = arith.addi %mul3A_2189, %add3A_2258 : i32
        %get3A_2260 = arith.index_cast %add3A_2259 : i32 to index
        %get3A_2261 = arith.constant 0 : index
        %get3A_2262 = tpu.vector_load %arg9[%get3A_2260, %get3A_2261] {strides = array<i32>} : memref<3328x16xf32, #tpu.memory_space<vmem>>, vector<16xf32>,
        %add3A_2263 = arith.addf %add3A_2255, %get3A_2262 : vector<16xf32>
        %mul3A_2264 = arith.mulf %get3A_2262, %get3A_2262 : vector<16xf32>
        %add3A_2265 = arith.addf %add3A_2257, %mul3A_2264 : vector<16xf32>
        %add3A_2266 = arith.constant 10 : i32
        %add3A_2267 = arith.addi %mul3A_2189, %add3A_2266 : i32
        %get3A_2268 = arith.index_cast %add3A_2267 : i32 to index
        %get3A_2269 = arith.constant 0 : index
        %get3A_2270 = tpu.vector_load %arg9[%get3A_2268, %get3A_2269] {strides = array<i32>} : memref<3328x16xf32, #tpu.memory_space<vmem>>, vector<16xf32>,
        %add3A_2271 = arith.addf %add3A_2263, %get3A_2270 : vector<16xf32>
        %mul3A_2272 = arith.mulf %get3A_2270, %get3A_2270 : vector<16xf32>
        %add3A_2273 = arith.addf %add3A_2265, %mul3A_2272 : vector<16xf32>
        %add3A_2274 = arith.constant 11 : i32
        %add3A_2275 = arith.addi %mul3A_2189, %add3A_2274 : i32
        %get3A_2276 = arith.index_cast %add3A_2275 : i32 to index
        %get3A_2277 = arith.constant 0 : index
        %get3A_2278 = tpu.vector_load %arg9[%get3A_2276, %get3A_2277] {strides = array<i32>} : memref<3328x16xf32, #tpu.memory_space<vmem>>, vector<16xf32>,
        %add3A_2279 = arith.addf %add3A_2271, %get3A_2278 : vector<16xf32>
        %mul3A_2280 = arith.mulf %get3A_2278, %get3A_2278 : vector<16xf32>
        %add3A_2281 = arith.addf %add3A_2273, %mul3A_2280 : vector<16xf32>
        %add3A_2282 = arith.constant 12 : i32
        %add3A_2283 = arith.addi %mul3A_2189, %add3A_2282 : i32
        %get3A_2284 = arith.index_cast %add3A_2283 : i32 to index
        %get3A_2285 = arith.constant 0 : index
        %get3A_2286 = tpu.vector_load %arg9[%get3A_2284, %get3A_2285] {strides = array<i32>} : memref<3328x16xf32, #tpu.memory_space<vmem>>, vector<16xf32>,
        %add3A_2287 = arith.addf %add3A_2279, %get3A_2286 : vector<16xf32>
        %mul3A_2288 = arith.mulf %get3A_2286, %get3A_2286 : vector<16xf32>
        %add3A_2289 = arith.addf %add3A_2281, %mul3A_2288 : vector<16xf32>
        %add3A_2290 = arith.constant 13 : i32
        %add3A_2291 = arith.addi %mul3A_2189, %add3A_2290 : i32
        %get3A_2292 = arith.index_cast %add3A_2291 : i32 to index
        %get3A_2293 = arith.constant 0 : index
        %get3A_2294 = tpu.vector_load %arg9[%get3A_2292, %get3A_2293] {strides = array<i32>} : memref<3328x16xf32, #tpu.memory_space<vmem>>, vector<16xf32>,
        %add3A_2295 = arith.addf %add3A_2287, %get3A_2294 : vector<16xf32>
        %mul3A_2296 = arith.mulf %get3A_2294, %get3A_2294 : vector<16xf32>
        %add3A_2297 = arith.addf %add3A_2289, %mul3A_2296 : vector<16xf32>
        %add3A_2298 = arith.constant 14 : i32
        %add3A_2299 = arith.addi %mul3A_2189, %add3A_2298 : i32
        %get3A_2300 = arith.index_cast %add3A_2299 : i32 to index
        %get3A_2301 = arith.constant 0 : index
        %get3A_2302 = tpu.vector_load %arg9[%get3A_2300, %get3A_2301] {strides = array<i32>} : memref<3328x16xf32, #tpu.memory_space<vmem>>, vector<16xf32>,
        %add3A_2303 = arith.addf %add3A_2295, %get3A_2302 : vector<16xf32>
        %mul3A_2304 = arith.mulf %get3A_2302, %get3A_2302 : vector<16xf32>
        %add3A_2305 = arith.addf %add3A_2297, %mul3A_2304 : vector<16xf32>
        %add3A_2306 = arith.constant 15 : i32
        %add3A_2307 = arith.addi %mul3A_2189, %add3A_2306 : i32
        %get3A_2308 = arith.index_cast %add3A_2307 : i32 to index
        %get3A_2309 = arith.constant 0 : index
        %get3A_2310 = tpu.vector_load %arg9[%get3A_2308, %get3A_2309] {strides = array<i32>} : memref<3328x16xf32, #tpu.memory_space<vmem>>, vector<16xf32>,
        %add3A_2311 = arith.addf %add3A_2303, %get3A_2310 : vector<16xf32>
        %mul3A_2312 = arith.mulf %get3A_2310, %get3A_2310 : vector<16xf32>
        %add3A_2313 = arith.addf %add3A_2305, %mul3A_2312 : vector<16xf32>
        %add3A_2314 = arith.constant 16 : i32
        %add3A_2315 = arith.addi %mul3A_2189, %add3A_2314 : i32
        %get3A_2316 = arith.index_cast %add3A_2315 : i32 to index
        %get3A_2317 = arith.constant 0 : index
        %get3A_2318 = tpu.vector_load %arg9[%get3A_2316, %get3A_2317] {strides = array<i32>} : memref<3328x16xf32, #tpu.memory_space<vmem>>, vector<16xf32>,
        %add3A_2319 = arith.addf %add3A_2311, %get3A_2318 : vector<16xf32>
        %mul3A_2320 = arith.mulf %get3A_2318, %get3A_2318 : vector<16xf32>
        %add3A_2321 = arith.addf %add3A_2313, %mul3A_2320 : vector<16xf32>
        %add3A_2322 = arith.constant 17 : i32
        %add3A_2323 = arith.addi %mul3A_2189, %add3A_2322 : i32
        %get3A_2324 = arith.index_cast %add3A_2323 : i32 to index
        %get3A_2325 = arith.constant 0 : index
        %get3A_2326 = tpu.vector_load %arg9[%get3A_2324, %get3A_2325] {strides = array<i32>} : memref<3328x16xf32, #tpu.memory_space<vmem>>, vector<16xf32>,
        %add3A_2327 = arith.addf %add3A_2319, %get3A_2326 : vector<16xf32>
        %mul3A_2328 = arith.mulf %get3A_2326, %get3A_2326 : vector<16xf32>
        %add3A_2329 = arith.addf %add3A_2321, %mul3A_2328 : vector<16xf32>
        %add3A_2330 = arith.constant 18 : i32
        %add3A_2331 = arith.addi %mul3A_2189, %add3A_2330 : i32
        %get3A_2332 = arith.index_cast %add3A_2331 : i32 to index
        %get3A_2333 = arith.constant 0 : index
        %get3A_2334 = tpu.vector_load %arg9[%get3A_2332, %get3A_2333] {strides = array<i32>} : memref<3328x16xf32, #tpu.memory_space<vmem>>, vector<16xf32>,
        %add3A_2335 = arith.addf %add3A_2327, %get3A_2334 : vector<16xf32>
        %mul3A_2336 = arith.mulf %get3A_2334, %get3A_2334 : vector<16xf32>
        %add3A_2337 = arith.addf %add3A_2329, %mul3A_2336 : vector<16xf32>
        %add3A_2338 = arith.constant 19 : i32
        %add3A_2339 = arith.addi %mul3A_2189, %add3A_2338 : i32
        %get3A_2340 = arith.index_cast %add3A_2339 : i32 to index
        %get3A_2341 = arith.constant 0 : index
        %get3A_2342 = tpu.vector_load %arg9[%get3A_2340, %get3A_2341] {strides = array<i32>} : memref<3328x16xf32, #tpu.memory_space<vmem>>, vector<16xf32>,
        %add3A_2343 = arith.addf %add3A_2335, %get3A_2342 : vector<16xf32>
        %mul3A_2344 = arith.mulf %get3A_2342, %get3A_2342 : vector<16xf32>
        %add3A_2345 = arith.addf %add3A_2337, %mul3A_2344 : vector<16xf32>
        %add3A_2346 = arith.constant 20 : i32
        %add3A_2347 = arith.addi %mul3A_2189, %add3A_2346 : i32
        %get3A_2348 = arith.index_cast %add3A_2347 : i32 to index
        %get3A_2349 = arith.constant 0 : index
        %get3A_2350 = tpu.vector_load %arg9[%get3A_2348, %get3A_2349] {strides = array<i32>} : memref<3328x16xf32, #tpu.memory_space<vmem>>, vector<16xf32>,
        %add3A_2351 = arith.addf %add3A_2343, %get3A_2350 : vector<16xf32>
        %mul3A_2352 = arith.mulf %get3A_2350, %get3A_2350 : vector<16xf32>
        %add3A_2353 = arith.addf %add3A_2345, %mul3A_2352 : vector<16xf32>
        %add3A_2354 = arith.constant 21 : i32
        %add3A_2355 = arith.addi %mul3A_2189, %add3A_2354 : i32
        %get3A_2356 = arith.index_cast %add3A_2355 : i32 to index
        %get3A_2357 = arith.constant 0 : index
        %get3A_2358 = tpu.vector_load %arg9[%get3A_2356, %get3A_2357] {strides = array<i32>} : memref<3328x16xf32, #tpu.memory_space<vmem>>, vector<16xf32>,
        %add3A_2359 = arith.addf %add3A_2351, %get3A_2358 : vector<16xf32>
        %mul3A_2360 = arith.mulf %get3A_2358, %get3A_2358 : vector<16xf32>
        %add3A_2361 = arith.addf %add3A_2353, %mul3A_2360 : vector<16xf32>
        %add3A_2362 = arith.constant 22 : i32
        %add3A_2363 = arith.addi %mul3A_2189, %add3A_2362 : i32
        %get3A_2364 = arith.index_cast %add3A_2363 : i32 to index
        %get3A_2365 = arith.constant 0 : index
        %get3A_2366 = tpu.vector_load %arg9[%get3A_2364, %get3A_2365] {strides = array<i32>} : memref<3328x16xf32, #tpu.memory_space<vmem>>, vector<16xf32>,
        %add3A_2367 = arith.addf %add3A_2359, %get3A_2366 : vector<16xf32>
        %mul3A_2368 = arith.mulf %get3A_2366, %get3A_2366 : vector<16xf32>
        %add3A_2369 = arith.addf %add3A_2361, %mul3A_2368 : vector<16xf32>
        %add3A_2370 = arith.constant 23 : i32
        %add3A_2371 = arith.addi %mul3A_2189, %add3A_2370 : i32
        %get3A_2372 = arith.index_cast %add3A_2371 : i32 to index
        %get3A_2373 = arith.constant 0 : index
        %get3A_2374 = tpu.vector_load %arg9[%get3A_2372, %get3A_2373] {strides = array<i32>} : memref<3328x16xf32, #tpu.memory_space<vmem>>, vector<16xf32>,
        %add3A_2375 = arith.addf %add3A_2367, %get3A_2374 : vector<16xf32>
        %mul3A_2376 = arith.mulf %get3A_2374, %get3A_2374 : vector<16xf32>
        %add3A_2377 = arith.addf %add3A_2369, %mul3A_2376 : vector<16xf32>
        %add3A_2378 = arith.constant 24 : i32
        %add3A_2379 = arith.addi %mul3A_2189, %add3A_2378 : i32
        %get3A_2380 = arith.index_cast %add3A_2379 : i32 to index
        %get3A_2381 = arith.constant 0 : index
        %get3A_2382 = tpu.vector_load %arg9[%get3A_2380, %get3A_2381] {strides = array<i32>} : memref<3328x16xf32, #tpu.memory_space<vmem>>, vector<16xf32>,
        %add3A_2383 = arith.addf %add3A_2375, %get3A_2382 : vector<16xf32>
        %mul3A_2384 = arith.mulf %get3A_2382, %get3A_2382 : vector<16xf32>
        %add3A_2385 = arith.addf %add3A_2377, %mul3A_2384 : vector<16xf32>
        %add3A_2386 = arith.constant 25 : i32
        %add3A_2387 = arith.addi %mul3A_2189, %add3A_2386 : i32
        %get3A_2388 = arith.index_cast %add3A_2387 : i32 to index
        %get3A_2389 = arith.constant 0 : index
        %get3A_2390 = tpu.vector_load %arg9[%get3A_2388, %get3A_2389] {strides = array<i32>} : memref<3328x16xf32, #tpu.memory_space<vmem>>, vector<16xf32>,
        %add3A_2391 = arith.addf %add3A_2383, %get3A_2390 : vector<16xf32>
        %mul3A_2392 = arith.mulf %get3A_2390, %get3A_2390 : vector<16xf32>
        %add3A_2393 = arith.addf %add3A_2385, %mul3A_2392 : vector<16xf32>
        %mul3A_2394 = arith.mulf %add3A_2391, %add3A_2391 : vector<16xf32>
        %sub3A_2395 = arith.subf %mul3A_2394, %add3A_2393 : vector<16xf32>
        %mul3A_2396 = arith.constant 5.000000e-01 : f32
        %mul3A_2397 = vector.broadcast %mul3A_2396 : f32 to vector<16xf32>
        %mul3A_2398 = arith.mulf %mul3A_2397, %sub3A_2395 : vector<16xf32>
        %get3A_2399 = arith.index_cast %mul3A_2189 : i32 to index
        %get3A_2400 = tpu.vector_load %arg10[%get3A_2399] {strides = array<i32>} : memref<3344xf32, #tpu.memory_space<vmem>>, vector<16xf32>,
        %add3A_2401 = arith.constant 16 : i32
        %add3A_2402 = arith.addi %mul3A_2189, %add3A_2401 : i32
        %get3A_2403 = arith.index_cast %add3A_2402 : i32 to index
        %get3A_2404 = tpu.vector_load %arg10[%get3A_2403] {strides = array<i32>} : memref<3344xf32, #tpu.memory_space<vmem>>, vector<16xf32>,
        %jit3A_2405 = arith.constant 0.000000e+00 : f32
        %broadcast_in_dim3A_2406 = vector.broadcast %jit3A_2405 : f32 to vector<16xf32>
        %select_n3A_2407 = arith.select %lt3A_9, %get3A_2404, %broadcast_in_dim3A_2406 : vector<16xi1>, vector<16xf32>
        %mul3A_2408 = arith.mulf %mul3A_2398, %get3A_3 : vector<16xf32>
        %add3A_2409 = arith.addf %get3A_2400, %select_n3A_2407 : vector<16xf32>
        %mul3A_2410 = arith.mulf %add3A_2409, %get3A_5 : vector<16xf32>
        %add3A_2411 = arith.addf %mul3A_2408, %mul3A_2410 : vector<16xf32>
        %add3A_2412 = arith.addf %add3A_2411, %get3A_7 : vector<16xf32>
        %eq3A_2413 = arith.constant 9 : i32
        %eq3A_2414 = vector.broadcast %eq3A_2413 : i32 to vector<16xi32>
        %eq3A_2415 = arith.cmpi eq, %iota3A, %eq3A_2414 : vector<16xi32>
        %reduce_sum3A_2416 = arith.constant true
        %reduce_sum3A_2417 = vector.broadcast %reduce_sum3A_2416 : i1 to vector<16xi1>
        %reduce_sum3A_2418 = tpu.scan <sum>, %add3A_2412 masked %reduce_sum3A_2417 : vector<16xf32>, vector<16xi1> -> vector<16xf32>
        %reduce_sum3A_2419 = vector.extract %reduce_sum3A_2418[15] : f32 from vector<16xf32>
        %broadcast_in_dim3A_2420 = vector.broadcast %reduce_sum3A_2419 : f32 to vector<16xf32>
        %select_n3A_2421 = arith.select %eq3A_2415, %broadcast_in_dim3A_2420, %select_n3A_2183 : vector<16xi1>, vector<16xf32>
        %mul3A_2422 = arith.constant 16 : i32
        %mul3A_2423 = arith.muli %scan3A_45, %mul3A_2422 : i32
        %add3A_2424 = arith.constant 10 : i32
        %add3A_2425 = arith.addi %mul3A_2423, %add3A_2424 : i32
        %mul3A_2426 = arith.constant 26 : i32
        %mul3A_2427 = arith.muli %add3A_2425, %mul3A_2426 : i32
        %get3A_2428 = arith.index_cast %mul3A_2427 : i32 to index
        %get3A_2429 = arith.constant 0 : index
        %get3A_2430 = tpu.vector_load %arg9[%get3A_2428, %get3A_2429] {strides = array<i32>} : memref<3328x16xf32, #tpu.memory_space<vmem>>, vector<16xf32>,
        %mul3A_2431 = arith.mulf %get3A_2430, %get3A_2430 : vector<16xf32>
        %add3A_2432 = arith.constant 1 : i32
        %add3A_2433 = arith.addi %mul3A_2427, %add3A_2432 : i32
        %get3A_2434 = arith.index_cast %add3A_2433 : i32 to index
        %get3A_2435 = arith.constant 0 : index
        %get3A_2436 = tpu.vector_load %arg9[%get3A_2434, %get3A_2435] {strides = array<i32>} : memref<3328x16xf32, #tpu.memory_space<vmem>>, vector<16xf32>,
        %add3A_2437 = arith.addf %get3A_2430, %get3A_2436 : vector<16xf32>
        %mul3A_2438 = arith.mulf %get3A_2436, %get3A_2436 : vector<16xf32>
        %add3A_2439 = arith.addf %mul3A_2431, %mul3A_2438 : vector<16xf32>
        %add3A_2440 = arith.constant 2 : i32
        %add3A_2441 = arith.addi %mul3A_2427, %add3A_2440 : i32
        %get3A_2442 = arith.index_cast %add3A_2441 : i32 to index
        %get3A_2443 = arith.constant 0 : index
        %get3A_2444 = tpu.vector_load %arg9[%get3A_2442, %get3A_2443] {strides = array<i32>} : memref<3328x16xf32, #tpu.memory_space<vmem>>, vector<16xf32>,
        %add3A_2445 = arith.addf %add3A_2437, %get3A_2444 : vector<16xf32>
        %mul3A_2446 = arith.mulf %get3A_2444, %get3A_2444 : vector<16xf32>
        %add3A_2447 = arith.addf %add3A_2439, %mul3A_2446 : vector<16xf32>
        %add3A_2448 = arith.constant 3 : i32
        %add3A_2449 = arith.addi %mul3A_2427, %add3A_2448 : i32
        %get3A_2450 = arith.index_cast %add3A_2449 : i32 to index
        %get3A_2451 = arith.constant 0 : index
        %get3A_2452 = tpu.vector_load %arg9[%get3A_2450, %get3A_2451] {strides = array<i32>} : memref<3328x16xf32, #tpu.memory_space<vmem>>, vector<16xf32>,
        %add3A_2453 = arith.addf %add3A_2445, %get3A_2452 : vector<16xf32>
        %mul3A_2454 = arith.mulf %get3A_2452, %get3A_2452 : vector<16xf32>
        %add3A_2455 = arith.addf %add3A_2447, %mul3A_2454 : vector<16xf32>
        %add3A_2456 = arith.constant 4 : i32
        %add3A_2457 = arith.addi %mul3A_2427, %add3A_2456 : i32
        %get3A_2458 = arith.index_cast %add3A_2457 : i32 to index
        %get3A_2459 = arith.constant 0 : index
        %get3A_2460 = tpu.vector_load %arg9[%get3A_2458, %get3A_2459] {strides = array<i32>} : memref<3328x16xf32, #tpu.memory_space<vmem>>, vector<16xf32>,
        %add3A_2461 = arith.addf %add3A_2453, %get3A_2460 : vector<16xf32>
        %mul3A_2462 = arith.mulf %get3A_2460, %get3A_2460 : vector<16xf32>
        %add3A_2463 = arith.addf %add3A_2455, %mul3A_2462 : vector<16xf32>
        %add3A_2464 = arith.constant 5 : i32
        %add3A_2465 = arith.addi %mul3A_2427, %add3A_2464 : i32
        %get3A_2466 = arith.index_cast %add3A_2465 : i32 to index
        %get3A_2467 = arith.constant 0 : index
        %get3A_2468 = tpu.vector_load %arg9[%get3A_2466, %get3A_2467] {strides = array<i32>} : memref<3328x16xf32, #tpu.memory_space<vmem>>, vector<16xf32>,
        %add3A_2469 = arith.addf %add3A_2461, %get3A_2468 : vector<16xf32>
        %mul3A_2470 = arith.mulf %get3A_2468, %get3A_2468 : vector<16xf32>
        %add3A_2471 = arith.addf %add3A_2463, %mul3A_2470 : vector<16xf32>
        %add3A_2472 = arith.constant 6 : i32
        %add3A_2473 = arith.addi %mul3A_2427, %add3A_2472 : i32
        %get3A_2474 = arith.index_cast %add3A_2473 : i32 to index
        %get3A_2475 = arith.constant 0 : index
        %get3A_2476 = tpu.vector_load %arg9[%get3A_2474, %get3A_2475] {strides = array<i32>} : memref<3328x16xf32, #tpu.memory_space<vmem>>, vector<16xf32>,
        %add3A_2477 = arith.addf %add3A_2469, %get3A_2476 : vector<16xf32>
        %mul3A_2478 = arith.mulf %get3A_2476, %get3A_2476 : vector<16xf32>
        %add3A_2479 = arith.addf %add3A_2471, %mul3A_2478 : vector<16xf32>
        %add3A_2480 = arith.constant 7 : i32
        %add3A_2481 = arith.addi %mul3A_2427, %add3A_2480 : i32
        %get3A_2482 = arith.index_cast %add3A_2481 : i32 to index
        %get3A_2483 = arith.constant 0 : index
        %get3A_2484 = tpu.vector_load %arg9[%get3A_2482, %get3A_2483] {strides = array<i32>} : memref<3328x16xf32, #tpu.memory_space<vmem>>, vector<16xf32>,
        %add3A_2485 = arith.addf %add3A_2477, %get3A_2484 : vector<16xf32>
        %mul3A_2486 = arith.mulf %get3A_2484, %get3A_2484 : vector<16xf32>
        %add3A_2487 = arith.addf %add3A_2479, %mul3A_2486 : vector<16xf32>
        %add3A_2488 = arith.constant 8 : i32
        %add3A_2489 = arith.addi %mul3A_2427, %add3A_2488 : i32
        %get3A_2490 = arith.index_cast %add3A_2489 : i32 to index
        %get3A_2491 = arith.constant 0 : index
        %get3A_2492 = tpu.vector_load %arg9[%get3A_2490, %get3A_2491] {strides = array<i32>} : memref<3328x16xf32, #tpu.memory_space<vmem>>, vector<16xf32>,
        %add3A_2493 = arith.addf %add3A_2485, %get3A_2492 : vector<16xf32>
        %mul3A_2494 = arith.mulf %get3A_2492, %get3A_2492 : vector<16xf32>
        %add3A_2495 = arith.addf %add3A_2487, %mul3A_2494 : vector<16xf32>
        %add3A_2496 = arith.constant 9 : i32
        %add3A_2497 = arith.addi %mul3A_2427, %add3A_2496 : i32
        %get3A_2498 = arith.index_cast %add3A_2497 : i32 to index
        %get3A_2499 = arith.constant 0 : index
        %get3A_2500 = tpu.vector_load %arg9[%get3A_2498, %get3A_2499] {strides = array<i32>} : memref<3328x16xf32, #tpu.memory_space<vmem>>, vector<16xf32>,
        %add3A_2501 = arith.addf %add3A_2493, %get3A_2500 : vector<16xf32>
        %mul3A_2502 = arith.mulf %get3A_2500, %get3A_2500 : vector<16xf32>
        %add3A_2503 = arith.addf %add3A_2495, %mul3A_2502 : vector<16xf32>
        %add3A_2504 = arith.constant 10 : i32
        %add3A_2505 = arith.addi %mul3A_2427, %add3A_2504 : i32
        %get3A_2506 = arith.index_cast %add3A_2505 : i32 to index
        %get3A_2507 = arith.constant 0 : index
        %get3A_2508 = tpu.vector_load %arg9[%get3A_2506, %get3A_2507] {strides = array<i32>} : memref<3328x16xf32, #tpu.memory_space<vmem>>, vector<16xf32>,
        %add3A_2509 = arith.addf %add3A_2501, %get3A_2508 : vector<16xf32>
        %mul3A_2510 = arith.mulf %get3A_2508, %get3A_2508 : vector<16xf32>
        %add3A_2511 = arith.addf %add3A_2503, %mul3A_2510 : vector<16xf32>
        %add3A_2512 = arith.constant 11 : i32
        %add3A_2513 = arith.addi %mul3A_2427, %add3A_2512 : i32
        %get3A_2514 = arith.index_cast %add3A_2513 : i32 to index
        %get3A_2515 = arith.constant 0 : index
        %get3A_2516 = tpu.vector_load %arg9[%get3A_2514, %get3A_2515] {strides = array<i32>} : memref<3328x16xf32, #tpu.memory_space<vmem>>, vector<16xf32>,
        %add3A_2517 = arith.addf %add3A_2509, %get3A_2516 : vector<16xf32>
        %mul3A_2518 = arith.mulf %get3A_2516, %get3A_2516 : vector<16xf32>
        %add3A_2519 = arith.addf %add3A_2511, %mul3A_2518 : vector<16xf32>
        %add3A_2520 = arith.constant 12 : i32
        %add3A_2521 = arith.addi %mul3A_2427, %add3A_2520 : i32
        %get3A_2522 = arith.index_cast %add3A_2521 : i32 to index
        %get3A_2523 = arith.constant 0 : index
        %get3A_2524 = tpu.vector_load %arg9[%get3A_2522, %get3A_2523] {strides = array<i32>} : memref<3328x16xf32, #tpu.memory_space<vmem>>, vector<16xf32>,
        %add3A_2525 = arith.addf %add3A_2517, %get3A_2524 : vector<16xf32>
        %mul3A_2526 = arith.mulf %get3A_2524, %get3A_2524 : vector<16xf32>
        %add3A_2527 = arith.addf %add3A_2519, %mul3A_2526 : vector<16xf32>
        %add3A_2528 = arith.constant 13 : i32
        %add3A_2529 = arith.addi %mul3A_2427, %add3A_2528 : i32
        %get3A_2530 = arith.index_cast %add3A_2529 : i32 to index
        %get3A_2531 = arith.constant 0 : index
        %get3A_2532 = tpu.vector_load %arg9[%get3A_2530, %get3A_2531] {strides = array<i32>} : memref<3328x16xf32, #tpu.memory_space<vmem>>, vector<16xf32>,
        %add3A_2533 = arith.addf %add3A_2525, %get3A_2532 : vector<16xf32>
        %mul3A_2534 = arith.mulf %get3A_2532, %get3A_2532 : vector<16xf32>
        %add3A_2535 = arith.addf %add3A_2527, %mul3A_2534 : vector<16xf32>
        %add3A_2536 = arith.constant 14 : i32
        %add3A_2537 = arith.addi %mul3A_2427, %add3A_2536 : i32
        %get3A_2538 = arith.index_cast %add3A_2537 : i32 to index
        %get3A_2539 = arith.constant 0 : index
        %get3A_2540 = tpu.vector_load %arg9[%get3A_2538, %get3A_2539] {strides = array<i32>} : memref<3328x16xf32, #tpu.memory_space<vmem>>, vector<16xf32>,
        %add3A_2541 = arith.addf %add3A_2533, %get3A_2540 : vector<16xf32>
        %mul3A_2542 = arith.mulf %get3A_2540, %get3A_2540 : vector<16xf32>
        %add3A_2543 = arith.addf %add3A_2535, %mul3A_2542 : vector<16xf32>
        %add3A_2544 = arith.constant 15 : i32
        %add3A_2545 = arith.addi %mul3A_2427, %add3A_2544 : i32
        %get3A_2546 = arith.index_cast %add3A_2545 : i32 to index
        %get3A_2547 = arith.constant 0 : index
        %get3A_2548 = tpu.vector_load %arg9[%get3A_2546, %get3A_2547] {strides = array<i32>} : memref<3328x16xf32, #tpu.memory_space<vmem>>, vector<16xf32>,
        %add3A_2549 = arith.addf %add3A_2541, %get3A_2548 : vector<16xf32>
        %mul3A_2550 = arith.mulf %get3A_2548, %get3A_2548 : vector<16xf32>
        %add3A_2551 = arith.addf %add3A_2543, %mul3A_2550 : vector<16xf32>
        %add3A_2552 = arith.constant 16 : i32
        %add3A_2553 = arith.addi %mul3A_2427, %add3A_2552 : i32
        %get3A_2554 = arith.index_cast %add3A_2553 : i32 to index
        %get3A_2555 = arith.constant 0 : index
        %get3A_2556 = tpu.vector_load %arg9[%get3A_2554, %get3A_2555] {strides = array<i32>} : memref<3328x16xf32, #tpu.memory_space<vmem>>, vector<16xf32>,
        %add3A_2557 = arith.addf %add3A_2549, %get3A_2556 : vector<16xf32>
        %mul3A_2558 = arith.mulf %get3A_2556, %get3A_2556 : vector<16xf32>
        %add3A_2559 = arith.addf %add3A_2551, %mul3A_2558 : vector<16xf32>
        %add3A_2560 = arith.constant 17 : i32
        %add3A_2561 = arith.addi %mul3A_2427, %add3A_2560 : i32
        %get3A_2562 = arith.index_cast %add3A_2561 : i32 to index
        %get3A_2563 = arith.constant 0 : index
        %get3A_2564 = tpu.vector_load %arg9[%get3A_2562, %get3A_2563] {strides = array<i32>} : memref<3328x16xf32, #tpu.memory_space<vmem>>, vector<16xf32>,
        %add3A_2565 = arith.addf %add3A_2557, %get3A_2564 : vector<16xf32>
        %mul3A_2566 = arith.mulf %get3A_2564, %get3A_2564 : vector<16xf32>
        %add3A_2567 = arith.addf %add3A_2559, %mul3A_2566 : vector<16xf32>
        %add3A_2568 = arith.constant 18 : i32
        %add3A_2569 = arith.addi %mul3A_2427, %add3A_2568 : i32
        %get3A_2570 = arith.index_cast %add3A_2569 : i32 to index
        %get3A_2571 = arith.constant 0 : index
        %get3A_2572 = tpu.vector_load %arg9[%get3A_2570, %get3A_2571] {strides = array<i32>} : memref<3328x16xf32, #tpu.memory_space<vmem>>, vector<16xf32>,
        %add3A_2573 = arith.addf %add3A_2565, %get3A_2572 : vector<16xf32>
        %mul3A_2574 = arith.mulf %get3A_2572, %get3A_2572 : vector<16xf32>
        %add3A_2575 = arith.addf %add3A_2567, %mul3A_2574 : vector<16xf32>
        %add3A_2576 = arith.constant 19 : i32
        %add3A_2577 = arith.addi %mul3A_2427, %add3A_2576 : i32
        %get3A_2578 = arith.index_cast %add3A_2577 : i32 to index
        %get3A_2579 = arith.constant 0 : index
        %get3A_2580 = tpu.vector_load %arg9[%get3A_2578, %get3A_2579] {strides = array<i32>} : memref<3328x16xf32, #tpu.memory_space<vmem>>, vector<16xf32>,
        %add3A_2581 = arith.addf %add3A_2573, %get3A_2580 : vector<16xf32>
        %mul3A_2582 = arith.mulf %get3A_2580, %get3A_2580 : vector<16xf32>
        %add3A_2583 = arith.addf %add3A_2575, %mul3A_2582 : vector<16xf32>
        %add3A_2584 = arith.constant 20 : i32
        %add3A_2585 = arith.addi %mul3A_2427, %add3A_2584 : i32
        %get3A_2586 = arith.index_cast %add3A_2585 : i32 to index
        %get3A_2587 = arith.constant 0 : index
        %get3A_2588 = tpu.vector_load %arg9[%get3A_2586, %get3A_2587] {strides = array<i32>} : memref<3328x16xf32, #tpu.memory_space<vmem>>, vector<16xf32>,
        %add3A_2589 = arith.addf %add3A_2581, %get3A_2588 : vector<16xf32>
        %mul3A_2590 = arith.mulf %get3A_2588, %get3A_2588 : vector<16xf32>
        %add3A_2591 = arith.addf %add3A_2583, %mul3A_2590 : vector<16xf32>
        %add3A_2592 = arith.constant 21 : i32
        %add3A_2593 = arith.addi %mul3A_2427, %add3A_2592 : i32
        %get3A_2594 = arith.index_cast %add3A_2593 : i32 to index
        %get3A_2595 = arith.constant 0 : index
        %get3A_2596 = tpu.vector_load %arg9[%get3A_2594, %get3A_2595] {strides = array<i32>} : memref<3328x16xf32, #tpu.memory_space<vmem>>, vector<16xf32>,
        %add3A_2597 = arith.addf %add3A_2589, %get3A_2596 : vector<16xf32>
        %mul3A_2598 = arith.mulf %get3A_2596, %get3A_2596 : vector<16xf32>
        %add3A_2599 = arith.addf %add3A_2591, %mul3A_2598 : vector<16xf32>
        %add3A_2600 = arith.constant 22 : i32
        %add3A_2601 = arith.addi %mul3A_2427, %add3A_2600 : i32
        %get3A_2602 = arith.index_cast %add3A_2601 : i32 to index
        %get3A_2603 = arith.constant 0 : index
        %get3A_2604 = tpu.vector_load %arg9[%get3A_2602, %get3A_2603] {strides = array<i32>} : memref<3328x16xf32, #tpu.memory_space<vmem>>, vector<16xf32>,
        %add3A_2605 = arith.addf %add3A_2597, %get3A_2604 : vector<16xf32>
        %mul3A_2606 = arith.mulf %get3A_2604, %get3A_2604 : vector<16xf32>
        %add3A_2607 = arith.addf %add3A_2599, %mul3A_2606 : vector<16xf32>
        %add3A_2608 = arith.constant 23 : i32
        %add3A_2609 = arith.addi %mul3A_2427, %add3A_2608 : i32
        %get3A_2610 = arith.index_cast %add3A_2609 : i32 to index
        %get3A_2611 = arith.constant 0 : index
        %get3A_2612 = tpu.vector_load %arg9[%get3A_2610, %get3A_2611] {strides = array<i32>} : memref<3328x16xf32, #tpu.memory_space<vmem>>, vector<16xf32>,
        %add3A_2613 = arith.addf %add3A_2605, %get3A_2612 : vector<16xf32>
        %mul3A_2614 = arith.mulf %get3A_2612, %get3A_2612 : vector<16xf32>
        %add3A_2615 = arith.addf %add3A_2607, %mul3A_2614 : vector<16xf32>
        %add3A_2616 = arith.constant 24 : i32
        %add3A_2617 = arith.addi %mul3A_2427, %add3A_2616 : i32
        %get3A_2618 = arith.index_cast %add3A_2617 : i32 to index
        %get3A_2619 = arith.constant 0 : index
        %get3A_2620 = tpu.vector_load %arg9[%get3A_2618, %get3A_2619] {strides = array<i32>} : memref<3328x16xf32, #tpu.memory_space<vmem>>, vector<16xf32>,
        %add3A_2621 = arith.addf %add3A_2613, %get3A_2620 : vector<16xf32>
        %mul3A_2622 = arith.mulf %get3A_2620, %get3A_2620 : vector<16xf32>
        %add3A_2623 = arith.addf %add3A_2615, %mul3A_2622 : vector<16xf32>
        %add3A_2624 = arith.constant 25 : i32
        %add3A_2625 = arith.addi %mul3A_2427, %add3A_2624 : i32
        %get3A_2626 = arith.index_cast %add3A_2625 : i32 to index
        %get3A_2627 = arith.constant 0 : index
        %get3A_2628 = tpu.vector_load %arg9[%get3A_2626, %get3A_2627] {strides = array<i32>} : memref<3328x16xf32, #tpu.memory_space<vmem>>, vector<16xf32>,
        %add3A_2629 = arith.addf %add3A_2621, %get3A_2628 : vector<16xf32>
        %mul3A_2630 = arith.mulf %get3A_2628, %get3A_2628 : vector<16xf32>
        %add3A_2631 = arith.addf %add3A_2623, %mul3A_2630 : vector<16xf32>
        %mul3A_2632 = arith.mulf %add3A_2629, %add3A_2629 : vector<16xf32>
        %sub3A_2633 = arith.subf %mul3A_2632, %add3A_2631 : vector<16xf32>
        %mul3A_2634 = arith.constant 5.000000e-01 : f32
        %mul3A_2635 = vector.broadcast %mul3A_2634 : f32 to vector<16xf32>
        %mul3A_2636 = arith.mulf %mul3A_2635, %sub3A_2633 : vector<16xf32>
        %get3A_2637 = arith.index_cast %mul3A_2427 : i32 to index
        %get3A_2638 = tpu.vector_load %arg10[%get3A_2637] {strides = array<i32>} : memref<3344xf32, #tpu.memory_space<vmem>>, vector<16xf32>,
        %add3A_2639 = arith.constant 16 : i32
        %add3A_2640 = arith.addi %mul3A_2427, %add3A_2639 : i32
        %get3A_2641 = arith.index_cast %add3A_2640 : i32 to index
        %get3A_2642 = tpu.vector_load %arg10[%get3A_2641] {strides = array<i32>} : memref<3344xf32, #tpu.memory_space<vmem>>, vector<16xf32>,
        %jit3A_2643 = arith.constant 0.000000e+00 : f32
        %broadcast_in_dim3A_2644 = vector.broadcast %jit3A_2643 : f32 to vector<16xf32>
        %select_n3A_2645 = arith.select %lt3A_9, %get3A_2642, %broadcast_in_dim3A_2644 : vector<16xi1>, vector<16xf32>
        %mul3A_2646 = arith.mulf %mul3A_2636, %get3A_3 : vector<16xf32>
        %add3A_2647 = arith.addf %get3A_2638, %select_n3A_2645 : vector<16xf32>
        %mul3A_2648 = arith.mulf %add3A_2647, %get3A_5 : vector<16xf32>
        %add3A_2649 = arith.addf %mul3A_2646, %mul3A_2648 : vector<16xf32>
        %add3A_2650 = arith.addf %add3A_2649, %get3A_7 : vector<16xf32>
        %eq3A_2651 = arith.constant 10 : i32
        %eq3A_2652 = vector.broadcast %eq3A_2651 : i32 to vector<16xi32>
        %eq3A_2653 = arith.cmpi eq, %iota3A, %eq3A_2652 : vector<16xi32>
        %reduce_sum3A_2654 = arith.constant true
        %reduce_sum3A_2655 = vector.broadcast %reduce_sum3A_2654 : i1 to vector<16xi1>
        %reduce_sum3A_2656 = tpu.scan <sum>, %add3A_2650 masked %reduce_sum3A_2655 : vector<16xf32>, vector<16xi1> -> vector<16xf32>
        %reduce_sum3A_2657 = vector.extract %reduce_sum3A_2656[15] : f32 from vector<16xf32>
        %broadcast_in_dim3A_2658 = vector.broadcast %reduce_sum3A_2657 : f32 to vector<16xf32>
        %select_n3A_2659 = arith.select %eq3A_2653, %broadcast_in_dim3A_2658, %select_n3A_2421 : vector<16xi1>, vector<16xf32>
        %mul3A_2660 = arith.constant 16 : i32
        %mul3A_2661 = arith.muli %scan3A_45, %mul3A_2660 : i32
        %add3A_2662 = arith.constant 11 : i32
        %add3A_2663 = arith.addi %mul3A_2661, %add3A_2662 : i32
        %mul3A_2664 = arith.constant 26 : i32
        %mul3A_2665 = arith.muli %add3A_2663, %mul3A_2664 : i32
        %get3A_2666 = arith.index_cast %mul3A_2665 : i32 to index
        %get3A_2667 = arith.constant 0 : index
        %get3A_2668 = tpu.vector_load %arg9[%get3A_2666, %get3A_2667] {strides = array<i32>} : memref<3328x16xf32, #tpu.memory_space<vmem>>, vector<16xf32>,
        %mul3A_2669 = arith.mulf %get3A_2668, %get3A_2668 : vector<16xf32>
        %add3A_2670 = arith.constant 1 : i32
        %add3A_2671 = arith.addi %mul3A_2665, %add3A_2670 : i32
        %get3A_2672 = arith.index_cast %add3A_2671 : i32 to index
        %get3A_2673 = arith.constant 0 : index
        %get3A_2674 = tpu.vector_load %arg9[%get3A_2672, %get3A_2673] {strides = array<i32>} : memref<3328x16xf32, #tpu.memory_space<vmem>>, vector<16xf32>,
        %add3A_2675 = arith.addf %get3A_2668, %get3A_2674 : vector<16xf32>
        %mul3A_2676 = arith.mulf %get3A_2674, %get3A_2674 : vector<16xf32>
        %add3A_2677 = arith.addf %mul3A_2669, %mul3A_2676 : vector<16xf32>
        %add3A_2678 = arith.constant 2 : i32
        %add3A_2679 = arith.addi %mul3A_2665, %add3A_2678 : i32
        %get3A_2680 = arith.index_cast %add3A_2679 : i32 to index
        %get3A_2681 = arith.constant 0 : index
        %get3A_2682 = tpu.vector_load %arg9[%get3A_2680, %get3A_2681] {strides = array<i32>} : memref<3328x16xf32, #tpu.memory_space<vmem>>, vector<16xf32>,
        %add3A_2683 = arith.addf %add3A_2675, %get3A_2682 : vector<16xf32>
        %mul3A_2684 = arith.mulf %get3A_2682, %get3A_2682 : vector<16xf32>
        %add3A_2685 = arith.addf %add3A_2677, %mul3A_2684 : vector<16xf32>
        %add3A_2686 = arith.constant 3 : i32
        %add3A_2687 = arith.addi %mul3A_2665, %add3A_2686 : i32
        %get3A_2688 = arith.index_cast %add3A_2687 : i32 to index
        %get3A_2689 = arith.constant 0 : index
        %get3A_2690 = tpu.vector_load %arg9[%get3A_2688, %get3A_2689] {strides = array<i32>} : memref<3328x16xf32, #tpu.memory_space<vmem>>, vector<16xf32>,
        %add3A_2691 = arith.addf %add3A_2683, %get3A_2690 : vector<16xf32>
        %mul3A_2692 = arith.mulf %get3A_2690, %get3A_2690 : vector<16xf32>
        %add3A_2693 = arith.addf %add3A_2685, %mul3A_2692 : vector<16xf32>
        %add3A_2694 = arith.constant 4 : i32
        %add3A_2695 = arith.addi %mul3A_2665, %add3A_2694 : i32
        %get3A_2696 = arith.index_cast %add3A_2695 : i32 to index
        %get3A_2697 = arith.constant 0 : index
        %get3A_2698 = tpu.vector_load %arg9[%get3A_2696, %get3A_2697] {strides = array<i32>} : memref<3328x16xf32, #tpu.memory_space<vmem>>, vector<16xf32>,
        %add3A_2699 = arith.addf %add3A_2691, %get3A_2698 : vector<16xf32>
        %mul3A_2700 = arith.mulf %get3A_2698, %get3A_2698 : vector<16xf32>
        %add3A_2701 = arith.addf %add3A_2693, %mul3A_2700 : vector<16xf32>
        %add3A_2702 = arith.constant 5 : i32
        %add3A_2703 = arith.addi %mul3A_2665, %add3A_2702 : i32
        %get3A_2704 = arith.index_cast %add3A_2703 : i32 to index
        %get3A_2705 = arith.constant 0 : index
        %get3A_2706 = tpu.vector_load %arg9[%get3A_2704, %get3A_2705] {strides = array<i32>} : memref<3328x16xf32, #tpu.memory_space<vmem>>, vector<16xf32>,
        %add3A_2707 = arith.addf %add3A_2699, %get3A_2706 : vector<16xf32>
        %mul3A_2708 = arith.mulf %get3A_2706, %get3A_2706 : vector<16xf32>
        %add3A_2709 = arith.addf %add3A_2701, %mul3A_2708 : vector<16xf32>
        %add3A_2710 = arith.constant 6 : i32
        %add3A_2711 = arith.addi %mul3A_2665, %add3A_2710 : i32
        %get3A_2712 = arith.index_cast %add3A_2711 : i32 to index
        %get3A_2713 = arith.constant 0 : index
        %get3A_2714 = tpu.vector_load %arg9[%get3A_2712, %get3A_2713] {strides = array<i32>} : memref<3328x16xf32, #tpu.memory_space<vmem>>, vector<16xf32>,
        %add3A_2715 = arith.addf %add3A_2707, %get3A_2714 : vector<16xf32>
        %mul3A_2716 = arith.mulf %get3A_2714, %get3A_2714 : vector<16xf32>
        %add3A_2717 = arith.addf %add3A_2709, %mul3A_2716 : vector<16xf32>
        %add3A_2718 = arith.constant 7 : i32
        %add3A_2719 = arith.addi %mul3A_2665, %add3A_2718 : i32
        %get3A_2720 = arith.index_cast %add3A_2719 : i32 to index
        %get3A_2721 = arith.constant 0 : index
        %get3A_2722 = tpu.vector_load %arg9[%get3A_2720, %get3A_2721] {strides = array<i32>} : memref<3328x16xf32, #tpu.memory_space<vmem>>, vector<16xf32>,
        %add3A_2723 = arith.addf %add3A_2715, %get3A_2722 : vector<16xf32>
        %mul3A_2724 = arith.mulf %get3A_2722, %get3A_2722 : vector<16xf32>
        %add3A_2725 = arith.addf %add3A_2717, %mul3A_2724 : vector<16xf32>
        %add3A_2726 = arith.constant 8 : i32
        %add3A_2727 = arith.addi %mul3A_2665, %add3A_2726 : i32
        %get3A_2728 = arith.index_cast %add3A_2727 : i32 to index
        %get3A_2729 = arith.constant 0 : index
        %get3A_2730 = tpu.vector_load %arg9[%get3A_2728, %get3A_2729] {strides = array<i32>} : memref<3328x16xf32, #tpu.memory_space<vmem>>, vector<16xf32>,
        %add3A_2731 = arith.addf %add3A_2723, %get3A_2730 : vector<16xf32>
        %mul3A_2732 = arith.mulf %get3A_2730, %get3A_2730 : vector<16xf32>
        %add3A_2733 = arith.addf %add3A_2725, %mul3A_2732 : vector<16xf32>
        %add3A_2734 = arith.constant 9 : i32
        %add3A_2735 = arith.addi %mul3A_2665, %add3A_2734 : i32
        %get3A_2736 = arith.index_cast %add3A_2735 : i32 to index
        %get3A_2737 = arith.constant 0 : index
        %get3A_2738 = tpu.vector_load %arg9[%get3A_2736, %get3A_2737] {strides = array<i32>} : memref<3328x16xf32, #tpu.memory_space<vmem>>, vector<16xf32>,
        %add3A_2739 = arith.addf %add3A_2731, %get3A_2738 : vector<16xf32>
        %mul3A_2740 = arith.mulf %get3A_2738, %get3A_2738 : vector<16xf32>
        %add3A_2741 = arith.addf %add3A_2733, %mul3A_2740 : vector<16xf32>
        %add3A_2742 = arith.constant 10 : i32
        %add3A_2743 = arith.addi %mul3A_2665, %add3A_2742 : i32
        %get3A_2744 = arith.index_cast %add3A_2743 : i32 to index
        %get3A_2745 = arith.constant 0 : index
        %get3A_2746 = tpu.vector_load %arg9[%get3A_2744, %get3A_2745] {strides = array<i32>} : memref<3328x16xf32, #tpu.memory_space<vmem>>, vector<16xf32>,
        %add3A_2747 = arith.addf %add3A_2739, %get3A_2746 : vector<16xf32>
        %mul3A_2748 = arith.mulf %get3A_2746, %get3A_2746 : vector<16xf32>
        %add3A_2749 = arith.addf %add3A_2741, %mul3A_2748 : vector<16xf32>
        %add3A_2750 = arith.constant 11 : i32
        %add3A_2751 = arith.addi %mul3A_2665, %add3A_2750 : i32
        %get3A_2752 = arith.index_cast %add3A_2751 : i32 to index
        %get3A_2753 = arith.constant 0 : index
        %get3A_2754 = tpu.vector_load %arg9[%get3A_2752, %get3A_2753] {strides = array<i32>} : memref<3328x16xf32, #tpu.memory_space<vmem>>, vector<16xf32>,
        %add3A_2755 = arith.addf %add3A_2747, %get3A_2754 : vector<16xf32>
        %mul3A_2756 = arith.mulf %get3A_2754, %get3A_2754 : vector<16xf32>
        %add3A_2757 = arith.addf %add3A_2749, %mul3A_2756 : vector<16xf32>
        %add3A_2758 = arith.constant 12 : i32
        %add3A_2759 = arith.addi %mul3A_2665, %add3A_2758 : i32
        %get3A_2760 = arith.index_cast %add3A_2759 : i32 to index
        %get3A_2761 = arith.constant 0 : index
        %get3A_2762 = tpu.vector_load %arg9[%get3A_2760, %get3A_2761] {strides = array<i32>} : memref<3328x16xf32, #tpu.memory_space<vmem>>, vector<16xf32>,
        %add3A_2763 = arith.addf %add3A_2755, %get3A_2762 : vector<16xf32>
        %mul3A_2764 = arith.mulf %get3A_2762, %get3A_2762 : vector<16xf32>
        %add3A_2765 = arith.addf %add3A_2757, %mul3A_2764 : vector<16xf32>
        %add3A_2766 = arith.constant 13 : i32
        %add3A_2767 = arith.addi %mul3A_2665, %add3A_2766 : i32
        %get3A_2768 = arith.index_cast %add3A_2767 : i32 to index
        %get3A_2769 = arith.constant 0 : index
        %get3A_2770 = tpu.vector_load %arg9[%get3A_2768, %get3A_2769] {strides = array<i32>} : memref<3328x16xf32, #tpu.memory_space<vmem>>, vector<16xf32>,
        %add3A_2771 = arith.addf %add3A_2763, %get3A_2770 : vector<16xf32>
        %mul3A_2772 = arith.mulf %get3A_2770, %get3A_2770 : vector<16xf32>
        %add3A_2773 = arith.addf %add3A_2765, %mul3A_2772 : vector<16xf32>
        %add3A_2774 = arith.constant 14 : i32
        %add3A_2775 = arith.addi %mul3A_2665, %add3A_2774 : i32
        %get3A_2776 = arith.index_cast %add3A_2775 : i32 to index
        %get3A_2777 = arith.constant 0 : index
        %get3A_2778 = tpu.vector_load %arg9[%get3A_2776, %get3A_2777] {strides = array<i32>} : memref<3328x16xf32, #tpu.memory_space<vmem>>, vector<16xf32>,
        %add3A_2779 = arith.addf %add3A_2771, %get3A_2778 : vector<16xf32>
        %mul3A_2780 = arith.mulf %get3A_2778, %get3A_2778 : vector<16xf32>
        %add3A_2781 = arith.addf %add3A_2773, %mul3A_2780 : vector<16xf32>
        %add3A_2782 = arith.constant 15 : i32
        %add3A_2783 = arith.addi %mul3A_2665, %add3A_2782 : i32
        %get3A_2784 = arith.index_cast %add3A_2783 : i32 to index
        %get3A_2785 = arith.constant 0 : index
        %get3A_2786 = tpu.vector_load %arg9[%get3A_2784, %get3A_2785] {strides = array<i32>} : memref<3328x16xf32, #tpu.memory_space<vmem>>, vector<16xf32>,
        %add3A_2787 = arith.addf %add3A_2779, %get3A_2786 : vector<16xf32>
        %mul3A_2788 = arith.mulf %get3A_2786, %get3A_2786 : vector<16xf32>
        %add3A_2789 = arith.addf %add3A_2781, %mul3A_2788 : vector<16xf32>
        %add3A_2790 = arith.constant 16 : i32
        %add3A_2791 = arith.addi %mul3A_2665, %add3A_2790 : i32
        %get3A_2792 = arith.index_cast %add3A_2791 : i32 to index
        %get3A_2793 = arith.constant 0 : index
        %get3A_2794 = tpu.vector_load %arg9[%get3A_2792, %get3A_2793] {strides = array<i32>} : memref<3328x16xf32, #tpu.memory_space<vmem>>, vector<16xf32>,
        %add3A_2795 = arith.addf %add3A_2787, %get3A_2794 : vector<16xf32>
        %mul3A_2796 = arith.mulf %get3A_2794, %get3A_2794 : vector<16xf32>
        %add3A_2797 = arith.addf %add3A_2789, %mul3A_2796 : vector<16xf32>
        %add3A_2798 = arith.constant 17 : i32
        %add3A_2799 = arith.addi %mul3A_2665, %add3A_2798 : i32
        %get3A_2800 = arith.index_cast %add3A_2799 : i32 to index
        %get3A_2801 = arith.constant 0 : index
        %get3A_2802 = tpu.vector_load %arg9[%get3A_2800, %get3A_2801] {strides = array<i32>} : memref<3328x16xf32, #tpu.memory_space<vmem>>, vector<16xf32>,
        %add3A_2803 = arith.addf %add3A_2795, %get3A_2802 : vector<16xf32>
        %mul3A_2804 = arith.mulf %get3A_2802, %get3A_2802 : vector<16xf32>
        %add3A_2805 = arith.addf %add3A_2797, %mul3A_2804 : vector<16xf32>
        %add3A_2806 = arith.constant 18 : i32
        %add3A_2807 = arith.addi %mul3A_2665, %add3A_2806 : i32
        %get3A_2808 = arith.index_cast %add3A_2807 : i32 to index
        %get3A_2809 = arith.constant 0 : index
        %get3A_2810 = tpu.vector_load %arg9[%get3A_2808, %get3A_2809] {strides = array<i32>} : memref<3328x16xf32, #tpu.memory_space<vmem>>, vector<16xf32>,
        %add3A_2811 = arith.addf %add3A_2803, %get3A_2810 : vector<16xf32>
        %mul3A_2812 = arith.mulf %get3A_2810, %get3A_2810 : vector<16xf32>
        %add3A_2813 = arith.addf %add3A_2805, %mul3A_2812 : vector<16xf32>
        %add3A_2814 = arith.constant 19 : i32
        %add3A_2815 = arith.addi %mul3A_2665, %add3A_2814 : i32
        %get3A_2816 = arith.index_cast %add3A_2815 : i32 to index
        %get3A_2817 = arith.constant 0 : index
        %get3A_2818 = tpu.vector_load %arg9[%get3A_2816, %get3A_2817] {strides = array<i32>} : memref<3328x16xf32, #tpu.memory_space<vmem>>, vector<16xf32>,
        %add3A_2819 = arith.addf %add3A_2811, %get3A_2818 : vector<16xf32>
        %mul3A_2820 = arith.mulf %get3A_2818, %get3A_2818 : vector<16xf32>
        %add3A_2821 = arith.addf %add3A_2813, %mul3A_2820 : vector<16xf32>
        %add3A_2822 = arith.constant 20 : i32
        %add3A_2823 = arith.addi %mul3A_2665, %add3A_2822 : i32
        %get3A_2824 = arith.index_cast %add3A_2823 : i32 to index
        %get3A_2825 = arith.constant 0 : index
        %get3A_2826 = tpu.vector_load %arg9[%get3A_2824, %get3A_2825] {strides = array<i32>} : memref<3328x16xf32, #tpu.memory_space<vmem>>, vector<16xf32>,
        %add3A_2827 = arith.addf %add3A_2819, %get3A_2826 : vector<16xf32>
        %mul3A_2828 = arith.mulf %get3A_2826, %get3A_2826 : vector<16xf32>
        %add3A_2829 = arith.addf %add3A_2821, %mul3A_2828 : vector<16xf32>
        %add3A_2830 = arith.constant 21 : i32
        %add3A_2831 = arith.addi %mul3A_2665, %add3A_2830 : i32
        %get3A_2832 = arith.index_cast %add3A_2831 : i32 to index
        %get3A_2833 = arith.constant 0 : index
        %get3A_2834 = tpu.vector_load %arg9[%get3A_2832, %get3A_2833] {strides = array<i32>} : memref<3328x16xf32, #tpu.memory_space<vmem>>, vector<16xf32>,
        %add3A_2835 = arith.addf %add3A_2827, %get3A_2834 : vector<16xf32>
        %mul3A_2836 = arith.mulf %get3A_2834, %get3A_2834 : vector<16xf32>
        %add3A_2837 = arith.addf %add3A_2829, %mul3A_2836 : vector<16xf32>
        %add3A_2838 = arith.constant 22 : i32
        %add3A_2839 = arith.addi %mul3A_2665, %add3A_2838 : i32
        %get3A_2840 = arith.index_cast %add3A_2839 : i32 to index
        %get3A_2841 = arith.constant 0 : index
        %get3A_2842 = tpu.vector_load %arg9[%get3A_2840, %get3A_2841] {strides = array<i32>} : memref<3328x16xf32, #tpu.memory_space<vmem>>, vector<16xf32>,
        %add3A_2843 = arith.addf %add3A_2835, %get3A_2842 : vector<16xf32>
        %mul3A_2844 = arith.mulf %get3A_2842, %get3A_2842 : vector<16xf32>
        %add3A_2845 = arith.addf %add3A_2837, %mul3A_2844 : vector<16xf32>
        %add3A_2846 = arith.constant 23 : i32
        %add3A_2847 = arith.addi %mul3A_2665, %add3A_2846 : i32
        %get3A_2848 = arith.index_cast %add3A_2847 : i32 to index
        %get3A_2849 = arith.constant 0 : index
        %get3A_2850 = tpu.vector_load %arg9[%get3A_2848, %get3A_2849] {strides = array<i32>} : memref<3328x16xf32, #tpu.memory_space<vmem>>, vector<16xf32>,
        %add3A_2851 = arith.addf %add3A_2843, %get3A_2850 : vector<16xf32>
        %mul3A_2852 = arith.mulf %get3A_2850, %get3A_2850 : vector<16xf32>
        %add3A_2853 = arith.addf %add3A_2845, %mul3A_2852 : vector<16xf32>
        %add3A_2854 = arith.constant 24 : i32
        %add3A_2855 = arith.addi %mul3A_2665, %add3A_2854 : i32
        %get3A_2856 = arith.index_cast %add3A_2855 : i32 to index
        %get3A_2857 = arith.constant 0 : index
        %get3A_2858 = tpu.vector_load %arg9[%get3A_2856, %get3A_2857] {strides = array<i32>} : memref<3328x16xf32, #tpu.memory_space<vmem>>, vector<16xf32>,
        %add3A_2859 = arith.addf %add3A_2851, %get3A_2858 : vector<16xf32>
        %mul3A_2860 = arith.mulf %get3A_2858, %get3A_2858 : vector<16xf32>
        %add3A_2861 = arith.addf %add3A_2853, %mul3A_2860 : vector<16xf32>
        %add3A_2862 = arith.constant 25 : i32
        %add3A_2863 = arith.addi %mul3A_2665, %add3A_2862 : i32
        %get3A_2864 = arith.index_cast %add3A_2863 : i32 to index
        %get3A_2865 = arith.constant 0 : index
        %get3A_2866 = tpu.vector_load %arg9[%get3A_2864, %get3A_2865] {strides = array<i32>} : memref<3328x16xf32, #tpu.memory_space<vmem>>, vector<16xf32>,
        %add3A_2867 = arith.addf %add3A_2859, %get3A_2866 : vector<16xf32>
        %mul3A_2868 = arith.mulf %get3A_2866, %get3A_2866 : vector<16xf32>
        %add3A_2869 = arith.addf %add3A_2861, %mul3A_2868 : vector<16xf32>
        %mul3A_2870 = arith.mulf %add3A_2867, %add3A_2867 : vector<16xf32>
        %sub3A_2871 = arith.subf %mul3A_2870, %add3A_2869 : vector<16xf32>
        %mul3A_2872 = arith.constant 5.000000e-01 : f32
        %mul3A_2873 = vector.broadcast %mul3A_2872 : f32 to vector<16xf32>
        %mul3A_2874 = arith.mulf %mul3A_2873, %sub3A_2871 : vector<16xf32>
        %get3A_2875 = arith.index_cast %mul3A_2665 : i32 to index
        %get3A_2876 = tpu.vector_load %arg10[%get3A_2875] {strides = array<i32>} : memref<3344xf32, #tpu.memory_space<vmem>>, vector<16xf32>,
        %add3A_2877 = arith.constant 16 : i32
        %add3A_2878 = arith.addi %mul3A_2665, %add3A_2877 : i32
        %get3A_2879 = arith.index_cast %add3A_2878 : i32 to index
        %get3A_2880 = tpu.vector_load %arg10[%get3A_2879] {strides = array<i32>} : memref<3344xf32, #tpu.memory_space<vmem>>, vector<16xf32>,
        %jit3A_2881 = arith.constant 0.000000e+00 : f32
        %broadcast_in_dim3A_2882 = vector.broadcast %jit3A_2881 : f32 to vector<16xf32>
        %select_n3A_2883 = arith.select %lt3A_9, %get3A_2880, %broadcast_in_dim3A_2882 : vector<16xi1>, vector<16xf32>
        %mul3A_2884 = arith.mulf %mul3A_2874, %get3A_3 : vector<16xf32>
        %add3A_2885 = arith.addf %get3A_2876, %select_n3A_2883 : vector<16xf32>
        %mul3A_2886 = arith.mulf %add3A_2885, %get3A_5 : vector<16xf32>
        %add3A_2887 = arith.addf %mul3A_2884, %mul3A_2886 : vector<16xf32>
        %add3A_2888 = arith.addf %add3A_2887, %get3A_7 : vector<16xf32>
        %eq3A_2889 = arith.constant 11 : i32
        %eq3A_2890 = vector.broadcast %eq3A_2889 : i32 to vector<16xi32>
        %eq3A_2891 = arith.cmpi eq, %iota3A, %eq3A_2890 : vector<16xi32>
        %reduce_sum3A_2892 = arith.constant true
        %reduce_sum3A_2893 = vector.broadcast %reduce_sum3A_2892 : i1 to vector<16xi1>
        %reduce_sum3A_2894 = tpu.scan <sum>, %add3A_2888 masked %reduce_sum3A_2893 : vector<16xf32>, vector<16xi1> -> vector<16xf32>
        %reduce_sum3A_2895 = vector.extract %reduce_sum3A_2894[15] : f32 from vector<16xf32>
        %broadcast_in_dim3A_2896 = vector.broadcast %reduce_sum3A_2895 : f32 to vector<16xf32>
        %select_n3A_2897 = arith.select %eq3A_2891, %broadcast_in_dim3A_2896, %select_n3A_2659 : vector<16xi1>, vector<16xf32>
        %mul3A_2898 = arith.constant 16 : i32
        %mul3A_2899 = arith.muli %scan3A_45, %mul3A_2898 : i32
        %add3A_2900 = arith.constant 12 : i32
        %add3A_2901 = arith.addi %mul3A_2899, %add3A_2900 : i32
        %mul3A_2902 = arith.constant 26 : i32
        %mul3A_2903 = arith.muli %add3A_2901, %mul3A_2902 : i32
        %get3A_2904 = arith.index_cast %mul3A_2903 : i32 to index
        %get3A_2905 = arith.constant 0 : index
        %get3A_2906 = tpu.vector_load %arg9[%get3A_2904, %get3A_2905] {strides = array<i32>} : memref<3328x16xf32, #tpu.memory_space<vmem>>, vector<16xf32>,
        %mul3A_2907 = arith.mulf %get3A_2906, %get3A_2906 : vector<16xf32>
        %add3A_2908 = arith.constant 1 : i32
        %add3A_2909 = arith.addi %mul3A_2903, %add3A_2908 : i32
        %get3A_2910 = arith.index_cast %add3A_2909 : i32 to index
        %get3A_2911 = arith.constant 0 : index
        %get3A_2912 = tpu.vector_load %arg9[%get3A_2910, %get3A_2911] {strides = array<i32>} : memref<3328x16xf32, #tpu.memory_space<vmem>>, vector<16xf32>,
        %add3A_2913 = arith.addf %get3A_2906, %get3A_2912 : vector<16xf32>
        %mul3A_2914 = arith.mulf %get3A_2912, %get3A_2912 : vector<16xf32>
        %add3A_2915 = arith.addf %mul3A_2907, %mul3A_2914 : vector<16xf32>
        %add3A_2916 = arith.constant 2 : i32
        %add3A_2917 = arith.addi %mul3A_2903, %add3A_2916 : i32
        %get3A_2918 = arith.index_cast %add3A_2917 : i32 to index
        %get3A_2919 = arith.constant 0 : index
        %get3A_2920 = tpu.vector_load %arg9[%get3A_2918, %get3A_2919] {strides = array<i32>} : memref<3328x16xf32, #tpu.memory_space<vmem>>, vector<16xf32>,
        %add3A_2921 = arith.addf %add3A_2913, %get3A_2920 : vector<16xf32>
        %mul3A_2922 = arith.mulf %get3A_2920, %get3A_2920 : vector<16xf32>
        %add3A_2923 = arith.addf %add3A_2915, %mul3A_2922 : vector<16xf32>
        %add3A_2924 = arith.constant 3 : i32
        %add3A_2925 = arith.addi %mul3A_2903, %add3A_2924 : i32
        %get3A_2926 = arith.index_cast %add3A_2925 : i32 to index
        %get3A_2927 = arith.constant 0 : index
        %get3A_2928 = tpu.vector_load %arg9[%get3A_2926, %get3A_2927] {strides = array<i32>} : memref<3328x16xf32, #tpu.memory_space<vmem>>, vector<16xf32>,
        %add3A_2929 = arith.addf %add3A_2921, %get3A_2928 : vector<16xf32>
        %mul3A_2930 = arith.mulf %get3A_2928, %get3A_2928 : vector<16xf32>
        %add3A_2931 = arith.addf %add3A_2923, %mul3A_2930 : vector<16xf32>
        %add3A_2932 = arith.constant 4 : i32
        %add3A_2933 = arith.addi %mul3A_2903, %add3A_2932 : i32
        %get3A_2934 = arith.index_cast %add3A_2933 : i32 to index
        %get3A_2935 = arith.constant 0 : index
        %get3A_2936 = tpu.vector_load %arg9[%get3A_2934, %get3A_2935] {strides = array<i32>} : memref<3328x16xf32, #tpu.memory_space<vmem>>, vector<16xf32>,
        %add3A_2937 = arith.addf %add3A_2929, %get3A_2936 : vector<16xf32>
        %mul3A_2938 = arith.mulf %get3A_2936, %get3A_2936 : vector<16xf32>
        %add3A_2939 = arith.addf %add3A_2931, %mul3A_2938 : vector<16xf32>
        %add3A_2940 = arith.constant 5 : i32
        %add3A_2941 = arith.addi %mul3A_2903, %add3A_2940 : i32
        %get3A_2942 = arith.index_cast %add3A_2941 : i32 to index
        %get3A_2943 = arith.constant 0 : index
        %get3A_2944 = tpu.vector_load %arg9[%get3A_2942, %get3A_2943] {strides = array<i32>} : memref<3328x16xf32, #tpu.memory_space<vmem>>, vector<16xf32>,
        %add3A_2945 = arith.addf %add3A_2937, %get3A_2944 : vector<16xf32>
        %mul3A_2946 = arith.mulf %get3A_2944, %get3A_2944 : vector<16xf32>
        %add3A_2947 = arith.addf %add3A_2939, %mul3A_2946 : vector<16xf32>
        %add3A_2948 = arith.constant 6 : i32
        %add3A_2949 = arith.addi %mul3A_2903, %add3A_2948 : i32
        %get3A_2950 = arith.index_cast %add3A_2949 : i32 to index
        %get3A_2951 = arith.constant 0 : index
        %get3A_2952 = tpu.vector_load %arg9[%get3A_2950, %get3A_2951] {strides = array<i32>} : memref<3328x16xf32, #tpu.memory_space<vmem>>, vector<16xf32>,
        %add3A_2953 = arith.addf %add3A_2945, %get3A_2952 : vector<16xf32>
        %mul3A_2954 = arith.mulf %get3A_2952, %get3A_2952 : vector<16xf32>
        %add3A_2955 = arith.addf %add3A_2947, %mul3A_2954 : vector<16xf32>
        %add3A_2956 = arith.constant 7 : i32
        %add3A_2957 = arith.addi %mul3A_2903, %add3A_2956 : i32
        %get3A_2958 = arith.index_cast %add3A_2957 : i32 to index
        %get3A_2959 = arith.constant 0 : index
        %get3A_2960 = tpu.vector_load %arg9[%get3A_2958, %get3A_2959] {strides = array<i32>} : memref<3328x16xf32, #tpu.memory_space<vmem>>, vector<16xf32>,
        %add3A_2961 = arith.addf %add3A_2953, %get3A_2960 : vector<16xf32>
        %mul3A_2962 = arith.mulf %get3A_2960, %get3A_2960 : vector<16xf32>
        %add3A_2963 = arith.addf %add3A_2955, %mul3A_2962 : vector<16xf32>
        %add3A_2964 = arith.constant 8 : i32
        %add3A_2965 = arith.addi %mul3A_2903, %add3A_2964 : i32
        %get3A_2966 = arith.index_cast %add3A_2965 : i32 to index
        %get3A_2967 = arith.constant 0 : index
        %get3A_2968 = tpu.vector_load %arg9[%get3A_2966, %get3A_2967] {strides = array<i32>} : memref<3328x16xf32, #tpu.memory_space<vmem>>, vector<16xf32>,
        %add3A_2969 = arith.addf %add3A_2961, %get3A_2968 : vector<16xf32>
        %mul3A_2970 = arith.mulf %get3A_2968, %get3A_2968 : vector<16xf32>
        %add3A_2971 = arith.addf %add3A_2963, %mul3A_2970 : vector<16xf32>
        %add3A_2972 = arith.constant 9 : i32
        %add3A_2973 = arith.addi %mul3A_2903, %add3A_2972 : i32
        %get3A_2974 = arith.index_cast %add3A_2973 : i32 to index
        %get3A_2975 = arith.constant 0 : index
        %get3A_2976 = tpu.vector_load %arg9[%get3A_2974, %get3A_2975] {strides = array<i32>} : memref<3328x16xf32, #tpu.memory_space<vmem>>, vector<16xf32>,
        %add3A_2977 = arith.addf %add3A_2969, %get3A_2976 : vector<16xf32>
        %mul3A_2978 = arith.mulf %get3A_2976, %get3A_2976 : vector<16xf32>
        %add3A_2979 = arith.addf %add3A_2971, %mul3A_2978 : vector<16xf32>
        %add3A_2980 = arith.constant 10 : i32
        %add3A_2981 = arith.addi %mul3A_2903, %add3A_2980 : i32
        %get3A_2982 = arith.index_cast %add3A_2981 : i32 to index
        %get3A_2983 = arith.constant 0 : index
        %get3A_2984 = tpu.vector_load %arg9[%get3A_2982, %get3A_2983] {strides = array<i32>} : memref<3328x16xf32, #tpu.memory_space<vmem>>, vector<16xf32>,
        %add3A_2985 = arith.addf %add3A_2977, %get3A_2984 : vector<16xf32>
        %mul3A_2986 = arith.mulf %get3A_2984, %get3A_2984 : vector<16xf32>
        %add3A_2987 = arith.addf %add3A_2979, %mul3A_2986 : vector<16xf32>
        %add3A_2988 = arith.constant 11 : i32
        %add3A_2989 = arith.addi %mul3A_2903, %add3A_2988 : i32
        %get3A_2990 = arith.index_cast %add3A_2989 : i32 to index
        %get3A_2991 = arith.constant 0 : index
        %get3A_2992 = tpu.vector_load %arg9[%get3A_2990, %get3A_2991] {strides = array<i32>} : memref<3328x16xf32, #tpu.memory_space<vmem>>, vector<16xf32>,
        %add3A_2993 = arith.addf %add3A_2985, %get3A_2992 : vector<16xf32>
        %mul3A_2994 = arith.mulf %get3A_2992, %get3A_2992 : vector<16xf32>
        %add3A_2995 = arith.addf %add3A_2987, %mul3A_2994 : vector<16xf32>
        %add3A_2996 = arith.constant 12 : i32
        %add3A_2997 = arith.addi %mul3A_2903, %add3A_2996 : i32
        %get3A_2998 = arith.index_cast %add3A_2997 : i32 to index
        %get3A_2999 = arith.constant 0 : index
        %get3A_3000 = tpu.vector_load %arg9[%get3A_2998, %get3A_2999] {strides = array<i32>} : memref<3328x16xf32, #tpu.memory_space<vmem>>, vector<16xf32>,
        %add3A_3001 = arith.addf %add3A_2993, %get3A_3000 : vector<16xf32>
        %mul3A_3002 = arith.mulf %get3A_3000, %get3A_3000 : vector<16xf32>
        %add3A_3003 = arith.addf %add3A_2995, %mul3A_3002 : vector<16xf32>
        %add3A_3004 = arith.constant 13 : i32
        %add3A_3005 = arith.addi %mul3A_2903, %add3A_3004 : i32
        %get3A_3006 = arith.index_cast %add3A_3005 : i32 to index
        %get3A_3007 = arith.constant 0 : index
        %get3A_3008 = tpu.vector_load %arg9[%get3A_3006, %get3A_3007] {strides = array<i32>} : memref<3328x16xf32, #tpu.memory_space<vmem>>, vector<16xf32>,
        %add3A_3009 = arith.addf %add3A_3001, %get3A_3008 : vector<16xf32>
        %mul3A_3010 = arith.mulf %get3A_3008, %get3A_3008 : vector<16xf32>
        %add3A_3011 = arith.addf %add3A_3003, %mul3A_3010 : vector<16xf32>
        %add3A_3012 = arith.constant 14 : i32
        %add3A_3013 = arith.addi %mul3A_2903, %add3A_3012 : i32
        %get3A_3014 = arith.index_cast %add3A_3013 : i32 to index
        %get3A_3015 = arith.constant 0 : index
        %get3A_3016 = tpu.vector_load %arg9[%get3A_3014, %get3A_3015] {strides = array<i32>} : memref<3328x16xf32, #tpu.memory_space<vmem>>, vector<16xf32>,
        %add3A_3017 = arith.addf %add3A_3009, %get3A_3016 : vector<16xf32>
        %mul3A_3018 = arith.mulf %get3A_3016, %get3A_3016 : vector<16xf32>
        %add3A_3019 = arith.addf %add3A_3011, %mul3A_3018 : vector<16xf32>
        %add3A_3020 = arith.constant 15 : i32
        %add3A_3021 = arith.addi %mul3A_2903, %add3A_3020 : i32
        %get3A_3022 = arith.index_cast %add3A_3021 : i32 to index
        %get3A_3023 = arith.constant 0 : index
        %get3A_3024 = tpu.vector_load %arg9[%get3A_3022, %get3A_3023] {strides = array<i32>} : memref<3328x16xf32, #tpu.memory_space<vmem>>, vector<16xf32>,
        %add3A_3025 = arith.addf %add3A_3017, %get3A_3024 : vector<16xf32>
        %mul3A_3026 = arith.mulf %get3A_3024, %get3A_3024 : vector<16xf32>
        %add3A_3027 = arith.addf %add3A_3019, %mul3A_3026 : vector<16xf32>
        %add3A_3028 = arith.constant 16 : i32
        %add3A_3029 = arith.addi %mul3A_2903, %add3A_3028 : i32
        %get3A_3030 = arith.index_cast %add3A_3029 : i32 to index
        %get3A_3031 = arith.constant 0 : index
        %get3A_3032 = tpu.vector_load %arg9[%get3A_3030, %get3A_3031] {strides = array<i32>} : memref<3328x16xf32, #tpu.memory_space<vmem>>, vector<16xf32>,
        %add3A_3033 = arith.addf %add3A_3025, %get3A_3032 : vector<16xf32>
        %mul3A_3034 = arith.mulf %get3A_3032, %get3A_3032 : vector<16xf32>
        %add3A_3035 = arith.addf %add3A_3027, %mul3A_3034 : vector<16xf32>
        %add3A_3036 = arith.constant 17 : i32
        %add3A_3037 = arith.addi %mul3A_2903, %add3A_3036 : i32
        %get3A_3038 = arith.index_cast %add3A_3037 : i32 to index
        %get3A_3039 = arith.constant 0 : index
        %get3A_3040 = tpu.vector_load %arg9[%get3A_3038, %get3A_3039] {strides = array<i32>} : memref<3328x16xf32, #tpu.memory_space<vmem>>, vector<16xf32>,
        %add3A_3041 = arith.addf %add3A_3033, %get3A_3040 : vector<16xf32>
        %mul3A_3042 = arith.mulf %get3A_3040, %get3A_3040 : vector<16xf32>
        %add3A_3043 = arith.addf %add3A_3035, %mul3A_3042 : vector<16xf32>
        %add3A_3044 = arith.constant 18 : i32
        %add3A_3045 = arith.addi %mul3A_2903, %add3A_3044 : i32
        %get3A_3046 = arith.index_cast %add3A_3045 : i32 to index
        %get3A_3047 = arith.constant 0 : index
        %get3A_3048 = tpu.vector_load %arg9[%get3A_3046, %get3A_3047] {strides = array<i32>} : memref<3328x16xf32, #tpu.memory_space<vmem>>, vector<16xf32>,
        %add3A_3049 = arith.addf %add3A_3041, %get3A_3048 : vector<16xf32>
        %mul3A_3050 = arith.mulf %get3A_3048, %get3A_3048 : vector<16xf32>
        %add3A_3051 = arith.addf %add3A_3043, %mul3A_3050 : vector<16xf32>
        %add3A_3052 = arith.constant 19 : i32
        %add3A_3053 = arith.addi %mul3A_2903, %add3A_3052 : i32
        %get3A_3054 = arith.index_cast %add3A_3053 : i32 to index
        %get3A_3055 = arith.constant 0 : index
        %get3A_3056 = tpu.vector_load %arg9[%get3A_3054, %get3A_3055] {strides = array<i32>} : memref<3328x16xf32, #tpu.memory_space<vmem>>, vector<16xf32>,
        %add3A_3057 = arith.addf %add3A_3049, %get3A_3056 : vector<16xf32>
        %mul3A_3058 = arith.mulf %get3A_3056, %get3A_3056 : vector<16xf32>
        %add3A_3059 = arith.addf %add3A_3051, %mul3A_3058 : vector<16xf32>
        %add3A_3060 = arith.constant 20 : i32
        %add3A_3061 = arith.addi %mul3A_2903, %add3A_3060 : i32
        %get3A_3062 = arith.index_cast %add3A_3061 : i32 to index
        %get3A_3063 = arith.constant 0 : index
        %get3A_3064 = tpu.vector_load %arg9[%get3A_3062, %get3A_3063] {strides = array<i32>} : memref<3328x16xf32, #tpu.memory_space<vmem>>, vector<16xf32>,
        %add3A_3065 = arith.addf %add3A_3057, %get3A_3064 : vector<16xf32>
        %mul3A_3066 = arith.mulf %get3A_3064, %get3A_3064 : vector<16xf32>
        %add3A_3067 = arith.addf %add3A_3059, %mul3A_3066 : vector<16xf32>
        %add3A_3068 = arith.constant 21 : i32
        %add3A_3069 = arith.addi %mul3A_2903, %add3A_3068 : i32
        %get3A_3070 = arith.index_cast %add3A_3069 : i32 to index
        %get3A_3071 = arith.constant 0 : index
        %get3A_3072 = tpu.vector_load %arg9[%get3A_3070, %get3A_3071] {strides = array<i32>} : memref<3328x16xf32, #tpu.memory_space<vmem>>, vector<16xf32>,
        %add3A_3073 = arith.addf %add3A_3065, %get3A_3072 : vector<16xf32>
        %mul3A_3074 = arith.mulf %get3A_3072, %get3A_3072 : vector<16xf32>
        %add3A_3075 = arith.addf %add3A_3067, %mul3A_3074 : vector<16xf32>
        %add3A_3076 = arith.constant 22 : i32
        %add3A_3077 = arith.addi %mul3A_2903, %add3A_3076 : i32
        %get3A_3078 = arith.index_cast %add3A_3077 : i32 to index
        %get3A_3079 = arith.constant 0 : index
        %get3A_3080 = tpu.vector_load %arg9[%get3A_3078, %get3A_3079] {strides = array<i32>} : memref<3328x16xf32, #tpu.memory_space<vmem>>, vector<16xf32>,
        %add3A_3081 = arith.addf %add3A_3073, %get3A_3080 : vector<16xf32>
        %mul3A_3082 = arith.mulf %get3A_3080, %get3A_3080 : vector<16xf32>
        %add3A_3083 = arith.addf %add3A_3075, %mul3A_3082 : vector<16xf32>
        %add3A_3084 = arith.constant 23 : i32
        %add3A_3085 = arith.addi %mul3A_2903, %add3A_3084 : i32
        %get3A_3086 = arith.index_cast %add3A_3085 : i32 to index
        %get3A_3087 = arith.constant 0 : index
        %get3A_3088 = tpu.vector_load %arg9[%get3A_3086, %get3A_3087] {strides = array<i32>} : memref<3328x16xf32, #tpu.memory_space<vmem>>, vector<16xf32>,
        %add3A_3089 = arith.addf %add3A_3081, %get3A_3088 : vector<16xf32>
        %mul3A_3090 = arith.mulf %get3A_3088, %get3A_3088 : vector<16xf32>
        %add3A_3091 = arith.addf %add3A_3083, %mul3A_3090 : vector<16xf32>
        %add3A_3092 = arith.constant 24 : i32
        %add3A_3093 = arith.addi %mul3A_2903, %add3A_3092 : i32
        %get3A_3094 = arith.index_cast %add3A_3093 : i32 to index
        %get3A_3095 = arith.constant 0 : index
        %get3A_3096 = tpu.vector_load %arg9[%get3A_3094, %get3A_3095] {strides = array<i32>} : memref<3328x16xf32, #tpu.memory_space<vmem>>, vector<16xf32>,
        %add3A_3097 = arith.addf %add3A_3089, %get3A_3096 : vector<16xf32>
        %mul3A_3098 = arith.mulf %get3A_3096, %get3A_3096 : vector<16xf32>
        %add3A_3099 = arith.addf %add3A_3091, %mul3A_3098 : vector<16xf32>
        %add3A_3100 = arith.constant 25 : i32
        %add3A_3101 = arith.addi %mul3A_2903, %add3A_3100 : i32
        %get3A_3102 = arith.index_cast %add3A_3101 : i32 to index
        %get3A_3103 = arith.constant 0 : index
        %get3A_3104 = tpu.vector_load %arg9[%get3A_3102, %get3A_3103] {strides = array<i32>} : memref<3328x16xf32, #tpu.memory_space<vmem>>, vector<16xf32>,
        %add3A_3105 = arith.addf %add3A_3097, %get3A_3104 : vector<16xf32>
        %mul3A_3106 = arith.mulf %get3A_3104, %get3A_3104 : vector<16xf32>
        %add3A_3107 = arith.addf %add3A_3099, %mul3A_3106 : vector<16xf32>
        %mul3A_3108 = arith.mulf %add3A_3105, %add3A_3105 : vector<16xf32>
        %sub3A_3109 = arith.subf %mul3A_3108, %add3A_3107 : vector<16xf32>
        %mul3A_3110 = arith.constant 5.000000e-01 : f32
        %mul3A_3111 = vector.broadcast %mul3A_3110 : f32 to vector<16xf32>
        %mul3A_3112 = arith.mulf %mul3A_3111, %sub3A_3109 : vector<16xf32>
        %get3A_3113 = arith.index_cast %mul3A_2903 : i32 to index
        %get3A_3114 = tpu.vector_load %arg10[%get3A_3113] {strides = array<i32>} : memref<3344xf32, #tpu.memory_space<vmem>>, vector<16xf32>,
        %add3A_3115 = arith.constant 16 : i32
        %add3A_3116 = arith.addi %mul3A_2903, %add3A_3115 : i32
        %get3A_3117 = arith.index_cast %add3A_3116 : i32 to index
        %get3A_3118 = tpu.vector_load %arg10[%get3A_3117] {strides = array<i32>} : memref<3344xf32, #tpu.memory_space<vmem>>, vector<16xf32>,
        %jit3A_3119 = arith.constant 0.000000e+00 : f32
        %broadcast_in_dim3A_3120 = vector.broadcast %jit3A_3119 : f32 to vector<16xf32>
        %select_n3A_3121 = arith.select %lt3A_9, %get3A_3118, %broadcast_in_dim3A_3120 : vector<16xi1>, vector<16xf32>
        %mul3A_3122 = arith.mulf %mul3A_3112, %get3A_3 : vector<16xf32>
        %add3A_3123 = arith.addf %get3A_3114, %select_n3A_3121 : vector<16xf32>
        %mul3A_3124 = arith.mulf %add3A_3123, %get3A_5 : vector<16xf32>
        %add3A_3125 = arith.addf %mul3A_3122, %mul3A_3124 : vector<16xf32>
        %add3A_3126 = arith.addf %add3A_3125, %get3A_7 : vector<16xf32>
        %eq3A_3127 = arith.constant 12 : i32
        %eq3A_3128 = vector.broadcast %eq3A_3127 : i32 to vector<16xi32>
        %eq3A_3129 = arith.cmpi eq, %iota3A, %eq3A_3128 : vector<16xi32>
        %reduce_sum3A_3130 = arith.constant true
        %reduce_sum3A_3131 = vector.broadcast %reduce_sum3A_3130 : i1 to vector<16xi1>
        %reduce_sum3A_3132 = tpu.scan <sum>, %add3A_3126 masked %reduce_sum3A_3131 : vector<16xf32>, vector<16xi1> -> vector<16xf32>
        %reduce_sum3A_3133 = vector.extract %reduce_sum3A_3132[15] : f32 from vector<16xf32>
        %broadcast_in_dim3A_3134 = vector.broadcast %reduce_sum3A_3133 : f32 to vector<16xf32>
        %select_n3A_3135 = arith.select %eq3A_3129, %broadcast_in_dim3A_3134, %select_n3A_2897 : vector<16xi1>, vector<16xf32>
        %mul3A_3136 = arith.constant 16 : i32
        %mul3A_3137 = arith.muli %scan3A_45, %mul3A_3136 : i32
        %add3A_3138 = arith.constant 13 : i32
        %add3A_3139 = arith.addi %mul3A_3137, %add3A_3138 : i32
        %mul3A_3140 = arith.constant 26 : i32
        %mul3A_3141 = arith.muli %add3A_3139, %mul3A_3140 : i32
        %get3A_3142 = arith.index_cast %mul3A_3141 : i32 to index
        %get3A_3143 = arith.constant 0 : index
        %get3A_3144 = tpu.vector_load %arg9[%get3A_3142, %get3A_3143] {strides = array<i32>} : memref<3328x16xf32, #tpu.memory_space<vmem>>, vector<16xf32>,
        %mul3A_3145 = arith.mulf %get3A_3144, %get3A_3144 : vector<16xf32>
        %add3A_3146 = arith.constant 1 : i32
        %add3A_3147 = arith.addi %mul3A_3141, %add3A_3146 : i32
        %get3A_3148 = arith.index_cast %add3A_3147 : i32 to index
        %get3A_3149 = arith.constant 0 : index
        %get3A_3150 = tpu.vector_load %arg9[%get3A_3148, %get3A_3149] {strides = array<i32>} : memref<3328x16xf32, #tpu.memory_space<vmem>>, vector<16xf32>,
        %add3A_3151 = arith.addf %get3A_3144, %get3A_3150 : vector<16xf32>
        %mul3A_3152 = arith.mulf %get3A_3150, %get3A_3150 : vector<16xf32>
        %add3A_3153 = arith.addf %mul3A_3145, %mul3A_3152 : vector<16xf32>
        %add3A_3154 = arith.constant 2 : i32
        %add3A_3155 = arith.addi %mul3A_3141, %add3A_3154 : i32
        %get3A_3156 = arith.index_cast %add3A_3155 : i32 to index
        %get3A_3157 = arith.constant 0 : index
        %get3A_3158 = tpu.vector_load %arg9[%get3A_3156, %get3A_3157] {strides = array<i32>} : memref<3328x16xf32, #tpu.memory_space<vmem>>, vector<16xf32>,
        %add3A_3159 = arith.addf %add3A_3151, %get3A_3158 : vector<16xf32>
        %mul3A_3160 = arith.mulf %get3A_3158, %get3A_3158 : vector<16xf32>
        %add3A_3161 = arith.addf %add3A_3153, %mul3A_3160 : vector<16xf32>
        %add3A_3162 = arith.constant 3 : i32
        %add3A_3163 = arith.addi %mul3A_3141, %add3A_3162 : i32
        %get3A_3164 = arith.index_cast %add3A_3163 : i32 to index
        %get3A_3165 = arith.constant 0 : index
        %get3A_3166 = tpu.vector_load %arg9[%get3A_3164, %get3A_3165] {strides = array<i32>} : memref<3328x16xf32, #tpu.memory_space<vmem>>, vector<16xf32>,
        %add3A_3167 = arith.addf %add3A_3159, %get3A_3166 : vector<16xf32>
        %mul3A_3168 = arith.mulf %get3A_3166, %get3A_3166 : vector<16xf32>
        %add3A_3169 = arith.addf %add3A_3161, %mul3A_3168 : vector<16xf32>
        %add3A_3170 = arith.constant 4 : i32
        %add3A_3171 = arith.addi %mul3A_3141, %add3A_3170 : i32
        %get3A_3172 = arith.index_cast %add3A_3171 : i32 to index
        %get3A_3173 = arith.constant 0 : index
        %get3A_3174 = tpu.vector_load %arg9[%get3A_3172, %get3A_3173] {strides = array<i32>} : memref<3328x16xf32, #tpu.memory_space<vmem>>, vector<16xf32>,
        %add3A_3175 = arith.addf %add3A_3167, %get3A_3174 : vector<16xf32>
        %mul3A_3176 = arith.mulf %get3A_3174, %get3A_3174 : vector<16xf32>
        %add3A_3177 = arith.addf %add3A_3169, %mul3A_3176 : vector<16xf32>
        %add3A_3178 = arith.constant 5 : i32
        %add3A_3179 = arith.addi %mul3A_3141, %add3A_3178 : i32
        %get3A_3180 = arith.index_cast %add3A_3179 : i32 to index
        %get3A_3181 = arith.constant 0 : index
        %get3A_3182 = tpu.vector_load %arg9[%get3A_3180, %get3A_3181] {strides = array<i32>} : memref<3328x16xf32, #tpu.memory_space<vmem>>, vector<16xf32>,
        %add3A_3183 = arith.addf %add3A_3175, %get3A_3182 : vector<16xf32>
        %mul3A_3184 = arith.mulf %get3A_3182, %get3A_3182 : vector<16xf32>
        %add3A_3185 = arith.addf %add3A_3177, %mul3A_3184 : vector<16xf32>
        %add3A_3186 = arith.constant 6 : i32
        %add3A_3187 = arith.addi %mul3A_3141, %add3A_3186 : i32
        %get3A_3188 = arith.index_cast %add3A_3187 : i32 to index
        %get3A_3189 = arith.constant 0 : index
        %get3A_3190 = tpu.vector_load %arg9[%get3A_3188, %get3A_3189] {strides = array<i32>} : memref<3328x16xf32, #tpu.memory_space<vmem>>, vector<16xf32>,
        %add3A_3191 = arith.addf %add3A_3183, %get3A_3190 : vector<16xf32>
        %mul3A_3192 = arith.mulf %get3A_3190, %get3A_3190 : vector<16xf32>
        %add3A_3193 = arith.addf %add3A_3185, %mul3A_3192 : vector<16xf32>
        %add3A_3194 = arith.constant 7 : i32
        %add3A_3195 = arith.addi %mul3A_3141, %add3A_3194 : i32
        %get3A_3196 = arith.index_cast %add3A_3195 : i32 to index
        %get3A_3197 = arith.constant 0 : index
        %get3A_3198 = tpu.vector_load %arg9[%get3A_3196, %get3A_3197] {strides = array<i32>} : memref<3328x16xf32, #tpu.memory_space<vmem>>, vector<16xf32>,
        %add3A_3199 = arith.addf %add3A_3191, %get3A_3198 : vector<16xf32>
        %mul3A_3200 = arith.mulf %get3A_3198, %get3A_3198 : vector<16xf32>
        %add3A_3201 = arith.addf %add3A_3193, %mul3A_3200 : vector<16xf32>
        %add3A_3202 = arith.constant 8 : i32
        %add3A_3203 = arith.addi %mul3A_3141, %add3A_3202 : i32
        %get3A_3204 = arith.index_cast %add3A_3203 : i32 to index
        %get3A_3205 = arith.constant 0 : index
        %get3A_3206 = tpu.vector_load %arg9[%get3A_3204, %get3A_3205] {strides = array<i32>} : memref<3328x16xf32, #tpu.memory_space<vmem>>, vector<16xf32>,
        %add3A_3207 = arith.addf %add3A_3199, %get3A_3206 : vector<16xf32>
        %mul3A_3208 = arith.mulf %get3A_3206, %get3A_3206 : vector<16xf32>
        %add3A_3209 = arith.addf %add3A_3201, %mul3A_3208 : vector<16xf32>
        %add3A_3210 = arith.constant 9 : i32
        %add3A_3211 = arith.addi %mul3A_3141, %add3A_3210 : i32
        %get3A_3212 = arith.index_cast %add3A_3211 : i32 to index
        %get3A_3213 = arith.constant 0 : index
        %get3A_3214 = tpu.vector_load %arg9[%get3A_3212, %get3A_3213] {strides = array<i32>} : memref<3328x16xf32, #tpu.memory_space<vmem>>, vector<16xf32>,
        %add3A_3215 = arith.addf %add3A_3207, %get3A_3214 : vector<16xf32>
        %mul3A_3216 = arith.mulf %get3A_3214, %get3A_3214 : vector<16xf32>
        %add3A_3217 = arith.addf %add3A_3209, %mul3A_3216 : vector<16xf32>
        %add3A_3218 = arith.constant 10 : i32
        %add3A_3219 = arith.addi %mul3A_3141, %add3A_3218 : i32
        %get3A_3220 = arith.index_cast %add3A_3219 : i32 to index
        %get3A_3221 = arith.constant 0 : index
        %get3A_3222 = tpu.vector_load %arg9[%get3A_3220, %get3A_3221] {strides = array<i32>} : memref<3328x16xf32, #tpu.memory_space<vmem>>, vector<16xf32>,
        %add3A_3223 = arith.addf %add3A_3215, %get3A_3222 : vector<16xf32>
        %mul3A_3224 = arith.mulf %get3A_3222, %get3A_3222 : vector<16xf32>
        %add3A_3225 = arith.addf %add3A_3217, %mul3A_3224 : vector<16xf32>
        %add3A_3226 = arith.constant 11 : i32
        %add3A_3227 = arith.addi %mul3A_3141, %add3A_3226 : i32
        %get3A_3228 = arith.index_cast %add3A_3227 : i32 to index
        %get3A_3229 = arith.constant 0 : index
        %get3A_3230 = tpu.vector_load %arg9[%get3A_3228, %get3A_3229] {strides = array<i32>} : memref<3328x16xf32, #tpu.memory_space<vmem>>, vector<16xf32>,
        %add3A_3231 = arith.addf %add3A_3223, %get3A_3230 : vector<16xf32>
        %mul3A_3232 = arith.mulf %get3A_3230, %get3A_3230 : vector<16xf32>
        %add3A_3233 = arith.addf %add3A_3225, %mul3A_3232 : vector<16xf32>
        %add3A_3234 = arith.constant 12 : i32
        %add3A_3235 = arith.addi %mul3A_3141, %add3A_3234 : i32
        %get3A_3236 = arith.index_cast %add3A_3235 : i32 to index
        %get3A_3237 = arith.constant 0 : index
        %get3A_3238 = tpu.vector_load %arg9[%get3A_3236, %get3A_3237] {strides = array<i32>} : memref<3328x16xf32, #tpu.memory_space<vmem>>, vector<16xf32>,
        %add3A_3239 = arith.addf %add3A_3231, %get3A_3238 : vector<16xf32>
        %mul3A_3240 = arith.mulf %get3A_3238, %get3A_3238 : vector<16xf32>
        %add3A_3241 = arith.addf %add3A_3233, %mul3A_3240 : vector<16xf32>
        %add3A_3242 = arith.constant 13 : i32
        %add3A_3243 = arith.addi %mul3A_3141, %add3A_3242 : i32
        %get3A_3244 = arith.index_cast %add3A_3243 : i32 to index
        %get3A_3245 = arith.constant 0 : index
        %get3A_3246 = tpu.vector_load %arg9[%get3A_3244, %get3A_3245] {strides = array<i32>} : memref<3328x16xf32, #tpu.memory_space<vmem>>, vector<16xf32>,
        %add3A_3247 = arith.addf %add3A_3239, %get3A_3246 : vector<16xf32>
        %mul3A_3248 = arith.mulf %get3A_3246, %get3A_3246 : vector<16xf32>
        %add3A_3249 = arith.addf %add3A_3241, %mul3A_3248 : vector<16xf32>
        %add3A_3250 = arith.constant 14 : i32
        %add3A_3251 = arith.addi %mul3A_3141, %add3A_3250 : i32
        %get3A_3252 = arith.index_cast %add3A_3251 : i32 to index
        %get3A_3253 = arith.constant 0 : index
        %get3A_3254 = tpu.vector_load %arg9[%get3A_3252, %get3A_3253] {strides = array<i32>} : memref<3328x16xf32, #tpu.memory_space<vmem>>, vector<16xf32>,
        %add3A_3255 = arith.addf %add3A_3247, %get3A_3254 : vector<16xf32>
        %mul3A_3256 = arith.mulf %get3A_3254, %get3A_3254 : vector<16xf32>
        %add3A_3257 = arith.addf %add3A_3249, %mul3A_3256 : vector<16xf32>
        %add3A_3258 = arith.constant 15 : i32
        %add3A_3259 = arith.addi %mul3A_3141, %add3A_3258 : i32
        %get3A_3260 = arith.index_cast %add3A_3259 : i32 to index
        %get3A_3261 = arith.constant 0 : index
        %get3A_3262 = tpu.vector_load %arg9[%get3A_3260, %get3A_3261] {strides = array<i32>} : memref<3328x16xf32, #tpu.memory_space<vmem>>, vector<16xf32>,
        %add3A_3263 = arith.addf %add3A_3255, %get3A_3262 : vector<16xf32>
        %mul3A_3264 = arith.mulf %get3A_3262, %get3A_3262 : vector<16xf32>
        %add3A_3265 = arith.addf %add3A_3257, %mul3A_3264 : vector<16xf32>
        %add3A_3266 = arith.constant 16 : i32
        %add3A_3267 = arith.addi %mul3A_3141, %add3A_3266 : i32
        %get3A_3268 = arith.index_cast %add3A_3267 : i32 to index
        %get3A_3269 = arith.constant 0 : index
        %get3A_3270 = tpu.vector_load %arg9[%get3A_3268, %get3A_3269] {strides = array<i32>} : memref<3328x16xf32, #tpu.memory_space<vmem>>, vector<16xf32>,
        %add3A_3271 = arith.addf %add3A_3263, %get3A_3270 : vector<16xf32>
        %mul3A_3272 = arith.mulf %get3A_3270, %get3A_3270 : vector<16xf32>
        %add3A_3273 = arith.addf %add3A_3265, %mul3A_3272 : vector<16xf32>
        %add3A_3274 = arith.constant 17 : i32
        %add3A_3275 = arith.addi %mul3A_3141, %add3A_3274 : i32
        %get3A_3276 = arith.index_cast %add3A_3275 : i32 to index
        %get3A_3277 = arith.constant 0 : index
        %get3A_3278 = tpu.vector_load %arg9[%get3A_3276, %get3A_3277] {strides = array<i32>} : memref<3328x16xf32, #tpu.memory_space<vmem>>, vector<16xf32>,
        %add3A_3279 = arith.addf %add3A_3271, %get3A_3278 : vector<16xf32>
        %mul3A_3280 = arith.mulf %get3A_3278, %get3A_3278 : vector<16xf32>
        %add3A_3281 = arith.addf %add3A_3273, %mul3A_3280 : vector<16xf32>
        %add3A_3282 = arith.constant 18 : i32
        %add3A_3283 = arith.addi %mul3A_3141, %add3A_3282 : i32
        %get3A_3284 = arith.index_cast %add3A_3283 : i32 to index
        %get3A_3285 = arith.constant 0 : index
        %get3A_3286 = tpu.vector_load %arg9[%get3A_3284, %get3A_3285] {strides = array<i32>} : memref<3328x16xf32, #tpu.memory_space<vmem>>, vector<16xf32>,
        %add3A_3287 = arith.addf %add3A_3279, %get3A_3286 : vector<16xf32>
        %mul3A_3288 = arith.mulf %get3A_3286, %get3A_3286 : vector<16xf32>
        %add3A_3289 = arith.addf %add3A_3281, %mul3A_3288 : vector<16xf32>
        %add3A_3290 = arith.constant 19 : i32
        %add3A_3291 = arith.addi %mul3A_3141, %add3A_3290 : i32
        %get3A_3292 = arith.index_cast %add3A_3291 : i32 to index
        %get3A_3293 = arith.constant 0 : index
        %get3A_3294 = tpu.vector_load %arg9[%get3A_3292, %get3A_3293] {strides = array<i32>} : memref<3328x16xf32, #tpu.memory_space<vmem>>, vector<16xf32>,
        %add3A_3295 = arith.addf %add3A_3287, %get3A_3294 : vector<16xf32>
        %mul3A_3296 = arith.mulf %get3A_3294, %get3A_3294 : vector<16xf32>
        %add3A_3297 = arith.addf %add3A_3289, %mul3A_3296 : vector<16xf32>
        %add3A_3298 = arith.constant 20 : i32
        %add3A_3299 = arith.addi %mul3A_3141, %add3A_3298 : i32
        %get3A_3300 = arith.index_cast %add3A_3299 : i32 to index
        %get3A_3301 = arith.constant 0 : index
        %get3A_3302 = tpu.vector_load %arg9[%get3A_3300, %get3A_3301] {strides = array<i32>} : memref<3328x16xf32, #tpu.memory_space<vmem>>, vector<16xf32>,
        %add3A_3303 = arith.addf %add3A_3295, %get3A_3302 : vector<16xf32>
        %mul3A_3304 = arith.mulf %get3A_3302, %get3A_3302 : vector<16xf32>
        %add3A_3305 = arith.addf %add3A_3297, %mul3A_3304 : vector<16xf32>
        %add3A_3306 = arith.constant 21 : i32
        %add3A_3307 = arith.addi %mul3A_3141, %add3A_3306 : i32
        %get3A_3308 = arith.index_cast %add3A_3307 : i32 to index
        %get3A_3309 = arith.constant 0 : index
        %get3A_3310 = tpu.vector_load %arg9[%get3A_3308, %get3A_3309] {strides = array<i32>} : memref<3328x16xf32, #tpu.memory_space<vmem>>, vector<16xf32>,
        %add3A_3311 = arith.addf %add3A_3303, %get3A_3310 : vector<16xf32>
        %mul3A_3312 = arith.mulf %get3A_3310, %get3A_3310 : vector<16xf32>
        %add3A_3313 = arith.addf %add3A_3305, %mul3A_3312 : vector<16xf32>
        %add3A_3314 = arith.constant 22 : i32
        %add3A_3315 = arith.addi %mul3A_3141, %add3A_3314 : i32
        %get3A_3316 = arith.index_cast %add3A_3315 : i32 to index
        %get3A_3317 = arith.constant 0 : index
        %get3A_3318 = tpu.vector_load %arg9[%get3A_3316, %get3A_3317] {strides = array<i32>} : memref<3328x16xf32, #tpu.memory_space<vmem>>, vector<16xf32>,
        %add3A_3319 = arith.addf %add3A_3311, %get3A_3318 : vector<16xf32>
        %mul3A_3320 = arith.mulf %get3A_3318, %get3A_3318 : vector<16xf32>
        %add3A_3321 = arith.addf %add3A_3313, %mul3A_3320 : vector<16xf32>
        %add3A_3322 = arith.constant 23 : i32
        %add3A_3323 = arith.addi %mul3A_3141, %add3A_3322 : i32
        %get3A_3324 = arith.index_cast %add3A_3323 : i32 to index
        %get3A_3325 = arith.constant 0 : index
        %get3A_3326 = tpu.vector_load %arg9[%get3A_3324, %get3A_3325] {strides = array<i32>} : memref<3328x16xf32, #tpu.memory_space<vmem>>, vector<16xf32>,
        %add3A_3327 = arith.addf %add3A_3319, %get3A_3326 : vector<16xf32>
        %mul3A_3328 = arith.mulf %get3A_3326, %get3A_3326 : vector<16xf32>
        %add3A_3329 = arith.addf %add3A_3321, %mul3A_3328 : vector<16xf32>
        %add3A_3330 = arith.constant 24 : i32
        %add3A_3331 = arith.addi %mul3A_3141, %add3A_3330 : i32
        %get3A_3332 = arith.index_cast %add3A_3331 : i32 to index
        %get3A_3333 = arith.constant 0 : index
        %get3A_3334 = tpu.vector_load %arg9[%get3A_3332, %get3A_3333] {strides = array<i32>} : memref<3328x16xf32, #tpu.memory_space<vmem>>, vector<16xf32>,
        %add3A_3335 = arith.addf %add3A_3327, %get3A_3334 : vector<16xf32>
        %mul3A_3336 = arith.mulf %get3A_3334, %get3A_3334 : vector<16xf32>
        %add3A_3337 = arith.addf %add3A_3329, %mul3A_3336 : vector<16xf32>
        %add3A_3338 = arith.constant 25 : i32
        %add3A_3339 = arith.addi %mul3A_3141, %add3A_3338 : i32
        %get3A_3340 = arith.index_cast %add3A_3339 : i32 to index
        %get3A_3341 = arith.constant 0 : index
        %get3A_3342 = tpu.vector_load %arg9[%get3A_3340, %get3A_3341] {strides = array<i32>} : memref<3328x16xf32, #tpu.memory_space<vmem>>, vector<16xf32>,
        %add3A_3343 = arith.addf %add3A_3335, %get3A_3342 : vector<16xf32>
        %mul3A_3344 = arith.mulf %get3A_3342, %get3A_3342 : vector<16xf32>
        %add3A_3345 = arith.addf %add3A_3337, %mul3A_3344 : vector<16xf32>
        %mul3A_3346 = arith.mulf %add3A_3343, %add3A_3343 : vector<16xf32>
        %sub3A_3347 = arith.subf %mul3A_3346, %add3A_3345 : vector<16xf32>
        %mul3A_3348 = arith.constant 5.000000e-01 : f32
        %mul3A_3349 = vector.broadcast %mul3A_3348 : f32 to vector<16xf32>
        %mul3A_3350 = arith.mulf %mul3A_3349, %sub3A_3347 : vector<16xf32>
        %get3A_3351 = arith.index_cast %mul3A_3141 : i32 to index
        %get3A_3352 = tpu.vector_load %arg10[%get3A_3351] {strides = array<i32>} : memref<3344xf32, #tpu.memory_space<vmem>>, vector<16xf32>,
        %add3A_3353 = arith.constant 16 : i32
        %add3A_3354 = arith.addi %mul3A_3141, %add3A_3353 : i32
        %get3A_3355 = arith.index_cast %add3A_3354 : i32 to index
        %get3A_3356 = tpu.vector_load %arg10[%get3A_3355] {strides = array<i32>} : memref<3344xf32, #tpu.memory_space<vmem>>, vector<16xf32>,
        %jit3A_3357 = arith.constant 0.000000e+00 : f32
        %broadcast_in_dim3A_3358 = vector.broadcast %jit3A_3357 : f32 to vector<16xf32>
        %select_n3A_3359 = arith.select %lt3A_9, %get3A_3356, %broadcast_in_dim3A_3358 : vector<16xi1>, vector<16xf32>
        %mul3A_3360 = arith.mulf %mul3A_3350, %get3A_3 : vector<16xf32>
        %add3A_3361 = arith.addf %get3A_3352, %select_n3A_3359 : vector<16xf32>
        %mul3A_3362 = arith.mulf %add3A_3361, %get3A_5 : vector<16xf32>
        %add3A_3363 = arith.addf %mul3A_3360, %mul3A_3362 : vector<16xf32>
        %add3A_3364 = arith.addf %add3A_3363, %get3A_7 : vector<16xf32>
        %eq3A_3365 = arith.constant 13 : i32
        %eq3A_3366 = vector.broadcast %eq3A_3365 : i32 to vector<16xi32>
        %eq3A_3367 = arith.cmpi eq, %iota3A, %eq3A_3366 : vector<16xi32>
        %reduce_sum3A_3368 = arith.constant true
        %reduce_sum3A_3369 = vector.broadcast %reduce_sum3A_3368 : i1 to vector<16xi1>
        %reduce_sum3A_3370 = tpu.scan <sum>, %add3A_3364 masked %reduce_sum3A_3369 : vector<16xf32>, vector<16xi1> -> vector<16xf32>
        %reduce_sum3A_3371 = vector.extract %reduce_sum3A_3370[15] : f32 from vector<16xf32>
        %broadcast_in_dim3A_3372 = vector.broadcast %reduce_sum3A_3371 : f32 to vector<16xf32>
        %select_n3A_3373 = arith.select %eq3A_3367, %broadcast_in_dim3A_3372, %select_n3A_3135 : vector<16xi1>, vector<16xf32>
        %mul3A_3374 = arith.constant 16 : i32
        %mul3A_3375 = arith.muli %scan3A_45, %mul3A_3374 : i32
        %add3A_3376 = arith.constant 14 : i32
        %add3A_3377 = arith.addi %mul3A_3375, %add3A_3376 : i32
        %mul3A_3378 = arith.constant 26 : i32
        %mul3A_3379 = arith.muli %add3A_3377, %mul3A_3378 : i32
        %get3A_3380 = arith.index_cast %mul3A_3379 : i32 to index
        %get3A_3381 = arith.constant 0 : index
        %get3A_3382 = tpu.vector_load %arg9[%get3A_3380, %get3A_3381] {strides = array<i32>} : memref<3328x16xf32, #tpu.memory_space<vmem>>, vector<16xf32>,
        %mul3A_3383 = arith.mulf %get3A_3382, %get3A_3382 : vector<16xf32>
        %add3A_3384 = arith.constant 1 : i32
        %add3A_3385 = arith.addi %mul3A_3379, %add3A_3384 : i32
        %get3A_3386 = arith.index_cast %add3A_3385 : i32 to index
        %get3A_3387 = arith.constant 0 : index
        %get3A_3388 = tpu.vector_load %arg9[%get3A_3386, %get3A_3387] {strides = array<i32>} : memref<3328x16xf32, #tpu.memory_space<vmem>>, vector<16xf32>,
        %add3A_3389 = arith.addf %get3A_3382, %get3A_3388 : vector<16xf32>
        %mul3A_3390 = arith.mulf %get3A_3388, %get3A_3388 : vector<16xf32>
        %add3A_3391 = arith.addf %mul3A_3383, %mul3A_3390 : vector<16xf32>
        %add3A_3392 = arith.constant 2 : i32
        %add3A_3393 = arith.addi %mul3A_3379, %add3A_3392 : i32
        %get3A_3394 = arith.index_cast %add3A_3393 : i32 to index
        %get3A_3395 = arith.constant 0 : index
        %get3A_3396 = tpu.vector_load %arg9[%get3A_3394, %get3A_3395] {strides = array<i32>} : memref<3328x16xf32, #tpu.memory_space<vmem>>, vector<16xf32>,
        %add3A_3397 = arith.addf %add3A_3389, %get3A_3396 : vector<16xf32>
        %mul3A_3398 = arith.mulf %get3A_3396, %get3A_3396 : vector<16xf32>
        %add3A_3399 = arith.addf %add3A_3391, %mul3A_3398 : vector<16xf32>
        %add3A_3400 = arith.constant 3 : i32
        %add3A_3401 = arith.addi %mul3A_3379, %add3A_3400 : i32
        %get3A_3402 = arith.index_cast %add3A_3401 : i32 to index
        %get3A_3403 = arith.constant 0 : index
        %get3A_3404 = tpu.vector_load %arg9[%get3A_3402, %get3A_3403] {strides = array<i32>} : memref<3328x16xf32, #tpu.memory_space<vmem>>, vector<16xf32>,
        %add3A_3405 = arith.addf %add3A_3397, %get3A_3404 : vector<16xf32>
        %mul3A_3406 = arith.mulf %get3A_3404, %get3A_3404 : vector<16xf32>
        %add3A_3407 = arith.addf %add3A_3399, %mul3A_3406 : vector<16xf32>
        %add3A_3408 = arith.constant 4 : i32
        %add3A_3409 = arith.addi %mul3A_3379, %add3A_3408 : i32
        %get3A_3410 = arith.index_cast %add3A_3409 : i32 to index
        %get3A_3411 = arith.constant 0 : index
        %get3A_3412 = tpu.vector_load %arg9[%get3A_3410, %get3A_3411] {strides = array<i32>} : memref<3328x16xf32, #tpu.memory_space<vmem>>, vector<16xf32>,
        %add3A_3413 = arith.addf %add3A_3405, %get3A_3412 : vector<16xf32>
        %mul3A_3414 = arith.mulf %get3A_3412, %get3A_3412 : vector<16xf32>
        %add3A_3415 = arith.addf %add3A_3407, %mul3A_3414 : vector<16xf32>
        %add3A_3416 = arith.constant 5 : i32
        %add3A_3417 = arith.addi %mul3A_3379, %add3A_3416 : i32
        %get3A_3418 = arith.index_cast %add3A_3417 : i32 to index
        %get3A_3419 = arith.constant 0 : index
        %get3A_3420 = tpu.vector_load %arg9[%get3A_3418, %get3A_3419] {strides = array<i32>} : memref<3328x16xf32, #tpu.memory_space<vmem>>, vector<16xf32>,
        %add3A_3421 = arith.addf %add3A_3413, %get3A_3420 : vector<16xf32>
        %mul3A_3422 = arith.mulf %get3A_3420, %get3A_3420 : vector<16xf32>
        %add3A_3423 = arith.addf %add3A_3415, %mul3A_3422 : vector<16xf32>
        %add3A_3424 = arith.constant 6 : i32
        %add3A_3425 = arith.addi %mul3A_3379, %add3A_3424 : i32
        %get3A_3426 = arith.index_cast %add3A_3425 : i32 to index
        %get3A_3427 = arith.constant 0 : index
        %get3A_3428 = tpu.vector_load %arg9[%get3A_3426, %get3A_3427] {strides = array<i32>} : memref<3328x16xf32, #tpu.memory_space<vmem>>, vector<16xf32>,
        %add3A_3429 = arith.addf %add3A_3421, %get3A_3428 : vector<16xf32>
        %mul3A_3430 = arith.mulf %get3A_3428, %get3A_3428 : vector<16xf32>
        %add3A_3431 = arith.addf %add3A_3423, %mul3A_3430 : vector<16xf32>
        %add3A_3432 = arith.constant 7 : i32
        %add3A_3433 = arith.addi %mul3A_3379, %add3A_3432 : i32
        %get3A_3434 = arith.index_cast %add3A_3433 : i32 to index
        %get3A_3435 = arith.constant 0 : index
        %get3A_3436 = tpu.vector_load %arg9[%get3A_3434, %get3A_3435] {strides = array<i32>} : memref<3328x16xf32, #tpu.memory_space<vmem>>, vector<16xf32>,
        %add3A_3437 = arith.addf %add3A_3429, %get3A_3436 : vector<16xf32>
        %mul3A_3438 = arith.mulf %get3A_3436, %get3A_3436 : vector<16xf32>
        %add3A_3439 = arith.addf %add3A_3431, %mul3A_3438 : vector<16xf32>
        %add3A_3440 = arith.constant 8 : i32
        %add3A_3441 = arith.addi %mul3A_3379, %add3A_3440 : i32
        %get3A_3442 = arith.index_cast %add3A_3441 : i32 to index
        %get3A_3443 = arith.constant 0 : index
        %get3A_3444 = tpu.vector_load %arg9[%get3A_3442, %get3A_3443] {strides = array<i32>} : memref<3328x16xf32, #tpu.memory_space<vmem>>, vector<16xf32>,
        %add3A_3445 = arith.addf %add3A_3437, %get3A_3444 : vector<16xf32>
        %mul3A_3446 = arith.mulf %get3A_3444, %get3A_3444 : vector<16xf32>
        %add3A_3447 = arith.addf %add3A_3439, %mul3A_3446 : vector<16xf32>
        %add3A_3448 = arith.constant 9 : i32
        %add3A_3449 = arith.addi %mul3A_3379, %add3A_3448 : i32
        %get3A_3450 = arith.index_cast %add3A_3449 : i32 to index
        %get3A_3451 = arith.constant 0 : index
        %get3A_3452 = tpu.vector_load %arg9[%get3A_3450, %get3A_3451] {strides = array<i32>} : memref<3328x16xf32, #tpu.memory_space<vmem>>, vector<16xf32>,
        %add3A_3453 = arith.addf %add3A_3445, %get3A_3452 : vector<16xf32>
        %mul3A_3454 = arith.mulf %get3A_3452, %get3A_3452 : vector<16xf32>
        %add3A_3455 = arith.addf %add3A_3447, %mul3A_3454 : vector<16xf32>
        %add3A_3456 = arith.constant 10 : i32
        %add3A_3457 = arith.addi %mul3A_3379, %add3A_3456 : i32
        %get3A_3458 = arith.index_cast %add3A_3457 : i32 to index
        %get3A_3459 = arith.constant 0 : index
        %get3A_3460 = tpu.vector_load %arg9[%get3A_3458, %get3A_3459] {strides = array<i32>} : memref<3328x16xf32, #tpu.memory_space<vmem>>, vector<16xf32>,
        %add3A_3461 = arith.addf %add3A_3453, %get3A_3460 : vector<16xf32>
        %mul3A_3462 = arith.mulf %get3A_3460, %get3A_3460 : vector<16xf32>
        %add3A_3463 = arith.addf %add3A_3455, %mul3A_3462 : vector<16xf32>
        %add3A_3464 = arith.constant 11 : i32
        %add3A_3465 = arith.addi %mul3A_3379, %add3A_3464 : i32
        %get3A_3466 = arith.index_cast %add3A_3465 : i32 to index
        %get3A_3467 = arith.constant 0 : index
        %get3A_3468 = tpu.vector_load %arg9[%get3A_3466, %get3A_3467] {strides = array<i32>} : memref<3328x16xf32, #tpu.memory_space<vmem>>, vector<16xf32>,
        %add3A_3469 = arith.addf %add3A_3461, %get3A_3468 : vector<16xf32>
        %mul3A_3470 = arith.mulf %get3A_3468, %get3A_3468 : vector<16xf32>
        %add3A_3471 = arith.addf %add3A_3463, %mul3A_3470 : vector<16xf32>
        %add3A_3472 = arith.constant 12 : i32
        %add3A_3473 = arith.addi %mul3A_3379, %add3A_3472 : i32
        %get3A_3474 = arith.index_cast %add3A_3473 : i32 to index
        %get3A_3475 = arith.constant 0 : index
        %get3A_3476 = tpu.vector_load %arg9[%get3A_3474, %get3A_3475] {strides = array<i32>} : memref<3328x16xf32, #tpu.memory_space<vmem>>, vector<16xf32>,
        %add3A_3477 = arith.addf %add3A_3469, %get3A_3476 : vector<16xf32>
        %mul3A_3478 = arith.mulf %get3A_3476, %get3A_3476 : vector<16xf32>
        %add3A_3479 = arith.addf %add3A_3471, %mul3A_3478 : vector<16xf32>
        %add3A_3480 = arith.constant 13 : i32
        %add3A_3481 = arith.addi %mul3A_3379, %add3A_3480 : i32
        %get3A_3482 = arith.index_cast %add3A_3481 : i32 to index
        %get3A_3483 = arith.constant 0 : index
        %get3A_3484 = tpu.vector_load %arg9[%get3A_3482, %get3A_3483] {strides = array<i32>} : memref<3328x16xf32, #tpu.memory_space<vmem>>, vector<16xf32>,
        %add3A_3485 = arith.addf %add3A_3477, %get3A_3484 : vector<16xf32>
        %mul3A_3486 = arith.mulf %get3A_3484, %get3A_3484 : vector<16xf32>
        %add3A_3487 = arith.addf %add3A_3479, %mul3A_3486 : vector<16xf32>
        %add3A_3488 = arith.constant 14 : i32
        %add3A_3489 = arith.addi %mul3A_3379, %add3A_3488 : i32
        %get3A_3490 = arith.index_cast %add3A_3489 : i32 to index
        %get3A_3491 = arith.constant 0 : index
        %get3A_3492 = tpu.vector_load %arg9[%get3A_3490, %get3A_3491] {strides = array<i32>} : memref<3328x16xf32, #tpu.memory_space<vmem>>, vector<16xf32>,
        %add3A_3493 = arith.addf %add3A_3485, %get3A_3492 : vector<16xf32>
        %mul3A_3494 = arith.mulf %get3A_3492, %get3A_3492 : vector<16xf32>
        %add3A_3495 = arith.addf %add3A_3487, %mul3A_3494 : vector<16xf32>
        %add3A_3496 = arith.constant 15 : i32
        %add3A_3497 = arith.addi %mul3A_3379, %add3A_3496 : i32
        %get3A_3498 = arith.index_cast %add3A_3497 : i32 to index
        %get3A_3499 = arith.constant 0 : index
        %get3A_3500 = tpu.vector_load %arg9[%get3A_3498, %get3A_3499] {strides = array<i32>} : memref<3328x16xf32, #tpu.memory_space<vmem>>, vector<16xf32>,
        %add3A_3501 = arith.addf %add3A_3493, %get3A_3500 : vector<16xf32>
        %mul3A_3502 = arith.mulf %get3A_3500, %get3A_3500 : vector<16xf32>
        %add3A_3503 = arith.addf %add3A_3495, %mul3A_3502 : vector<16xf32>
        %add3A_3504 = arith.constant 16 : i32
        %add3A_3505 = arith.addi %mul3A_3379, %add3A_3504 : i32
        %get3A_3506 = arith.index_cast %add3A_3505 : i32 to index
        %get3A_3507 = arith.constant 0 : index
        %get3A_3508 = tpu.vector_load %arg9[%get3A_3506, %get3A_3507] {strides = array<i32>} : memref<3328x16xf32, #tpu.memory_space<vmem>>, vector<16xf32>,
        %add3A_3509 = arith.addf %add3A_3501, %get3A_3508 : vector<16xf32>
        %mul3A_3510 = arith.mulf %get3A_3508, %get3A_3508 : vector<16xf32>
        %add3A_3511 = arith.addf %add3A_3503, %mul3A_3510 : vector<16xf32>
        %add3A_3512 = arith.constant 17 : i32
        %add3A_3513 = arith.addi %mul3A_3379, %add3A_3512 : i32
        %get3A_3514 = arith.index_cast %add3A_3513 : i32 to index
        %get3A_3515 = arith.constant 0 : index
        %get3A_3516 = tpu.vector_load %arg9[%get3A_3514, %get3A_3515] {strides = array<i32>} : memref<3328x16xf32, #tpu.memory_space<vmem>>, vector<16xf32>,
        %add3A_3517 = arith.addf %add3A_3509, %get3A_3516 : vector<16xf32>
        %mul3A_3518 = arith.mulf %get3A_3516, %get3A_3516 : vector<16xf32>
        %add3A_3519 = arith.addf %add3A_3511, %mul3A_3518 : vector<16xf32>
        %add3A_3520 = arith.constant 18 : i32
        %add3A_3521 = arith.addi %mul3A_3379, %add3A_3520 : i32
        %get3A_3522 = arith.index_cast %add3A_3521 : i32 to index
        %get3A_3523 = arith.constant 0 : index
        %get3A_3524 = tpu.vector_load %arg9[%get3A_3522, %get3A_3523] {strides = array<i32>} : memref<3328x16xf32, #tpu.memory_space<vmem>>, vector<16xf32>,
        %add3A_3525 = arith.addf %add3A_3517, %get3A_3524 : vector<16xf32>
        %mul3A_3526 = arith.mulf %get3A_3524, %get3A_3524 : vector<16xf32>
        %add3A_3527 = arith.addf %add3A_3519, %mul3A_3526 : vector<16xf32>
        %add3A_3528 = arith.constant 19 : i32
        %add3A_3529 = arith.addi %mul3A_3379, %add3A_3528 : i32
        %get3A_3530 = arith.index_cast %add3A_3529 : i32 to index
        %get3A_3531 = arith.constant 0 : index
        %get3A_3532 = tpu.vector_load %arg9[%get3A_3530, %get3A_3531] {strides = array<i32>} : memref<3328x16xf32, #tpu.memory_space<vmem>>, vector<16xf32>,
        %add3A_3533 = arith.addf %add3A_3525, %get3A_3532 : vector<16xf32>
        %mul3A_3534 = arith.mulf %get3A_3532, %get3A_3532 : vector<16xf32>
        %add3A_3535 = arith.addf %add3A_3527, %mul3A_3534 : vector<16xf32>
        %add3A_3536 = arith.constant 20 : i32
        %add3A_3537 = arith.addi %mul3A_3379, %add3A_3536 : i32
        %get3A_3538 = arith.index_cast %add3A_3537 : i32 to index
        %get3A_3539 = arith.constant 0 : index
        %get3A_3540 = tpu.vector_load %arg9[%get3A_3538, %get3A_3539] {strides = array<i32>} : memref<3328x16xf32, #tpu.memory_space<vmem>>, vector<16xf32>,
        %add3A_3541 = arith.addf %add3A_3533, %get3A_3540 : vector<16xf32>
        %mul3A_3542 = arith.mulf %get3A_3540, %get3A_3540 : vector<16xf32>
        %add3A_3543 = arith.addf %add3A_3535, %mul3A_3542 : vector<16xf32>
        %add3A_3544 = arith.constant 21 : i32
        %add3A_3545 = arith.addi %mul3A_3379, %add3A_3544 : i32
        %get3A_3546 = arith.index_cast %add3A_3545 : i32 to index
        %get3A_3547 = arith.constant 0 : index
        %get3A_3548 = tpu.vector_load %arg9[%get3A_3546, %get3A_3547] {strides = array<i32>} : memref<3328x16xf32, #tpu.memory_space<vmem>>, vector<16xf32>,
        %add3A_3549 = arith.addf %add3A_3541, %get3A_3548 : vector<16xf32>
        %mul3A_3550 = arith.mulf %get3A_3548, %get3A_3548 : vector<16xf32>
        %add3A_3551 = arith.addf %add3A_3543, %mul3A_3550 : vector<16xf32>
        %add3A_3552 = arith.constant 22 : i32
        %add3A_3553 = arith.addi %mul3A_3379, %add3A_3552 : i32
        %get3A_3554 = arith.index_cast %add3A_3553 : i32 to index
        %get3A_3555 = arith.constant 0 : index
        %get3A_3556 = tpu.vector_load %arg9[%get3A_3554, %get3A_3555] {strides = array<i32>} : memref<3328x16xf32, #tpu.memory_space<vmem>>, vector<16xf32>,
        %add3A_3557 = arith.addf %add3A_3549, %get3A_3556 : vector<16xf32>
        %mul3A_3558 = arith.mulf %get3A_3556, %get3A_3556 : vector<16xf32>
        %add3A_3559 = arith.addf %add3A_3551, %mul3A_3558 : vector<16xf32>
        %add3A_3560 = arith.constant 23 : i32
        %add3A_3561 = arith.addi %mul3A_3379, %add3A_3560 : i32
        %get3A_3562 = arith.index_cast %add3A_3561 : i32 to index
        %get3A_3563 = arith.constant 0 : index
        %get3A_3564 = tpu.vector_load %arg9[%get3A_3562, %get3A_3563] {strides = array<i32>} : memref<3328x16xf32, #tpu.memory_space<vmem>>, vector<16xf32>,
        %add3A_3565 = arith.addf %add3A_3557, %get3A_3564 : vector<16xf32>
        %mul3A_3566 = arith.mulf %get3A_3564, %get3A_3564 : vector<16xf32>
        %add3A_3567 = arith.addf %add3A_3559, %mul3A_3566 : vector<16xf32>
        %add3A_3568 = arith.constant 24 : i32
        %add3A_3569 = arith.addi %mul3A_3379, %add3A_3568 : i32
        %get3A_3570 = arith.index_cast %add3A_3569 : i32 to index
        %get3A_3571 = arith.constant 0 : index
        %get3A_3572 = tpu.vector_load %arg9[%get3A_3570, %get3A_3571] {strides = array<i32>} : memref<3328x16xf32, #tpu.memory_space<vmem>>, vector<16xf32>,
        %add3A_3573 = arith.addf %add3A_3565, %get3A_3572 : vector<16xf32>
        %mul3A_3574 = arith.mulf %get3A_3572, %get3A_3572 : vector<16xf32>
        %add3A_3575 = arith.addf %add3A_3567, %mul3A_3574 : vector<16xf32>
        %add3A_3576 = arith.constant 25 : i32
        %add3A_3577 = arith.addi %mul3A_3379, %add3A_3576 : i32
        %get3A_3578 = arith.index_cast %add3A_3577 : i32 to index
        %get3A_3579 = arith.constant 0 : index
        %get3A_3580 = tpu.vector_load %arg9[%get3A_3578, %get3A_3579] {strides = array<i32>} : memref<3328x16xf32, #tpu.memory_space<vmem>>, vector<16xf32>,
        %add3A_3581 = arith.addf %add3A_3573, %get3A_3580 : vector<16xf32>
        %mul3A_3582 = arith.mulf %get3A_3580, %get3A_3580 : vector<16xf32>
        %add3A_3583 = arith.addf %add3A_3575, %mul3A_3582 : vector<16xf32>
        %mul3A_3584 = arith.mulf %add3A_3581, %add3A_3581 : vector<16xf32>
        %sub3A_3585 = arith.subf %mul3A_3584, %add3A_3583 : vector<16xf32>
        %mul3A_3586 = arith.constant 5.000000e-01 : f32
        %mul3A_3587 = vector.broadcast %mul3A_3586 : f32 to vector<16xf32>
        %mul3A_3588 = arith.mulf %mul3A_3587, %sub3A_3585 : vector<16xf32>
        %get3A_3589 = arith.index_cast %mul3A_3379 : i32 to index
        %get3A_3590 = tpu.vector_load %arg10[%get3A_3589] {strides = array<i32>} : memref<3344xf32, #tpu.memory_space<vmem>>, vector<16xf32>,
        %add3A_3591 = arith.constant 16 : i32
        %add3A_3592 = arith.addi %mul3A_3379, %add3A_3591 : i32
        %get3A_3593 = arith.index_cast %add3A_3592 : i32 to index
        %get3A_3594 = tpu.vector_load %arg10[%get3A_3593] {strides = array<i32>} : memref<3344xf32, #tpu.memory_space<vmem>>, vector<16xf32>,
        %jit3A_3595 = arith.constant 0.000000e+00 : f32
        %broadcast_in_dim3A_3596 = vector.broadcast %jit3A_3595 : f32 to vector<16xf32>
        %select_n3A_3597 = arith.select %lt3A_9, %get3A_3594, %broadcast_in_dim3A_3596 : vector<16xi1>, vector<16xf32>
        %mul3A_3598 = arith.mulf %mul3A_3588, %get3A_3 : vector<16xf32>
        %add3A_3599 = arith.addf %get3A_3590, %select_n3A_3597 : vector<16xf32>
        %mul3A_3600 = arith.mulf %add3A_3599, %get3A_5 : vector<16xf32>
        %add3A_3601 = arith.addf %mul3A_3598, %mul3A_3600 : vector<16xf32>
        %add3A_3602 = arith.addf %add3A_3601, %get3A_7 : vector<16xf32>
        %eq3A_3603 = arith.constant 14 : i32
        %eq3A_3604 = vector.broadcast %eq3A_3603 : i32 to vector<16xi32>
        %eq3A_3605 = arith.cmpi eq, %iota3A, %eq3A_3604 : vector<16xi32>
        %reduce_sum3A_3606 = arith.constant true
        %reduce_sum3A_3607 = vector.broadcast %reduce_sum3A_3606 : i1 to vector<16xi1>
        %reduce_sum3A_3608 = tpu.scan <sum>, %add3A_3602 masked %reduce_sum3A_3607 : vector<16xf32>, vector<16xi1> -> vector<16xf32>
        %reduce_sum3A_3609 = vector.extract %reduce_sum3A_3608[15] : f32 from vector<16xf32>
        %broadcast_in_dim3A_3610 = vector.broadcast %reduce_sum3A_3609 : f32 to vector<16xf32>
        %select_n3A_3611 = arith.select %eq3A_3605, %broadcast_in_dim3A_3610, %select_n3A_3373 : vector<16xi1>, vector<16xf32>
        %mul3A_3612 = arith.constant 16 : i32
        %mul3A_3613 = arith.muli %scan3A_45, %mul3A_3612 : i32
        %add3A_3614 = arith.constant 15 : i32
        %add3A_3615 = arith.addi %mul3A_3613, %add3A_3614 : i32
        %mul3A_3616 = arith.constant 26 : i32
        %mul3A_3617 = arith.muli %add3A_3615, %mul3A_3616 : i32
        %get3A_3618 = arith.index_cast %mul3A_3617 : i32 to index
        %get3A_3619 = arith.constant 0 : index
        %get3A_3620 = tpu.vector_load %arg9[%get3A_3618, %get3A_3619] {strides = array<i32>} : memref<3328x16xf32, #tpu.memory_space<vmem>>, vector<16xf32>,
        %mul3A_3621 = arith.mulf %get3A_3620, %get3A_3620 : vector<16xf32>
        %add3A_3622 = arith.constant 1 : i32
        %add3A_3623 = arith.addi %mul3A_3617, %add3A_3622 : i32
        %get3A_3624 = arith.index_cast %add3A_3623 : i32 to index
        %get3A_3625 = arith.constant 0 : index
        %get3A_3626 = tpu.vector_load %arg9[%get3A_3624, %get3A_3625] {strides = array<i32>} : memref<3328x16xf32, #tpu.memory_space<vmem>>, vector<16xf32>,
        %add3A_3627 = arith.addf %get3A_3620, %get3A_3626 : vector<16xf32>
        %mul3A_3628 = arith.mulf %get3A_3626, %get3A_3626 : vector<16xf32>
        %add3A_3629 = arith.addf %mul3A_3621, %mul3A_3628 : vector<16xf32>
        %add3A_3630 = arith.constant 2 : i32
        %add3A_3631 = arith.addi %mul3A_3617, %add3A_3630 : i32
        %get3A_3632 = arith.index_cast %add3A_3631 : i32 to index
        %get3A_3633 = arith.constant 0 : index
        %get3A_3634 = tpu.vector_load %arg9[%get3A_3632, %get3A_3633] {strides = array<i32>} : memref<3328x16xf32, #tpu.memory_space<vmem>>, vector<16xf32>,
        %add3A_3635 = arith.addf %add3A_3627, %get3A_3634 : vector<16xf32>
        %mul3A_3636 = arith.mulf %get3A_3634, %get3A_3634 : vector<16xf32>
        %add3A_3637 = arith.addf %add3A_3629, %mul3A_3636 : vector<16xf32>
        %add3A_3638 = arith.constant 3 : i32
        %add3A_3639 = arith.addi %mul3A_3617, %add3A_3638 : i32
        %get3A_3640 = arith.index_cast %add3A_3639 : i32 to index
        %get3A_3641 = arith.constant 0 : index
        %get3A_3642 = tpu.vector_load %arg9[%get3A_3640, %get3A_3641] {strides = array<i32>} : memref<3328x16xf32, #tpu.memory_space<vmem>>, vector<16xf32>,
        %add3A_3643 = arith.addf %add3A_3635, %get3A_3642 : vector<16xf32>
        %mul3A_3644 = arith.mulf %get3A_3642, %get3A_3642 : vector<16xf32>
        %add3A_3645 = arith.addf %add3A_3637, %mul3A_3644 : vector<16xf32>
        %add3A_3646 = arith.constant 4 : i32
        %add3A_3647 = arith.addi %mul3A_3617, %add3A_3646 : i32
        %get3A_3648 = arith.index_cast %add3A_3647 : i32 to index
        %get3A_3649 = arith.constant 0 : index
        %get3A_3650 = tpu.vector_load %arg9[%get3A_3648, %get3A_3649] {strides = array<i32>} : memref<3328x16xf32, #tpu.memory_space<vmem>>, vector<16xf32>,
        %add3A_3651 = arith.addf %add3A_3643, %get3A_3650 : vector<16xf32>
        %mul3A_3652 = arith.mulf %get3A_3650, %get3A_3650 : vector<16xf32>
        %add3A_3653 = arith.addf %add3A_3645, %mul3A_3652 : vector<16xf32>
        %add3A_3654 = arith.constant 5 : i32
        %add3A_3655 = arith.addi %mul3A_3617, %add3A_3654 : i32
        %get3A_3656 = arith.index_cast %add3A_3655 : i32 to index
        %get3A_3657 = arith.constant 0 : index
        %get3A_3658 = tpu.vector_load %arg9[%get3A_3656, %get3A_3657] {strides = array<i32>} : memref<3328x16xf32, #tpu.memory_space<vmem>>, vector<16xf32>,
        %add3A_3659 = arith.addf %add3A_3651, %get3A_3658 : vector<16xf32>
        %mul3A_3660 = arith.mulf %get3A_3658, %get3A_3658 : vector<16xf32>
        %add3A_3661 = arith.addf %add3A_3653, %mul3A_3660 : vector<16xf32>
        %add3A_3662 = arith.constant 6 : i32
        %add3A_3663 = arith.addi %mul3A_3617, %add3A_3662 : i32
        %get3A_3664 = arith.index_cast %add3A_3663 : i32 to index
        %get3A_3665 = arith.constant 0 : index
        %get3A_3666 = tpu.vector_load %arg9[%get3A_3664, %get3A_3665] {strides = array<i32>} : memref<3328x16xf32, #tpu.memory_space<vmem>>, vector<16xf32>,
        %add3A_3667 = arith.addf %add3A_3659, %get3A_3666 : vector<16xf32>
        %mul3A_3668 = arith.mulf %get3A_3666, %get3A_3666 : vector<16xf32>
        %add3A_3669 = arith.addf %add3A_3661, %mul3A_3668 : vector<16xf32>
        %add3A_3670 = arith.constant 7 : i32
        %add3A_3671 = arith.addi %mul3A_3617, %add3A_3670 : i32
        %get3A_3672 = arith.index_cast %add3A_3671 : i32 to index
        %get3A_3673 = arith.constant 0 : index
        %get3A_3674 = tpu.vector_load %arg9[%get3A_3672, %get3A_3673] {strides = array<i32>} : memref<3328x16xf32, #tpu.memory_space<vmem>>, vector<16xf32>,
        %add3A_3675 = arith.addf %add3A_3667, %get3A_3674 : vector<16xf32>
        %mul3A_3676 = arith.mulf %get3A_3674, %get3A_3674 : vector<16xf32>
        %add3A_3677 = arith.addf %add3A_3669, %mul3A_3676 : vector<16xf32>
        %add3A_3678 = arith.constant 8 : i32
        %add3A_3679 = arith.addi %mul3A_3617, %add3A_3678 : i32
        %get3A_3680 = arith.index_cast %add3A_3679 : i32 to index
        %get3A_3681 = arith.constant 0 : index
        %get3A_3682 = tpu.vector_load %arg9[%get3A_3680, %get3A_3681] {strides = array<i32>} : memref<3328x16xf32, #tpu.memory_space<vmem>>, vector<16xf32>,
        %add3A_3683 = arith.addf %add3A_3675, %get3A_3682 : vector<16xf32>
        %mul3A_3684 = arith.mulf %get3A_3682, %get3A_3682 : vector<16xf32>
        %add3A_3685 = arith.addf %add3A_3677, %mul3A_3684 : vector<16xf32>
        %add3A_3686 = arith.constant 9 : i32
        %add3A_3687 = arith.addi %mul3A_3617, %add3A_3686 : i32
        %get3A_3688 = arith.index_cast %add3A_3687 : i32 to index
        %get3A_3689 = arith.constant 0 : index
        %get3A_3690 = tpu.vector_load %arg9[%get3A_3688, %get3A_3689] {strides = array<i32>} : memref<3328x16xf32, #tpu.memory_space<vmem>>, vector<16xf32>,
        %add3A_3691 = arith.addf %add3A_3683, %get3A_3690 : vector<16xf32>
        %mul3A_3692 = arith.mulf %get3A_3690, %get3A_3690 : vector<16xf32>
        %add3A_3693 = arith.addf %add3A_3685, %mul3A_3692 : vector<16xf32>
        %add3A_3694 = arith.constant 10 : i32
        %add3A_3695 = arith.addi %mul3A_3617, %add3A_3694 : i32
        %get3A_3696 = arith.index_cast %add3A_3695 : i32 to index
        %get3A_3697 = arith.constant 0 : index
        %get3A_3698 = tpu.vector_load %arg9[%get3A_3696, %get3A_3697] {strides = array<i32>} : memref<3328x16xf32, #tpu.memory_space<vmem>>, vector<16xf32>,
        %add3A_3699 = arith.addf %add3A_3691, %get3A_3698 : vector<16xf32>
        %mul3A_3700 = arith.mulf %get3A_3698, %get3A_3698 : vector<16xf32>
        %add3A_3701 = arith.addf %add3A_3693, %mul3A_3700 : vector<16xf32>
        %add3A_3702 = arith.constant 11 : i32
        %add3A_3703 = arith.addi %mul3A_3617, %add3A_3702 : i32
        %get3A_3704 = arith.index_cast %add3A_3703 : i32 to index
        %get3A_3705 = arith.constant 0 : index
        %get3A_3706 = tpu.vector_load %arg9[%get3A_3704, %get3A_3705] {strides = array<i32>} : memref<3328x16xf32, #tpu.memory_space<vmem>>, vector<16xf32>,
        %add3A_3707 = arith.addf %add3A_3699, %get3A_3706 : vector<16xf32>
        %mul3A_3708 = arith.mulf %get3A_3706, %get3A_3706 : vector<16xf32>
        %add3A_3709 = arith.addf %add3A_3701, %mul3A_3708 : vector<16xf32>
        %add3A_3710 = arith.constant 12 : i32
        %add3A_3711 = arith.addi %mul3A_3617, %add3A_3710 : i32
        %get3A_3712 = arith.index_cast %add3A_3711 : i32 to index
        %get3A_3713 = arith.constant 0 : index
        %get3A_3714 = tpu.vector_load %arg9[%get3A_3712, %get3A_3713] {strides = array<i32>} : memref<3328x16xf32, #tpu.memory_space<vmem>>, vector<16xf32>,
        %add3A_3715 = arith.addf %add3A_3707, %get3A_3714 : vector<16xf32>
        %mul3A_3716 = arith.mulf %get3A_3714, %get3A_3714 : vector<16xf32>
        %add3A_3717 = arith.addf %add3A_3709, %mul3A_3716 : vector<16xf32>
        %add3A_3718 = arith.constant 13 : i32
        %add3A_3719 = arith.addi %mul3A_3617, %add3A_3718 : i32
        %get3A_3720 = arith.index_cast %add3A_3719 : i32 to index
        %get3A_3721 = arith.constant 0 : index
        %get3A_3722 = tpu.vector_load %arg9[%get3A_3720, %get3A_3721] {strides = array<i32>} : memref<3328x16xf32, #tpu.memory_space<vmem>>, vector<16xf32>,
        %add3A_3723 = arith.addf %add3A_3715, %get3A_3722 : vector<16xf32>
        %mul3A_3724 = arith.mulf %get3A_3722, %get3A_3722 : vector<16xf32>
        %add3A_3725 = arith.addf %add3A_3717, %mul3A_3724 : vector<16xf32>
        %add3A_3726 = arith.constant 14 : i32
        %add3A_3727 = arith.addi %mul3A_3617, %add3A_3726 : i32
        %get3A_3728 = arith.index_cast %add3A_3727 : i32 to index
        %get3A_3729 = arith.constant 0 : index
        %get3A_3730 = tpu.vector_load %arg9[%get3A_3728, %get3A_3729] {strides = array<i32>} : memref<3328x16xf32, #tpu.memory_space<vmem>>, vector<16xf32>,
        %add3A_3731 = arith.addf %add3A_3723, %get3A_3730 : vector<16xf32>
        %mul3A_3732 = arith.mulf %get3A_3730, %get3A_3730 : vector<16xf32>
        %add3A_3733 = arith.addf %add3A_3725, %mul3A_3732 : vector<16xf32>
        %add3A_3734 = arith.constant 15 : i32
        %add3A_3735 = arith.addi %mul3A_3617, %add3A_3734 : i32
        %get3A_3736 = arith.index_cast %add3A_3735 : i32 to index
        %get3A_3737 = arith.constant 0 : index
        %get3A_3738 = tpu.vector_load %arg9[%get3A_3736, %get3A_3737] {strides = array<i32>} : memref<3328x16xf32, #tpu.memory_space<vmem>>, vector<16xf32>,
        %add3A_3739 = arith.addf %add3A_3731, %get3A_3738 : vector<16xf32>
        %mul3A_3740 = arith.mulf %get3A_3738, %get3A_3738 : vector<16xf32>
        %add3A_3741 = arith.addf %add3A_3733, %mul3A_3740 : vector<16xf32>
        %add3A_3742 = arith.constant 16 : i32
        %add3A_3743 = arith.addi %mul3A_3617, %add3A_3742 : i32
        %get3A_3744 = arith.index_cast %add3A_3743 : i32 to index
        %get3A_3745 = arith.constant 0 : index
        %get3A_3746 = tpu.vector_load %arg9[%get3A_3744, %get3A_3745] {strides = array<i32>} : memref<3328x16xf32, #tpu.memory_space<vmem>>, vector<16xf32>,
        %add3A_3747 = arith.addf %add3A_3739, %get3A_3746 : vector<16xf32>
        %mul3A_3748 = arith.mulf %get3A_3746, %get3A_3746 : vector<16xf32>
        %add3A_3749 = arith.addf %add3A_3741, %mul3A_3748 : vector<16xf32>
        %add3A_3750 = arith.constant 17 : i32
        %add3A_3751 = arith.addi %mul3A_3617, %add3A_3750 : i32
        %get3A_3752 = arith.index_cast %add3A_3751 : i32 to index
        %get3A_3753 = arith.constant 0 : index
        %get3A_3754 = tpu.vector_load %arg9[%get3A_3752, %get3A_3753] {strides = array<i32>} : memref<3328x16xf32, #tpu.memory_space<vmem>>, vector<16xf32>,
        %add3A_3755 = arith.addf %add3A_3747, %get3A_3754 : vector<16xf32>
        %mul3A_3756 = arith.mulf %get3A_3754, %get3A_3754 : vector<16xf32>
        %add3A_3757 = arith.addf %add3A_3749, %mul3A_3756 : vector<16xf32>
        %add3A_3758 = arith.constant 18 : i32
        %add3A_3759 = arith.addi %mul3A_3617, %add3A_3758 : i32
        %get3A_3760 = arith.index_cast %add3A_3759 : i32 to index
        %get3A_3761 = arith.constant 0 : index
        %get3A_3762 = tpu.vector_load %arg9[%get3A_3760, %get3A_3761] {strides = array<i32>} : memref<3328x16xf32, #tpu.memory_space<vmem>>, vector<16xf32>,
        %add3A_3763 = arith.addf %add3A_3755, %get3A_3762 : vector<16xf32>
        %mul3A_3764 = arith.mulf %get3A_3762, %get3A_3762 : vector<16xf32>
        %add3A_3765 = arith.addf %add3A_3757, %mul3A_3764 : vector<16xf32>
        %add3A_3766 = arith.constant 19 : i32
        %add3A_3767 = arith.addi %mul3A_3617, %add3A_3766 : i32
        %get3A_3768 = arith.index_cast %add3A_3767 : i32 to index
        %get3A_3769 = arith.constant 0 : index
        %get3A_3770 = tpu.vector_load %arg9[%get3A_3768, %get3A_3769] {strides = array<i32>} : memref<3328x16xf32, #tpu.memory_space<vmem>>, vector<16xf32>,
        %add3A_3771 = arith.addf %add3A_3763, %get3A_3770 : vector<16xf32>
        %mul3A_3772 = arith.mulf %get3A_3770, %get3A_3770 : vector<16xf32>
        %add3A_3773 = arith.addf %add3A_3765, %mul3A_3772 : vector<16xf32>
        %add3A_3774 = arith.constant 20 : i32
        %add3A_3775 = arith.addi %mul3A_3617, %add3A_3774 : i32
        %get3A_3776 = arith.index_cast %add3A_3775 : i32 to index
        %get3A_3777 = arith.constant 0 : index
        %get3A_3778 = tpu.vector_load %arg9[%get3A_3776, %get3A_3777] {strides = array<i32>} : memref<3328x16xf32, #tpu.memory_space<vmem>>, vector<16xf32>,
        %add3A_3779 = arith.addf %add3A_3771, %get3A_3778 : vector<16xf32>
        %mul3A_3780 = arith.mulf %get3A_3778, %get3A_3778 : vector<16xf32>
        %add3A_3781 = arith.addf %add3A_3773, %mul3A_3780 : vector<16xf32>
        %add3A_3782 = arith.constant 21 : i32
        %add3A_3783 = arith.addi %mul3A_3617, %add3A_3782 : i32
        %get3A_3784 = arith.index_cast %add3A_3783 : i32 to index
        %get3A_3785 = arith.constant 0 : index
        %get3A_3786 = tpu.vector_load %arg9[%get3A_3784, %get3A_3785] {strides = array<i32>} : memref<3328x16xf32, #tpu.memory_space<vmem>>, vector<16xf32>,
        %add3A_3787 = arith.addf %add3A_3779, %get3A_3786 : vector<16xf32>
        %mul3A_3788 = arith.mulf %get3A_3786, %get3A_3786 : vector<16xf32>
        %add3A_3789 = arith.addf %add3A_3781, %mul3A_3788 : vector<16xf32>
        %add3A_3790 = arith.constant 22 : i32
        %add3A_3791 = arith.addi %mul3A_3617, %add3A_3790 : i32
        %get3A_3792 = arith.index_cast %add3A_3791 : i32 to index
        %get3A_3793 = arith.constant 0 : index
        %get3A_3794 = tpu.vector_load %arg9[%get3A_3792, %get3A_3793] {strides = array<i32>} : memref<3328x16xf32, #tpu.memory_space<vmem>>, vector<16xf32>,
        %add3A_3795 = arith.addf %add3A_3787, %get3A_3794 : vector<16xf32>
        %mul3A_3796 = arith.mulf %get3A_3794, %get3A_3794 : vector<16xf32>
        %add3A_3797 = arith.addf %add3A_3789, %mul3A_3796 : vector<16xf32>
        %add3A_3798 = arith.constant 23 : i32
        %add3A_3799 = arith.addi %mul3A_3617, %add3A_3798 : i32
        %get3A_3800 = arith.index_cast %add3A_3799 : i32 to index
        %get3A_3801 = arith.constant 0 : index
        %get3A_3802 = tpu.vector_load %arg9[%get3A_3800, %get3A_3801] {strides = array<i32>} : memref<3328x16xf32, #tpu.memory_space<vmem>>, vector<16xf32>,
        %add3A_3803 = arith.addf %add3A_3795, %get3A_3802 : vector<16xf32>
        %mul3A_3804 = arith.mulf %get3A_3802, %get3A_3802 : vector<16xf32>
        %add3A_3805 = arith.addf %add3A_3797, %mul3A_3804 : vector<16xf32>
        %add3A_3806 = arith.constant 24 : i32
        %add3A_3807 = arith.addi %mul3A_3617, %add3A_3806 : i32
        %get3A_3808 = arith.index_cast %add3A_3807 : i32 to index
        %get3A_3809 = arith.constant 0 : index
        %get3A_3810 = tpu.vector_load %arg9[%get3A_3808, %get3A_3809] {strides = array<i32>} : memref<3328x16xf32, #tpu.memory_space<vmem>>, vector<16xf32>,
        %add3A_3811 = arith.addf %add3A_3803, %get3A_3810 : vector<16xf32>
        %mul3A_3812 = arith.mulf %get3A_3810, %get3A_3810 : vector<16xf32>
        %add3A_3813 = arith.addf %add3A_3805, %mul3A_3812 : vector<16xf32>
        %add3A_3814 = arith.constant 25 : i32
        %add3A_3815 = arith.addi %mul3A_3617, %add3A_3814 : i32
        %get3A_3816 = arith.index_cast %add3A_3815 : i32 to index
        %get3A_3817 = arith.constant 0 : index
        %get3A_3818 = tpu.vector_load %arg9[%get3A_3816, %get3A_3817] {strides = array<i32>} : memref<3328x16xf32, #tpu.memory_space<vmem>>, vector<16xf32>,
        %add3A_3819 = arith.addf %add3A_3811, %get3A_3818 : vector<16xf32>
        %mul3A_3820 = arith.mulf %get3A_3818, %get3A_3818 : vector<16xf32>
        %add3A_3821 = arith.addf %add3A_3813, %mul3A_3820 : vector<16xf32>
        %mul3A_3822 = arith.mulf %add3A_3819, %add3A_3819 : vector<16xf32>
        %sub3A_3823 = arith.subf %mul3A_3822, %add3A_3821 : vector<16xf32>
        %mul3A_3824 = arith.constant 5.000000e-01 : f32
        %mul3A_3825 = vector.broadcast %mul3A_3824 : f32 to vector<16xf32>
        %mul3A_3826 = arith.mulf %mul3A_3825, %sub3A_3823 : vector<16xf32>
        %get3A_3827 = arith.index_cast %mul3A_3617 : i32 to index
        %get3A_3828 = tpu.vector_load %arg10[%get3A_3827] {strides = array<i32>} : memref<3344xf32, #tpu.memory_space<vmem>>, vector<16xf32>,
        %add3A_3829 = arith.constant 16 : i32
        %add3A_3830 = arith.addi %mul3A_3617, %add3A_3829 : i32
        %get3A_3831 = arith.index_cast %add3A_3830 : i32 to index
        %get3A_3832 = tpu.vector_load %arg10[%get3A_3831] {strides = array<i32>} : memref<3344xf32, #tpu.memory_space<vmem>>, vector<16xf32>,
        %jit3A_3833 = arith.constant 0.000000e+00 : f32
        %broadcast_in_dim3A_3834 = vector.broadcast %jit3A_3833 : f32 to vector<16xf32>
        %select_n3A_3835 = arith.select %lt3A_9, %get3A_3832, %broadcast_in_dim3A_3834 : vector<16xi1>, vector<16xf32>
        %mul3A_3836 = arith.mulf %mul3A_3826, %get3A_3 : vector<16xf32>
        %add3A_3837 = arith.addf %get3A_3828, %select_n3A_3835 : vector<16xf32>
        %mul3A_3838 = arith.mulf %add3A_3837, %get3A_5 : vector<16xf32>
        %add3A_3839 = arith.addf %mul3A_3836, %mul3A_3838 : vector<16xf32>
        %add3A_3840 = arith.addf %add3A_3839, %get3A_7 : vector<16xf32>
        %eq3A_3841 = arith.constant 15 : i32
        %eq3A_3842 = vector.broadcast %eq3A_3841 : i32 to vector<16xi32>
        %eq3A_3843 = arith.cmpi eq, %iota3A, %eq3A_3842 : vector<16xi32>
        %reduce_sum3A_3844 = arith.constant true
        %reduce_sum3A_3845 = vector.broadcast %reduce_sum3A_3844 : i1 to vector<16xi1>
        %reduce_sum3A_3846 = tpu.scan <sum>, %add3A_3840 masked %reduce_sum3A_3845 : vector<16xf32>, vector<16xi1> -> vector<16xf32>
        %reduce_sum3A_3847 = vector.extract %reduce_sum3A_3846[15] : f32 from vector<16xf32>
        %broadcast_in_dim3A_3848 = vector.broadcast %reduce_sum3A_3847 : f32 to vector<16xf32>
        %select_n3A_3849 = arith.select %eq3A_3843, %broadcast_in_dim3A_3848, %select_n3A_3611 : vector<16xi1>, vector<16xf32>
        %mul3A_3850 = arith.constant 16 : i32
        %mul3A_3851 = arith.muli %scan3A_45, %mul3A_3850 : i32
        %swap3A = arith.index_cast %mul3A_3851 : i32 to index
        %swap3A_3852 = tpu.vector_load %arg11[%swap3A] {strides = array<i32>} : memref<128xf32, #tpu.memory_space<vmem>>, vector<16xf32>,
        tpu.vector_store %arg11[%swap3A], %select_n3A_3849 {strides = array<i32>} : memref<128xf32, #tpu.memory_space<vmem>>, vector<16xf32>,
      }
      %scan3A_44 = arith.constant 8 : i32
      "tpu.region"() ({
        %run_scoped3A = tpu.sem_alloc : memref<!tpu.dma_semaphore, #tpu.memory_space<semaphore_mem>>
        %dma_start3A_45 = tpu.memref_slice %arg6[%add3A_18] : memref<16384xf32, #tpu.memory_space<hbm>> -> memref<128xf32, #tpu.memory_space<hbm>>
        %dma_start3A_46 = tpu.memref_slice %arg6[%add3A_18] : memref<16384xf32, #tpu.memory_space<hbm>> -> memref<128xf32, #tpu.memory_space<hbm>>
        tpu.enqueue_dma source(%arg11 : memref<128xf32, #tpu.memory_space<vmem>>) target(%dma_start3A_46 : memref<128xf32, #tpu.memory_space<hbm>>) target_semaphore(%run_scoped3A : memref<!tpu.dma_semaphore, #tpu.memory_space<semaphore_mem>>)
        %dma_wait3A_47 = tpu.memref_slice %arg6[%add3A_18] : memref<16384xf32, #tpu.memory_space<hbm>> -> memref<128xf32, #tpu.memory_space<hbm>>
        %dma_wait3A_48 = tpu.memref_slice %arg6[%add3A_18] : memref<16384xf32, #tpu.memory_space<hbm>> -> memref<128xf32, #tpu.memory_space<hbm>>
        tpu.wait_dma2 semaphore(%run_scoped3A : memref<!tpu.dma_semaphore, #tpu.memory_space<semaphore_mem>>) src(%arg11 : memref<128xf32, #tpu.memory_space<vmem>>) dst(%dma_wait3A_48 : memref<128xf32, #tpu.memory_space<hbm>>)
        tpu.yield
      }) : () -> ()
    }
    %scan3A_14 = arith.constant 4 : i32
    return
  }
}

module attributes {stable_mosaic.version = 14 : i64} {
  func.func @_tr_tc_body(%arg0: i32, %arg1: memref<16x8192xf32, #tpu.memory_space<vmem>>, %arg2: memref<1024x128xf32, #tpu.memory_space<vmem>>) attributes {dimension_semantics = [#tpu.dimension_semantics<arbitrary>], iteration_bounds = array<i64: 123>, scalar_prefetch = 0 : i64, scratch_operands = 0 : i64, tpu.core_type = #tpu.core_type<tc>, window_params = [{transform_indices = @transform_0, window_bounds = array<i64: 16, 8192>}, {transform_indices = @transform_1, window_bounds = array<i64: 1024, 128>}]} {
    %get3A = arith.constant 0 : index
    %get3A_0 = arith.constant 0 : index
    %get3A_1 = vector.load %arg1[%get3A, %get3A_0] : memref<16x8192xf32, #tpu.memory_space<vmem>>, vector<16x8192xf32>
    %transpose3A = tpu.transpose %get3A_1, [1, 0] : vector<16x8192xf32> -> vector<8192x16xf32>
    %slice3A = vector.extract_strided_slice %transpose3A {offsets = [0, 0], sizes = [1024, 16], strides = [1, 1]} : vector<8192x16xf32> to vector<1024x16xf32>
    %swap3A = arith.constant 0 : index
    %swap3A_2 = arith.constant 0 : index
    %swap3A_3 = vector.load %arg2[%swap3A, %swap3A_2] : memref<1024x128xf32, #tpu.memory_space<vmem>>, vector<1024x16xf32>
    tpu.vector_store %arg2[%swap3A, %swap3A_2], %slice3A {strides = array<i32>} : memref<1024x128xf32, #tpu.memory_space<vmem>>, vector<1024x16xf32>,
    %slice3A_4 = vector.extract_strided_slice %transpose3A {offsets = [1024, 0], sizes = [1024, 16], strides = [1, 1]} : vector<8192x16xf32> to vector<1024x16xf32>
    %swap3A_5 = arith.constant 0 : index
    %swap3A_6 = arith.constant 16 : index
    %swap3A_7 = vector.load %arg2[%swap3A_5, %swap3A_6] : memref<1024x128xf32, #tpu.memory_space<vmem>>, vector<1024x16xf32>
    tpu.vector_store %arg2[%swap3A_5, %swap3A_6], %slice3A_4 {strides = array<i32>} : memref<1024x128xf32, #tpu.memory_space<vmem>>, vector<1024x16xf32>,
    %slice3A_8 = vector.extract_strided_slice %transpose3A {offsets = [2048, 0], sizes = [1024, 16], strides = [1, 1]} : vector<8192x16xf32> to vector<1024x16xf32>
    %swap3A_9 = arith.constant 0 : index
    %swap3A_10 = arith.constant 32 : index
    %swap3A_11 = vector.load %arg2[%swap3A_9, %swap3A_10] : memref<1024x128xf32, #tpu.memory_space<vmem>>, vector<1024x16xf32>
    tpu.vector_store %arg2[%swap3A_9, %swap3A_10], %slice3A_8 {strides = array<i32>} : memref<1024x128xf32, #tpu.memory_space<vmem>>, vector<1024x16xf32>,
    %slice3A_12 = vector.extract_strided_slice %transpose3A {offsets = [3072, 0], sizes = [1024, 16], strides = [1, 1]} : vector<8192x16xf32> to vector<1024x16xf32>
    %swap3A_13 = arith.constant 0 : index
    %swap3A_14 = arith.constant 48 : index
    %swap3A_15 = vector.load %arg2[%swap3A_13, %swap3A_14] : memref<1024x128xf32, #tpu.memory_space<vmem>>, vector<1024x16xf32>
    tpu.vector_store %arg2[%swap3A_13, %swap3A_14], %slice3A_12 {strides = array<i32>} : memref<1024x128xf32, #tpu.memory_space<vmem>>, vector<1024x16xf32>,
    %slice3A_16 = vector.extract_strided_slice %transpose3A {offsets = [4096, 0], sizes = [1024, 16], strides = [1, 1]} : vector<8192x16xf32> to vector<1024x16xf32>
    %swap3A_17 = arith.constant 0 : index
    %swap3A_18 = arith.constant 64 : index
    %swap3A_19 = vector.load %arg2[%swap3A_17, %swap3A_18] : memref<1024x128xf32, #tpu.memory_space<vmem>>, vector<1024x16xf32>
    tpu.vector_store %arg2[%swap3A_17, %swap3A_18], %slice3A_16 {strides = array<i32>} : memref<1024x128xf32, #tpu.memory_space<vmem>>, vector<1024x16xf32>,
    %slice3A_20 = vector.extract_strided_slice %transpose3A {offsets = [5120, 0], sizes = [1024, 16], strides = [1, 1]} : vector<8192x16xf32> to vector<1024x16xf32>
    %swap3A_21 = arith.constant 0 : index
    %swap3A_22 = arith.constant 80 : index
    %swap3A_23 = vector.load %arg2[%swap3A_21, %swap3A_22] : memref<1024x128xf32, #tpu.memory_space<vmem>>, vector<1024x16xf32>
    tpu.vector_store %arg2[%swap3A_21, %swap3A_22], %slice3A_20 {strides = array<i32>} : memref<1024x128xf32, #tpu.memory_space<vmem>>, vector<1024x16xf32>,
    %slice3A_24 = vector.extract_strided_slice %transpose3A {offsets = [6144, 0], sizes = [1024, 16], strides = [1, 1]} : vector<8192x16xf32> to vector<1024x16xf32>
    %swap3A_25 = arith.constant 0 : index
    %swap3A_26 = arith.constant 96 : index
    %swap3A_27 = vector.load %arg2[%swap3A_25, %swap3A_26] : memref<1024x128xf32, #tpu.memory_space<vmem>>, vector<1024x16xf32>
    tpu.vector_store %arg2[%swap3A_25, %swap3A_26], %slice3A_24 {strides = array<i32>} : memref<1024x128xf32, #tpu.memory_space<vmem>>, vector<1024x16xf32>,
    %slice3A_28 = vector.extract_strided_slice %transpose3A {offsets = [7168, 0], sizes = [1024, 16], strides = [1, 1]} : vector<8192x16xf32> to vector<1024x16xf32>
    %swap3A_29 = arith.constant 0 : index
    %swap3A_30 = arith.constant 112 : index
    %swap3A_31 = vector.load %arg2[%swap3A_29, %swap3A_30] : memref<1024x128xf32, #tpu.memory_space<vmem>>, vector<1024x16xf32>
    tpu.vector_store %arg2[%swap3A_29, %swap3A_30], %slice3A_28 {strides = array<i32>} : memref<1024x128xf32, #tpu.memory_space<vmem>>, vector<1024x16xf32>,
    return
  }
  func.func @transform_0(%arg0: i32) -> (i32, i32) {
    %c0_i32 = arith.constant 0 : i32
    %c0_i32_0 = arith.constant 0 : i32
    return %c0_i32, %arg0 : i32, i32
  }
  func.func @transform_1(%arg0: i32) -> (i32, i32) {
    %c0_i32 = arith.constant 0 : i32
    %c0_i32_0 = arith.constant 0 : i32
    return %arg0, %c0_i32 : i32, i32
  }
}

</mosaic_0001>

<sc_bundles>
// kernel: kernel.4.cloned.1.call-start
scs
__scs_entry_jumppad:
0x0: {  	(pc) =	sbr.rel $0x88, $3  }
0x1: {  	(tag) =	ssettag $0x0;
	lr =	simm.s32 $0x1  }
0x2: {  	[smem:$0x3F9B] =	sst lr;
	_ =	strace $0xD0000000  }
0x3: {  	_ = 	snop  }
0x4: {  	_ = 	snop  }
0x5: {  	_ = 	snop  }
0x6: {  	_ = 	snop  }
0x7: {  	_ = 	snop  }
__scs_overlays_trampoline_lowered:
0x8: {  	[smem:$0x3FAA] =	sst s0  }
0x9: {  	[smem:$0x3FAB] =	sst s1  }
0xa: {  	[smem:$0x3FAC] =	sst s2  }
0xb: {  	[smem:$0x3FAD] =	sst s3  }
0xc: {  	[smem:$0x3FAE] =	sst s4  }
0xd: {  	[smem:$0x3FAF] =	sst s5  }
0xe: {  	[smem:$0x3FB0] =	sst s6  }
0xf: {  	[smem:$0x3FB1] =	sst s7  }
0x10: {  	[smem:$0x3FB2] =	sst s8  }
0x11: {  	[smem:$0x3FB3] =	sst s9;
	s0 =	simm.s32 @!p0 $0x0  }
0x12: {  	s1 =	sld [smem:$0x3F99];
	s0 =	simm.s32 @p0 $0x1  }
0x13: {  	[smem:$0x3FB4] =	sst s0;
	s0 =	simm.s32 @!p1 $0x0  }
0x14: {  	s2 =	sld [smem:$0x3F98];
	s0 =	simm.s32 @p1 $0x1  }
0x15: {  	[smem:$0x3FB5] =	sst s0;
	s0 =	simm.s32 @!p2 $0x0  }
0x16: {  	s3 =	sld [smem:$0x3FDB];
	s0 =	simm.s32 @p2 $0x1  }
0x17: {  	s4 =	simm.s32 $0x1BF5;
	[smem:$0x3FB7] =	sst s0  }
0x18: {  	s0 =	sld [smem:$0x3F9A];
	_ =	swait.ge [sflag:s4], $0x0  }
0x19: {  	s7 =	sld [smem:$0x3F9B]  }
0x1a: {  	s8 =	sadd.s32 $0xFFFFE003, lr  }
0x1b: {  	s9 =	sadd.s32 $0xFFFFFEF7, lr;
	s5 =	simm.s32 $0xFFFFFFFF;
	p2 =	slt.u32 s8, $0xFFFFF086  }
0x1c: {  	p1 =	slt.u32 s9, $0xF7A;
	s5 =	simm.s32 @!p2 $0x0  }
0x1d: {  	s5 =	simm.s32 @p1 $0x1;
	p0 =	seq.s32 s7, s2  }
0x1e: {  	s7 =	smul.u32 @!p0 $0xF7A, s2;
	p2 =	seq.s32 @!p0 s5, $0x0  }
0x1f: {  	s9 =	smul.u32 $0xF7A, s1;
	s8 =	simm.s32 @!p0 $0x1BF5;
	p2 =	por !p2, p0  }
0x20: {  	[sflag:s8] =	ssyncset.s32 @!p0 $0xFFFFF086;
	s6 =	sadd.s32 @!p0 s3, s7;
	s7 =	simm.s32 @!p0 $0x108  }
0x21: {  	s3 =	sadd.s32 s3, s9;
	s6 =	sadd.s32 @!p0 $0x88, s6;
	s7 =	simm.s32 @p2 $0x1082  }
0x22: {  	[simem:s7], [sflag:s8] =	dma.local @!p0 [hbm:s6], $0xF7A  }
0x23: {  	s9 =	sor.u32 $0xD0000000, s2;
	s6 =	simm.s32 $0x108;
	_ =	swait.ge @!p0 [sflag:s8], $0x0  }
0x24: {  	s3 =	sadd.s32 $0x88, s3;
	s6 =	simm.s32 @!p1 $0x1082;
	[sflag:s4] =	ssyncset.s32 $0xFFFFF086  }
0x25: {  	[simem:s6], [sflag:s4] =	dma.local [hbm:s3], $0xF7A  }
0x26: {  	[smem:$0x3F9B] =	sst s1;
	(tag) =	ssettag s2;
	_ =	strace s9  }
0x27: {  	s1 =	sld [smem:$0x3FAB]  }
0x28: {  	s2 =	sld [smem:$0x3FAC]  }
0x29: {  	s4 =	sld [smem:$0x3FAE]  }
0x2a: {  	p0 =	seq.s32 s5, $0x0;
	s5 =	sld [smem:$0x3FAF]  }
0x2b: {  	s6 =	sld [smem:$0x3FB0]  }
0x2c: {  	s7 =	sld [smem:$0x3FB1]  }
0x2d: {  	s3 =	simm.s32 $0x108;
	s8 =	sld [smem:$0x3FB2]  }
0x2e: {  	s3 =	simm.s32 @!p0 $0x1082;
	s9 =	sld [smem:$0x3FB3]  }
0x2f: {  	lr =	sadd.s32 s0, s3;
	s0 =	sld [smem:$0x3FAA]  }
0x30: {  	s3 =	sld [smem:$0x3FAD]  }
0x31: {  	[smem:$0x3FB6] =	sst s10  }
0x32: {  	s10 =	sld [smem:$0x3FB4];
	_ =	sdelay $0x3  }
0x33: {  	p0 =	seq.s32 s10, $0x1;
	s10 =	sld [smem:$0x3FB6];
	_ =	sdelay $0x3  }
0x34: {  	[smem:$0x3FB6] =	sst s10  }
0x35: {  	s10 =	sld [smem:$0x3FB5];
	_ =	sdelay $0x3  }
0x36: {  	p1 =	seq.s32 s10, $0x1;
	s10 =	sld [smem:$0x3FB6];
	_ =	sdelay $0x3  }
0x37: {  	[smem:$0x3FB6] =	sst s10  }
0x38: {  	s10 =	sld [smem:$0x3FB7]  }
0x39: {  	_ = 	snop;
	(pc) =	sbr.ind lr, $3  }
0x3a: {  	_ = 	snop  }
0x3b: {  	_ = 	snop  }
0x3c: {  	p2 =	seq.s32 s10, $0x1;
	s10 =	sld [smem:$0x3FB6]  }
0x3d: {  	_ =	shalt  }
0x3e: {  	_ =	shalt  }
0x3f: {  	_ =	shalt  }
0x40: {  	_ =	shalt  }
0x41: {  	_ =	shalt  }
0x42: {  	_ =	shalt  }
0x43: {  	_ =	shalt  }
0x44: {  	_ =	shalt  }
0x45: {  	_ =	shalt  }
0x46: {  	_ =	shalt  }
0x47: {  	_ =	shalt  }
0x48: {  	_ =	shalt  }
0x49: {  	_ =	shalt  }
0x4a: {  	_ =	shalt  }
0x4b: {  	_ =	shalt  }
0x4c: {  	_ =	shalt  }
0x4d: {  	_ =	shalt  }
0x4e: {  	_ =	shalt  }
0x4f: {  	_ =	shalt  }
0x50: {  	_ =	shalt  }
0x51: {  	_ =	shalt  }
0x52: {  	_ =	shalt  }
0x53: {  	_ =	shalt  }
0x54: {  	_ =	shalt  }
0x55: {  	_ =	shalt  }
0x56: {  	_ =	shalt  }
0x57: {  	_ =	shalt  }
0x58: {  	_ =	shalt  }
0x59: {  	_ =	shalt  }
0x5a: {  	_ =	shalt  }
0x5b: {  	_ =	shalt  }
0x5c: {  	_ =	shalt  }
0x5d: {  	_ =	shalt  }
0x5e: {  	_ =	shalt  }
0x5f: {  	_ =	shalt  }
0x60: {  	_ =	shalt  }
0x61: {  	_ =	shalt  }
0x62: {  	_ =	shalt  }
0x63: {  	_ =	shalt  }
0x64: {  	_ =	shalt  }
0x65: {  	_ =	shalt  }
0x66: {  	_ =	shalt  }
0x67: {  	_ =	shalt  }
0x68: {  	_ =	shalt  }
0x69: {  	_ =	shalt  }
0x6a: {  	_ =	shalt  }
0x6b: {  	_ =	shalt  }
0x6c: {  	_ =	shalt  }
0x6d: {  	_ =	shalt  }
0x6e: {  	_ =	shalt  }
0x6f: {  	_ =	shalt  }
0x70: {  	_ =	shalt  }
0x71: {  	_ =	shalt  }
0x72: {  	_ =	shalt  }
0x73: {  	_ =	shalt  }
0x74: {  	_ =	shalt  }
0x75: {  	_ =	shalt  }
0x76: {  	_ =	shalt  }
0x77: {  	_ =	shalt  }
0x78: {  	_ =	shalt  }
0x79: {  	_ =	shalt  }
0x7a: {  	_ =	shalt  }
0x7b: {  	_ =	shalt  }
0x7c: {  	_ =	shalt  }
0x7d: {  	_ =	shalt  }
0x7e: {  	_ =	shalt  }
0x7f: {  	_ =	shalt  }
0x80: {  	_ =	shalt  }
0x81: {  	_ =	shalt  }
0x82: {  	_ =	shalt  }
0x83: {  	_ =	shalt  }
0x84: {  	_ =	shalt  }
0x85: {  	_ =	shalt  }
0x86: {  	_ =	shalt  }
0x87: {  	_ =	shalt  }
.Lfunc_end0:
.L_simem_size_0:
called_computation_lowered:
.L_overlay_start_0:
0x88: {  	s2 =	sld [smem:$0x3FD9]  }
0x89: {  	s3 =	sld [smem:$0x3FFE];
	_ =	sdelay $0x1  }
0x8a: {  	s1 =	srdreg.scid  }
0x8b: {  	s0 =	sand.u32 $0x1, s1  }
0x8c: {  	s17 =	sshll.u32 s0, $0xA;
	s2 =	sadd.s32 s3, s2  }
0x8d: {  	s2 =	sadd.s32 s2, s17  }
0x8e: {  	[smem:$0x3FC2] =	sst s2  }
0x8f: {  	_ = 	snop  }
0x90: {  	s2 =	sld [smem:$0x3FC7]  }
0x91: {  	s18 =	sld [smem:$0x3FD0];
	(tm) =	ssettm $0x1  }
0x92: {  	s4 =	sld [smem:$0x3FFB];
	_ =	sdelay $0x3  }
0x93: {  	_ =	strace s4  }
0x94: {  	s4 =	sld [smem:$0x3FFC];
	_ =	sdelay $0x3  }
0x95: {  	_ =	strace s4  }
0x96: {  	s4 =	sld [smem:$0x3FFD];
	_ =	sdelay $0x3  }
0x97: {  	_ =	strace s4  }
0x98: {  	_ =	strace $0x8FFFFFFF  }
0x99: {  	s19 =	sld [smem:$0x3FDB];
	_ =	sdelay $0x1  }
0x9a: {  	s5 =	simm.s32 $_scs_section_size  }
0x9b: {  	s6 =	simm.s32 $_size__tile_overlayer_lowered;
	s7 =	simm.s32 $_tile_overlayer_lowered  }
0x9c: {  	s22 =	simm.s32 $0x1BFF;
	s21 =	sshll.u32 s7, $0x1;
	s4 =	sadd.s32 s5, s19  }
0x9d: {  	s8 =	simm.s32 $0x0;
	s20 =	sshll.u32 s6, $0x1;
	s6 =	sadd.s32 s21, s4  }
0x9e: {  	[timem:s8], [sflag:s22] =	dma.local [hbm:s6], s20  }
0x9f: {  	_ =	swait.ge [sflag:s22], s20  }
0xa0: {  	s5 =	ssub.s32 $0x0, s20;
	[sflag:s22] =	ssyncset.done $0x0  }
0xa1: {  	[sflag:s22] =	ssyncadd.s32 s5;
	_ =	sdelay $0x1  }
0xa2: {  	s23 =	simm.s32 $0x1B8B  }
0xa3: {  	_ =	swait.ge [sflag:s23], $0x1  }
0xa4: {  	[sflag:s23] =	ssyncset.done $0x0  }
0xa5: {  	s25 =	simm.s32 $0x1B8E;
	s24 =	sld [smem:$0x3FFE];
	[sflag:s23] =	ssyncadd.s32 $0xFFFFFFFF  }
0xa6: {  	s26 =	simm.s32 $execute0_lowered;
	[smem:$0x3FD2] =	sst s25  }
0xa7: {  	s6 =	sshll.u32 s26, $0x1;
	_ =	strace $0x80000046;
	[dreg:$0x1] =	wrdreg $0xFFFFFFFF  }
0xa8: {  	s28 =	simm.s32 $_size_execute0_lowered;
	s4 =	sadd.s32 s4, s6;
	[dreg:$0x0] =	wrdreg $0x0  }
0xa9: {  	s6 =	sshll.u32 s28, $0x1;
	[dreg:$0x2] =	wrdreg s4  }
0xaa: {  	[dreg:$0x3] =	wrdreg s6  }
0xab: {  	[dreg:$0x4] =	wrdreg $0xC0  }
0xac: {  	_ =	task [dreg:s8], $0x5FFFF  }
0xad: {  	[dreg:$0x1] =	wrdreg $0xFFFFFFFF  }
0xae: {  	[dreg:$0x0] =	wrdreg $0x60  }
0xaf: {  	[dreg:$0x2] =	wrdreg s24  }
0xb0: {  	[dreg:$0x3] =	wrdreg s2  }
0xb1: {  	[dreg:$0x4] =	wrdreg s18  }
0xb2: {  	[dreg:$0x5] =	wrdreg $0x9  }
0xb3: {  	_ =	task.clear_ibuf [dreg:s8], $0x6FFFF;
	_ =	strace $0x90000046  }
0xb4: {  	s29 =	simm.s32 $0x9;
	_ =	strace $0x80000048  }
0xb5: {  	_ =	swait.ge [sflag:s29], $0x1  }
0xb6: {  	[sflag:s29] =	ssyncadd.s32 $0xFFFFFFFF  }
0xb7: {  	_ =	strace $0x90000048  }
0xb8: {  	_ =	sfence  }
0xb9: {  	s30 =	sld [smem:$0x0];
	_ =	sdelay $0x2  }
0xba: {  	s31 =	sshll.u32 s1, $0xD;
	s1 =	sshrl.u32 s1, $0x2  }
0xbb: {  	s3 =	sand.u32 $0x4000, s31;
	s1 =	sadd.s32 s1, s30  }
0xbc: {  	s0 =	sor.u32 s3, s0;
	s1 =	sshll.u32 s1, $0x11  }
0xbd: {  	s0 =	sor.u32 s1, s0  }
0xbe: {  	s0 =	sadd.s32 $0x8F2B, s0  }
0xbf: {  	[sflag:s0] =	ssyncadd.remote.s32 $0x1  }
0xc0: {  	_ =	sfence.sel $0xFFFF  }
0xc1: {  	[dreg:$0x0] =	wrdreg $0xFFFFFFFF;
	(pc) =	sbr.abs _section_cstart, $3  }
0xc2: {  	[dreg:$0x1] =	wrdreg $0xFFFFFFFF  }
0xc3: {  	_ =	task.clear_ibuf [dreg:s8], $0x2FFFF;
	_ =	strace $0x9FFFFFFF  }
0xc4: {  	(tm) =	ssettm $0x7FFFFFFF  }
0xc5: {  	_ =	shalt  }
tec
execute0_lowered:
.L_overlay_start_1:
0x0: {  	(tag) =	ssettag $0x1  }
0x1: {  	s7 =	rddreg [dreg:$0x0]  }
0x2: {  	s1 =	rddreg [dreg:$0x1]  }
0x3: {  	s2 =	rddreg [dreg:$0x2]  }
0x4: {  	s0 =	rddreg [dreg:$0x3];
	s3 =	simm.s32 $0x0  }
0x5: {  	s4 =	srdreg.scid;
	s11 =	simm.s32 $0x3;
	s12 =	simm.s32 $0xD00  }
0x6: {  	s13 =	simm.s32 $0x1A00;
	s14 =	simm.s32 $0xEA00;
	s15 =	simm.s32 $0x1  }
0x7: {  	s16 =	simm.s32 $0x2;
	s17 =	simm.s32 $0xF710;
	s18 =	simm.s32 $0x0  }
0x8: {  	vm0 =	vmmov $0x3ff;
	vm1 =	vmmov $0x1;
	vm2 =	vmmov $0x3;
	[smem:$0x7FF] =	sst s3;
	s8 =	sand.u32 $0x1, s4;
	s5 =	sadd.s32 $0x400, s7  }
0x9: {  	vm3 =	vmmov $0x7;
	vm4 =	vmmov $0xf;
	vm5 =	vmmov $0x1f;
	s6 =	sadd.s32 $0xD400, s7;
	s4 =	stileid.u32;
	s9 =	ssub.s32 $0x2, s8  }
0xa: {  	vm6 =	vmmov $0x3f;
	vm7 =	vmmov $0x7f;
	vm8 =	vmmov $0xff;
	s7 =	sadd.s32 $0x200, s7;
	_ =	strace $0x80000047;
	s10 =	sshrl.u32 s9, $0x1  }
0xb: {  	vm9 =	vmmov $0x1ff;
	vm10 =	vmmov $0x7ff;
	vm11 =	vmmov $0xfff;
	s31 =	sshll.u32 s4, $0xA;
	s8 =	sshll.u32 s8, $0x9;
	s9 =	ssub.s32 s9, s10  }
0xc: {  	vm12 =	vmmov $0x1fff;
	vm13 =	vmmov $0x3fff;
	vm14 =	vmmov $0x7fff;
	s8 =	sor.u32 s8, s31;
	s10 =	simm.s32 $0xF790;
	s9 =	smax.u32 s9, $0x1  }
.LBB2_1:
0xd: {  	[tilespmem:s10], [sflag:$0x3] =	stream.linear.gather [hbm4b:s7+s3], $0x40, $0x38;
	[tilespmem:$0xF7D0] =	vst v63  }
0xe: {  	_ =	swait.ge [sflag:s11], $0x40  }
0xf: {  	[sflag:s11] =	ssyncset.done $0x0  }
0x10: {  	[sflag:s11] =	ssyncadd.s32 $0xFFFFFFC0  }
0x11: {  	v0 =	vld [tilespmem:$0xF790]  }
0x12: {  	v1 =	vld [tilespmem:$0xF7A0]  }
0x13: {  	s19 =	simm.s32 $0x0;
	v2 =	vld [tilespmem:$0xF7B0]  }
.LBB2_2:
0x14: {  	s20 =	sshll.u32 s19, $0x7  }
0x15: {  	s20 =	sadd.s32 s8, s20  }
0x16: {  	s21 =	smul.u32 $0x1A, s20;
	_ =	sdelay $0x1  }
0x17: {  	s21 =	sshrl.u32 s21, $0x3  }
0x18: {  	s22 =	simm.s32 $0x0;
	s21 =	sadd.s32 s5, s21  }
0x19: {  	[tilespmem:s22], [sflag:$0x3] =	stream.linear.gather [hbm4b:s21+s22], $0xD00, $0x38;
	[tilespmem:$0xF7D0] =	vst v63  }
0x1a: {  	_ =	swait.ge [sflag:s11], $0xD00  }
0x1b: {  	[sflag:s11] =	ssyncset.done $0x0  }
0x1c: {  	s21 =	simm.s32 $0x0;
	[sflag:s11] =	ssyncadd.s32 $0xFFFFF300  }
0x1d: {  	v3 =	vld [tilespmem:s21+$0x0];
	_ =	sdelay $0x2  }
0x1e: {  	s22 =	simm.s32 $0x40  }
.LBB2_3:
0x1f: {  	p0 =	sne.s32 s22, $0x33C0  }
.Ltmp0:
0x20: {  	s23 =	sshra.s32 s22, $0x2;
	s22 =	sadd.s32 $0x40, s22;
	v4 =	vshll.u32 v3, $0x3;
	(pc) =	sbr.rel @p0 .LBB2_3-.Ltmp0, $4  }
0x21: {  	v5 =	vand.u32 $0xFFFFE000, v3;
	v6 =	vshrl.u32 v3, $0xA;
	v4 =	vand.u32 $0x1FF8, v4;
	v3 =	vld [tilespmem:s23+$0x0]  }
0x22: {  	v4 =	vor.u32 v5, v4;
	v5 =	vand.u32 $0x7, v6  }
0x23: {  	v4 =	vor.u32 v5, v4  }
0x24: {  	[tilespmem:s21+$0xD00] =	vst v4;
	s21 =	smov.u32 s23  }
0x25: {  	_ = 	snop  }
0x26: {  	v4 =	vshll.u32 v3, $0x3  }
0x27: {  	v5 =	vand.u32 $0xFFFFE000, v3;
	v3 =	vshrl.u32 v3, $0xA;
	v4 =	vand.u32 $0x1FF8, v4  }
0x28: {  	v3 =	vand.u32 $0x7, v3;
	v4 =	vor.u32 v5, v4  }
0x29: {  	v3 =	vor.u32 v3, v4  }
0x2a: {  	[tilespmem:s21+$0xD00] =	vst v3  }
0x2b: {  	[tilespmem:s13], [sflag:$0x1] =	stream.indirect.gather [hbm4b:s6+s12], $0x10, s12, s12, $0xb8;
	[tilespmem:$0xF7D0] =	vst v63  }
0x2c: {  	s21 =	simm.s32 $0x0  }
0x2d: {  	[tilespmem:s14], [sflag:$0x2] =	stream.indirect.gather [hbm4b:s1+s12], $0x1, s21, s12, $0xb8;
	[tilespmem:$0xF7D0] =	vst v63  }
0x2e: {  	_ =	swait.ge [sflag:s15], $0xD000  }
0x2f: {  	[sflag:s15] =	ssyncset.done $0x0  }
0x30: {  	[sflag:s15] =	ssyncadd.s32 $0xFFFF3000  }
0x31: {  	_ =	swait.ge [sflag:s16], $0xD00  }
0x32: {  	[sflag:s16] =	ssyncset.done $0x0  }
0x33: {  	[sflag:s16] =	ssyncadd.s32 $0xFFFFF300  }
.LBB2_5:
0x34: {  	s22 =	smul.u32 $0x6800, s21;
	_ =	sdelay $0x1  }
0x35: {  	s23 =	sshra.s32 s22, $0x2  }
0x36: {  	v3 =	vld [tilespmem:s23+$0x1A00]  }
0x37: {  	v4 =	vld [tilespmem:s23+$0x1A10]  }
0x38: {  	v5 =	vld [tilespmem:s23+$0x1A20]  }
0x39: {  	v6 =	vld [tilespmem:s23+$0x1A30]  }
0x3a: {  	v9 =	vld [tilespmem:s23+$0x1BB0]  }
0x3b: {  	v10 =	vld [tilespmem:s23+$0x1A40]  }
0x3c: {  	v34 =	vld [tilespmem:s23+$0x1BC0]  }
0x3d: {  	v11 =	vld [tilespmem:s23+$0x1A50]  }
0x3e: {  	v36 =	vld [tilespmem:s23+$0x1BD0]  }
0x3f: {  	v12 =	vld [tilespmem:s23+$0x1A60]  }
0x40: {  	v38 =	vld [tilespmem:s23+$0x1BE0]  }
0x41: {  	v14 =	vld [tilespmem:s23+$0x1A70]  }
0x42: {  	v40 =	vld [tilespmem:s23+$0x1BF0]  }
0x43: {  	v41 =	vld [tilespmem:s23+$0x1A80]  }
0x44: {  	v43 =	vld [tilespmem:s23+$0x1C00]  }
0x45: {  	s22 =	smul.u32 $0x1A0, s21;
	v44 =	vld [tilespmem:s23+$0x1A90]  }
0x46: {  	v47 =	vld [tilespmem:s23+$0x1C10];
	v8 =	vmul.f32 v3, v3;
	v3 =	vadd.f32 v4, v3;
	v4 =	vmul.f32 v4, v4  }
0x47: {  	v48 =	vld [tilespmem:s23+$0x1AA0];
	s24 =	sshll.u32 s22, $0x4;
	v35 =	vmul.f32 v6, v6;
	v37 =	vmul.f32 v10, v10  }
0x48: {  	v51 =	vld [tilespmem:s23+$0x1C20];
	s25 =	sor.u32 $0x1A0, s24;
	v39 =	vmul.f32 v11, v11;
	v42 =	vmul.f32 v12, v12  }
0x49: {  	v52 =	vld [tilespmem:s23+$0x1AB0];
	s25 =	sand.u32 $0x3FFFFFA0, s25;
	v45 =	vmul.f32 v38, v38;
	v46 =	vmul.f32 v14, v14  }
0x4a: {  	v7 =	vld [tilespmem:s25+$0x1A00];
	v49 =	vmul.f32 v40, v40;
	v50 =	vmul.f32 v41, v41  }
0x4b: {  	v55 =	vld [tilespmem:s23+$0x1C30];
	v53 =	vmul.f32 v43, v43;
	v54 =	vmul.f32 v44, v44  }
0x4c: {  	v56 =	vld [tilespmem:s23+$0x1AC0];
	v4 =	vadd.f32 v4, v8;
	v3 =	vadd.f32 v5, v3;
	v5 =	vmul.f32 v5, v5  }
0x4d: {  	v59 =	vld [tilespmem:s23+$0x1C40];
	v57 =	vmul.f32 v47, v47;
	v58 =	vmul.f32 v48, v48  }
0x4e: {  	v60 =	vld [tilespmem:s23+$0x1AD0];
	v61 =	vmul.f32 v51, v51;
	v4 =	vadd.f32 v5, v4;
	v3 =	vadd.f32 v6, v3  }
0x4f: {  	v63 =	vld [tilespmem:s23+$0x1C50];
	v13 =	vmul.f32 v7, v7;
	v7 =	vadd.f32 v9, v7;
	v9 =	vmul.f32 v9, v9  }
0x50: {  	v16 =	vld [tilespmem:s23+$0x1AE0];
	v62 =	vmul.f32 v52, v52;
	v4 =	vadd.f32 v35, v4;
	v3 =	vadd.f32 v10, v3  }
0x51: {  	v19 =	vld [tilespmem:s23+$0x1C60];
	v8 =	vmul.f32 v34, v34;
	v9 =	vadd.f32 v9, v13;
	v7 =	vadd.f32 v34, v7  }
0x52: {  	v20 =	vld [tilespmem:s23+$0x1AF0];
	v17 =	vmul.f32 v55, v55;
	v4 =	vadd.f32 v37, v4;
	v3 =	vadd.f32 v11, v3  }
0x53: {  	v23 =	vld [tilespmem:s23+$0x1C70];
	v6 =	vmul.f32 v36, v36;
	v8 =	vadd.f32 v8, v9;
	v7 =	vadd.f32 v36, v7  }
0x54: {  	v27 =	vld [tilespmem:s23+$0x1C80];
	v18 =	vmul.f32 v56, v56;
	v4 =	vadd.f32 v39, v4;
	v3 =	vadd.f32 v12, v3  }
0x55: {  	v28 =	vld [tilespmem:s23+$0x1B10];
	s26 =	sor.u32 $0x100, s24;
	v21 =	vmul.f32 v59, v59;
	v6 =	vadd.f32 v6, v8;
	v7 =	vadd.f32 v38, v7  }
0x56: {  	v31 =	vld [tilespmem:s23+$0x1C90];
	s25 =	sand.u32 $0x3FFFFF00, s26;
	v22 =	vmul.f32 v60, v60;
	v4 =	vadd.f32 v42, v4;
	v3 =	vadd.f32 v14, v3  }
0x57: {  	v24 =	vld [tilespmem:s25+$0x1A00];
	v25 =	vmul.f32 v63, v63;
	v6 =	vadd.f32 v45, v6;
	v7 =	vadd.f32 v40, v7  }
0x58: {  	v32 =	vld [tilespmem:s23+$0x1B20];
	s28 =	sadd.s32 $0x2A0, s24;
	v26 =	vmul.f32 v16, v16;
	v4 =	vadd.f32 v46, v4;
	v3 =	vadd.f32 v41, v3  }
0x59: {  	v15 =	vld [tilespmem:s23+$0x1EF0];
	v29 =	vmul.f32 v19, v19;
	s25 =	sand.u32 $0x3FFFFEA0, s28;
	v6 =	vadd.f32 v49, v6;
	v7 =	vadd.f32 v43, v7  }
0x5a: {  	v30 =	vmul.f32 v20, v20;
	v35 =	vld [tilespmem:s25+$0x1A00];
	v4 =	vadd.f32 v50, v4;
	v3 =	vadd.f32 v44, v3  }
0x5b: {  	v33 =	vmul.f32 v23, v23;
	v36 =	vld [tilespmem:s23+$0x1B30];
	v6 =	vadd.f32 v53, v6;
	v7 =	vadd.f32 v47, v7  }
0x5c: {  	v34 =	vmul.f32 v24, v24;
	v39 =	vld [tilespmem:s23+$0x1CB0];
	v4 =	vadd.f32 v54, v4;
	v3 =	vadd.f32 v48, v3  }
0x5d: {  	v37 =	vmul.f32 v27, v27;
	v40 =	vld [tilespmem:s23+$0x1B40];
	v6 =	vadd.f32 v57, v6;
	v7 =	vadd.f32 v51, v7  }
0x5e: {  	v38 =	vmul.f32 v28, v28;
	v43 =	vld [tilespmem:s23+$0x1CC0];
	v4 =	vadd.f32 v58, v4;
	v3 =	vadd.f32 v52, v3  }
0x5f: {  	v42 =	vmul.f32 v32, v32;
	v44 =	vld [tilespmem:s23+$0x1B50];
	v6 =	vadd.f32 v61, v6;
	v7 =	vadd.f32 v55, v7  }
0x60: {  	v45 =	vmul.f32 v35, v35;
	v47 =	vld [tilespmem:s23+$0x1CD0];
	v4 =	vadd.f32 v62, v4;
	v3 =	vadd.f32 v56, v3  }
0x61: {  	v41 =	vmul.f32 v31, v31;
	v48 =	vld [tilespmem:s23+$0x1B60];
	v6 =	vadd.f32 v17, v6;
	v7 =	vadd.f32 v59, v7  }
0x62: {  	v46 =	vmul.f32 v36, v36;
	v51 =	vld [tilespmem:s23+$0x1CE0];
	v4 =	vadd.f32 v18, v4;
	v3 =	vadd.f32 v60, v3  }
0x63: {  	v49 =	vmul.f32 v39, v39;
	v52 =	vld [tilespmem:s23+$0x1B70];
	v6 =	vadd.f32 v21, v6;
	v7 =	vadd.f32 v63, v7  }
0x64: {  	v50 =	vmul.f32 v40, v40;
	v55 =	vld [tilespmem:s23+$0x1CF0];
	v4 =	vadd.f32 v22, v4;
	v3 =	vadd.f32 v16, v3  }
0x65: {  	s29 =	sadd.s32 $0x340, s24;
	v53 =	vmul.f32 v43, v43;
	v56 =	vld [tilespmem:s23+$0x1B80];
	v6 =	vadd.f32 v25, v6;
	v7 =	vadd.f32 v19, v7  }
0x66: {  	s25 =	sand.u32 $0x3FFFFF40, s29;
	v54 =	vmul.f32 v44, v44;
	v19 =	vld [tilespmem:s22+$0xEA00];
	v4 =	vadd.f32 v26, v4;
	v3 =	vadd.f32 v20, v3  }
0x67: {  	v57 =	vmul.f32 v47, v47;
	v25 =	vld [tilespmem:s25+$0x1A00];
	v6 =	vadd.f32 v29, v6;
	v7 =	vadd.f32 v23, v7  }
0x68: {  	v58 =	vmul.f32 v48, v48;
	v23 =	vld [tilespmem:s22+$0xEA10];
	v4 =	vadd.f32 v30, v4;
	v3 =	vadd.f32 v24, v3  }
0x69: {  	v61 =	vmul.f32 v51, v51;
	v6 =	vadd.f32 v33, v6;
	v7 =	vadd.f32 v27, v7;
	v27 =	vld [tilespmem:s23+$0x1D50]  }
0x6a: {  	v59 =	vld [tilespmem:s23+$0x1D00];
	v62 =	vmul.f32 v52, v52;
	v4 =	vadd.f32 v34, v4;
	v3 =	vadd.f32 v28, v3  }
0x6b: {  	v60 =	vld [tilespmem:s23+$0x1B90];
	v16 =	vmul.f32 v55, v55;
	v6 =	vadd.f32 v37, v6;
	v7 =	vadd.f32 v31, v7  }
0x6c: {  	v63 =	vld [tilespmem:s23+$0x1D10];
	v17 =	vmul.f32 v56, v56;
	v4 =	vadd.f32 v38, v4;
	v3 =	vadd.f32 v32, v3  }
0x6d: {  	v18 =	vld [tilespmem:s23+$0x1D20];
	v13 =	vnsel vm0, $0x0, v23;
	v6 =	vadd.f32 v41, v6;
	v7 =	vadd.f32 v35, v7  }
0x6e: {  	v32 =	vld [tilespmem:s23+$0x1D60];
	v35 =	vmul.f32 v25, v25;
	v12 =	vadd.f32 v13, v19;
	v5 =	vadd.f32 v27, v25  }
0x6f: {  	s30 =	sadd.s32 $0x4E0, s24;
	v22 =	vld [tilespmem:s23+$0x1D30];
	v9 =	vmul.f32 v27, v27;
	v4 =	vadd.f32 v42, v4;
	v3 =	vadd.f32 v36, v3  }
0x70: {  	s25 =	sand.u32 $0x3FFFFEE0, s30;
	v20 =	vmul.f32 v59, v59;
	v33 =	vld [tilespmem:s23+$0x1D70];
	v6 =	vadd.f32 v45, v6;
	v7 =	vadd.f32 v39, v7  }
0x71: {  	v21 =	vmul.f32 v60, v60;
	v34 =	vld [tilespmem:s25+$0x1A00];
	v9 =	vadd.f32 v9, v35;
	v4 =	vadd.f32 v46, v4  }
0x72: {  	v26 =	vmul.f32 v18, v18;
	v38 =	vld [tilespmem:s23+$0x1D90];
	v3 =	vadd.f32 v40, v3;
	v6 =	vadd.f32 v49, v6  }
0x73: {  	v24 =	vmul.f32 v63, v63;
	v41 =	vld [tilespmem:s23+$0x1DA0];
	v7 =	vadd.f32 v43, v7;
	v37 =	vadd.f32 v32, v5  }
0x74: {  	v36 =	vld [tilespmem:s23+$0x1D80];
	v8 =	vmul.f32 v32, v32;
	v4 =	vadd.f32 v50, v4;
	v3 =	vadd.f32 v44, v3  }
0x75: {  	v31 =	vmul.f32 v22, v22;
	v45 =	vld [tilespmem:s23+$0x1F30];
	v6 =	vadd.f32 v53, v6;
	v7 =	vadd.f32 v47, v7  }
0x76: {  	v23 =	vld [tilespmem:s23+$0x1E20];
	v10 =	vmul.f32 v33, v33;
	v8 =	vadd.f32 v8, v9;
	v39 =	vadd.f32 v33, v37  }
0x77: {  	v27 =	vld [tilespmem:s23+$0x1E30];
	v44 =	vmul.f32 v38, v38;
	v4 =	vadd.f32 v54, v4;
	v3 =	vadd.f32 v48, v3  }
0x78: {  	v43 =	vld [tilespmem:s23+$0x1F20];
	v47 =	vmul.f32 v41, v41;
	v6 =	vadd.f32 v57, v6;
	v7 =	vadd.f32 v51, v7  }
0x79: {  	v46 =	vld [tilespmem:s23+$0x1DC0];
	v42 =	vmul.f32 v36, v36;
	v8 =	vadd.f32 v10, v8;
	v9 =	vadd.f32 v36, v39  }
0x7a: {  	v49 =	vld [tilespmem:s23+$0x1DD0];
	v11 =	vmul.f32 v45, v45;
	v4 =	vadd.f32 v58, v4;
	v3 =	vadd.f32 v52, v3  }
0x7b: {  	v33 =	vmul.f32 v23, v23;
	v48 =	vld [tilespmem:s23+$0x1F40];
	v6 =	vadd.f32 v61, v6;
	v7 =	vadd.f32 v55, v7  }
0x7c: {  	v37 =	vmul.f32 v27, v27;
	v51 =	vld [tilespmem:s23+$0x1F50];
	v8 =	vadd.f32 v42, v8;
	v9 =	vadd.f32 v38, v9  }
0x7d: {  	v54 =	vld [tilespmem:s23+$0x1F60];
	v13 =	vmul.f32 v43, v43;
	v4 =	vadd.f32 v62, v4;
	v3 =	vadd.f32 v56, v3  }
0x7e: {  	v53 =	vmul.f32 v46, v46;
	v52 =	vld [tilespmem:s23+$0x1DE0];
	v6 =	vadd.f32 v16, v6;
	v7 =	vadd.f32 v59, v7  }
0x7f: {  	v57 =	vmul.f32 v49, v49;
	v55 =	vld [tilespmem:s23+$0x1DF0];
	v8 =	vadd.f32 v44, v8;
	v9 =	vadd.f32 v41, v9  }
0x80: {  	v58 =	vld [tilespmem:s23+$0x1F70];
	v56 =	vmul.f32 v48, v48;
	v4 =	vadd.f32 v17, v4;
	v3 =	vadd.f32 v60, v3  }
0x81: {  	v16 =	vld [tilespmem:s23+$0x1F00];
	v6 =	vadd.f32 v20, v6;
	v7 =	vadd.f32 v63, v7;
	v17 =	vmul.f32 v34, v34  }
0x82: {  	v59 =	vld [tilespmem:s23+$0x1E00];
	v60 =	vmul.f32 v51, v51;
	v20 =	vmul.f32 v54, v54;
	v8 =	vadd.f32 v47, v8  }
0x83: {  	v63 =	vld [tilespmem:s23+$0x1E10];
	v4 =	vadd.f32 v21, v4;
	v3 =	vmul.f32 v3, v3;
	v6 =	vadd.f32 v24, v6  }
0x84: {  	v61 =	vmul.f32 v52, v52;
	v7 =	vadd.f32 v18, v7;
	v18 =	vld [tilespmem:s23+$0x1DB0];
	v21 =	vmul.f32 v55, v55  }
0x85: {  	v24 =	vmul.f32 v58, v58;
	v3 =	vsub.f32 v3, v4;
	v29 =	vadd.f32 v26, v6  }
0x86: {  	v40 =	vld [tilespmem:s23+$0x1F10];
	v30 =	vadd.f32 v22, v7;
	v7 =	vadd.f32 v15, v34;
	v15 =	vmul.f32 v15, v15  }
0x87: {  	v25 =	vmul.f32 v59, v59;
	v22 =	vld [tilespmem:s23+$0x1F90];
	v3 =	vmul.f32 $5.000000000e-01, v3;
	v4 =	vadd.f32 v31, v29  }
0x88: {  	v26 =	vld [tilespmem:s23+$0x1FA0];
	v6 =	vmul.f32 v30, v30;
	v15 =	vadd.f32 v15, v17;
	v7 =	vadd.f32 v16, v7  }
0x89: {  	v34 =	vld [tilespmem:s23+$0x1FC0];
	v16 =	vmul.f32 v16, v16;
	v29 =	vmul.f32 v63, v63;
	v9 =	vadd.f32 v18, v9  }
0x8a: {  	v28 =	vld [tilespmem:s22+$0xEA2A];
	v50 =	vmul.f32 v18, v18;
	v6 =	vsub.f32 v6, v4;
	v4 =	vmul.f32 v12, v1  }
0x8b: {  	v35 =	vld [tilespmem:s23+$0x1E50];
	v15 =	vadd.f32 v16, v15;
	v7 =	vadd.f32 v40, v7;
	v12 =	vmul.f32 v40, v40  }
0x8c: {  	s31 =	sadd.s32 $0x440, s24;
	v62 =	vld [tilespmem:s23+$0x1F80];
	v3 =	vmul.f32 v3, v0;
	v8 =	vadd.f32 v50, v8;
	v9 =	vadd.f32 v46, v9  }
0x8d: {  	s25 =	sand.u32 $0x3FFFFE40, s31;
	v30 =	vld [tilespmem:s23+$0x1FB0];
	v32 =	vmul.f32 v22, v22;
	v36 =	vmul.f32 v26, v26;
	v12 =	vadd.f32 v12, v15  }
0x8e: {  	v31 =	vld [tilespmem:s25+$0x1A00];
	v44 =	vmul.f32 v34, v34;
	v7 =	vadd.f32 v43, v7;
	v4 =	vadd.f32 v4, v3  }
0x8f: {  	v39 =	vld [tilespmem:s23+$0x1E60];
	v5 =	vmul.f32 $5.000000000e-01, v6;
	v8 =	vadd.f32 v53, v8;
	v9 =	vadd.f32 v49, v9  }
0x90: {  	s26 =	sadd.s32 $0x5E0, s24;
	v38 =	vld [tilespmem:s23+$0x1FD0];
	v6 =	vnsel vm0, $0x0, v28;
	v12 =	vadd.f32 v13, v12;
	v7 =	vadd.f32 v45, v7  }
0x91: {  	v47 =	vld [tilespmem:s23+$0x1E80];
	s25 =	sand.u32 $0x3FFFFFE0, s26;
	v28 =	vmul.f32 v62, v62;
	v4 =	vadd.f32 v4, v2;
	v8 =	vadd.f32 v57, v8  }
0x92: {  	v42 =	vld [tilespmem:s25+$0x1A00];
	v40 =	vmul.f32 v30, v30;
	v9 =	vadd.f32 v52, v9;
	v11 =	vadd.f32 v11, v12  }
0x93: {  	v46 =	vld [tilespmem:s23+$0x1FF0];
	v41 =	vmul.f32 v31, v31;
	v7 =	vadd.f32 v48, v7;
	v8 =	vadd.f32 v61, v8  }
0x94: {  	v50 =	vld [tilespmem:s23+$0x2000];
	v49 =	vmul.f32 v39, v39;
	v9 =	vadd.f32 v55, v9;
	v11 =	vadd.f32 v56, v11  }
0x95: {  	v43 =	vld [tilespmem:s23+$0x1E70];
	v45 =	vmul.f32 v35, v35;
	v7 =	vadd.f32 v51, v7;
	v8 =	vadd.f32 v21, v8  }
0x96: {  	v5 =	vmul.f32 v5, v0;
	v55 =	vld [tilespmem:s23+$0x1EA0];
	v9 =	vadd.f32 v59, v9;
	v11 =	vadd.f32 v60, v11  }
0x97: {  	v52 =	vmul.f32 v42, v42;
	v51 =	vld [tilespmem:s23+$0x1E90];
	v7 =	vadd.f32 v54, v7;
	v8 =	vadd.f32 v25, v8  }
0x98: {  	v57 =	vmul.f32 v47, v47;
	v59 =	vld [tilespmem:s23+$0x1EB0];
	v9 =	vadd.f32 v63, v9;
	v11 =	vadd.f32 v20, v11  }
0x99: {  	v48 =	vmul.f32 v38, v38;
	v54 =	vld [tilespmem:s23+$0x2010];
	v7 =	vadd.f32 v58, v7;
	v8 =	vadd.f32 v29, v8  }
0x9a: {  	v53 =	vmul.f32 v43, v43;
	v63 =	vld [tilespmem:s23+$0x1EC0];
	v9 =	vadd.f32 v23, v9;
	v11 =	vadd.f32 v24, v11  }
0x9b: {  	v56 =	vmul.f32 v46, v46;
	v58 =	vld [tilespmem:s23+$0x2020];
	v7 =	vadd.f32 v62, v7;
	v8 =	vadd.f32 v33, v8  }
0x9c: {  	v60 =	vmul.f32 v50, v50;
	v23 =	vld [tilespmem:s23+$0x2040];
	v9 =	vadd.f32 v27, v9;
	v11 =	vadd.f32 v28, v11  }
0x9d: {  	v61 =	vmul.f32 v51, v51;
	v7 =	vadd.f32 v22, v7;
	v28 =	vld [tilespmem:s22+$0xEA1A];
	v8 =	vadd.f32 v37, v8  }
0x9e: {  	v62 =	vld [tilespmem:s23+$0x2030];
	v21 =	vmul.f32 v54, v54;
	v9 =	vadd.f32 v31, v9;
	v11 =	vadd.f32 v32, v11  }
0x9f: {  	v24 =	vld [tilespmem:s23+$0x1ED0];
	v22 =	vmul.f32 v55, v55;
	v7 =	vadd.f32 v26, v7;
	v8 =	vadd.f32 v41, v8  }
0xa0: {  	v27 =	vld [tilespmem:s23+$0x2050];
	v25 =	vmul.f32 v58, v58;
	v9 =	vadd.f32 v35, v9;
	v11 =	vadd.f32 v36, v11  }
0xa1: {  	v31 =	vld [tilespmem:s23+$0x2060];
	v26 =	vmul.f32 v59, v59;
	v7 =	vadd.f32 v30, v7;
	v8 =	vadd.f32 v45, v8  }
0xa2: {  	v32 =	vld [tilespmem:s22+$0xEA34];
	v33 =	vmul.f32 v23, v23;
	v9 =	vadd.f32 v39, v9;
	v6 =	vadd.f32 v6, v28  }
0xa3: {  	v29 =	vmul.f32 v62, v62;
	v35 =	vld [tilespmem:s23+$0x2070];
	v11 =	vadd.f32 v40, v11;
	v7 =	vadd.f32 v34, v7  }
0xa4: {  	v30 =	vmul.f32 v63, v63;
	v36 =	vld [tilespmem:s22+$0xEA44];
	v8 =	vadd.f32 v49, v8;
	v9 =	vadd.f32 v43, v9  }
0xa5: {  	s28 =	sadd.s32 $0x680, s24;
	v40 =	vld [tilespmem:s23+$0x2090];
	v6 =	vmul.f32 v6, v1;
	v11 =	vadd.f32 v44, v11;
	v7 =	vadd.f32 v38, v7  }
0xa6: {  	s25 =	sand.u32 $0x3FFFFE80, s28;
	v37 =	vmul.f32 v27, v27;
	v43 =	vld [tilespmem:s23+$0x20A0];
	v8 =	vadd.f32 v53, v8;
	v9 =	vadd.f32 v47, v9  }
0xa7: {  	v34 =	vmul.f32 v24, v24;
	v38 =	vld [tilespmem:s25+$0x1A00];
	v3 =	vadd.f32 v6, v5;
	v11 =	vadd.f32 v48, v11  }
0xa8: {  	v20 =	vld [tilespmem:s23+$0x20F0];
	v39 =	vmul.f32 v31, v31;
	v7 =	vadd.f32 v42, v7;
	v8 =	vadd.f32 v57, v8  }
0xa9: {  	v45 =	vld [tilespmem:s23+$0x20B0];
	v42 =	vmul.f32 v35, v35;
	v9 =	vadd.f32 v51, v9;
	v3 =	vadd.f32 v3, v2  }
0xaa: {  	s29 =	sadd.s32 $0x820, s24;
	v53 =	vld [tilespmem:s23+$0x2240];
	v13 =	vmul.f32 v40, v40;
	v11 =	vadd.f32 v52, v11;
	v7 =	vadd.f32 v46, v7  }
0xab: {  	v41 =	vld [tilespmem:s22+$0xEA5E];
	s25 =	sand.u32 $0x3FFFFE20, s29;
	v46 =	vnsel vm0, $0x0, v36;
	v8 =	vadd.f32 v61, v8;
	v9 =	vadd.f32 v55, v9  }
0xac: {  	v48 =	vld [tilespmem:s25+$0x1A00];
	v52 =	vmul.f32 v43, v43;
	v10 =	vadd.f32 v40, v38;
	v6 =	vadd.f32 v46, v32  }
0xad: {  	v51 =	vld [tilespmem:s23+$0x20C0];
	v49 =	vmul.f32 v38, v38;
	v11 =	vadd.f32 v56, v11;
	v7 =	vadd.f32 v50, v7  }
0xae: {  	v57 =	vld [tilespmem:s23+$0x20E0];
	v55 =	vmul.f32 v45, v45;
	v8 =	vadd.f32 v22, v8;
	v9 =	vadd.f32 v59, v9  }
0xaf: {  	v50 =	vld [tilespmem:s23+$0x2230];
	v14 =	vmul.f32 v53, v53;
	v12 =	vadd.f32 v13, v49;
	v10 =	vadd.f32 v43, v10  }
0xb0: {  	v56 =	vld [tilespmem:s23+$0x2250];
	v6 =	vmul.f32 v6, v1;
	v11 =	vadd.f32 v60, v11;
	v7 =	vadd.f32 v54, v7  }
0xb1: {  	v61 =	vld [tilespmem:s23+$0x2100];
	v19 =	vmul.f32 v48, v48;
	v8 =	vadd.f32 v26, v8;
	v9 =	vadd.f32 v63, v9  }
0xb2: {  	v59 =	vld [tilespmem:s23+$0x2260];
	v12 =	vadd.f32 v52, v12;
	v10 =	vadd.f32 v45, v10;
	v26 =	vmul.f32 v20, v20  }
0xb3: {  	v54 =	vld [tilespmem:s23+$0x20D0];
	v11 =	vadd.f32 v21, v11;
	v7 =	vadd.f32 v58, v7;
	v58 =	vmul.f32 v51, v51  }
0xb4: {  	v60 =	vld [tilespmem:s23+$0x2270];
	v8 =	vadd.f32 v30, v8;
	v9 =	vadd.f32 v24, v9;
	v17 =	vmul.f32 v50, v50  }
0xb5: {  	v63 =	vld [tilespmem:s23+$0x2280];
	v12 =	vadd.f32 v55, v12;
	v10 =	vadd.f32 v51, v10;
	v15 =	vmul.f32 v56, v56  }
0xb6: {  	v28 =	vld [tilespmem:s23+$0x2120];
	v11 =	vadd.f32 v25, v11;
	v7 =	vadd.f32 v62, v7;
	v62 =	vmul.f32 v57, v57  }
0xb7: {  	v24 =	vld [tilespmem:s23+$0x2110];
	v25 =	vmul.f32 v59, v59;
	v8 =	vadd.f32 v34, v8;
	v17 =	vadd.f32 v17, v19  }
0xb8: {  	v30 =	vld [tilespmem:s23+$0x22A0];
	v9 =	vmul.f32 v9, v9;
	v12 =	vadd.f32 v58, v12;
	v10 =	vadd.f32 v54, v10  }
0xb9: {  	s30 =	sadd.s32 $0x780, s24;
	v38 =	vld [tilespmem:s23+$0x22C0];
	v13 =	vmul.f32 v60, v60;
	v11 =	vadd.f32 v29, v11;
	v7 =	vadd.f32 v23, v7  }
0xba: {  	s25 =	sand.u32 $0x3FFFFF80, s30;
	v46 =	vld [tilespmem:s23+$0x22E0];
	v29 =	vmul.f32 v61, v61;
	v32 =	vmul.f32 v63, v63;
	v8 =	vsub.f32 v9, v8  }
0xbb: {  	v51 =	vld [tilespmem:s25+$0x1A00];
	v9 =	vmul.f32 v54, v54;
	v14 =	vadd.f32 v14, v17;
	v10 =	vadd.f32 v57, v10  }
0xbc: {  	v34 =	vld [tilespmem:s23+$0x22B0];
	v11 =	vadd.f32 v33, v11;
	v7 =	vadd.f32 v27, v7;
	v33 =	vmul.f32 v24, v24  }
0xbd: {  	v55 =	vld [tilespmem:s23+$0x2190];
	v40 =	vmul.f32 v30, v30;
	v44 =	vmul.f32 $5.000000000e-01, v8;
	v9 =	vadd.f32 v9, v12  }
0xbe: {  	v54 =	vld [tilespmem:s23+$0x2300];
	v8 =	vnsel vm0, $0x0, v41;
	v14 =	vadd.f32 v15, v14;
	v10 =	vadd.f32 v20, v10  }
0xbf: {  	v27 =	vld [tilespmem:s23+$0x2290];
	v11 =	vadd.f32 v37, v11;
	v7 =	vadd.f32 v31, v7;
	v37 =	vmul.f32 v28, v28  }
0xc0: {  	v43 =	vld [tilespmem:s23+$0x2160];
	v5 =	vmul.f32 v44, v0;
	v9 =	vadd.f32 v62, v9;
	v14 =	vadd.f32 v25, v14  }
0xc1: {  	v21 =	vld [tilespmem:s22+$0xEA92];
	v10 =	vadd.f32 v61, v10;
	v44 =	vmul.f32 v34, v34;
	v11 =	vadd.f32 v39, v11  }
0xc2: {  	v31 =	vld [tilespmem:s23+$0x2130];
	v61 =	vmul.f32 v51, v51;
	v7 =	vadd.f32 v35, v7;
	v9 =	vadd.f32 v26, v9  }
0xc3: {  	s31 =	sadd.s32 $0x920, s24;
	v58 =	vld [tilespmem:s23+$0x2310];
	v25 =	vmul.f32 v55, v55;
	v13 =	vadd.f32 v13, v14;
	v10 =	vadd.f32 v24, v10  }
0xc4: {  	s25 =	sand.u32 $0x3FFFFF20, s31;
	v23 =	vld [tilespmem:s23+$0x23E0];
	v36 =	vmul.f32 v27, v27;
	v24 =	vmul.f32 v54, v54;
	v6 =	vadd.f32 v6, v5  }
0xc5: {  	v62 =	vld [tilespmem:s25+$0x1A00];
	v47 =	vadd.f32 v42, v11;
	v7 =	vmul.f32 v7, v7;
	v11 =	vadd.f32 v50, v48  }
0xc6: {  	v35 =	vld [tilespmem:s23+$0x2140];
	v48 =	vmul.f32 v38, v38;
	v9 =	vadd.f32 v29, v9;
	v13 =	vadd.f32 v32, v13  }
0xc7: {  	v39 =	vld [tilespmem:s23+$0x2150];
	v10 =	vadd.f32 v28, v10;
	v41 =	vmul.f32 v31, v31;
	v7 =	vsub.f32 v7, v47  }
0xc8: {  	v26 =	vld [tilespmem:s23+$0x2330];
	v28 =	vmul.f32 v58, v58;
	v11 =	vadd.f32 v53, v11;
	v9 =	vadd.f32 v33, v9  }
0xc9: {  	v42 =	vld [tilespmem:s23+$0x22D0];
	v53 =	vmul.f32 v43, v43;
	v13 =	vadd.f32 v36, v13;
	v10 =	vadd.f32 v31, v10  }
0xca: {  	v50 =	vld [tilespmem:s23+$0x22F0];
	v32 =	vmul.f32 v62, v62;
	v11 =	vadd.f32 v56, v11;
	v9 =	vadd.f32 v37, v9  }
0xcb: {  	v47 =	vld [tilespmem:s23+$0x2170];
	v45 =	vmul.f32 v35, v35;
	v13 =	vadd.f32 v40, v13;
	v10 =	vadd.f32 v35, v10  }
0xcc: {  	v49 =	vmul.f32 v39, v39;
	v31 =	vld [tilespmem:s23+$0x21D0];
	v11 =	vadd.f32 v59, v11;
	v9 =	vadd.f32 v41, v9  }
0xcd: {  	v7 =	vmul.f32 $5.000000000e-01, v7;
	v35 =	vld [tilespmem:s23+$0x21E0];
	v13 =	vadd.f32 v44, v13;
	v10 =	vadd.f32 v39, v10  }
0xce: {  	v56 =	vmul.f32 v46, v46;
	v59 =	vld [tilespmem:s23+$0x21A0];
	v11 =	vadd.f32 v60, v11;
	v9 =	vadd.f32 v45, v9  }
0xcf: {  	v52 =	vmul.f32 v42, v42;
	v39 =	vld [tilespmem:s23+$0x21F0];
	v13 =	vadd.f32 v48, v13;
	v10 =	vadd.f32 v43, v10  }
0xd0: {  	v36 =	vmul.f32 v26, v26;
	v43 =	vld [tilespmem:s23+$0x2200];
	v11 =	vadd.f32 v63, v11;
	v9 =	vadd.f32 v49, v9  }
0xd1: {  	v7 =	vmul.f32 v7, v0;
	v63 =	vld [tilespmem:s23+$0x21B0];
	v13 =	vadd.f32 v52, v13;
	v10 =	vadd.f32 v47, v10  }
0xd2: {  	v57 =	vmul.f32 v47, v47;
	v47 =	vld [tilespmem:s23+$0x2210];
	v11 =	vadd.f32 v27, v11;
	v9 =	vadd.f32 v53, v9  }
0xd3: {  	v60 =	vmul.f32 v50, v50;
	v13 =	vadd.f32 v56, v13;
	v10 =	vadd.f32 v51, v10;
	v51 =	vld [tilespmem:s22+$0xEA4E]  }
0xd4: {  	v41 =	vmul.f32 v31, v31;
	v27 =	vld [tilespmem:s23+$0x21C0];
	v11 =	vadd.f32 v30, v11;
	v9 =	vadd.f32 v57, v9  }
0xd5: {  	v45 =	vmul.f32 v35, v35;
	v30 =	vld [tilespmem:s23+$0x2340];
	v13 =	vadd.f32 v60, v13;
	v10 =	vadd.f32 v55, v10  }
0xd6: {  	v29 =	vmul.f32 v59, v59;
	v55 =	vld [tilespmem:s22+$0xEA68];
	v11 =	vadd.f32 v34, v11;
	v9 =	vadd.f32 v61, v9  }
0xd7: {  	s26 =	sadd.s32 $0x9C0, s24;
	v49 =	vmul.f32 v39, v39;
	v34 =	vld [tilespmem:s23+$0x2350];
	v13 =	vadd.f32 v24, v13;
	v10 =	vadd.f32 v59, v10  }
0xd8: {  	s25 =	sand.u32 $0x3FFFFFC0, s26;
	v53 =	vmul.f32 v43, v43;
	v59 =	vld [tilespmem:s22+$0xEA78];
	v11 =	vadd.f32 v38, v11;
	v8 =	vadd.f32 v8, v51  }
0xd9: {  	v33 =	vmul.f32 v63, v63;
	v61 =	vld [tilespmem:s25+$0x1A00];
	v9 =	vadd.f32 v25, v9;
	v13 =	vadd.f32 v28, v13  }
0xda: {  	v57 =	vmul.f32 v47, v47;
	v10 =	vadd.f32 v63, v10;
	v63 =	vld [tilespmem:s23+$0x23D0];
	v11 =	vadd.f32 v42, v11  }
0xdb: {  	v38 =	vld [tilespmem:s23+$0x2360];
	v8 =	vmul.f32 v8, v1;
	v9 =	vadd.f32 v29, v9;
	v13 =	vadd.f32 v32, v13  }
0xdc: {  	s28 =	sadd.s32 $0xB60, s24;
	v37 =	vmul.f32 v27, v27;
	v51 =	vld [tilespmem:s23+$0x2470];
	v10 =	vadd.f32 v27, v10;
	v11 =	vadd.f32 v46, v11  }
0xdd: {  	s25 =	sand.u32 $0x3FFFFF60, s28;
	v40 =	vmul.f32 v30, v30;
	v25 =	vld [tilespmem:s23+$0x23F0];
	v5 =	vadd.f32 v8, v7;
	v9 =	vadd.f32 v33, v9  }
0xde: {  	v28 =	vld [tilespmem:s25+$0x1A00];
	v44 =	vmul.f32 v34, v34;
	v13 =	vadd.f32 v36, v13;
	v10 =	vadd.f32 v31, v10  }
0xdf: {  	(xrf2) =	vadd.scan.msk.f32 $0xffff, v4;
	v42 =	vld [tilespmem:s23+$0x2370];
	v29 =	vmul.f32 v61, v61;
	v11 =	vadd.f32 v50, v11;
	v12 =	vadd.f32 v63, v61  }
0xe0: {  	(xrf2) =	vadd.scan.msk.f32 $0xffff, v3;
	v46 =	vld [tilespmem:s23+$0x2380];
	v15 =	vmul.f32 v63, v63;
	v3 =	vadd.f32 v5, v2;
	v9 =	vadd.f32 v37, v9  }
0xe1: {  	v32 =	vmul.f32 v23, v23;
	v31 =	vld [tilespmem:s23+$0x2400];
	v13 =	vadd.f32 v40, v13;
	v10 =	vadd.f32 v35, v10  }
0xe2: {  	v48 =	vmul.f32 v38, v38;
	v33 =	vld [tilespmem:s23+$0x2580];
	v11 =	vadd.f32 v54, v11;
	v14 =	vadd.f32 v15, v29  }
0xe3: {  	v36 =	vld [tilespmem:s23+$0x2590];
	v61 =	vmul.f32 v51, v51;
	v12 =	vadd.f32 v23, v12;
	v9 =	vadd.f32 v41, v9  }
0xe4: {  	v50 =	vld [tilespmem:s23+$0x2390];
	v52 =	vmul.f32 v42, v42;
	v13 =	vadd.f32 v44, v13;
	v10 =	vadd.f32 v39, v10  }
0xe5: {  	v35 =	vmul.f32 v25, v25;
	v40 =	vld [tilespmem:s23+$0x25B0];
	v11 =	vadd.f32 v58, v11;
	v14 =	vadd.f32 v32, v14  }
0xe6: {  	v54 =	vld [tilespmem:s23+$0x23A0];
	v56 =	vmul.f32 v46, v46;
	v12 =	vadd.f32 v25, v12;
	v9 =	vadd.f32 v45, v9  }
0xe7: {  	v41 =	vld [tilespmem:s23+$0x2440];
	v16 =	vmul.f32 v33, v33;
	v13 =	vadd.f32 v48, v13;
	v10 =	vadd.f32 v43, v10  }
0xe8: {  	v44 =	vld [tilespmem:s23+$0x2450];
	v17 =	vmul.f32 v36, v36;
	v11 =	vadd.f32 v62, v11;
	v14 =	vadd.f32 v35, v14  }
0xe9: {  	v58 =	vld [tilespmem:s23+$0x23B0];
	v60 =	vmul.f32 v50, v50;
	v12 =	vadd.f32 v31, v12;
	v9 =	vadd.f32 v49, v9  }
0xea: {  	v43 =	vld [tilespmem:s23+$0x25C0];
	v48 =	vmul.f32 v40, v40;
	v13 =	vadd.f32 v52, v13;
	v10 =	vadd.f32 v47, v10  }
0xeb: {  	v62 =	vmul.f32 v54, v54;
	v47 =	vld [tilespmem:s23+$0x2460];
	v11 =	vadd.f32 v26, v11;
	v26 =	vnsel vm0, $0x0, v59  }
0xec: {  	v49 =	vmul.f32 v41, v41;
	v59 =	vld [tilespmem:s23+$0x2490];
	v9 =	vadd.f32 v53, v9;
	v13 =	vadd.f32 v56, v13  }
0xed: {  	v10 =	vmul.f32 v10, v10;
	v8 =	vadd.f32 v26, v55;
	v11 =	vadd.f32 v30, v11;
	v30 =	vld [tilespmem:s23+$0x2570]  }
0xee: {  	v22 =	vmul.f32 v58, v58;
	v53 =	vmul.f32 v44, v44;
	v55 =	vld [tilespmem:s23+$0x2480];
	v9 =	vadd.f32 v57, v9  }
0xef: {  	v37 =	vld [tilespmem:s23+$0x2420];
	v52 =	vmul.f32 v43, v43;
	v13 =	vadd.f32 v60, v13;
	v8 =	vmul.f32 v8, v1  }
0xf0: {  	v11 =	vadd.f32 v34, v11;
	v34 =	vld [tilespmem:s23+$0x2410];
	v57 =	vmul.f32 v47, v47;
	v9 =	vsub.f32 v10, v9  }
0xf1: {  	v13 =	vadd.f32 v62, v13;
	v10 =	vnsel vm0, $0x0, v21;
	v21 =	vmul.f32 v28, v28  }
0xf2: {  	v63 =	vld [tilespmem:s23+$0x24A0];
	v29 =	vmul.f32 v59, v59;
	v11 =	vadd.f32 v38, v11;
	v19 =	vmul.f32 v30, v30  }
0xf3: {  	v62 =	vld [tilespmem:s23+$0x2610];
	v25 =	vmul.f32 v55, v55;
	v27 =	vadd.f32 v22, v13;
	v13 =	vadd.f32 v30, v28  }
0xf4: {  	v38 =	vld [tilespmem:s23+$0x25A0];
	v24 =	vmul.f32 $5.000000000e-01, v9;
	v11 =	vadd.f32 v42, v11;
	v19 =	vadd.f32 v19, v21  }
0xf5: {  	v22 =	vld [tilespmem:s23+$0x2430];
	v42 =	vmul.f32 v37, v37;
	v13 =	vadd.f32 v33, v13;
	v12 =	vadd.f32 v34, v12  }
0xf6: {  	v26 =	vld [tilespmem:s23+$0x2620];
	v7 =	vmul.f32 v24, v0;
	v11 =	vadd.f32 v46, v11;
	v16 =	vadd.f32 v16, v19  }
0xf7: {  	v35 =	vld [tilespmem:s23+$0x24D0];
	v39 =	vmul.f32 v34, v34;
	v13 =	vadd.f32 v36, v13;
	v12 =	vadd.f32 v37, v12  }
0xf8: {  	v33 =	vmul.f32 v63, v63;
	v46 =	vld [tilespmem:s23+$0x25D0];
	v8 =	vadd.f32 v8, v7;
	v11 =	vadd.f32 v50, v11  }
0xf9: {  	v30 =	vld [tilespmem:s23+$0x2630];
	v15 =	vmul.f32 v38, v38;
	v16 =	vadd.f32 v17, v16;
	v13 =	vadd.f32 v38, v13  }
0xfa: {  	v32 =	vmul.f32 v62, v62;
	v50 =	vld [tilespmem:s23+$0x25E0];
	v12 =	vadd.f32 v22, v12;
	v11 =	vadd.f32 v54, v11  }
0xfb: {  	v34 =	vld [tilespmem:s23+$0x2640];
	v36 =	vmul.f32 v26, v26;
	v15 =	vadd.f32 v15, v16;
	v13 =	vadd.f32 v40, v13  }
0xfc: {  	v45 =	vmul.f32 v22, v22;
	v38 =	vld [tilespmem:s23+$0x2650];
	v12 =	vadd.f32 v41, v12;
	v11 =	vadd.f32 v58, v11  }
0xfd: {  	v54 =	vld [tilespmem:s23+$0x25F0];
	v56 =	vmul.f32 v46, v46;
	v15 =	vadd.f32 v48, v15;
	v13 =	vadd.f32 v43, v13  }
0xfe: {  	v40 =	vmul.f32 v30, v30;
	v58 =	vld [tilespmem:s23+$0x2600];
	v12 =	vadd.f32 v44, v12;
	v11 =	vmul.f32 v11, v11  }
0xff: {  	v60 =	vmul.f32 v50, v50;
	v43 =	vld [tilespmem:s23+$0x24F0];
	v15 =	vadd.f32 v52, v15;
	v13 =	vadd.f32 v46, v13  }
0x100: {  	v12 =	vadd.f32 v47, v12;
	v46 =	vld [tilespmem:s23+$0x2670];
	v9 =	vsub.f32 v11, v27;
	v11 =	vmul.f32 v31, v31  }
0x101: {  	s29 =	sadd.s32 $0xAC0, s24;
	v44 =	vmul.f32 v34, v34;
	v47 =	vld [tilespmem:s23+$0x2500];
	v15 =	vadd.f32 v56, v15;
	v13 =	vadd.f32 v50, v13  }
0x102: {  	s25 =	sand.u32 $0x3FFFFEC0, s29;
	v48 =	vmul.f32 v38, v38;
	v27 =	vld [tilespmem:s23+$0x24B0];
	v12 =	vadd.f32 v51, v12;
	v11 =	vadd.f32 v11, v14  }
0x103: {  	v24 =	vmul.f32 v54, v54;
	v31 =	vld [tilespmem:s25+$0x1A00];
	v15 =	vadd.f32 v60, v15;
	v13 =	vadd.f32 v54, v13  }
0x104: {  	v28 =	vmul.f32 v58, v58;
	v50 =	vld [tilespmem:s23+$0x2680];
	v12 =	vadd.f32 v55, v12;
	v11 =	vadd.f32 v39, v11  }
0x105: {  	v51 =	vld [tilespmem:s23+$0x2510];
	v9 =	vmul.f32 $5.000000000e-01, v9;
	v15 =	vadd.f32 v24, v15;
	v13 =	vadd.f32 v58, v13  }
0x106: {  	v54 =	vld [tilespmem:s23+$0x2690];
	v56 =	vmul.f32 v46, v46;
	v12 =	vadd.f32 v59, v12;
	v11 =	vadd.f32 v42, v11  }
0x107: {  	v55 =	vld [tilespmem:s23+$0x2520];
	v9 =	vmul.f32 v9, v0;
	v15 =	vadd.f32 v28, v15;
	v13 =	vadd.f32 v62, v13  }
0x108: {  	s30 =	sadd.s32 $0xC60, s24;
	v39 =	vld [tilespmem:s23+$0x24E0];
	v37 =	vmul.f32 v27, v27;
	v12 =	vadd.f32 v63, v12;
	v11 =	vadd.f32 v45, v11  }
0x109: {  	s25 =	sand.u32 $0x3FFFFE60, s30;
	v41 =	vmul.f32 v31, v31;
	v58 =	vld [tilespmem:s23+$0x26A0];
	v15 =	vadd.f32 v32, v15;
	v13 =	vadd.f32 v26, v13  }
0x10a: {  	v42 =	vld [tilespmem:s25+$0x1A00];
	v60 =	vmul.f32 v50, v50;
	v12 =	vadd.f32 v27, v12;
	v11 =	vadd.f32 v49, v11  }
0x10b: {  	v62 =	vld [tilespmem:s23+$0x26B0];
	v45 =	vmul.f32 v35, v35;
	v15 =	vadd.f32 v36, v15;
	v13 =	vadd.f32 v30, v13  }
0x10c: {  	v24 =	vmul.f32 v54, v54;
	v12 =	vadd.f32 v31, v12;
	v31 =	vld [tilespmem:s22+$0xEA82];
	v11 =	vadd.f32 v53, v11  }
0x10d: {  	v59 =	vld [tilespmem:s23+$0x2530];
	v49 =	vmul.f32 v39, v39;
	v15 =	vadd.f32 v40, v15;
	v13 =	vadd.f32 v34, v13  }
0x10e: {  	v63 =	vld [tilespmem:s23+$0x2540];
	v28 =	vmul.f32 v58, v58;
	v12 =	vadd.f32 v35, v12;
	v11 =	vadd.f32 v57, v11  }
0x10f: {  	v26 =	vld [tilespmem:s23+$0x26C0];
	v52 =	vmul.f32 v42, v42;
	v15 =	vadd.f32 v44, v15;
	v13 =	vadd.f32 v38, v13  }
0x110: {  	v27 =	vld [tilespmem:s23+$0x2550];
	v53 =	vmul.f32 v43, v43;
	v12 =	vadd.f32 v39, v12;
	v11 =	vadd.f32 v61, v11  }
0x111: {  	v30 =	vld [tilespmem:s23+$0x26D0];
	v32 =	vmul.f32 v62, v62;
	v10 =	vadd.f32 v10, v31;
	v15 =	vadd.f32 v48, v15  }
0x112: {  	v34 =	vld [tilespmem:s23+$0x26E0];
	v57 =	vmul.f32 v47, v47;
	v13 =	vadd.f32 v42, v13;
	v12 =	vadd.f32 v43, v12  }
0x113: {  	v35 =	vld [tilespmem:s22+$0xEA9C];
	v11 =	vadd.f32 v25, v11;
	v10 =	vmul.f32 v10, v1;
	v15 =	vadd.f32 v52, v15  }
0x114: {  	v36 =	vmul.f32 v26, v26;
	v38 =	vld [tilespmem:s23+$0x26F0];
	v13 =	vadd.f32 v46, v13;
	v12 =	vadd.f32 v47, v12  }
0x115: {  	v39 =	vld [tilespmem:s22+$0xEAAC];
	v61 =	vmul.f32 v51, v51;
	v11 =	vadd.f32 v29, v11;
	v7 =	vadd.f32 v10, v9  }
0x116: {  	v40 =	vmul.f32 v30, v30;
	v43 =	vld [tilespmem:s23+$0x2710];
	v15 =	vadd.f32 v56, v15;
	v13 =	vadd.f32 v50, v13  }
0x117: {  	v31 =	vld [tilespmem:s23+$0x2910];
	v25 =	vmul.f32 v55, v55;
	v12 =	vadd.f32 v51, v12;
	v11 =	vadd.f32 v33, v11  }
0x118: {  	v42 =	vmul.f32 v34, v34;
	v46 =	vld [tilespmem:s23+$0x2720];
	v15 =	vadd.f32 v60, v15;
	v13 =	vadd.f32 v54, v13  }
0x119: {  	v48 =	vld [tilespmem:s23+$0x2730];
	v29 =	vmul.f32 v59, v59;
	v12 =	vadd.f32 v55, v12;
	v11 =	vadd.f32 v37, v11  }
0x11a: {  	s31 =	sadd.s32 $0xD00, s24;
	v33 =	vmul.f32 v63, v63;
	v15 =	vadd.f32 v24, v15;
	v13 =	vadd.f32 v58, v13;
	v58 =	vld [tilespmem:s23+$0x28D0]  }
0x11b: {  	s25 =	sand.u32 $0x3FFFFF00, s31;
	v18 =	vmul.f32 v43, v43;
	v12 =	vadd.f32 v59, v12;
	v59 =	vld [tilespmem:s23+$0x2760];
	v11 =	vadd.f32 v41, v11  }
0x11c: {  	v37 =	vmul.f32 v27, v27;
	v41 =	vld [tilespmem:s25+$0x1A00];
	v15 =	vadd.f32 v28, v15;
	v13 =	vadd.f32 v62, v13  }
0x11d: {  	s26 =	sadd.s32 $0xEA0, s24;
	v17 =	vmul.f32 v46, v46;
	v24 =	vld [tilespmem:s23+$0x2770];
	v12 =	vadd.f32 v63, v12;
	v11 =	vadd.f32 v45, v11  }
0x11e: {  	v56 =	vld [tilespmem:s23+$0x2750];
	s25 =	sand.u32 $0x3FFFFEA0, s26;
	v45 =	vmul.f32 v38, v38;
	v15 =	vadd.f32 v32, v15;
	v13 =	vadd.f32 v26, v13  }
0x11f: {  	v51 =	vld [tilespmem:s25+$0x1A00];
	v12 =	vadd.f32 v27, v12;
	v11 =	vadd.f32 v49, v11;
	v49 =	vnsel vm0, $0x0, v39  }
0x120: {  	v55 =	vld [tilespmem:s23+$0x28C0];
	v19 =	vmul.f32 v58, v58;
	v27 =	vmul.f32 v59, v59;
	v15 =	vadd.f32 v36, v15  }
0x121: {  	v63 =	vld [tilespmem:s23+$0x2780];
	v13 =	vadd.f32 v30, v13;
	v12 =	vmul.f32 v12, v12;
	v52 =	vmul.f32 v41, v41  }
0x122: {  	v60 =	vld [tilespmem:s23+$0x28E0];
	v14 =	vadd.f32 v43, v41;
	v10 =	vadd.f32 v49, v35;
	v30 =	vmul.f32 v24, v24  }
0x123: {  	v32 =	vld [tilespmem:s23+$0x27A0];
	v41 =	vmul.f32 v31, v31;
	v11 =	vadd.f32 v53, v11;
	v15 =	vadd.f32 v40, v15  }
0x124: {  	v39 =	vld [tilespmem:s23+$0x2930];
	v23 =	vmul.f32 v51, v51;
	v13 =	vadd.f32 v34, v13;
	v16 =	vadd.f32 v18, v52  }
0x125: {  	v53 =	vld [tilespmem:s23+$0x28B0];
	v14 =	vadd.f32 v46, v14;
	v10 =	vmul.f32 v10, v1;
	v18 =	vmul.f32 v55, v55  }
0x126: {  	v54 =	vld [tilespmem:s23+$0x2740];
	v34 =	vmul.f32 v63, v63;
	v11 =	vadd.f32 v57, v11;
	v15 =	vadd.f32 v42, v15  }
0x127: {  	v36 =	vld [tilespmem:s23+$0x27B0];
	v57 =	vmul.f32 v48, v48;
	v13 =	vadd.f32 v38, v13;
	v16 =	vadd.f32 v17, v16  }
0x128: {  	v62 =	vld [tilespmem:s23+$0x28F0];
	v14 =	vadd.f32 v48, v14;
	v17 =	vmul.f32 v60, v60;
	v42 =	vmul.f32 v32, v32  }
0x129: {  	v35 =	vld [tilespmem:s23+$0x2920];
	v49 =	vmul.f32 v39, v39;
	v11 =	vadd.f32 v61, v11;
	v50 =	vadd.f32 v45, v15  }
0x12a: {  	v43 =	vld [tilespmem:s23+$0x2940];
	v15 =	vadd.f32 v53, v51;
	v21 =	vmul.f32 v53, v53;
	v16 =	vadd.f32 v57, v16  }
0x12b: {  	v48 =	vld [tilespmem:s23+$0x27E0];
	v61 =	vmul.f32 v56, v56;
	v14 =	vadd.f32 v54, v14;
	v11 =	vadd.f32 v25, v11  }
0x12c: {  	v28 =	vld [tilespmem:s23+$0x2900];
	v46 =	vmul.f32 v36, v36;
	v21 =	vadd.f32 v21, v23;
	v15 =	vadd.f32 v55, v15  }
0x12d: {  	v52 =	vld [tilespmem:s23+$0x27F0];
	v13 =	vmul.f32 v13, v13;
	v14 =	vadd.f32 v56, v14;
	v11 =	vadd.f32 v29, v11  }
0x12e: {  	v45 =	vmul.f32 v35, v35;
	v29 =	vld [tilespmem:s23+$0x2790];
	v18 =	vadd.f32 v18, v21;
	v15 =	vadd.f32 v58, v15  }
0x12f: {  	v44 =	vld [tilespmem:s22+$0xEAC6];
	v53 =	vmul.f32 v43, v43;
	v14 =	vadd.f32 v59, v14;
	v11 =	vadd.f32 v33, v11  }
0x130: {  	v55 =	vld [tilespmem:s23+$0x2970];
	v58 =	vmul.f32 v48, v48;
	v18 =	vadd.f32 v19, v18;
	v15 =	vadd.f32 v60, v15  }
0x131: {  	v40 =	vld [tilespmem:s23+$0x27C0];
	v33 =	vmul.f32 v62, v62;
	v14 =	vadd.f32 v24, v14;
	v11 =	vadd.f32 v37, v11  }
0x132: {  	v59 =	vld [tilespmem:s23+$0x2980];
	v37 =	vmul.f32 v28, v28;
	v17 =	vadd.f32 v17, v18;
	v15 =	vadd.f32 v62, v15  }
0x133: {  	s28 =	sadd.s32 $0xE00, s24;
	v51 =	vld [tilespmem:s23+$0x2960];
	v14 =	vadd.f32 v63, v14;
	v38 =	vmul.f32 v29, v29;
	v62 =	vmul.f32 v52, v52  }
0x134: {  	s25 =	sand.u32 $0x3FFFFE00, s28;
	v25 =	vld [tilespmem:s23+$0x2AA0];
	v11 =	vsub.f32 v12, v11;
	v12 =	vnsel vm0, $0x0, v44;
	v17 =	vadd.f32 v33, v17  }
0x135: {  	v56 =	vld [tilespmem:s25+$0x1A00];
	v15 =	vadd.f32 v28, v15;
	v14 =	vadd.f32 v29, v14;
	v29 =	vmul.f32 v55, v55  }
0x136: {  	v63 =	vld [tilespmem:s23+$0x2990];
	v47 =	vmul.f32 $5.000000000e-01, v11;
	v11 =	vsub.f32 v13, v50;
	v13 =	vmul.f32 v54, v54  }
0x137: {  	v44 =	vld [tilespmem:s23+$0x27D0];
	v33 =	vmul.f32 v59, v59;
	v17 =	vadd.f32 v37, v17;
	v15 =	vadd.f32 v31, v15  }
0x138: {  	v60 =	vld [tilespmem:s23+$0x2810];
	v50 =	vmul.f32 v40, v40;
	v14 =	vadd.f32 v32, v14;
	v13 =	vadd.f32 v13, v16  }
0x139: {  	s29 =	sadd.s32 $0xFA0, s24;
	v28 =	vld [tilespmem:s23+$0x2820];
	v9 =	vmul.f32 v47, v0;
	v17 =	vadd.f32 v41, v17;
	v15 =	vadd.f32 v35, v15  }
0x13a: {  	s25 =	sand.u32 $0x3FFFFFA0, s29;
	v11 =	vmul.f32 $5.000000000e-01, v11;
	v47 =	vld [tilespmem:s23+$0x2950];
	v14 =	vadd.f32 v36, v14;
	v13 =	vadd.f32 v61, v13  }
0x13b: {  	v31 =	vld [tilespmem:s25+$0x1A00];
	v37 =	vmul.f32 v63, v63;
	v10 =	vadd.f32 v10, v9;
	v17 =	vadd.f32 v45, v17  }
0x13c: {  	v32 =	vld [tilespmem:s23+$0x2830];
	v54 =	vmul.f32 v44, v44;
	v15 =	vadd.f32 v39, v15;
	v14 =	vadd.f32 v40, v14  }
0x13d: {  	v35 =	vld [tilespmem:s23+$0x29B0];
	v61 =	vmul.f32 v51, v51;
	v13 =	vadd.f32 v27, v13;
	v17 =	vadd.f32 v49, v17  }
0x13e: {  	v36 =	vld [tilespmem:s23+$0x2840];
	v11 =	vmul.f32 v11, v0;
	v15 =	vadd.f32 v43, v15;
	v14 =	vadd.f32 v44, v14  }
0x13f: {  	v39 =	vld [tilespmem:s23+$0x29C0];
	v57 =	vmul.f32 v47, v47;
	v13 =	vadd.f32 v30, v13;
	v17 =	vadd.f32 v53, v17  }
0x140: {  	v40 =	vld [tilespmem:s23+$0x2850];
	v41 =	vmul.f32 v31, v31;
	v15 =	vadd.f32 v47, v15;
	v14 =	vadd.f32 v48, v14  }
0x141: {  	v43 =	vld [tilespmem:s23+$0x29D0];
	v30 =	vmul.f32 v56, v56;
	v13 =	vadd.f32 v34, v13;
	v17 =	vadd.f32 v57, v17  }
0x142: {  	v44 =	vld [tilespmem:s23+$0x2860];
	v45 =	vmul.f32 v35, v35;
	v15 =	vadd.f32 v51, v15;
	v14 =	vadd.f32 v52, v14  }
0x143: {  	v47 =	vld [tilespmem:s23+$0x29E0];
	v34 =	vmul.f32 v60, v60;
	v13 =	vadd.f32 v38, v13;
	v17 =	vadd.f32 v61, v17  }
0x144: {  	v48 =	vld [tilespmem:s23+$0x2870];
	v49 =	vmul.f32 v39, v39;
	v15 =	vadd.f32 v55, v15;
	v14 =	vadd.f32 v56, v14  }
0x145: {  	v51 =	vld [tilespmem:s23+$0x29F0];
	v38 =	vmul.f32 v28, v28;
	v13 =	vadd.f32 v42, v13;
	v17 =	vadd.f32 v29, v17  }
0x146: {  	v53 =	vmul.f32 v43, v43;
	v15 =	vadd.f32 v59, v15;
	v14 =	vadd.f32 v60, v14;
	v60 =	vld [tilespmem:s22+$0xEAB6]  }
0x147: {  	v55 =	vld [tilespmem:s23+$0x2A00];
	v42 =	vmul.f32 v32, v32;
	v13 =	vadd.f32 v46, v13;
	v17 =	vadd.f32 v33, v17  }
0x148: {  	v52 =	vld [tilespmem:s23+$0x2880];
	v57 =	vmul.f32 v47, v47;
	v15 =	vadd.f32 v63, v15;
	v14 =	vadd.f32 v28, v14  }
0x149: {  	v56 =	vld [tilespmem:s23+$0x2890];
	v46 =	vmul.f32 v36, v36;
	v13 =	vadd.f32 v50, v13;
	v17 =	vadd.f32 v37, v17  }
0x14a: {  	v59 =	vld [tilespmem:s23+$0x2A10];
	v61 =	vmul.f32 v51, v51;
	v15 =	vadd.f32 v31, v15;
	v14 =	vadd.f32 v32, v14  }
0x14b: {  	v63 =	vld [tilespmem:s23+$0x2A20];
	v50 =	vmul.f32 v40, v40;
	v13 =	vadd.f32 v54, v13;
	v12 =	vadd.f32 v12, v60  }
0x14c: {  	v28 =	vld [tilespmem:s22+$0xEAD0];
	v29 =	vmul.f32 v55, v55;
	v17 =	vadd.f32 v41, v17;
	v15 =	vadd.f32 v35, v15  }
0x14d: {  	v31 =	vld [tilespmem:s23+$0x2A30];
	v54 =	vmul.f32 v44, v44;
	v14 =	vadd.f32 v36, v14;
	v13 =	vadd.f32 v58, v13  }
0x14e: {  	v32 =	vld [tilespmem:s22+$0xEAE0];
	v12 =	vmul.f32 v12, v1;
	v17 =	vadd.f32 v45, v17;
	v15 =	vadd.f32 v39, v15  }
0x14f: {  	v33 =	vmul.f32 v59, v59;
	v36 =	vld [tilespmem:s23+$0x2A50];
	v14 =	vadd.f32 v40, v14;
	v13 =	vadd.f32 v62, v13  }
0x150: {  	v41 =	vld [tilespmem:s23+$0x2BF0];
	v58 =	vmul.f32 v48, v48;
	v9 =	vadd.f32 v12, v11;
	v17 =	vadd.f32 v49, v17  }
0x151: {  	v37 =	vld [tilespmem:s23+$0x2A60];
	v35 =	vmul.f32 v63, v63;
	v15 =	vadd.f32 v43, v15;
	v14 =	vadd.f32 v44, v14  }
0x152: {  	s30 =	sadd.s32 $0x1040, s24;
	v62 =	vmul.f32 v52, v52;
	v49 =	vld [tilespmem:s23+$0x2A90];
	v13 =	vadd.f32 v30, v13;
	v17 =	vadd.f32 v53, v17  }
0x153: {  	s25 =	sand.u32 $0x3FFFFE40, s30;
	v30 =	vmul.f32 v56, v56;
	v15 =	vadd.f32 v47, v15;
	v14 =	vadd.f32 v48, v14;
	v53 =	vld [tilespmem:s23+$0x2AB0]  }
0x154: {  	s31 =	sadd.s32 $0x11E0, s24;
	v20 =	vmul.f32 v36, v36;
	v13 =	vadd.f32 v34, v13;
	v34 =	vld [tilespmem:s25+$0x1A00];
	v17 =	vadd.f32 v57, v17  }
0x155: {  	v60 =	vld [tilespmem:s23+$0x2AD0];
	v21 =	vmul.f32 v41, v41;
	s25 =	sand.u32 $0x3FFFFFE0, s31;
	v15 =	vadd.f32 v51, v15;
	v14 =	vadd.f32 v52, v14  }
0x156: {  	v39 =	vld [tilespmem:s25+$0x1A00];
	v13 =	vadd.f32 v38, v13;
	v38 =	vmul.f32 v31, v31;
	v17 =	vadd.f32 v61, v17  }
0x157: {  	v44 =	vld [tilespmem:s23+$0x2A70];
	v15 =	vadd.f32 v55, v15;
	v14 =	vadd.f32 v56, v14;
	v55 =	vmul.f32 v49, v49  }
0x158: {  	v48 =	vld [tilespmem:s23+$0x2C10];
	v13 =	vadd.f32 v42, v13;
	v42 =	vnsel vm0, $0x0, v32;
	v17 =	vadd.f32 v29, v17  }
0x159: {  	v47 =	vld [tilespmem:s23+$0x2A80];
	v61 =	vmul.f32 v53, v53;
	v15 =	vadd.f32 v59, v15;
	v16 =	vadd.f32 v36, v34  }
0x15a: {  	v56 =	vld [tilespmem:s23+$0x2C40];
	v14 =	vmul.f32 v14, v14;
	v12 =	vadd.f32 v42, v28;
	v13 =	vadd.f32 v46, v13  }
0x15b: {  	v32 =	vld [tilespmem:s23+$0x2AF0];
	v45 =	vmul.f32 v34, v34;
	v19 =	vadd.f32 v41, v39;
	v17 =	vadd.f32 v33, v17  }
0x15c: {  	v59 =	vld [tilespmem:s23+$0x2C50];
	v34 =	vmul.f32 v60, v60;
	v15 =	vadd.f32 v63, v15;
	v13 =	vadd.f32 v50, v13  }
0x15d: {  	v51 =	vld [tilespmem:s23+$0x2C20];
	v18 =	vadd.f32 v20, v45;
	v16 =	vadd.f32 v37, v16;
	v20 =	vmul.f32 v48, v48  }
0x15e: {  	v46 =	vld [tilespmem:s23+$0x2C00];
	v12 =	vmul.f32 v12, v1;
	v50 =	vmul.f32 v39, v39;
	v13 =	vadd.f32 v54, v13  }
0x15f: {  	v36 =	vld [tilespmem:s23+$0x2B00];
	v29 =	vmul.f32 v56, v56;
	v17 =	vadd.f32 v35, v17;
	v15 =	vadd.f32 v31, v15  }
0x160: {  	v63 =	vld [tilespmem:s23+$0x2AE0];
	v16 =	vadd.f32 v44, v16;
	v42 =	vmul.f32 v32, v32;
	v13 =	vadd.f32 v58, v13  }
0x161: {  	v39 =	vld [tilespmem:s23+$0x2C90];
	v21 =	vadd.f32 v21, v50;
	v33 =	vmul.f32 v59, v59;
	v43 =	vadd.f32 v38, v17  }
0x162: {  	v31 =	vld [tilespmem:s23+$0x2C70];
	v15 =	vmul.f32 v15, v15;
	v17 =	vmul.f32 v44, v44;
	v13 =	vadd.f32 v62, v13  }
0x163: {  	v35 =	vld [tilespmem:s23+$0x2C80];
	v19 =	vadd.f32 v46, v19;
	v23 =	vmul.f32 v46, v46;
	v16 =	vadd.f32 v47, v16  }
0x164: {  	v52 =	vld [tilespmem:s23+$0x2C30];
	v46 =	vmul.f32 v36, v36;
	v58 =	vmul.f32 v25, v25;
	v13 =	vadd.f32 v30, v13  }
0x165: {  	v38 =	vmul.f32 v63, v63;
	v21 =	vadd.f32 v23, v21;
	v19 =	vadd.f32 v48, v19  }
0x166: {  	v54 =	vadd.f32 v49, v16;
	v13 =	vsub.f32 v14, v13;
	v14 =	vmul.f32 v37, v37  }
0x167: {  	v57 =	vld [tilespmem:s23+$0x2AC0];
	v49 =	vmul.f32 v39, v39;
	v41 =	vmul.f32 v31, v31;
	v19 =	vadd.f32 v51, v19  }
0x168: {  	v44 =	vld [tilespmem:s23+$0x2B20];
	v45 =	vmul.f32 v35, v35;
	v20 =	vadd.f32 v20, v21;
	v14 =	vadd.f32 v14, v18  }
0x169: {  	v62 =	vld [tilespmem:s23+$0x2C60];
	v19 =	vadd.f32 v52, v19;
	v40 =	vmul.f32 $5.000000000e-01, v13;
	v18 =	vmul.f32 v51, v51  }
0x16a: {  	v48 =	vld [tilespmem:s23+$0x2B30];
	v13 =	vsub.f32 v15, v43;
	v15 =	vmul.f32 v47, v47;
	v14 =	vadd.f32 v17, v14  }
0x16b: {  	v28 =	vadd.f32 v56, v19;
	v56 =	vld [tilespmem:s23+$0x2B50];
	v18 =	vadd.f32 v18, v20;
	v17 =	vmul.f32 v52, v52  }
0x16c: {  	v43 =	vld [tilespmem:s23+$0x2CA0];
	v11 =	vmul.f32 v40, v0;
	v14 =	vadd.f32 v15, v14;
	v15 =	vadd.f32 v25, v54  }
0x16d: {  	s26 =	sadd.s32 $0x1140, s24;
	v30 =	vmul.f32 v57, v57;
	v47 =	vld [tilespmem:s23+$0x2CB0];
	v17 =	vadd.f32 v17, v18;
	v18 =	vadd.f32 v59, v28  }
0x16e: {  	s25 =	sand.u32 $0x3FFFFF40, s26;
	v37 =	vmul.f32 v62, v62;
	v40 =	vld [tilespmem:s23+$0x2B10];
	v11 =	vadd.f32 v12, v11;
	v14 =	vadd.f32 v55, v14  }
0x16f: {  	s28 =	sadd.s32 $0x12E0, s24;
	v52 =	vld [tilespmem:s25+$0x1A00];
	v13 =	vmul.f32 $5.000000000e-01, v13;
	v15 =	vadd.f32 v53, v15;
	v18 =	vadd.f32 v62, v18  }
0x170: {  	v51 =	vld [tilespmem:s23+$0x2CC0];
	s25 =	sand.u32 $0x3FFFFEE0, s28;
	v54 =	vmul.f32 v44, v44;
	v17 =	vadd.f32 v29, v17;
	v14 =	vadd.f32 v58, v14  }
0x171: {  	v59 =	vld [tilespmem:s25+$0x1A00];
	v12 =	vmul.f32 v13, v0;
	v15 =	vadd.f32 v57, v15;
	v18 =	vadd.f32 v31, v18  }
0x172: {  	v28 =	vld [tilespmem:s23+$0x2B70];
	v53 =	vmul.f32 v43, v43;
	v17 =	vadd.f32 v33, v17;
	v14 =	vadd.f32 v61, v14  }
0x173: {  	v55 =	vld [tilespmem:s23+$0x2CD0];
	v50 =	vmul.f32 v40, v40;
	v15 =	vadd.f32 v60, v15;
	v18 =	vadd.f32 v35, v18  }
0x174: {  	v62 =	vmul.f32 v52, v52;
	v31 =	vld [tilespmem:s23+$0x2D00];
	v17 =	vadd.f32 v37, v17;
	v14 =	vadd.f32 v30, v14  }
0x175: {  	v57 =	vmul.f32 v47, v47;
	v60 =	vld [tilespmem:s23+$0x2B60];
	v15 =	vadd.f32 v63, v15;
	v18 =	vadd.f32 v39, v18  }
0x176: {  	v58 =	vmul.f32 v48, v48;
	v35 =	vld [tilespmem:s23+$0x2D10];
	v17 =	vadd.f32 v41, v17;
	v14 =	vadd.f32 v34, v14  }
0x177: {  	v33 =	vmul.f32 v59, v59;
	v63 =	vld [tilespmem:s23+$0x2CF0];
	v15 =	vadd.f32 v32, v15;
	v18 =	vadd.f32 v43, v18  }
0x178: {  	v61 =	vmul.f32 v51, v51;
	v39 =	vld [tilespmem:s23+$0x2D20];
	v17 =	vadd.f32 v45, v17;
	v14 =	vadd.f32 v38, v14  }
0x179: {  	v29 =	vmul.f32 v55, v55;
	v32 =	vld [tilespmem:s23+$0x2B80];
	v15 =	vadd.f32 v36, v15;
	v18 =	vadd.f32 v47, v18  }
0x17a: {  	v30 =	vmul.f32 v56, v56;
	v43 =	vld [tilespmem:s23+$0x2D30];
	v17 =	vadd.f32 v49, v17;
	v14 =	vadd.f32 v42, v14  }
0x17b: {  	v41 =	vmul.f32 v31, v31;
	v36 =	vld [tilespmem:s23+$0x2B90];
	v15 =	vadd.f32 v40, v15;
	v18 =	vadd.f32 v51, v18  }
0x17c: {  	v34 =	vmul.f32 v60, v60;
	v47 =	vld [tilespmem:s23+$0x2D40];
	v17 =	vadd.f32 v53, v17;
	v14 =	vadd.f32 v46, v14  }
0x17d: {  	v45 =	vmul.f32 v35, v35;
	v40 =	vld [tilespmem:s23+$0x2BA0];
	v15 =	vadd.f32 v44, v15;
	v18 =	vadd.f32 v55, v18  }
0x17e: {  	v38 =	vmul.f32 v28, v28;
	v51 =	vld [tilespmem:s23+$0x2D50];
	v17 =	vadd.f32 v57, v17;
	v14 =	vadd.f32 v50, v14  }
0x17f: {  	v37 =	vmul.f32 v63, v63;
	v44 =	vld [tilespmem:s23+$0x2BB0];
	v15 =	vadd.f32 v48, v15;
	v18 =	vadd.f32 v59, v18  }
0x180: {  	v49 =	vmul.f32 v39, v39;
	v55 =	vld [tilespmem:s23+$0x2D60];
	v17 =	vadd.f32 v61, v17;
	v14 =	vadd.f32 v54, v14  }
0x181: {  	s29 =	sadd.s32 $0x1380, s24;
	v42 =	vmul.f32 v32, v32;
	v48 =	vld [tilespmem:s23+$0x2BC0];
	v15 =	vadd.f32 v52, v15;
	v18 =	vadd.f32 v63, v18  }
0x182: {  	s25 =	sand.u32 $0x3FFFFF80, s29;
	v53 =	vmul.f32 v43, v43;
	v59 =	vld [tilespmem:s23+$0x2D70];
	v17 =	vadd.f32 v29, v17;
	v14 =	vadd.f32 v58, v14  }
0x183: {  	v46 =	vmul.f32 v36, v36;
	v15 =	vadd.f32 v56, v15;
	v18 =	vadd.f32 v31, v18;
	v31 =	vld [tilespmem:s25+$0x1A00]  }
0x184: {  	v57 =	vmul.f32 v47, v47;
	v50 =	vmul.f32 v40, v40;
	v17 =	vadd.f32 v33, v17;
	v33 =	vld [tilespmem:s23+$0x2D90]  }
0x185: {  	v61 =	vmul.f32 v51, v51;
	v56 =	vld [tilespmem:s22+$0xEAFA];
	v14 =	vadd.f32 v62, v14;
	v15 =	vadd.f32 v60, v15  }
0x186: {  	v54 =	vmul.f32 v44, v44;
	v17 =	vadd.f32 v37, v17;
	v18 =	vadd.f32 v35, v18;
	v60 =	vld [tilespmem:s22+$0xEAEA]  }
0x187: {  	s30 =	sadd.s32 $0x1520, s24;
	v52 =	vld [tilespmem:s23+$0x2BD0];
	v29 =	vmul.f32 v55, v55;
	v14 =	vadd.f32 v30, v14;
	v15 =	vadd.f32 v28, v15  }
0x188: {  	v63 =	vld [tilespmem:s22+$0xEB04];
	s25 =	sand.u32 $0x3FFFFF20, s30;
	v17 =	vadd.f32 v41, v17;
	v18 =	vadd.f32 v39, v18;
	v41 =	vmul.f32 v31, v31  }
0x189: {  	v37 =	vld [tilespmem:s25+$0x1A00];
	v21 =	vmul.f32 v33, v33;
	v14 =	vadd.f32 v34, v14;
	v15 =	vadd.f32 v32, v15  }
0x18a: {  	v28 =	vld [tilespmem:s22+$0xEB14];
	v30 =	vnsel vm0, $0x0, v56;
	v17 =	vadd.f32 v45, v17;
	v18 =	vadd.f32 v43, v18  }
0x18b: {  	v58 =	vmul.f32 v48, v48;
	v56 =	vld [tilespmem:s23+$0x2F90];
	v22 =	vadd.f32 v30, v60;
	v21 =	vadd.f32 v21, v41  }
0x18c: {  	v62 =	vmul.f32 v52, v52;
	v34 =	vld [tilespmem:s23+$0x2DA0];
	v14 =	vadd.f32 v38, v14;
	v15 =	vadd.f32 v36, v15  }
0x18d: {  	v32 =	vmul.f32 v59, v59;
	v43 =	vld [tilespmem:s23+$0x2DC0];
	v17 =	vadd.f32 v49, v17;
	v18 =	vadd.f32 v47, v18  }
0x18e: {  	v45 =	vld [tilespmem:s23+$0x2F50];
	v13 =	vmul.f32 v22, v1;
	v14 =	vadd.f32 v42, v14;
	v15 =	vadd.f32 v40, v15  }
0x18f: {  	v38 =	vld [tilespmem:s23+$0x2F30];
	v39 =	vnsel vm0, $0x0, v28;
	v17 =	vadd.f32 v53, v17;
	v18 =	vadd.f32 v51, v18  }
0x190: {  	v27 =	vmul.f32 v37, v37;
	v47 =	vld [tilespmem:s23+$0x2F60];
	v42 =	vadd.f32 v33, v31;
	v16 =	vadd.f32 v39, v63  }
0x191: {  	v28 =	vld [tilespmem:s23+$0x2DE0];
	v33 =	vmul.f32 v56, v56;
	v23 =	vmul.f32 v34, v34;
	v12 =	vadd.f32 v13, v12  }
0x192: {  	v40 =	vld [tilespmem:s23+$0x2DB0];
	v20 =	vmul.f32 v43, v43;
	v14 =	vadd.f32 v46, v14;
	v15 =	vadd.f32 v44, v15  }
0x193: {  	v53 =	vld [tilespmem:s23+$0x2F80];
	v24 =	vmul.f32 v45, v45;
	v17 =	vadd.f32 v57, v17;
	v18 =	vadd.f32 v55, v18  }
0x194: {  	v44 =	vadd.f32 v34, v42;
	v16 =	vmul.f32 v16, v1;
	v21 =	vadd.f32 v23, v21  }
0x195: {  	v63 =	vld [tilespmem:s23+$0x2FB0];
	v19 =	vmul.f32 v38, v38;
	v14 =	vadd.f32 v50, v14;
	v15 =	vadd.f32 v48, v15  }
0x196: {  	v60 =	vld [tilespmem:s23+$0x2E20];
	v23 =	vmul.f32 v47, v47;
	v17 =	vadd.f32 v61, v17;
	v18 =	vadd.f32 v59, v18  }
0x197: {  	v26 =	vld [tilespmem:s23+$0x2F40];
	v55 =	vmul.f32 v28, v28;
	v22 =	vadd.f32 v40, v44;
	v19 =	vadd.f32 v19, v27  }
0x198: {  	v46 =	vld [tilespmem:s23+$0x2DD0];
	v61 =	vmul.f32 v53, v53;
	v14 =	vadd.f32 v54, v14;
	v15 =	vadd.f32 v52, v15  }
0x199: {  	v17 =	vadd.f32 v29, v17;
	v36 =	vmul.f32 v18, v18;
	v18 =	vadd.f32 v38, v37  }
0x19a: {  	v49 =	vld [tilespmem:s23+$0x2F70];
	v41 =	vmul.f32 v63, v63;
	v29 =	vadd.f32 v11, v2;
	v48 =	vadd.f32 v43, v22  }
0x19b: {  	v57 =	vld [tilespmem:s23+$0x2E10];
	v38 =	vmul.f32 v60, v60;
	v14 =	vadd.f32 v58, v14;
	v35 =	vadd.f32 v32, v17  }
0x19c: {  	v50 =	vld [tilespmem:s23+$0x2DF0];
	v17 =	vmul.f32 v40, v40;
	v18 =	vadd.f32 v26, v18;
	v26 =	vmul.f32 v26, v26  }
0x19d: {  	v59 =	vld [tilespmem:s23+$0x2FA0];
	v15 =	vmul.f32 v15, v15;
	v51 =	vadd.f32 v46, v48;
	v14 =	vadd.f32 v62, v14  }
0x19e: {  	v54 =	vld [tilespmem:s23+$0x2E00];
	v52 =	vmul.f32 v46, v46;
	v17 =	vadd.f32 v17, v21;
	v19 =	vadd.f32 v26, v19  }
0x19f: {  	v22 =	vmul.f32 v49, v49;
	v18 =	vadd.f32 v45, v18;
	v14 =	vsub.f32 v15, v14  }
0x1a0: {  	v34 =	vmul.f32 v57, v57;
	v32 =	vld [tilespmem:s23+$0x2E30];
	v15 =	vsub.f32 v36, v35;
	v17 =	vadd.f32 v20, v17  }
0x1a1: {  	v39 =	vld [tilespmem:s23+$0x2FD0];
	v58 =	vmul.f32 v50, v50;
	v19 =	vadd.f32 v24, v19;
	v18 =	vadd.f32 v47, v18  }
0x1a2: {  	v44 =	vld [tilespmem:s23+$0x2E60];
	v37 =	vmul.f32 v59, v59;
	v20 =	vadd.f32 v28, v51;
	v17 =	vadd.f32 v52, v17  }
0x1a3: {  	v43 =	vld [tilespmem:s23+$0x2FE0];
	v62 =	vmul.f32 v54, v54;
	v19 =	vadd.f32 v23, v19;
	v18 =	vadd.f32 v49, v18  }
0x1a4: {  	v40 =	vld [tilespmem:s23+$0x2E50];
	v14 =	vmul.f32 $5.000000000e-01, v14;
	v20 =	vadd.f32 v50, v20;
	v17 =	vadd.f32 v55, v17  }
0x1a5: {  	v48 =	vld [tilespmem:s23+$0x2E70];
	v42 =	vmul.f32 v32, v32;
	v19 =	vadd.f32 v22, v19;
	v18 =	vadd.f32 v53, v18  }
0x1a6: {  	v35 =	vld [tilespmem:s23+$0x2FC0];
	v14 =	vmul.f32 v14, v0;
	v20 =	vadd.f32 v54, v20;
	v17 =	vadd.f32 v58, v17  }
0x1a7: {  	v36 =	vld [tilespmem:s23+$0x2E40];
	v15 =	vmul.f32 $5.000000000e-01, v15;
	v19 =	vadd.f32 v61, v19;
	v18 =	vadd.f32 v56, v18  }
0x1a8: {  	s31 =	sadd.s32 $0x1480, s24;
	v47 =	vld [tilespmem:s23+$0x2FF0];
	v49 =	vmul.f32 v39, v39;
	v20 =	vadd.f32 v57, v20;
	v14 =	vadd.f32 v16, v14  }
0x1a9: {  	s25 =	sand.u32 $0x3FFFFE80, s31;
	v51 =	vld [tilespmem:s23+$0x3000];
	v50 =	vmul.f32 v40, v40;
	v17 =	vadd.f32 v62, v17;
	v19 =	vadd.f32 v33, v19  }
0x1aa: {  	v52 =	vld [tilespmem:s25+$0x1A00];
	v53 =	vmul.f32 v43, v43;
	v18 =	vadd.f32 v59, v18;
	v20 =	vadd.f32 v60, v20  }
0x1ab: {  	s26 =	sadd.s32 $0x1620, s24;
	v54 =	vmul.f32 v44, v44;
	v55 =	vld [tilespmem:s23+$0x3010];
	v17 =	vadd.f32 v34, v17;
	v19 =	vadd.f32 v37, v19  }
0x1ac: {  	s25 =	sand.u32 $0x3FFFFE20, s26;
	v15 =	vmul.f32 v15, v0;
	v56 =	vld [tilespmem:s23+$0x2E90];
	v18 =	vadd.f32 v63, v18;
	v20 =	vadd.f32 v32, v20  }
0x1ad: {  	v45 =	vmul.f32 v35, v35;
	v59 =	vld [tilespmem:s25+$0x1A00];
	v17 =	vadd.f32 v38, v17;
	v19 =	vadd.f32 v41, v19  }
0x1ae: {  	v46 =	vmul.f32 v36, v36;
	v60 =	vld [tilespmem:s23+$0x2EA0];
	v18 =	vadd.f32 v35, v18;
	v20 =	vadd.f32 v36, v20  }
0x1af: {  	v57 =	vmul.f32 v47, v47;
	v63 =	vld [tilespmem:s23+$0x3030];
	v17 =	vadd.f32 v42, v17;
	v19 =	vadd.f32 v45, v19  }
0x1b0: {  	v58 =	vmul.f32 v48, v48;
	v32 =	vld [tilespmem:s23+$0x2EB0];
	v18 =	vadd.f32 v39, v18;
	v20 =	vadd.f32 v40, v20  }
0x1b1: {  	v61 =	vmul.f32 v51, v51;
	v35 =	vld [tilespmem:s23+$0x3040];
	v17 =	vadd.f32 v46, v17;
	v19 =	vadd.f32 v49, v19  }
0x1b2: {  	v62 =	vmul.f32 v52, v52;
	v36 =	vld [tilespmem:s23+$0x2EC0];
	v18 =	vadd.f32 v43, v18;
	v20 =	vadd.f32 v44, v20  }
0x1b3: {  	v33 =	vmul.f32 v55, v55;
	v39 =	vld [tilespmem:s23+$0x3050];
	v17 =	vadd.f32 v50, v17;
	v19 =	vadd.f32 v53, v19  }
0x1b4: {  	v34 =	vmul.f32 v56, v56;
	v40 =	vld [tilespmem:s23+$0x2ED0];
	v18 =	vadd.f32 v47, v18;
	v20 =	vadd.f32 v48, v20  }
0x1b5: {  	v37 =	vmul.f32 v59, v59;
	v43 =	vld [tilespmem:s23+$0x3060];
	v17 =	vadd.f32 v54, v17;
	v19 =	vadd.f32 v57, v19  }
0x1b6: {  	v38 =	vmul.f32 v60, v60;
	v44 =	vld [tilespmem:s23+$0x2EE0];
	v18 =	vadd.f32 v51, v18;
	v20 =	vadd.f32 v52, v20  }
0x1b7: {  	v41 =	vmul.f32 v63, v63;
	v47 =	vld [tilespmem:s23+$0x3070];
	v17 =	vadd.f32 v58, v17;
	v19 =	vadd.f32 v61, v19  }
0x1b8: {  	v42 =	vmul.f32 v32, v32;
	v48 =	vld [tilespmem:s23+$0x2EF0];
	v18 =	vadd.f32 v55, v18;
	v20 =	vadd.f32 v56, v20  }
0x1b9: {  	v45 =	vmul.f32 v35, v35;
	v51 =	vld [tilespmem:s23+$0x3080];
	v17 =	vadd.f32 v62, v17;
	v19 =	vadd.f32 v33, v19  }
0x1ba: {  	v46 =	vmul.f32 v36, v36;
	v52 =	vld [tilespmem:s23+$0x2F00];
	v18 =	vadd.f32 v59, v18;
	v20 =	vadd.f32 v60, v20  }
0x1bb: {  	v49 =	vmul.f32 v39, v39;
	v60 =	vld [tilespmem:s22+$0xEB2E];
	v17 =	vadd.f32 v34, v17;
	v19 =	vadd.f32 v37, v19  }
0x1bc: {  	v50 =	vmul.f32 v40, v40;
	v18 =	vadd.f32 v63, v18;
	v20 =	vadd.f32 v32, v20;
	v32 =	vld [tilespmem:s22+$0xEB1E]  }
0x1bd: {  	v53 =	vmul.f32 v43, v43;
	v54 =	vmul.f32 v44, v44;
	v55 =	vld [tilespmem:s23+$0x3090];
	v17 =	vadd.f32 v38, v17  }
0x1be: {  	v56 =	vld [tilespmem:s23+$0x2F10];
	v57 =	vmul.f32 v47, v47;
	v19 =	vadd.f32 v41, v19;
	v18 =	vadd.f32 v35, v18  }
0x1bf: {  	v58 =	vmul.f32 v48, v48;
	v20 =	vadd.f32 v36, v20;
	v35 =	vld [tilespmem:s22+$0xEB38];
	v17 =	vadd.f32 v42, v17  }
0x1c0: {  	v36 =	vld [tilespmem:s22+$0xEB48];
	v38 =	vnsel vm0, $0x0, v60;
	v19 =	vadd.f32 v45, v19;
	v18 =	vadd.f32 v39, v18  }
0x1c1: {  	v61 =	vmul.f32 v51, v51;
	v41 =	vld [tilespmem:s22+$0xEB62];
	v20 =	vadd.f32 v40, v20;
	v25 =	vadd.f32 v38, v32  }
0x1c2: {  	v62 =	vmul.f32 v52, v52;
	v39 =	vld [tilespmem:s22+$0xEB52];
	v17 =	vadd.f32 v46, v17;
	v19 =	vadd.f32 v49, v19  }
0x1c3: {  	s28 =	sadd.s32 $0x16C0, s24;
	v59 =	vld [tilespmem:s23+$0x30A0];
	v33 =	vmul.f32 v55, v55;
	v18 =	vadd.f32 v43, v18;
	v20 =	vadd.f32 v44, v20  }
0x1c4: {  	s25 =	sand.u32 $0x3FFFFEC0, s28;
	v63 =	vld [tilespmem:s23+$0x30B0];
	v44 =	vmul.f32 v25, v1;
	v17 =	vadd.f32 v50, v17;
	v19 =	vadd.f32 v53, v19  }
0x1c5: {  	v42 =	vld [tilespmem:s25+$0x1A00];
	v18 =	vadd.f32 v47, v18;
	v20 =	vadd.f32 v48, v20;
	v47 =	vnsel vm0, $0x0, v36  }
0x1c6: {  	v43 =	vld [tilespmem:s23+$0x30D0];
	v49 =	vnsel vm0, $0x0, v41;
	v13 =	vadd.f32 v44, v15;
	v15 =	vadd.f32 v47, v35  }
0x1c7: {  	v34 =	vmul.f32 v56, v56;
	v21 =	vadd.f32 v49, v39;
	v17 =	vadd.f32 v54, v17  }
0x1c8: {  	s29 =	sadd.s32 $0x1860, s24;
	v37 =	vmul.f32 v59, v59;
	v46 =	vld [tilespmem:s23+$0x30E0];
	v19 =	vadd.f32 v57, v19;
	v18 =	vadd.f32 v51, v18  }
0x1c9: {  	s25 =	sand.u32 $0x3FFFFE60, s29;
	v40 =	vmul.f32 v63, v63;
	v48 =	vld [tilespmem:s23+$0x30F0];
	v20 =	vadd.f32 v52, v20;
	v17 =	vadd.f32 v58, v17  }
0x1ca: {  	v50 =	vld [tilespmem:s25+$0x1A00];
	v51 =	vmul.f32 v42, v42;
	v19 =	vadd.f32 v61, v19;
	v18 =	vadd.f32 v55, v18  }
0x1cb: {  	v52 =	vmul.f32 v43, v43;
	v20 =	vadd.f32 v56, v20;
	v17 =	vadd.f32 v62, v17  }
0x1cc: {  	v53 =	vld [tilespmem:s23+$0x3270];
	v15 =	vmul.f32 v15, v1;
	v19 =	vadd.f32 v33, v19;
	v18 =	vadd.f32 v59, v18  }
0x1cd: {  	v21 =	vmul.f32 v21, v1;
	v56 =	vmul.f32 v46, v46;
	v17 =	vadd.f32 v34, v17  }
0x1ce: {  	v57 =	vld [tilespmem:s23+$0x3280];
	v20 =	vmul.f32 v20, v20;
	v19 =	vadd.f32 v37, v19;
	v18 =	vadd.f32 v63, v18  }
0x1cf: {  	v23 =	vadd.f32 v52, v51;
	v61 =	vmul.f32 v48, v48;
	v31 =	vmul.f32 v50, v50  }
0x1d0: {  	v62 =	vld [tilespmem:s23+$0x3290];
	v17 =	vsub.f32 v20, v17;
	v19 =	vadd.f32 v40, v19;
	v18 =	vmul.f32 v18, v18  }
0x1d1: {  	v55 =	vld [tilespmem:s23+$0x3100];
	v32 =	vmul.f32 v53, v53;
	v24 =	vadd.f32 v53, v50;
	v60 =	vadd.f32 v56, v23  }
0x1d2: {  	v34 =	vld [tilespmem:s23+$0x32A0];
	v20 =	vadd.f32 v43, v42;
	v17 =	vmul.f32 $5.000000000e-01, v17;
	v45 =	vsub.f32 v18, v19  }
0x1d3: {  	v38 =	vld [tilespmem:s23+$0x32B0];
	v25 =	vadd.f32 v32, v31;
	v36 =	vmul.f32 v57, v57;
	v24 =	vadd.f32 v57, v24  }
0x1d4: {  	v59 =	vld [tilespmem:s23+$0x3110];
	v58 =	vadd.f32 v46, v20;
	v17 =	vmul.f32 v17, v0;
	v16 =	vmul.f32 $5.000000000e-01, v45  }
0x1d5: {  	v63 =	vld [tilespmem:s23+$0x3120];
	v25 =	vadd.f32 v36, v25;
	v40 =	vmul.f32 v62, v62;
	v23 =	vadd.f32 v62, v24  }
0x1d6: {  	v42 =	vld [tilespmem:s23+$0x32C0];
	v54 =	vmul.f32 v16, v0;
	v16 =	vadd.f32 v15, v17;
	v17 =	vadd.f32 v48, v58  }
0x1d7: {  	v35 =	vld [tilespmem:s23+$0x3130];
	v33 =	vmul.f32 v55, v55;
	v20 =	vadd.f32 v61, v60;
	v23 =	vadd.f32 v34, v23  }
0x1d8: {  	v39 =	vld [tilespmem:s23+$0x3140];
	v25 =	vadd.f32 v40, v25;
	v44 =	vmul.f32 v34, v34;
	v17 =	vadd.f32 v55, v17  }
0x1d9: {  	v37 =	vmul.f32 v59, v59;
	v46 =	vld [tilespmem:s23+$0x32D0];
	v20 =	vadd.f32 v33, v20;
	v23 =	vadd.f32 v38, v23  }
0x1da: {  	v47 =	vld [tilespmem:s23+$0x3160];
	v41 =	vmul.f32 v63, v63;
	v25 =	vadd.f32 v44, v25;
	v17 =	vadd.f32 v59, v17  }
0x1db: {  	v50 =	vld [tilespmem:s23+$0x32E0];
	v20 =	vadd.f32 v37, v20;
	v48 =	vmul.f32 v38, v38;
	v23 =	vadd.f32 v42, v23  }
0x1dc: {  	v43 =	vld [tilespmem:s23+$0x3150];
	v45 =	vmul.f32 v35, v35;
	v15 =	vadd.f32 v21, v54;
	v17 =	vadd.f32 v63, v17  }
0x1dd: {  	v52 =	vmul.f32 v42, v42;
	v20 =	vadd.f32 v41, v20;
	v25 =	vadd.f32 v48, v25;
	v54 =	vld [tilespmem:s23+$0x32F0]  }
0x1de: {  	v51 =	vld [tilespmem:s23+$0x3170];
	v49 =	vmul.f32 v39, v39;
	v23 =	vadd.f32 v46, v23;
	v17 =	vadd.f32 v35, v17  }
0x1df: {  	v58 =	vld [tilespmem:s23+$0x3300];
	v56 =	vmul.f32 v46, v46;
	v20 =	vadd.f32 v45, v20;
	v25 =	vadd.f32 v52, v25  }
0x1e0: {  	v60 =	vmul.f32 v50, v50;
	v23 =	vadd.f32 v50, v23;
	v17 =	vadd.f32 v39, v17  }
0x1e1: {  	v62 =	vld [tilespmem:s23+$0x3310];
	v53 =	vmul.f32 v43, v43;
	v20 =	vadd.f32 v49, v20;
	v25 =	vadd.f32 v56, v25  }
0x1e2: {  	v57 =	vmul.f32 v47, v47;
	v55 =	vld [tilespmem:s23+$0x3180];
	v23 =	vadd.f32 v54, v23;
	v17 =	vadd.f32 v43, v17  }
0x1e3: {  	v34 =	vld [tilespmem:s23+$0x3320];
	v32 =	vmul.f32 v54, v54;
	v20 =	vadd.f32 v53, v20;
	v25 =	vadd.f32 v60, v25  }
0x1e4: {  	v61 =	vmul.f32 v51, v51;
	v59 =	vld [tilespmem:s23+$0x3190];
	v23 =	vadd.f32 v58, v23;
	v17 =	vadd.f32 v47, v17  }
0x1e5: {  	v38 =	vld [tilespmem:s23+$0x3330];
	v36 =	vmul.f32 v58, v58;
	v20 =	vadd.f32 v57, v20;
	v25 =	vadd.f32 v32, v25  }
0x1e6: {  	v40 =	vmul.f32 v62, v62;
	v63 =	vld [tilespmem:s23+$0x31A0];
	v23 =	vadd.f32 v62, v23;
	v17 =	vadd.f32 v51, v17  }
0x1e7: {  	v42 =	vld [tilespmem:s23+$0x3340];
	v33 =	vmul.f32 v55, v55;
	v20 =	vadd.f32 v61, v20;
	v25 =	vadd.f32 v36, v25  }
0x1e8: {  	s30 =	sadd.s32 $0x17C0, s24;
	v44 =	vmul.f32 v34, v34;
	v35 =	vld [tilespmem:s23+$0x31B0];
	v23 =	vadd.f32 v34, v23;
	v17 =	vadd.f32 v55, v17  }
0x1e9: {  	s24 =	sadd.s32 $0x1960, s24;
	s25 =	sand.u32 $0x3FFFFFC0, s30;
	v46 =	vld [tilespmem:s23+$0x3350];
	v37 =	vmul.f32 v59, v59;
	v20 =	vadd.f32 v33, v20;
	v25 =	vadd.f32 v40, v25  }
0x1ea: {  	s24 =	sand.u32 $0x3FFFFF60, s24;
	v48 =	vmul.f32 v38, v38;
	v39 =	vld [tilespmem:s25+$0x1A00];
	v23 =	vadd.f32 v38, v23;
	v17 =	vadd.f32 v59, v17  }
0x1eb: {  	v50 =	vld [tilespmem:s24+$0x1A00];
	v41 =	vmul.f32 v63, v63;
	v20 =	vadd.f32 v37, v20;
	v25 =	vadd.f32 v44, v25  }
0x1ec: {  	v52 =	vmul.f32 v42, v42;
	v43 =	vld [tilespmem:s23+$0x31D0];
	v23 =	vadd.f32 v42, v23;
	v17 =	vadd.f32 v63, v17  }
0x1ed: {  	v54 =	vld [tilespmem:s23+$0x3370];
	v45 =	vmul.f32 v35, v35;
	v20 =	vadd.f32 v41, v20;
	v25 =	vadd.f32 v48, v25  }
0x1ee: {  	v56 =	vmul.f32 v46, v46;
	v47 =	vld [tilespmem:s23+$0x31E0];
	v23 =	vadd.f32 v46, v23;
	v17 =	vadd.f32 v35, v17  }
0x1ef: {  	v58 =	vld [tilespmem:s23+$0x3380];
	v49 =	vmul.f32 v39, v39;
	v20 =	vadd.f32 v45, v20;
	v25 =	vadd.f32 v52, v25  }
0x1f0: {  	v60 =	vmul.f32 v50, v50;
	v51 =	vld [tilespmem:s23+$0x31F0];
	v23 =	vadd.f32 v50, v23;
	v17 =	vadd.f32 v39, v17  }
0x1f1: {  	v62 =	vld [tilespmem:s23+$0x3390];
	v53 =	vmul.f32 v43, v43;
	v20 =	vadd.f32 v49, v20;
	v25 =	vadd.f32 v56, v25  }
0x1f2: {  	v32 =	vmul.f32 v54, v54;
	v55 =	vld [tilespmem:s23+$0x3200];
	v23 =	vadd.f32 v54, v23;
	v17 =	vadd.f32 v43, v17  }
0x1f3: {  	v34 =	vld [tilespmem:s23+$0x33A0];
	v57 =	vmul.f32 v47, v47;
	v20 =	vadd.f32 v53, v20;
	v25 =	vadd.f32 v60, v25  }
0x1f4: {  	v36 =	vmul.f32 v58, v58;
	v59 =	vld [tilespmem:s23+$0x3210];
	v23 =	vadd.f32 v58, v23;
	v17 =	vadd.f32 v47, v17  }
0x1f5: {  	v38 =	vld [tilespmem:s23+$0x33B0];
	v61 =	vmul.f32 v51, v51;
	v58 =	vadd.f32 v6, v2;
	v20 =	vadd.f32 v57, v20  }
0x1f6: {  	v63 =	vld [tilespmem:s23+$0x3220];
	v25 =	vadd.f32 v32, v25;
	v17 =	vadd.f32 v51, v17  }
0x1f7: {  	v42 =	vld [tilespmem:s23+$0x33C0];
	v33 =	vmul.f32 v55, v55;
	v23 =	vadd.f32 v62, v23;
	v20 =	vadd.f32 v61, v20  }
0x1f8: {  	v40 =	vmul.f32 v62, v62;
	v35 =	vld [tilespmem:s23+$0x3230];
	v25 =	vadd.f32 v36, v25;
	v17 =	vadd.f32 v55, v17  }
0x1f9: {  	v46 =	vld [tilespmem:s23+$0x33D0];
	v37 =	vmul.f32 v59, v59;
	v23 =	vadd.f32 v34, v23;
	v20 =	vadd.f32 v33, v20  }
0x1fa: {  	v44 =	vmul.f32 v34, v34;
	v39 =	vld [tilespmem:s23+$0x3240];
	v25 =	vadd.f32 v40, v25;
	v17 =	vadd.f32 v59, v17  }
0x1fb: {  	v41 =	vmul.f32 v63, v63;
	v23 =	vadd.f32 v38, v23;
	v20 =	vadd.f32 v37, v20  }
0x1fc: {  	v48 =	vmul.f32 v38, v38;
	v50 =	vld [tilespmem:s23+$0x33E0];
	v47 =	vadd.f32 v44, v25;
	v17 =	vadd.f32 v63, v17  }
0x1fd: {  	v43 =	vld [tilespmem:s23+$0x3250];
	v45 =	vmul.f32 v35, v35;
	v52 =	vadd.f32 v42, v23;
	v20 =	vadd.f32 v41, v20  }
0x1fe: {  	v51 =	vmul.f32 v42, v42;
	v18 =	vadd.f32 v48, v47;
	v55 =	vld [tilespmem:s23+$0x33F0];
	v17 =	vadd.f32 v35, v17  }
0x1ff: {  	v49 =	vmul.f32 v39, v39;
	v21 =	vadd.f32 v46, v52;
	v20 =	vadd.f32 v45, v20  }
0x200: {  	v54 =	vmul.f32 v46, v46;
	v57 =	vld [tilespmem:s22+$0xEB7C];
	v18 =	vadd.f32 v51, v18;
	v17 =	vadd.f32 v39, v17  }
0x201: {  	v56 =	vmul.f32 v50, v50;
	v21 =	vadd.f32 v50, v21;
	v20 =	vadd.f32 v49, v20  }
0x202: {  	v60 =	vld [tilespmem:s22+$0xEB6C];
	v53 =	vmul.f32 v43, v43;
	v18 =	vadd.f32 v54, v18;
	v17 =	vadd.f32 v43, v17  }
0x203: {  	v61 =	vadd.f32 v8, v2;
	v21 =	vadd.f32 v55, v21;
	v22 =	vmul.f32 v55, v55  }
0x204: {  	v24 =	vld [tilespmem:s22+$0xEB96];
	(xrf2) =	vadd.scan.msk.f32 $0xffff, v58;
	v20 =	vadd.f32 v53, v20;
	v59 =	vadd.f32 v56, v18;
	v62 =	vmul.f32 v17, v17  }
0x205: {  	v26 =	vld [tilespmem:s22+$0xEB86];
	(xrf2) =	vadd.scan.msk.f32 $0xffff, v3;
	v3 =	vadd.f32 v10, v2;
	v25 =	vnsel vm0, $0x0, v57;
	v63 =	vadd.f32 v7, v2  }
0x206: {  	(xrf2) =	vadd.scan.msk.f32 $0xffff, v61;
	v7 =	vmul.f32 v21, v21;
	v6 =	vadd.f32 v22, v59;
	v8 =	vsub.f32 v62, v20  }
0x207: {  	v28 =	vadd.f32 v9, v2;
	v27 =	vadd.f32 v25, v60;
	(xrf2) =	vadd.scan.msk.f32 $0xffff, v63  }
0x208: {  	v31 =	vadd.f32 v12, v2;
	(xrf2) =	vadd.scan.msk.f32 $0xffff, v3;
	v3 =	vsub.f32 v7, v6;
	v30 =	vmul.f32 $5.000000000e-01, v8  }
0x209: {  	v32 =	vadd.f32 v14, v2;
	v34 =	vnsel vm0, $0x0, v24;
	v4 =	vmul.f32 v27, v1;
	(xrf2) =	vadd.scan.msk.f32 $0xffff, v28  }
0x20a: {  	(xrf2) =	vadd.scan.msk.f32 $0xffff, v29;
	v7 =	vadd.f32 v34, v26;
	v3 =	vmul.f32 $5.000000000e-01, v3;
	v33 =	vmul.f32 v30, v0  }
0x20b: {  	v37 =	vadd.f32 v16, v2;
	v35 =	vadd.f32 v13, v2;
	(xrf2) =	vadd.scan.msk.f32 $0xffff, v31  }
0x20c: {  	v36, _, _ =	vpop (xrf2);
	(xrf2) =	vadd.scan.msk.f32 $0xffff, v32;
	v7 =	vmul.f32 v7, v1;
	v3 =	vmul.f32 v3, v0;
	v4 =	vadd.f32 v4, v33  }
0x20d: {  	v9 =	vbroadcast v36, $0xF;
	v38, _, _ =	vpop (xrf2);
	v39 =	vadd.f32 v15, v2;
	(xrf2) =	vadd.scan.msk.f32 $0xffff, v35  }
0x20e: {  	v40, _, _ =	vpop (xrf2);
	v6 =	vbroadcast v38, $0xF;
	(xrf2) =	vadd.scan.msk.f32 $0xffff, v37;
	v3 =	vadd.f32 v7, v3;
	v4 =	vadd.f32 v4, v2  }
0x20f: {  	v41, _, _ =	vpop (xrf2);
	v42 =	vbroadcast v40, $0xF;
	(xrf2) =	vadd.scan.msk.f32 $0xffff, v39  }
0x210: {  	v44, _, _ =	vpop (xrf2);
	v43 =	vbroadcast v41, $0xF;
	v6 =	vsel vm1, v9, v6;
	v3 =	vadd.f32 v3, v2;
	(xrf2) =	vadd.scan.msk.f32 $0xffff, v4  }
0x211: {  	v46 =	vbroadcast v44, $0xF;
	v5 =	vsel vm2, v6, v42;
	v45, _, _ =	vpop (xrf2)  }
0x212: {  	v5 =	vsel vm3, v5, v43;
	v47, _, _ =	vpop (xrf2);
	v4 =	vbroadcast v45, $0xF  }
0x213: {  	v5 =	vsel vm4, v5, v46;
	v48 =	vbroadcast v47, $0xF;
	v49, _, _ =	vpop (xrf2);
	(xrf2) =	vadd.scan.msk.f32 $0xffff, v3  }
0x214: {  	v50 =	vbroadcast v49, $0xF;
	v3, _, _ =	vpop (xrf2);
	v4 =	vsel vm5, v5, v4  }
0x215: {  	v51, _, _ =	vpop (xrf2);
	v3 =	vbroadcast v3, $0xF;
	v4 =	vsel vm6, v4, v48  }
0x216: {  	v52, _, _ =	vpop (xrf2);
	v53 =	vbroadcast v51, $0xF;
	v4 =	vsel vm7, v4, v50  }
0x217: {  	v54, _, _ =	vpop (xrf2);
	v55 =	vbroadcast v52, $0xF;
	v3 =	vsel vm8, v4, v3  }
0x218: {  	v56, _, _ =	vpop (xrf2);
	v57 =	vbroadcast v54, $0xF;
	v3 =	vsel vm9, v3, v53  }
0x219: {  	v58, _, _ =	vpop (xrf2);
	v59 =	vbroadcast v56, $0xF;
	v3 =	vsel vm0, v3, v55  }
0x21a: {  	p0 =	sne.s32 s21, $0x7;
	v61 =	vbroadcast v58, $0xF;
	v3 =	vsel vm10, v3, v57;
	v60, _, _ =	vpop (xrf2)  }
.Ltmp1:
0x21b: {  	v3 =	vsel vm11, v3, v59;
	v62 =	vbroadcast v60, $0xF;
	(pc) =	sbr.rel @p0 .LBB2_5-.Ltmp1, $4  }
0x21c: {  	v3 =	vsel vm12, v3, v61  }
0x21d: {  	s31 =	sshll.u32 s21, $0x4;
	v63, _, _ =	vpop (xrf2);
	v3 =	vsel vm13, v3, v62  }
0x21e: {  	s22 =	sand.u32 $0x3FFFFFF0, s31;
	v3 =	vsel vm14, v3, v63  }
0x21f: {  	s21 =	sadd.s32 $0x1, s21;
	[tilespmem:s22+$0xF710] =	vst v3  }
0x220: {  	s19 =	sadd.s32 $0x1, s19  }
0x221: {  	s20 =	sshrl.u32 s20, $0x3;
	p0 =	sne.s32 s19, $0x4  }
.Ltmp2:
0x222: {  	s20 =	sadd.s32 s2, s20;
	(pc) =	sbr.rel @p0 .LBB2_2-.Ltmp2, $4  }
0x223: {  	[hbm4b:s20+s3] =	stream.linear.scatter [tilespmem:s17], [sflag:$0x3], $0x80, $0x38;
	[tilespmem:$0xF7D0] =	vst v63  }
0x224: {  	_ =	swait.ge [sflag:s11], $0x80  }
0x225: {  	[sflag:s11] =	ssyncset.done $0x0  }
0x226: {  	[sflag:s11] =	ssyncadd.s32 $0xFFFFFF80  }
0x227: {  	s18 =	sadd.s32 $0x1, s18  }
0x228: {  	p0 =	sne.s32 s18, s9  }
.Ltmp3:
0x229: {  	_ = 	snop;
	(pc) =	sbr.rel @p0 .LBB2_1-.Ltmp3, $1  }
0x22a: {  	_ =	sdelay $0x3  }
0x22b: {  	_ =	sfence.sel $0x180000  }
0x22c: {  	[bflag:$0x0] =	sbarrier.arrive $0xFFFF  }
0x22d: {  	p0 =	sne.s32 s4, $0x0;
	_ =	strace $0x90000047  }
0x22e: {  	s0 =	sadd.s32 @!p0 $0x100000, s0;
	[bflag:$0x2] =	sbarrier.arrive $0xFFFF  }
0x22f: {  	[sflag:s0] =	ssyncadd.tile.s32 @!p0 $0x1;
	_ =	shalt  }
.Lfunc_end2:
_tile_overlayer_lowered:
.L_overlay_start_2:
0x230: {  	(tag) =	ssettag $0x2  }
0x231: {  	s0 =	rddreg [dreg:$0x0];
	s2 =	stileid.u32  }
0x232: {  	s1 =	rddreg [dreg:$0x1];
	p0 =	sne.s32 s2, $0x0  }
0x233: {  	s3 =	rddreg [dreg:$0x2];
	[bflag:$0x3] =	sbarrier.arrive $0xFFFF;
	s2 =	simm.s32 @!p0 $0x1C03  }
0x234: {  	[timem:s3], [sflag:s2] =	dma.local @!p0 [hbm:s0], s1  }
0x235: {  	s0 =	simm.s32 @!p0 $0x3  }
0x236: {  	_ =	swait.ge @!p0 [sflag:s0], s1  }
0x237: {  	s1 =	ssub.s32 @!p0 $0x0, s1;
	[sflag:s0] =	ssyncset.done @!p0 $0x0  }
0x238: {  	[sflag:s0] =	ssyncadd.s32 @!p0 s1  }
0x239: {  	[bflag:$0x3] =	sbarrier.arrive $0xFFFF  }
0x23a: {  	_ =	shalt  }

</sc_bundles>
